<compile_context>
chip_gen: v7x
topology: tpu7x:2x2x1
jax: 0.10.2.dev20260603
libtpu: 0.0.44.dev20260713+nightly
codegen_flags: <defaults>
</compile_context>

<pallas_src>
import functools

import jax
import jax.numpy as jnp
from jax import lax
from jax.experimental import pallas as pl
from jax.experimental.pallas import tpu as pltpu
from jax.experimental.pallas import tpu_sc as plsc

N = 10000
E = 320000
F_IN = 128
H = 64
C = 10

NC = 2
NS = 16
NW = NC * NS
CH = 128
NCHUNK = 81
EPW = NCHUNK * CH
E2 = EPW * NW
PAD = E2 - E - N
NP = 10112
TPT = NP // NS
ZR = 158
NH = 5000
SPR = NP * H // (2 * H)

_MESH = plsc.VectorSubcoreMesh(core_axis_name="c", subcore_axis_name="s")
_SC_PARAMS = pltpu.CompilerParams(use_tc_tiling_on_sc=False,
                                  disable_bounds_checks=True)



@functools.partial(
    pl.kernel,
    out_type=jax.ShapeDtypeStruct((NC * NP, 8), jnp.float32),
    mesh=_MESH,
    compiler_params=_SC_PARAMS,
    scratch_types=[
        pltpu.VMEM((NCHUNK, CH), jnp.int32),
        pltpu.VMEM((CH, 8), jnp.float32),
        pltpu.VMEM((ZR, 8), jnp.float32),
        pltpu.VMEM_SHARED((NP, 8), jnp.float32),
    ],
)
def _sc_degree(col_hbm, ones_hbm, zeros_hbm, out_hbm, cidx, ones_v, zbuf, acc):
    c = lax.axis_index("c")
    s = lax.axis_index("s")
    wid = s * NC + c

    pltpu.sync_copy(col_hbm.at[wid], cidx)
    pltpu.sync_copy(ones_hbm, ones_v)
    pltpu.sync_copy(zeros_hbm, zbuf)

    def zero_body(j, _):
        pltpu.sync_copy(zbuf, acc.at[pl.ds(s * TPT + j * ZR, ZR)])
        return _

    lax.fori_loop(0, TPT // ZR, zero_body, None)
    plsc.subcore_barrier()

    def body(k, _):
        pltpu.sync_copy(ones_v, acc.at[cidx.at[k]], add=True)
        return _

    lax.fori_loop(0, NCHUNK, body, None)
    plsc.subcore_barrier()

    def out_body(j, _):
        r0 = s * TPT + j * ZR
        pltpu.sync_copy(acc.at[pl.ds(r0, ZR)], zbuf)
        pltpu.sync_copy(zbuf, out_hbm.at[pl.ds(c * NP + r0, ZR)])
        return _

    lax.fori_loop(0, TPT // ZR, out_body, None)



@functools.partial(
    pl.kernel,
    out_type=jax.ShapeDtypeStruct((NC * NP, H), jnp.float32),
    mesh=_MESH,
    compiler_params=_SC_PARAMS,
    scratch_types=[
        pltpu.VMEM((NCHUNK, CH), jnp.int32),
        pltpu.VMEM((NCHUNK, CH), jnp.int32),
        pltpu.VMEM((CH, H), jnp.float32),
        pltpu.VMEM((CH, H), jnp.float32),
        pltpu.VMEM((CH, H), jnp.float32),
        pltpu.VMEM((CH, H), jnp.float32),
        pltpu.VMEM((CH, H), jnp.float32),
        pltpu.VMEM((CH, H), jnp.float32),
        pltpu.VMEM((ZR, H), jnp.float32),
        pltpu.VMEM_SHARED((NP, H), jnp.float32),
        pltpu.SemaphoreType.DMA,
        pltpu.SemaphoreType.DMA,
        pltpu.SemaphoreType.DMA,
        pltpu.SemaphoreType.DMA,
        pltpu.SemaphoreType.DMA,
        pltpu.SemaphoreType.DMA,
    ],
)
def _sc_aggregate(y_hbm, row_hbm, col_hbm, zeros_hbm, out_hbm,
                  ridx, cidx, buf0, buf1, buf2, buf3, buf4, buf5, zbuf, acc,
                  g0, g1, g2, g3, g4, g5):
    c = lax.axis_index("c")
    s = lax.axis_index("s")
    wid = s * NC + c

    pltpu.sync_copy(row_hbm.at[wid], ridx)
    pltpu.sync_copy(col_hbm.at[wid], cidx)
    pltpu.sync_copy(zeros_hbm, zbuf)

    def zero_body(j, _):
        pltpu.sync_copy(zbuf, acc.at[pl.ds(s * TPT + j * ZR, ZR)])
        return _

    lax.fori_loop(0, TPT // ZR, zero_body, None)
    plsc.subcore_barrier()

    bufs = (buf0, buf1, buf2, buf3, buf4, buf5)
    sems = (g0, g1, g2, g3, g4, g5)
    nb = len(bufs)
    for b in range(nb):
        pltpu.async_copy(y_hbm.at[ridx.at[b]], bufs[b], sems[b])

    def body(i, _):
        k = nb * i
        for b in range(nb):
            pltpu.make_async_copy(y_hbm.at[ridx.at[k + b]], bufs[b],
                                  sems[b]).wait()
            pltpu.sync_copy(bufs[b], acc.at[cidx.at[k + b]], add=True)

            @pl.when(k + b + nb < NCHUNK)
            def _g():
                pltpu.async_copy(y_hbm.at[ridx.at[k + b + nb]], bufs[b],
                                 sems[b])

        return _

    lax.fori_loop(0, NCHUNK // nb, body, None)
    tail = (NCHUNK // nb) * nb
    for b in range(NCHUNK - tail):
        pltpu.make_async_copy(y_hbm.at[ridx.at[tail + b]], bufs[b],
                              sems[b]).wait()
        pltpu.sync_copy(bufs[b], acc.at[cidx.at[tail + b]], add=True)

    plsc.subcore_barrier()

    def out_body(j, _):
        r0 = s * TPT + j * ZR
        pltpu.sync_copy(acc.at[pl.ds(r0, ZR)], zbuf)
        pltpu.sync_copy(zbuf, out_hbm.at[pl.ds(c * NP + r0, ZR)])
        return _

    lax.fori_loop(0, TPT // ZR, out_body, None)



TAILN = E2 - E


def _tc_edges_body(ei_ref, rowx_ref, colx_ref):
    ei = ei_ref[...]
    j = lax.broadcasted_iota(jnp.int32, (TAILN,), 0)
    rowx_ref[pl.ds(0, E)] = ei[0, :]
    rowx_ref[pl.ds(E, TAILN)] = jnp.where(j < N, j, j - N)
    colx_ref[pl.ds(0, E)] = ei[1, :]
    colx_ref[pl.ds(E, TAILN)] = jnp.where(j < N, j, N + (j - N) % (NP - N))


def _tc_edges(edge_index):
    return pl.pallas_call(
        _tc_edges_body,
        out_shape=[
            jax.ShapeDtypeStruct((E2,), jnp.int32),
            jax.ShapeDtypeStruct((E2,), jnp.int32),
        ],
    )(edge_index)


DGR = NP * 8 // 128


def _tc_dinv_body(deg_ref, p_ref, dinv_ref):
    v = deg_ref[...]
    dall = lax.rsqrt(v[:DGR] + v[DGR:])
    p = p_ref[...]
    sels = [jnp.dot(dall, p[128 * q:128 * (q + 1)],
                    preferred_element_type=jnp.float32,
                    precision=lax.Precision.HIGHEST)[:, None, :]
            for q in range(8)]
    out = jnp.concatenate(sels, axis=1).reshape(8 * DGR, 128)
    dinv_ref[...] = out[:NH]


def _tc_dinv(deg_parts, perms):
    return pl.pallas_call(
        _tc_dinv_body,
        out_shape=jax.ShapeDtypeStruct((NH, 2 * H), jnp.float32),
    )(deg_parts.reshape(2 * DGR, 128), perms)


def _dinv_perms():
    l64 = (jnp.arange(128) >= 64).astype(jnp.int32)
    rows = []
    for q in range(8):
        src = 16 * q + 8 * l64
        rows.append((jnp.arange(128)[:, None] == src[None, :])
                    .astype(jnp.float32))
    return jnp.concatenate(rows, axis=0)


def _tc_y0_body(x2_ref, w0_ref, dinv_ref, y_ref):
    xw = jnp.dot(x2_ref[...], w0_ref[...], preferred_element_type=jnp.float32)
    y_ref[...] = xw * dinv_ref[...]


def _tc_y0(x2, W0blk, dinv128):
    return pl.pallas_call(
        _tc_y0_body,
        out_shape=jax.ShapeDtypeStruct((NH, 2 * H), jnp.float32),
    )(x2, W0blk, dinv128)


def _bn_relu(o, g2, be2):
    mu = jnp.mean(o, axis=0, keepdims=True)
    sq = jnp.mean(o * o, axis=0, keepdims=True)
    mu64 = (mu[:, :H] + mu[:, H:]) * 0.5
    sq64 = (sq[:, :H] + sq[:, H:]) * 0.5
    var64 = sq64 - mu64 * mu64
    mu2 = jnp.concatenate([mu64, mu64], axis=1)
    rstd2 = jnp.concatenate([lax.rsqrt(var64 + 1e-5),
                             lax.rsqrt(var64 + 1e-5)], axis=1)
    return jnp.maximum((o - mu2) * rstd2 * g2 + be2, 0.0)


def _tc_post_body(sp_ref, dinv_ref, b_ref, g_ref, be_ref, wn_ref, yn_ref):
    dinv = dinv_ref[...]
    sp = sp_ref[...]
    o = dinv * (sp[:NH] + sp[SPR:SPR + NH]) + b_ref[...]
    h = _bn_relu(o, g_ref[...], be_ref[...])
    yn_ref[...] = jnp.dot(h, wn_ref[...],
                          preferred_element_type=jnp.float32) * dinv


def _tc_post(sp128, dinv128, b2, g2, be2, Wnblk):
    return pl.pallas_call(
        _tc_post_body,
        out_shape=jax.ShapeDtypeStruct((NH, 2 * H), jnp.float32),
    )(sp128, dinv128, b2, g2, be2, Wnblk)


def _tc_final_body(sp_ref, dinv_ref, b_ref, g_ref, be_ref,
                   wc1_ref, bc1_ref, wc2_ref, bc2_ref, out_ref):
    sp = sp_ref[...]
    o = dinv_ref[...] * (sp[:NH] + sp[SPR:SPR + NH]) + b_ref[...]
    h = _bn_relu(o, g_ref[...], be_ref[...])
    hc = jnp.maximum(
        jnp.dot(h, wc1_ref[...], preferred_element_type=jnp.float32)
        + bc1_ref[...], 0.0)
    out_ref[...] = (
        jnp.dot(hc, wc2_ref[...], preferred_element_type=jnp.float32)
        + bc2_ref[...])


def _tc_final(sp128, dinv128, b2, g2, be2, Wc1blk, bc1_2, Wc2blk, bc2_2):
    return pl.pallas_call(
        _tc_final_body,
        out_shape=jax.ShapeDtypeStruct((NH, 2 * C), jnp.float32),
    )(sp128, dinv128, b2, g2, be2, Wc1blk, bc1_2, Wc2blk, bc2_2)



def _blockdiag(W):
    fi, fo = W.shape
    Z = jnp.zeros((fi, fo), W.dtype)
    return jnp.concatenate(
        [jnp.concatenate([W, Z], axis=1), jnp.concatenate([Z, W], axis=1)],
        axis=0)


def _pair(v):
    return jnp.concatenate([v, v]).reshape(1, 2 * v.shape[0])


def kernel(x, edge_index, W0, b0, W1, b1, W2, b2, g0, be0, g1, be1, g2, be2,
           Wc1, bc1, Wc2, bc2):
    rowx, colx = _tc_edges(edge_index)
    row3 = rowx.reshape(NW, NCHUNK, CH)
    col3 = colx.reshape(NW, NCHUNK, CH)
    ones8 = jnp.ones((CH, 8), jnp.float32)
    zeros8 = jnp.zeros((ZR, 8), jnp.float32)
    zerosH = jnp.zeros((ZR, H), jnp.float32)

    x2 = x.reshape(NH, 2 * F_IN)

    deg_parts = _sc_degree(col3, ones8, zeros8)
    dinv128 = _tc_dinv(deg_parts, _dinv_perms())
    y0 = _tc_y0(x2, _blockdiag(W0), dinv128)

    s0 = _sc_aggregate(y0.reshape(2 * NH, H), row3, col3,
                       zerosH).reshape(NC * NP * H // (2 * H), 2 * H)
    y1 = _tc_post(s0, dinv128, _pair(b0), _pair(g0), _pair(be0),
                  _blockdiag(W1))
    s1 = _sc_aggregate(y1.reshape(2 * NH, H), row3, col3,
                       zerosH).reshape(NC * NP * H // (2 * H), 2 * H)
    y2 = _tc_post(s1, dinv128, _pair(b1), _pair(g1), _pair(be1),
                  _blockdiag(W2))
    s2 = _sc_aggregate(y2.reshape(2 * NH, H), row3, col3,
                       zerosH).reshape(NC * NP * H // (2 * H), 2 * H)
    out2 = _tc_final(s2, dinv128, _pair(b2), _pair(g2), _pair(be2),
                     _blockdiag(Wc1), _pair(bc1), _blockdiag(Wc2), _pair(bc2))
    return out2.reshape(N, C)

# --- scband reference (transcript-rebuilt; emitter-appended) ---
"""Pipeline reference for scband-neural-gnn-1331439862292 (READ-ONLY COPY).

The authoritative reference and input builder live on the scoring server;
editing this copy changes nothing except your own understanding.
"""

import jax, jax.numpy as jnp
import numpy as np

N = 10000
E = 320000
F_IN = 128
H = 64
C = 10


def setup_inputs(seed: int = 0) -> dict:
    key = jax.random.key(seed)
    ks = jax.random.split(key, 20)
    x = jax.random.normal(ks[0], (N, F_IN), dtype=jnp.float32)
    edge_index = jax.random.randint(ks[1], (2, E), 0, N, dtype=jnp.int32)
    def lin(k, fi, fo):
        return jax.random.normal(k, (fi, fo), dtype=jnp.float32) * (1.0 / np.sqrt(fi))
    inp = {
        'x': x,
        'edge_index': edge_index,
        'W0': lin(ks[2], F_IN, H), 'b0': jnp.zeros((H,), jnp.float32),
        'W1': lin(ks[3], H, H),    'b1': jnp.zeros((H,), jnp.float32),
        'W2': lin(ks[4], H, H),    'b2': jnp.zeros((H,), jnp.float32),
        'g0': jnp.ones((H,), jnp.float32), 'be0': jnp.zeros((H,), jnp.float32),
        'g1': jnp.ones((H,), jnp.float32), 'be1': jnp.zeros((H,), jnp.float32),
        'g2': jnp.ones((H,), jnp.float32), 'be2': jnp.zeros((H,), jnp.float32),
        'Wc1': lin(ks[5], H, H // 2), 'bc1': jnp.zeros((H // 2,), jnp.float32),
        'Wc2': lin(ks[6], H // 2, C), 'bc2': jnp.zeros((C,), jnp.float32),
    }
    return inp


def _gcn_conv(x, edge_index, W, b):
    # PyG GCNConv: linear transform, add self-loops, symmetric normalization, scatter-add, bias
    xw = x @ W
    sl = jnp.arange(N, dtype=edge_index.dtype)
    row = jnp.concatenate([edge_index[0], sl])
    col = jnp.concatenate([edge_index[1], sl])
    ones = jnp.ones(row.shape[0], dtype=x.dtype)
    deg = jax.ops.segment_sum(ones, col, num_segments=N)
    dinv = jnp.where(deg > 0, 1.0 / jnp.sqrt(deg), 0.0)
    norm = dinv[row] * dinv[col]
    msg = jnp.take(xw, row, axis=0) * norm[:, None]
    out = jax.ops.segment_sum(msg, col, num_segments=N)
    return out + b


def _bn(x, g, be):
    mu = x.mean(axis=0)
    var = x.var(axis=0)
    return (x - mu) / jnp.sqrt(var + 1e-5) * g + be


def reference(x, edge_index, W0, b0, W1, b1, W2, b2, g0, be0, g1, be1, g2, be2, Wc1, bc1, Wc2, bc2):
    h = _gcn_conv(x, edge_index, W0, b0)
    h = jax.nn.relu(_bn(h, g0, be0))
    h = _gcn_conv(h, edge_index, W1, b1)
    h = jax.nn.relu(_bn(h, g1, be1))
    h = _gcn_conv(h, edge_index, W2, b2)
    h = jax.nn.relu(_bn(h, g2, be2))
    h = jax.nn.relu(h @ Wc1 + bc1)
    out = h @ Wc2 + bc2
    return out

if __name__ == "__main__":
    import jax
    _d = setup_inputs()
    print(jax.jit(kernel)(*tuple(_d.values())))

</pallas_src>

<mosaic_0001>
#map = affine_map<(d0, d1) -> (0, 0)>
#map1 = affine_map<(d0, d1) -> (0, 0, 0)>
module attributes {stable_mosaic.version = 14 : i64} {
  func.func @_sc_aggregate(%arg0: i32, %arg1: i32, %arg2: memref<10000x64xf32, #tpu.memory_space<hbm>>, %arg3: memref<32x81x128xi32, #tpu.memory_space<hbm>>, %arg4: memref<32x81x128xi32, #tpu.memory_space<hbm>>, %arg5: memref<158x64xf32, #tpu.memory_space<hbm>>, %arg6: memref<20224x64xf32, #tpu.memory_space<hbm>>, %arg7: memref<81x128xi32, #tpu.memory_space<vmem>>, %arg8: memref<81x128xi32, #tpu.memory_space<vmem>>, %arg9: memref<128x64xf32, #tpu.memory_space<vmem>>, %arg10: memref<128x64xf32, #tpu.memory_space<vmem>>, %arg11: memref<128x64xf32, #tpu.memory_space<vmem>>, %arg12: memref<128x64xf32, #tpu.memory_space<vmem>>, %arg13: memref<128x64xf32, #tpu.memory_space<vmem>>, %arg14: memref<128x64xf32, #tpu.memory_space<vmem>>, %arg15: memref<158x64xf32, #tpu.memory_space<vmem>>, %arg16: memref<10112x64xf32, #tpu.memory_space<vmem_shared>>, %arg17: memref<!tpu.dma_semaphore, #tpu.memory_space<semaphore_mem>>, %arg18: memref<!tpu.dma_semaphore, #tpu.memory_space<semaphore_mem>>, %arg19: memref<!tpu.dma_semaphore, #tpu.memory_space<semaphore_mem>>, %arg20: memref<!tpu.dma_semaphore, #tpu.memory_space<semaphore_mem>>, %arg21: memref<!tpu.dma_semaphore, #tpu.memory_space<semaphore_mem>>, %arg22: memref<!tpu.dma_semaphore, #tpu.memory_space<semaphore_mem>>) attributes {dimension_semantics = [#tpu.dimension_semantics<core_parallel>, #tpu.dimension_semantics<subcore_parallel>], iteration_bounds = array<i64: 2, 16>, scalar_prefetch = 0 : i64, scratch_operands = 16 : i64, tpu.core_type = #tpu.core_type<sc_vector_subcore>, window_params = [{transform_indices = #map}, {transform_indices = #map1}, {transform_indices = #map1}, {transform_indices = #map}, {transform_indices = #map}]} {
    %mul3A = arith.constant 2 : i32
    %mul3A_0 = arith.muli %arg1, %mul3A : i32
    %add3A = arith.addi %mul3A_0, %arg0 : i32
    "tpu.region"() ({
      %run_scoped3A_79 = tpu.sem_alloc : memref<!tpu.dma_semaphore, #tpu.memory_space<semaphore_mem>>
      %dma_start3A_80 = arith.constant 0 : i32
      %dma_start3A_81 = arith.constant 0 : i32
      %dma_start3A_82 = tpu.memref_slice %arg3[%add3A, %dma_start3A_80, %dma_start3A_81] : memref<32x81x128xi32, #tpu.memory_space<hbm>> -> memref<1x81x128xi32, #tpu.memory_space<hbm>>
      %dma_start3A_83 = tpu.memref_squeeze %dma_start3A_82 : memref<1x81x128xi32, #tpu.memory_space<hbm>> -> memref<81x128xi32, #tpu.memory_space<hbm>>
      %dma_start3A_84 = arith.constant 0 : i32
      %dma_start3A_85 = arith.constant 0 : i32
      %dma_start3A_86 = tpu.memref_slice %arg3[%add3A, %dma_start3A_84, %dma_start3A_85] : memref<32x81x128xi32, #tpu.memory_space<hbm>> -> memref<1x81x128xi32, #tpu.memory_space<hbm>>
      %dma_start3A_87 = tpu.memref_squeeze %dma_start3A_86 : memref<1x81x128xi32, #tpu.memory_space<hbm>> -> memref<81x128xi32, #tpu.memory_space<hbm>>
      tpu.enqueue_dma source(%dma_start3A_87 : memref<81x128xi32, #tpu.memory_space<hbm>>) target(%arg7 : memref<81x128xi32, #tpu.memory_space<vmem>>) target_semaphore(%run_scoped3A_79 : memref<!tpu.dma_semaphore, #tpu.memory_space<semaphore_mem>>)
      %dma_wait3A_88 = arith.constant 0 : i32
      %dma_wait3A_89 = arith.constant 0 : i32
      %dma_wait3A_90 = tpu.memref_slice %arg3[%add3A, %dma_wait3A_88, %dma_wait3A_89] : memref<32x81x128xi32, #tpu.memory_space<hbm>> -> memref<1x81x128xi32, #tpu.memory_space<hbm>>
      %dma_wait3A_91 = tpu.memref_squeeze %dma_wait3A_90 : memref<1x81x128xi32, #tpu.memory_space<hbm>> -> memref<81x128xi32, #tpu.memory_space<hbm>>
      %dma_wait3A_92 = arith.constant 0 : i32
      %dma_wait3A_93 = arith.constant 0 : i32
      %dma_wait3A_94 = tpu.memref_slice %arg3[%add3A, %dma_wait3A_92, %dma_wait3A_93] : memref<32x81x128xi32, #tpu.memory_space<hbm>> -> memref<1x81x128xi32, #tpu.memory_space<hbm>>
      %dma_wait3A_95 = tpu.memref_squeeze %dma_wait3A_94 : memref<1x81x128xi32, #tpu.memory_space<hbm>> -> memref<81x128xi32, #tpu.memory_space<hbm>>
      tpu.wait_dma2 semaphore(%run_scoped3A_79 : memref<!tpu.dma_semaphore, #tpu.memory_space<semaphore_mem>>) src(%dma_wait3A_95 : memref<81x128xi32, #tpu.memory_space<hbm>>) dst(%arg7 : memref<81x128xi32, #tpu.memory_space<vmem>>)
      tpu.yield
    }) : () -> ()
    "tpu.region"() ({
      %run_scoped3A_79 = tpu.sem_alloc : memref<!tpu.dma_semaphore, #tpu.memory_space<semaphore_mem>>
      %dma_start3A_80 = arith.constant 0 : i32
      %dma_start3A_81 = arith.constant 0 : i32
      %dma_start3A_82 = tpu.memref_slice %arg4[%add3A, %dma_start3A_80, %dma_start3A_81] : memref<32x81x128xi32, #tpu.memory_space<hbm>> -> memref<1x81x128xi32, #tpu.memory_space<hbm>>
      %dma_start3A_83 = tpu.memref_squeeze %dma_start3A_82 : memref<1x81x128xi32, #tpu.memory_space<hbm>> -> memref<81x128xi32, #tpu.memory_space<hbm>>
      %dma_start3A_84 = arith.constant 0 : i32
      %dma_start3A_85 = arith.constant 0 : i32
      %dma_start3A_86 = tpu.memref_slice %arg4[%add3A, %dma_start3A_84, %dma_start3A_85] : memref<32x81x128xi32, #tpu.memory_space<hbm>> -> memref<1x81x128xi32, #tpu.memory_space<hbm>>
      %dma_start3A_87 = tpu.memref_squeeze %dma_start3A_86 : memref<1x81x128xi32, #tpu.memory_space<hbm>> -> memref<81x128xi32, #tpu.memory_space<hbm>>
      tpu.enqueue_dma source(%dma_start3A_87 : memref<81x128xi32, #tpu.memory_space<hbm>>) target(%arg8 : memref<81x128xi32, #tpu.memory_space<vmem>>) target_semaphore(%run_scoped3A_79 : memref<!tpu.dma_semaphore, #tpu.memory_space<semaphore_mem>>)
      %dma_wait3A_88 = arith.constant 0 : i32
      %dma_wait3A_89 = arith.constant 0 : i32
      %dma_wait3A_90 = tpu.memref_slice %arg4[%add3A, %dma_wait3A_88, %dma_wait3A_89] : memref<32x81x128xi32, #tpu.memory_space<hbm>> -> memref<1x81x128xi32, #tpu.memory_space<hbm>>
      %dma_wait3A_91 = tpu.memref_squeeze %dma_wait3A_90 : memref<1x81x128xi32, #tpu.memory_space<hbm>> -> memref<81x128xi32, #tpu.memory_space<hbm>>
      %dma_wait3A_92 = arith.constant 0 : i32
      %dma_wait3A_93 = arith.constant 0 : i32
      %dma_wait3A_94 = tpu.memref_slice %arg4[%add3A, %dma_wait3A_92, %dma_wait3A_93] : memref<32x81x128xi32, #tpu.memory_space<hbm>> -> memref<1x81x128xi32, #tpu.memory_space<hbm>>
      %dma_wait3A_95 = tpu.memref_squeeze %dma_wait3A_94 : memref<1x81x128xi32, #tpu.memory_space<hbm>> -> memref<81x128xi32, #tpu.memory_space<hbm>>
      tpu.wait_dma2 semaphore(%run_scoped3A_79 : memref<!tpu.dma_semaphore, #tpu.memory_space<semaphore_mem>>) src(%dma_wait3A_95 : memref<81x128xi32, #tpu.memory_space<hbm>>) dst(%arg8 : memref<81x128xi32, #tpu.memory_space<vmem>>)
      tpu.yield
    }) : () -> ()
    "tpu.region"() ({
      %run_scoped3A_79 = tpu.sem_alloc : memref<!tpu.dma_semaphore, #tpu.memory_space<semaphore_mem>>
      tpu.enqueue_dma source(%arg5 : memref<158x64xf32, #tpu.memory_space<hbm>>) target(%arg15 : memref<158x64xf32, #tpu.memory_space<vmem>>) target_semaphore(%run_scoped3A_79 : memref<!tpu.dma_semaphore, #tpu.memory_space<semaphore_mem>>)
      tpu.wait_dma2 semaphore(%run_scoped3A_79 : memref<!tpu.dma_semaphore, #tpu.memory_space<semaphore_mem>>) src(%arg5 : memref<158x64xf32, #tpu.memory_space<hbm>>) dst(%arg15 : memref<158x64xf32, #tpu.memory_space<vmem>>)
      tpu.yield
    }) : () -> ()
    %scan3A = arith.constant 0 : i32
    %scan3A_1 = arith.constant 4 : i32
    %scan3A_2 = arith.addi %scan3A, %scan3A_1 : i32
    %scan3A_3 = arith.constant 1 : i32
    scf.for %scan3A_79 = %scan3A to %scan3A_2 step %scan3A_3  : i32 {
      %mul3A_80 = arith.constant 632 : i32
      %mul3A_81 = arith.muli %arg1, %mul3A_80 : i32
      %mul3A_82 = arith.constant 158 : i32
      %mul3A_83 = arith.muli %scan3A_79, %mul3A_82 : i32
      %add3A_84 = arith.addi %mul3A_81, %mul3A_83 : i32
      "tpu.region"() ({
        %run_scoped3A_85 = tpu.sem_alloc : memref<!tpu.dma_semaphore, #tpu.memory_space<semaphore_mem>>
        %dma_start3A_86 = arith.constant 0 : i32
        %dma_start3A_87 = tpu.memref_slice %arg16[%add3A_84, %dma_start3A_86] : memref<10112x64xf32, #tpu.memory_space<vmem_shared>> -> memref<158x64xf32, #tpu.memory_space<vmem_shared>>
        %dma_start3A_88 = arith.constant 0 : i32
        %dma_start3A_89 = tpu.memref_slice %arg16[%add3A_84, %dma_start3A_88] : memref<10112x64xf32, #tpu.memory_space<vmem_shared>> -> memref<158x64xf32, #tpu.memory_space<vmem_shared>>
        tpu.enqueue_dma source(%arg15 : memref<158x64xf32, #tpu.memory_space<vmem>>) target(%dma_start3A_89 : memref<158x64xf32, #tpu.memory_space<vmem_shared>>) target_semaphore(%run_scoped3A_85 : memref<!tpu.dma_semaphore, #tpu.memory_space<semaphore_mem>>)
        %dma_wait3A_90 = arith.constant 0 : i32
        %dma_wait3A_91 = tpu.memref_slice %arg16[%add3A_84, %dma_wait3A_90] : memref<10112x64xf32, #tpu.memory_space<vmem_shared>> -> memref<158x64xf32, #tpu.memory_space<vmem_shared>>
        %dma_wait3A_92 = arith.constant 0 : i32
        %dma_wait3A_93 = tpu.memref_slice %arg16[%add3A_84, %dma_wait3A_92] : memref<10112x64xf32, #tpu.memory_space<vmem_shared>> -> memref<158x64xf32, #tpu.memory_space<vmem_shared>>
        tpu.wait_dma2 semaphore(%run_scoped3A_85 : memref<!tpu.dma_semaphore, #tpu.memory_space<semaphore_mem>>) src(%arg15 : memref<158x64xf32, #tpu.memory_space<vmem>>) dst(%dma_wait3A_93 : memref<158x64xf32, #tpu.memory_space<vmem_shared>>)
        tpu.yield
      }) : () -> ()
    }
    %scan3A_4 = arith.constant 4 : i32
    %barrier3A = arith.constant 0 : index
    tpu.barrier barrier_id(%barrier3A)
    %dma_start3A = arith.constant 0 : i32
    %dma_start3A_5 = arith.constant 0 : i32
    %dma_start3A_6 = tpu.memref_slice %arg7[%dma_start3A, %dma_start3A_5] : memref<81x128xi32, #tpu.memory_space<vmem>> -> memref<1x128xi32, #tpu.memory_space<vmem>>
    %dma_start3A_7 = tpu.memref_squeeze %dma_start3A_6 : memref<1x128xi32, #tpu.memory_space<vmem>> -> memref<128xi32, #tpu.memory_space<vmem>>
    %dma_start3A_8 = arith.constant 0 : i32
    %dma_start3A_9 = arith.constant 0 : i32
    %dma_start3A_10 = tpu.memref_slice %arg2[%dma_start3A_8, %dma_start3A_9] : memref<10000x64xf32, #tpu.memory_space<hbm>> -> memref<10000x64xf32, #tpu.memory_space<hbm>>
    tpu.enqueue_indirect_dma source(%dma_start3A_10 : memref<10000x64xf32, #tpu.memory_space<hbm>>) target(%arg9 : memref<128x64xf32, #tpu.memory_space<vmem>>) offsets(%dma_start3A_7 : memref<128xi32, #tpu.memory_space<vmem>>) semaphore(%arg17 : memref<!tpu.dma_semaphore, #tpu.memory_space<semaphore_mem>>)
    %dma_start3A_11 = arith.constant 1 : i32
    %dma_start3A_12 = arith.constant 0 : i32
    %dma_start3A_13 = tpu.memref_slice %arg7[%dma_start3A_11, %dma_start3A_12] : memref<81x128xi32, #tpu.memory_space<vmem>> -> memref<1x128xi32, #tpu.memory_space<vmem>>
    %dma_start3A_14 = tpu.memref_squeeze %dma_start3A_13 : memref<1x128xi32, #tpu.memory_space<vmem>> -> memref<128xi32, #tpu.memory_space<vmem>>
    %dma_start3A_15 = arith.constant 0 : i32
    %dma_start3A_16 = arith.constant 0 : i32
    %dma_start3A_17 = tpu.memref_slice %arg2[%dma_start3A_15, %dma_start3A_16] : memref<10000x64xf32, #tpu.memory_space<hbm>> -> memref<10000x64xf32, #tpu.memory_space<hbm>>
    tpu.enqueue_indirect_dma source(%dma_start3A_17 : memref<10000x64xf32, #tpu.memory_space<hbm>>) target(%arg10 : memref<128x64xf32, #tpu.memory_space<vmem>>) offsets(%dma_start3A_14 : memref<128xi32, #tpu.memory_space<vmem>>) semaphore(%arg18 : memref<!tpu.dma_semaphore, #tpu.memory_space<semaphore_mem>>)
    %dma_start3A_18 = arith.constant 2 : i32
    %dma_start3A_19 = arith.constant 0 : i32
    %dma_start3A_20 = tpu.memref_slice %arg7[%dma_start3A_18, %dma_start3A_19] : memref<81x128xi32, #tpu.memory_space<vmem>> -> memref<1x128xi32, #tpu.memory_space<vmem>>
    %dma_start3A_21 = tpu.memref_squeeze %dma_start3A_20 : memref<1x128xi32, #tpu.memory_space<vmem>> -> memref<128xi32, #tpu.memory_space<vmem>>
    %dma_start3A_22 = arith.constant 0 : i32
    %dma_start3A_23 = arith.constant 0 : i32
    %dma_start3A_24 = tpu.memref_slice %arg2[%dma_start3A_22, %dma_start3A_23] : memref<10000x64xf32, #tpu.memory_space<hbm>> -> memref<10000x64xf32, #tpu.memory_space<hbm>>
    tpu.enqueue_indirect_dma source(%dma_start3A_24 : memref<10000x64xf32, #tpu.memory_space<hbm>>) target(%arg11 : memref<128x64xf32, #tpu.memory_space<vmem>>) offsets(%dma_start3A_21 : memref<128xi32, #tpu.memory_space<vmem>>) semaphore(%arg19 : memref<!tpu.dma_semaphore, #tpu.memory_space<semaphore_mem>>)
    %dma_start3A_25 = arith.constant 3 : i32
    %dma_start3A_26 = arith.constant 0 : i32
    %dma_start3A_27 = tpu.memref_slice %arg7[%dma_start3A_25, %dma_start3A_26] : memref<81x128xi32, #tpu.memory_space<vmem>> -> memref<1x128xi32, #tpu.memory_space<vmem>>
    %dma_start3A_28 = tpu.memref_squeeze %dma_start3A_27 : memref<1x128xi32, #tpu.memory_space<vmem>> -> memref<128xi32, #tpu.memory_space<vmem>>
    %dma_start3A_29 = arith.constant 0 : i32
    %dma_start3A_30 = arith.constant 0 : i32
    %dma_start3A_31 = tpu.memref_slice %arg2[%dma_start3A_29, %dma_start3A_30] : memref<10000x64xf32, #tpu.memory_space<hbm>> -> memref<10000x64xf32, #tpu.memory_space<hbm>>
    tpu.enqueue_indirect_dma source(%dma_start3A_31 : memref<10000x64xf32, #tpu.memory_space<hbm>>) target(%arg12 : memref<128x64xf32, #tpu.memory_space<vmem>>) offsets(%dma_start3A_28 : memref<128xi32, #tpu.memory_space<vmem>>) semaphore(%arg20 : memref<!tpu.dma_semaphore, #tpu.memory_space<semaphore_mem>>)
    %dma_start3A_32 = arith.constant 4 : i32
    %dma_start3A_33 = arith.constant 0 : i32
    %dma_start3A_34 = tpu.memref_slice %arg7[%dma_start3A_32, %dma_start3A_33] : memref<81x128xi32, #tpu.memory_space<vmem>> -> memref<1x128xi32, #tpu.memory_space<vmem>>
    %dma_start3A_35 = tpu.memref_squeeze %dma_start3A_34 : memref<1x128xi32, #tpu.memory_space<vmem>> -> memref<128xi32, #tpu.memory_space<vmem>>
    %dma_start3A_36 = arith.constant 0 : i32
    %dma_start3A_37 = arith.constant 0 : i32
    %dma_start3A_38 = tpu.memref_slice %arg2[%dma_start3A_36, %dma_start3A_37] : memref<10000x64xf32, #tpu.memory_space<hbm>> -> memref<10000x64xf32, #tpu.memory_space<hbm>>
    tpu.enqueue_indirect_dma source(%dma_start3A_38 : memref<10000x64xf32, #tpu.memory_space<hbm>>) target(%arg13 : memref<128x64xf32, #tpu.memory_space<vmem>>) offsets(%dma_start3A_35 : memref<128xi32, #tpu.memory_space<vmem>>) semaphore(%arg21 : memref<!tpu.dma_semaphore, #tpu.memory_space<semaphore_mem>>)
    %dma_start3A_39 = arith.constant 5 : i32
    %dma_start3A_40 = arith.constant 0 : i32
    %dma_start3A_41 = tpu.memref_slice %arg7[%dma_start3A_39, %dma_start3A_40] : memref<81x128xi32, #tpu.memory_space<vmem>> -> memref<1x128xi32, #tpu.memory_space<vmem>>
    %dma_start3A_42 = tpu.memref_squeeze %dma_start3A_41 : memref<1x128xi32, #tpu.memory_space<vmem>> -> memref<128xi32, #tpu.memory_space<vmem>>
    %dma_start3A_43 = arith.constant 0 : i32
    %dma_start3A_44 = arith.constant 0 : i32
    %dma_start3A_45 = tpu.memref_slice %arg2[%dma_start3A_43, %dma_start3A_44] : memref<10000x64xf32, #tpu.memory_space<hbm>> -> memref<10000x64xf32, #tpu.memory_space<hbm>>
    tpu.enqueue_indirect_dma source(%dma_start3A_45 : memref<10000x64xf32, #tpu.memory_space<hbm>>) target(%arg14 : memref<128x64xf32, #tpu.memory_space<vmem>>) offsets(%dma_start3A_42 : memref<128xi32, #tpu.memory_space<vmem>>) semaphore(%arg22 : memref<!tpu.dma_semaphore, #tpu.memory_space<semaphore_mem>>)
    %scan3A_46 = arith.constant 0 : i32
    %scan3A_47 = arith.constant 13 : i32
    %scan3A_48 = arith.addi %scan3A_46, %scan3A_47 : i32
    %scan3A_49 = arith.constant 1 : i32
    scf.for %scan3A_79 = %scan3A_46 to %scan3A_48 step %scan3A_49  : i32 {
      %mul3A_80 = arith.constant 6 : i32
      %mul3A_81 = arith.muli %mul3A_80, %scan3A_79 : i32
      %add3A_82 = arith.constant 0 : i32
      %add3A_83 = arith.addi %mul3A_81, %add3A_82 : i32
      %dma_wait3A_84 = arith.constant 0 : i32
      %dma_wait3A_85 = tpu.memref_slice %arg7[%add3A_83, %dma_wait3A_84] : memref<81x128xi32, #tpu.memory_space<vmem>> -> memref<1x128xi32, #tpu.memory_space<vmem>>
      %dma_wait3A_86 = tpu.memref_squeeze %dma_wait3A_85 : memref<1x128xi32, #tpu.memory_space<vmem>> -> memref<128xi32, #tpu.memory_space<vmem>>
      %dma_wait3A_87 = arith.constant 0 : i32
      %dma_wait3A_88 = arith.constant 0 : i32
      %dma_wait3A_89 = tpu.memref_slice %arg2[%dma_wait3A_87, %dma_wait3A_88] : memref<10000x64xf32, #tpu.memory_space<hbm>> -> memref<10000x64xf32, #tpu.memory_space<hbm>>
      tpu.wait_indirect_dma semaphore(%arg17 : memref<!tpu.dma_semaphore, #tpu.memory_space<semaphore_mem>>) src(%dma_wait3A_89 : memref<10000x64xf32, #tpu.memory_space<hbm>>) dst(%arg9 : memref<128x64xf32, #tpu.memory_space<vmem>>)
      %add3A_90 = arith.constant 0 : i32
      %add3A_91 = arith.addi %mul3A_81, %add3A_90 : i32
      "tpu.region"() ({
        %run_scoped3A_193 = tpu.sem_alloc : memref<!tpu.dma_semaphore, #tpu.memory_space<semaphore_mem>>
        %dma_start3A_194 = arith.constant 0 : i32
        %dma_start3A_195 = tpu.memref_slice %arg8[%add3A_91, %dma_start3A_194] : memref<81x128xi32, #tpu.memory_space<vmem>> -> memref<1x128xi32, #tpu.memory_space<vmem>>
        %dma_start3A_196 = tpu.memref_squeeze %dma_start3A_195 : memref<1x128xi32, #tpu.memory_space<vmem>> -> memref<128xi32, #tpu.memory_space<vmem>>
        %dma_start3A_197 = arith.constant 0 : i32
        %dma_start3A_198 = arith.constant 0 : i32
        %dma_start3A_199 = tpu.memref_slice %arg16[%dma_start3A_197, %dma_start3A_198] : memref<10112x64xf32, #tpu.memory_space<vmem_shared>> -> memref<10112x64xf32, #tpu.memory_space<vmem_shared>>
        tpu.enqueue_indirect_dma source(%arg9 : memref<128x64xf32, #tpu.memory_space<vmem>>) target(%dma_start3A_199 : memref<10112x64xf32, #tpu.memory_space<vmem_shared>>) offsets(%dma_start3A_196 : memref<128xi32, #tpu.memory_space<vmem>>) semaphore(%run_scoped3A_193 : memref<!tpu.dma_semaphore, #tpu.memory_space<semaphore_mem>>) {add = true}
        %dma_wait3A_200 = arith.constant 0 : i32
        %dma_wait3A_201 = tpu.memref_slice %arg8[%add3A_91, %dma_wait3A_200] : memref<81x128xi32, #tpu.memory_space<vmem>> -> memref<1x128xi32, #tpu.memory_space<vmem>>
        %dma_wait3A_202 = tpu.memref_squeeze %dma_wait3A_201 : memref<1x128xi32, #tpu.memory_space<vmem>> -> memref<128xi32, #tpu.memory_space<vmem>>
        %dma_wait3A_203 = arith.constant 0 : i32
        %dma_wait3A_204 = arith.constant 0 : i32
        %dma_wait3A_205 = tpu.memref_slice %arg16[%dma_wait3A_203, %dma_wait3A_204] : memref<10112x64xf32, #tpu.memory_space<vmem_shared>> -> memref<10112x64xf32, #tpu.memory_space<vmem_shared>>
        tpu.wait_indirect_dma semaphore(%run_scoped3A_193 : memref<!tpu.dma_semaphore, #tpu.memory_space<semaphore_mem>>) src(%arg9 : memref<128x64xf32, #tpu.memory_space<vmem>>) dst(%dma_wait3A_205 : memref<10112x64xf32, #tpu.memory_space<vmem_shared>>)
        tpu.yield
      }) : () -> ()
      %add3A_92 = arith.constant 0 : i32
      %add3A_93 = arith.addi %mul3A_81, %add3A_92 : i32
      %add3A_94 = arith.constant 6 : i32
      %add3A_95 = arith.addi %add3A_93, %add3A_94 : i32
      %lt3A = arith.constant 81 : i32
      %lt3A_96 = arith.cmpi slt, %add3A_95, %lt3A : i32
      %convert_element_type3A = arith.extui %lt3A_96 : i1 to i32
      %cond3A = arith.constant 0 : i32
      %cond3A_97 = arith.cmpi ne, %convert_element_type3A, %cond3A : i32
      scf.if %cond3A_97 {
        %add3A_193 = arith.constant 0 : i32
        %add3A_194 = arith.addi %mul3A_81, %add3A_193 : i32
        %add3A_195 = arith.constant 6 : i32
        %add3A_196 = arith.addi %add3A_194, %add3A_195 : i32
        %dma_start3A_197 = arith.constant 0 : i32
        %dma_start3A_198 = tpu.memref_slice %arg7[%add3A_196, %dma_start3A_197] : memref<81x128xi32, #tpu.memory_space<vmem>> -> memref<1x128xi32, #tpu.memory_space<vmem>>
        %dma_start3A_199 = tpu.memref_squeeze %dma_start3A_198 : memref<1x128xi32, #tpu.memory_space<vmem>> -> memref<128xi32, #tpu.memory_space<vmem>>
        %dma_start3A_200 = arith.constant 0 : i32
        %dma_start3A_201 = arith.constant 0 : i32
        %dma_start3A_202 = tpu.memref_slice %arg2[%dma_start3A_200, %dma_start3A_201] : memref<10000x64xf32, #tpu.memory_space<hbm>> -> memref<10000x64xf32, #tpu.memory_space<hbm>>
        tpu.enqueue_indirect_dma source(%dma_start3A_202 : memref<10000x64xf32, #tpu.memory_space<hbm>>) target(%arg9 : memref<128x64xf32, #tpu.memory_space<vmem>>) offsets(%dma_start3A_199 : memref<128xi32, #tpu.memory_space<vmem>>) semaphore(%arg17 : memref<!tpu.dma_semaphore, #tpu.memory_space<semaphore_mem>>)
      } else {
      }
      %add3A_98 = arith.constant 1 : i32
      %add3A_99 = arith.addi %mul3A_81, %add3A_98 : i32
      %dma_wait3A_100 = arith.constant 0 : i32
      %dma_wait3A_101 = tpu.memref_slice %arg7[%add3A_99, %dma_wait3A_100] : memref<81x128xi32, #tpu.memory_space<vmem>> -> memref<1x128xi32, #tpu.memory_space<vmem>>
      %dma_wait3A_102 = tpu.memref_squeeze %dma_wait3A_101 : memref<1x128xi32, #tpu.memory_space<vmem>> -> memref<128xi32, #tpu.memory_space<vmem>>
      %dma_wait3A_103 = arith.constant 0 : i32
      %dma_wait3A_104 = arith.constant 0 : i32
      %dma_wait3A_105 = tpu.memref_slice %arg2[%dma_wait3A_103, %dma_wait3A_104] : memref<10000x64xf32, #tpu.memory_space<hbm>> -> memref<10000x64xf32, #tpu.memory_space<hbm>>
      tpu.wait_indirect_dma semaphore(%arg18 : memref<!tpu.dma_semaphore, #tpu.memory_space<semaphore_mem>>) src(%dma_wait3A_105 : memref<10000x64xf32, #tpu.memory_space<hbm>>) dst(%arg10 : memref<128x64xf32, #tpu.memory_space<vmem>>)
      %add3A_106 = arith.constant 1 : i32
      %add3A_107 = arith.addi %mul3A_81, %add3A_106 : i32
      "tpu.region"() ({
        %run_scoped3A_193 = tpu.sem_alloc : memref<!tpu.dma_semaphore, #tpu.memory_space<semaphore_mem>>
        %dma_start3A_194 = arith.constant 0 : i32
        %dma_start3A_195 = tpu.memref_slice %arg8[%add3A_107, %dma_start3A_194] : memref<81x128xi32, #tpu.memory_space<vmem>> -> memref<1x128xi32, #tpu.memory_space<vmem>>
        %dma_start3A_196 = tpu.memref_squeeze %dma_start3A_195 : memref<1x128xi32, #tpu.memory_space<vmem>> -> memref<128xi32, #tpu.memory_space<vmem>>
        %dma_start3A_197 = arith.constant 0 : i32
        %dma_start3A_198 = arith.constant 0 : i32
        %dma_start3A_199 = tpu.memref_slice %arg16[%dma_start3A_197, %dma_start3A_198] : memref<10112x64xf32, #tpu.memory_space<vmem_shared>> -> memref<10112x64xf32, #tpu.memory_space<vmem_shared>>
        tpu.enqueue_indirect_dma source(%arg10 : memref<128x64xf32, #tpu.memory_space<vmem>>) target(%dma_start3A_199 : memref<10112x64xf32, #tpu.memory_space<vmem_shared>>) offsets(%dma_start3A_196 : memref<128xi32, #tpu.memory_space<vmem>>) semaphore(%run_scoped3A_193 : memref<!tpu.dma_semaphore, #tpu.memory_space<semaphore_mem>>) {add = true}
        %dma_wait3A_200 = arith.constant 0 : i32
        %dma_wait3A_201 = tpu.memref_slice %arg8[%add3A_107, %dma_wait3A_200] : memref<81x128xi32, #tpu.memory_space<vmem>> -> memref<1x128xi32, #tpu.memory_space<vmem>>
        %dma_wait3A_202 = tpu.memref_squeeze %dma_wait3A_201 : memref<1x128xi32, #tpu.memory_space<vmem>> -> memref<128xi32, #tpu.memory_space<vmem>>
        %dma_wait3A_203 = arith.constant 0 : i32
        %dma_wait3A_204 = arith.constant 0 : i32
        %dma_wait3A_205 = tpu.memref_slice %arg16[%dma_wait3A_203, %dma_wait3A_204] : memref<10112x64xf32, #tpu.memory_space<vmem_shared>> -> memref<10112x64xf32, #tpu.memory_space<vmem_shared>>
        tpu.wait_indirect_dma semaphore(%run_scoped3A_193 : memref<!tpu.dma_semaphore, #tpu.memory_space<semaphore_mem>>) src(%arg10 : memref<128x64xf32, #tpu.memory_space<vmem>>) dst(%dma_wait3A_205 : memref<10112x64xf32, #tpu.memory_space<vmem_shared>>)
        tpu.yield
      }) : () -> ()
      %add3A_108 = arith.constant 1 : i32
      %add3A_109 = arith.addi %mul3A_81, %add3A_108 : i32
      %add3A_110 = arith.constant 6 : i32
      %add3A_111 = arith.addi %add3A_109, %add3A_110 : i32
      %lt3A_112 = arith.constant 81 : i32
      %lt3A_113 = arith.cmpi slt, %add3A_111, %lt3A_112 : i32
      %convert_element_type3A_114 = arith.extui %lt3A_113 : i1 to i32
      %cond3A_115 = arith.constant 0 : i32
      %cond3A_116 = arith.cmpi ne, %convert_element_type3A_114, %cond3A_115 : i32
      scf.if %cond3A_116 {
        %add3A_193 = arith.constant 1 : i32
        %add3A_194 = arith.addi %mul3A_81, %add3A_193 : i32
        %add3A_195 = arith.constant 6 : i32
        %add3A_196 = arith.addi %add3A_194, %add3A_195 : i32
        %dma_start3A_197 = arith.constant 0 : i32
        %dma_start3A_198 = tpu.memref_slice %arg7[%add3A_196, %dma_start3A_197] : memref<81x128xi32, #tpu.memory_space<vmem>> -> memref<1x128xi32, #tpu.memory_space<vmem>>
        %dma_start3A_199 = tpu.memref_squeeze %dma_start3A_198 : memref<1x128xi32, #tpu.memory_space<vmem>> -> memref<128xi32, #tpu.memory_space<vmem>>
        %dma_start3A_200 = arith.constant 0 : i32
        %dma_start3A_201 = arith.constant 0 : i32
        %dma_start3A_202 = tpu.memref_slice %arg2[%dma_start3A_200, %dma_start3A_201] : memref<10000x64xf32, #tpu.memory_space<hbm>> -> memref<10000x64xf32, #tpu.memory_space<hbm>>
        tpu.enqueue_indirect_dma source(%dma_start3A_202 : memref<10000x64xf32, #tpu.memory_space<hbm>>) target(%arg10 : memref<128x64xf32, #tpu.memory_space<vmem>>) offsets(%dma_start3A_199 : memref<128xi32, #tpu.memory_space<vmem>>) semaphore(%arg18 : memref<!tpu.dma_semaphore, #tpu.memory_space<semaphore_mem>>)
      } else {
      }
      %add3A_117 = arith.constant 2 : i32
      %add3A_118 = arith.addi %mul3A_81, %add3A_117 : i32
      %dma_wait3A_119 = arith.constant 0 : i32
      %dma_wait3A_120 = tpu.memref_slice %arg7[%add3A_118, %dma_wait3A_119] : memref<81x128xi32, #tpu.memory_space<vmem>> -> memref<1x128xi32, #tpu.memory_space<vmem>>
      %dma_wait3A_121 = tpu.memref_squeeze %dma_wait3A_120 : memref<1x128xi32, #tpu.memory_space<vmem>> -> memref<128xi32, #tpu.memory_space<vmem>>
      %dma_wait3A_122 = arith.constant 0 : i32
      %dma_wait3A_123 = arith.constant 0 : i32
      %dma_wait3A_124 = tpu.memref_slice %arg2[%dma_wait3A_122, %dma_wait3A_123] : memref<10000x64xf32, #tpu.memory_space<hbm>> -> memref<10000x64xf32, #tpu.memory_space<hbm>>
      tpu.wait_indirect_dma semaphore(%arg19 : memref<!tpu.dma_semaphore, #tpu.memory_space<semaphore_mem>>) src(%dma_wait3A_124 : memref<10000x64xf32, #tpu.memory_space<hbm>>) dst(%arg11 : memref<128x64xf32, #tpu.memory_space<vmem>>)
      %add3A_125 = arith.constant 2 : i32
      %add3A_126 = arith.addi %mul3A_81, %add3A_125 : i32
      "tpu.region"() ({
        %run_scoped3A_193 = tpu.sem_alloc : memref<!tpu.dma_semaphore, #tpu.memory_space<semaphore_mem>>
        %dma_start3A_194 = arith.constant 0 : i32
        %dma_start3A_195 = tpu.memref_slice %arg8[%add3A_126, %dma_start3A_194] : memref<81x128xi32, #tpu.memory_space<vmem>> -> memref<1x128xi32, #tpu.memory_space<vmem>>
        %dma_start3A_196 = tpu.memref_squeeze %dma_start3A_195 : memref<1x128xi32, #tpu.memory_space<vmem>> -> memref<128xi32, #tpu.memory_space<vmem>>
        %dma_start3A_197 = arith.constant 0 : i32
        %dma_start3A_198 = arith.constant 0 : i32
        %dma_start3A_199 = tpu.memref_slice %arg16[%dma_start3A_197, %dma_start3A_198] : memref<10112x64xf32, #tpu.memory_space<vmem_shared>> -> memref<10112x64xf32, #tpu.memory_space<vmem_shared>>
        tpu.enqueue_indirect_dma source(%arg11 : memref<128x64xf32, #tpu.memory_space<vmem>>) target(%dma_start3A_199 : memref<10112x64xf32, #tpu.memory_space<vmem_shared>>) offsets(%dma_start3A_196 : memref<128xi32, #tpu.memory_space<vmem>>) semaphore(%run_scoped3A_193 : memref<!tpu.dma_semaphore, #tpu.memory_space<semaphore_mem>>) {add = true}
        %dma_wait3A_200 = arith.constant 0 : i32
        %dma_wait3A_201 = tpu.memref_slice %arg8[%add3A_126, %dma_wait3A_200] : memref<81x128xi32, #tpu.memory_space<vmem>> -> memref<1x128xi32, #tpu.memory_space<vmem>>
        %dma_wait3A_202 = tpu.memref_squeeze %dma_wait3A_201 : memref<1x128xi32, #tpu.memory_space<vmem>> -> memref<128xi32, #tpu.memory_space<vmem>>
        %dma_wait3A_203 = arith.constant 0 : i32
        %dma_wait3A_204 = arith.constant 0 : i32
        %dma_wait3A_205 = tpu.memref_slice %arg16[%dma_wait3A_203, %dma_wait3A_204] : memref<10112x64xf32, #tpu.memory_space<vmem_shared>> -> memref<10112x64xf32, #tpu.memory_space<vmem_shared>>
        tpu.wait_indirect_dma semaphore(%run_scoped3A_193 : memref<!tpu.dma_semaphore, #tpu.memory_space<semaphore_mem>>) src(%arg11 : memref<128x64xf32, #tpu.memory_space<vmem>>) dst(%dma_wait3A_205 : memref<10112x64xf32, #tpu.memory_space<vmem_shared>>)
        tpu.yield
      }) : () -> ()
      %add3A_127 = arith.constant 2 : i32
      %add3A_128 = arith.addi %mul3A_81, %add3A_127 : i32
      %add3A_129 = arith.constant 6 : i32
      %add3A_130 = arith.addi %add3A_128, %add3A_129 : i32
      %lt3A_131 = arith.constant 81 : i32
      %lt3A_132 = arith.cmpi slt, %add3A_130, %lt3A_131 : i32
      %convert_element_type3A_133 = arith.extui %lt3A_132 : i1 to i32
      %cond3A_134 = arith.constant 0 : i32
      %cond3A_135 = arith.cmpi ne, %convert_element_type3A_133, %cond3A_134 : i32
      scf.if %cond3A_135 {
        %add3A_193 = arith.constant 2 : i32
        %add3A_194 = arith.addi %mul3A_81, %add3A_193 : i32
        %add3A_195 = arith.constant 6 : i32
        %add3A_196 = arith.addi %add3A_194, %add3A_195 : i32
        %dma_start3A_197 = arith.constant 0 : i32
        %dma_start3A_198 = tpu.memref_slice %arg7[%add3A_196, %dma_start3A_197] : memref<81x128xi32, #tpu.memory_space<vmem>> -> memref<1x128xi32, #tpu.memory_space<vmem>>
        %dma_start3A_199 = tpu.memref_squeeze %dma_start3A_198 : memref<1x128xi32, #tpu.memory_space<vmem>> -> memref<128xi32, #tpu.memory_space<vmem>>
        %dma_start3A_200 = arith.constant 0 : i32
        %dma_start3A_201 = arith.constant 0 : i32
        %dma_start3A_202 = tpu.memref_slice %arg2[%dma_start3A_200, %dma_start3A_201] : memref<10000x64xf32, #tpu.memory_space<hbm>> -> memref<10000x64xf32, #tpu.memory_space<hbm>>
        tpu.enqueue_indirect_dma source(%dma_start3A_202 : memref<10000x64xf32, #tpu.memory_space<hbm>>) target(%arg11 : memref<128x64xf32, #tpu.memory_space<vmem>>) offsets(%dma_start3A_199 : memref<128xi32, #tpu.memory_space<vmem>>) semaphore(%arg19 : memref<!tpu.dma_semaphore, #tpu.memory_space<semaphore_mem>>)
      } else {
      }
      %add3A_136 = arith.constant 3 : i32
      %add3A_137 = arith.addi %mul3A_81, %add3A_136 : i32
      %dma_wait3A_138 = arith.constant 0 : i32
      %dma_wait3A_139 = tpu.memref_slice %arg7[%add3A_137, %dma_wait3A_138] : memref<81x128xi32, #tpu.memory_space<vmem>> -> memref<1x128xi32, #tpu.memory_space<vmem>>
      %dma_wait3A_140 = tpu.memref_squeeze %dma_wait3A_139 : memref<1x128xi32, #tpu.memory_space<vmem>> -> memref<128xi32, #tpu.memory_space<vmem>>
      %dma_wait3A_141 = arith.constant 0 : i32
      %dma_wait3A_142 = arith.constant 0 : i32
      %dma_wait3A_143 = tpu.memref_slice %arg2[%dma_wait3A_141, %dma_wait3A_142] : memref<10000x64xf32, #tpu.memory_space<hbm>> -> memref<10000x64xf32, #tpu.memory_space<hbm>>
      tpu.wait_indirect_dma semaphore(%arg20 : memref<!tpu.dma_semaphore, #tpu.memory_space<semaphore_mem>>) src(%dma_wait3A_143 : memref<10000x64xf32, #tpu.memory_space<hbm>>) dst(%arg12 : memref<128x64xf32, #tpu.memory_space<vmem>>)
      %add3A_144 = arith.constant 3 : i32
      %add3A_145 = arith.addi %mul3A_81, %add3A_144 : i32
      "tpu.region"() ({
        %run_scoped3A_193 = tpu.sem_alloc : memref<!tpu.dma_semaphore, #tpu.memory_space<semaphore_mem>>
        %dma_start3A_194 = arith.constant 0 : i32
        %dma_start3A_195 = tpu.memref_slice %arg8[%add3A_145, %dma_start3A_194] : memref<81x128xi32, #tpu.memory_space<vmem>> -> memref<1x128xi32, #tpu.memory_space<vmem>>
        %dma_start3A_196 = tpu.memref_squeeze %dma_start3A_195 : memref<1x128xi32, #tpu.memory_space<vmem>> -> memref<128xi32, #tpu.memory_space<vmem>>
        %dma_start3A_197 = arith.constant 0 : i32
        %dma_start3A_198 = arith.constant 0 : i32
        %dma_start3A_199 = tpu.memref_slice %arg16[%dma_start3A_197, %dma_start3A_198] : memref<10112x64xf32, #tpu.memory_space<vmem_shared>> -> memref<10112x64xf32, #tpu.memory_space<vmem_shared>>
        tpu.enqueue_indirect_dma source(%arg12 : memref<128x64xf32, #tpu.memory_space<vmem>>) target(%dma_start3A_199 : memref<10112x64xf32, #tpu.memory_space<vmem_shared>>) offsets(%dma_start3A_196 : memref<128xi32, #tpu.memory_space<vmem>>) semaphore(%run_scoped3A_193 : memref<!tpu.dma_semaphore, #tpu.memory_space<semaphore_mem>>) {add = true}
        %dma_wait3A_200 = arith.constant 0 : i32
        %dma_wait3A_201 = tpu.memref_slice %arg8[%add3A_145, %dma_wait3A_200] : memref<81x128xi32, #tpu.memory_space<vmem>> -> memref<1x128xi32, #tpu.memory_space<vmem>>
        %dma_wait3A_202 = tpu.memref_squeeze %dma_wait3A_201 : memref<1x128xi32, #tpu.memory_space<vmem>> -> memref<128xi32, #tpu.memory_space<vmem>>
        %dma_wait3A_203 = arith.constant 0 : i32
        %dma_wait3A_204 = arith.constant 0 : i32
        %dma_wait3A_205 = tpu.memref_slice %arg16[%dma_wait3A_203, %dma_wait3A_204] : memref<10112x64xf32, #tpu.memory_space<vmem_shared>> -> memref<10112x64xf32, #tpu.memory_space<vmem_shared>>
        tpu.wait_indirect_dma semaphore(%run_scoped3A_193 : memref<!tpu.dma_semaphore, #tpu.memory_space<semaphore_mem>>) src(%arg12 : memref<128x64xf32, #tpu.memory_space<vmem>>) dst(%dma_wait3A_205 : memref<10112x64xf32, #tpu.memory_space<vmem_shared>>)
        tpu.yield
      }) : () -> ()
      %add3A_146 = arith.constant 3 : i32
      %add3A_147 = arith.addi %mul3A_81, %add3A_146 : i32
      %add3A_148 = arith.constant 6 : i32
      %add3A_149 = arith.addi %add3A_147, %add3A_148 : i32
      %lt3A_150 = arith.constant 81 : i32
      %lt3A_151 = arith.cmpi slt, %add3A_149, %lt3A_150 : i32
      %convert_element_type3A_152 = arith.extui %lt3A_151 : i1 to i32
      %cond3A_153 = arith.constant 0 : i32
      %cond3A_154 = arith.cmpi ne, %convert_element_type3A_152, %cond3A_153 : i32
      scf.if %cond3A_154 {
        %add3A_193 = arith.constant 3 : i32
        %add3A_194 = arith.addi %mul3A_81, %add3A_193 : i32
        %add3A_195 = arith.constant 6 : i32
        %add3A_196 = arith.addi %add3A_194, %add3A_195 : i32
        %dma_start3A_197 = arith.constant 0 : i32
        %dma_start3A_198 = tpu.memref_slice %arg7[%add3A_196, %dma_start3A_197] : memref<81x128xi32, #tpu.memory_space<vmem>> -> memref<1x128xi32, #tpu.memory_space<vmem>>
        %dma_start3A_199 = tpu.memref_squeeze %dma_start3A_198 : memref<1x128xi32, #tpu.memory_space<vmem>> -> memref<128xi32, #tpu.memory_space<vmem>>
        %dma_start3A_200 = arith.constant 0 : i32
        %dma_start3A_201 = arith.constant 0 : i32
        %dma_start3A_202 = tpu.memref_slice %arg2[%dma_start3A_200, %dma_start3A_201] : memref<10000x64xf32, #tpu.memory_space<hbm>> -> memref<10000x64xf32, #tpu.memory_space<hbm>>
        tpu.enqueue_indirect_dma source(%dma_start3A_202 : memref<10000x64xf32, #tpu.memory_space<hbm>>) target(%arg12 : memref<128x64xf32, #tpu.memory_space<vmem>>) offsets(%dma_start3A_199 : memref<128xi32, #tpu.memory_space<vmem>>) semaphore(%arg20 : memref<!tpu.dma_semaphore, #tpu.memory_space<semaphore_mem>>)
      } else {
      }
      %add3A_155 = arith.constant 4 : i32
      %add3A_156 = arith.addi %mul3A_81, %add3A_155 : i32
      %dma_wait3A_157 = arith.constant 0 : i32
      %dma_wait3A_158 = tpu.memref_slice %arg7[%add3A_156, %dma_wait3A_157] : memref<81x128xi32, #tpu.memory_space<vmem>> -> memref<1x128xi32, #tpu.memory_space<vmem>>
      %dma_wait3A_159 = tpu.memref_squeeze %dma_wait3A_158 : memref<1x128xi32, #tpu.memory_space<vmem>> -> memref<128xi32, #tpu.memory_space<vmem>>
      %dma_wait3A_160 = arith.constant 0 : i32
      %dma_wait3A_161 = arith.constant 0 : i32
      %dma_wait3A_162 = tpu.memref_slice %arg2[%dma_wait3A_160, %dma_wait3A_161] : memref<10000x64xf32, #tpu.memory_space<hbm>> -> memref<10000x64xf32, #tpu.memory_space<hbm>>
      tpu.wait_indirect_dma semaphore(%arg21 : memref<!tpu.dma_semaphore, #tpu.memory_space<semaphore_mem>>) src(%dma_wait3A_162 : memref<10000x64xf32, #tpu.memory_space<hbm>>) dst(%arg13 : memref<128x64xf32, #tpu.memory_space<vmem>>)
      %add3A_163 = arith.constant 4 : i32
      %add3A_164 = arith.addi %mul3A_81, %add3A_163 : i32
      "tpu.region"() ({
        %run_scoped3A_193 = tpu.sem_alloc : memref<!tpu.dma_semaphore, #tpu.memory_space<semaphore_mem>>
        %dma_start3A_194 = arith.constant 0 : i32
        %dma_start3A_195 = tpu.memref_slice %arg8[%add3A_164, %dma_start3A_194] : memref<81x128xi32, #tpu.memory_space<vmem>> -> memref<1x128xi32, #tpu.memory_space<vmem>>
        %dma_start3A_196 = tpu.memref_squeeze %dma_start3A_195 : memref<1x128xi32, #tpu.memory_space<vmem>> -> memref<128xi32, #tpu.memory_space<vmem>>
        %dma_start3A_197 = arith.constant 0 : i32
        %dma_start3A_198 = arith.constant 0 : i32
        %dma_start3A_199 = tpu.memref_slice %arg16[%dma_start3A_197, %dma_start3A_198] : memref<10112x64xf32, #tpu.memory_space<vmem_shared>> -> memref<10112x64xf32, #tpu.memory_space<vmem_shared>>
        tpu.enqueue_indirect_dma source(%arg13 : memref<128x64xf32, #tpu.memory_space<vmem>>) target(%dma_start3A_199 : memref<10112x64xf32, #tpu.memory_space<vmem_shared>>) offsets(%dma_start3A_196 : memref<128xi32, #tpu.memory_space<vmem>>) semaphore(%run_scoped3A_193 : memref<!tpu.dma_semaphore, #tpu.memory_space<semaphore_mem>>) {add = true}
        %dma_wait3A_200 = arith.constant 0 : i32
        %dma_wait3A_201 = tpu.memref_slice %arg8[%add3A_164, %dma_wait3A_200] : memref<81x128xi32, #tpu.memory_space<vmem>> -> memref<1x128xi32, #tpu.memory_space<vmem>>
        %dma_wait3A_202 = tpu.memref_squeeze %dma_wait3A_201 : memref<1x128xi32, #tpu.memory_space<vmem>> -> memref<128xi32, #tpu.memory_space<vmem>>
        %dma_wait3A_203 = arith.constant 0 : i32
        %dma_wait3A_204 = arith.constant 0 : i32
        %dma_wait3A_205 = tpu.memref_slice %arg16[%dma_wait3A_203, %dma_wait3A_204] : memref<10112x64xf32, #tpu.memory_space<vmem_shared>> -> memref<10112x64xf32, #tpu.memory_space<vmem_shared>>
        tpu.wait_indirect_dma semaphore(%run_scoped3A_193 : memref<!tpu.dma_semaphore, #tpu.memory_space<semaphore_mem>>) src(%arg13 : memref<128x64xf32, #tpu.memory_space<vmem>>) dst(%dma_wait3A_205 : memref<10112x64xf32, #tpu.memory_space<vmem_shared>>)
        tpu.yield
      }) : () -> ()
      %add3A_165 = arith.constant 4 : i32
      %add3A_166 = arith.addi %mul3A_81, %add3A_165 : i32
      %add3A_167 = arith.constant 6 : i32
      %add3A_168 = arith.addi %add3A_166, %add3A_167 : i32
      %lt3A_169 = arith.constant 81 : i32
      %lt3A_170 = arith.cmpi slt, %add3A_168, %lt3A_169 : i32
      %convert_element_type3A_171 = arith.extui %lt3A_170 : i1 to i32
      %cond3A_172 = arith.constant 0 : i32
      %cond3A_173 = arith.cmpi ne, %convert_element_type3A_171, %cond3A_172 : i32
      scf.if %cond3A_173 {
        %add3A_193 = arith.constant 4 : i32
        %add3A_194 = arith.addi %mul3A_81, %add3A_193 : i32
        %add3A_195 = arith.constant 6 : i32
        %add3A_196 = arith.addi %add3A_194, %add3A_195 : i32
        %dma_start3A_197 = arith.constant 0 : i32
        %dma_start3A_198 = tpu.memref_slice %arg7[%add3A_196, %dma_start3A_197] : memref<81x128xi32, #tpu.memory_space<vmem>> -> memref<1x128xi32, #tpu.memory_space<vmem>>
        %dma_start3A_199 = tpu.memref_squeeze %dma_start3A_198 : memref<1x128xi32, #tpu.memory_space<vmem>> -> memref<128xi32, #tpu.memory_space<vmem>>
        %dma_start3A_200 = arith.constant 0 : i32
        %dma_start3A_201 = arith.constant 0 : i32
        %dma_start3A_202 = tpu.memref_slice %arg2[%dma_start3A_200, %dma_start3A_201] : memref<10000x64xf32, #tpu.memory_space<hbm>> -> memref<10000x64xf32, #tpu.memory_space<hbm>>
        tpu.enqueue_indirect_dma source(%dma_start3A_202 : memref<10000x64xf32, #tpu.memory_space<hbm>>) target(%arg13 : memref<128x64xf32, #tpu.memory_space<vmem>>) offsets(%dma_start3A_199 : memref<128xi32, #tpu.memory_space<vmem>>) semaphore(%arg21 : memref<!tpu.dma_semaphore, #tpu.memory_space<semaphore_mem>>)
      } else {
      }
      %add3A_174 = arith.constant 5 : i32
      %add3A_175 = arith.addi %mul3A_81, %add3A_174 : i32
      %dma_wait3A_176 = arith.constant 0 : i32
      %dma_wait3A_177 = tpu.memref_slice %arg7[%add3A_175, %dma_wait3A_176] : memref<81x128xi32, #tpu.memory_space<vmem>> -> memref<1x128xi32, #tpu.memory_space<vmem>>
      %dma_wait3A_178 = tpu.memref_squeeze %dma_wait3A_177 : memref<1x128xi32, #tpu.memory_space<vmem>> -> memref<128xi32, #tpu.memory_space<vmem>>
      %dma_wait3A_179 = arith.constant 0 : i32
      %dma_wait3A_180 = arith.constant 0 : i32
      %dma_wait3A_181 = tpu.memref_slice %arg2[%dma_wait3A_179, %dma_wait3A_180] : memref<10000x64xf32, #tpu.memory_space<hbm>> -> memref<10000x64xf32, #tpu.memory_space<hbm>>
      tpu.wait_indirect_dma semaphore(%arg22 : memref<!tpu.dma_semaphore, #tpu.memory_space<semaphore_mem>>) src(%dma_wait3A_181 : memref<10000x64xf32, #tpu.memory_space<hbm>>) dst(%arg14 : memref<128x64xf32, #tpu.memory_space<vmem>>)
      %add3A_182 = arith.constant 5 : i32
      %add3A_183 = arith.addi %mul3A_81, %add3A_182 : i32
      "tpu.region"() ({
        %run_scoped3A_193 = tpu.sem_alloc : memref<!tpu.dma_semaphore, #tpu.memory_space<semaphore_mem>>
        %dma_start3A_194 = arith.constant 0 : i32
        %dma_start3A_195 = tpu.memref_slice %arg8[%add3A_183, %dma_start3A_194] : memref<81x128xi32, #tpu.memory_space<vmem>> -> memref<1x128xi32, #tpu.memory_space<vmem>>
        %dma_start3A_196 = tpu.memref_squeeze %dma_start3A_195 : memref<1x128xi32, #tpu.memory_space<vmem>> -> memref<128xi32, #tpu.memory_space<vmem>>
        %dma_start3A_197 = arith.constant 0 : i32
        %dma_start3A_198 = arith.constant 0 : i32
        %dma_start3A_199 = tpu.memref_slice %arg16[%dma_start3A_197, %dma_start3A_198] : memref<10112x64xf32, #tpu.memory_space<vmem_shared>> -> memref<10112x64xf32, #tpu.memory_space<vmem_shared>>
        tpu.enqueue_indirect_dma source(%arg14 : memref<128x64xf32, #tpu.memory_space<vmem>>) target(%dma_start3A_199 : memref<10112x64xf32, #tpu.memory_space<vmem_shared>>) offsets(%dma_start3A_196 : memref<128xi32, #tpu.memory_space<vmem>>) semaphore(%run_scoped3A_193 : memref<!tpu.dma_semaphore, #tpu.memory_space<semaphore_mem>>) {add = true}
        %dma_wait3A_200 = arith.constant 0 : i32
        %dma_wait3A_201 = tpu.memref_slice %arg8[%add3A_183, %dma_wait3A_200] : memref<81x128xi32, #tpu.memory_space<vmem>> -> memref<1x128xi32, #tpu.memory_space<vmem>>
        %dma_wait3A_202 = tpu.memref_squeeze %dma_wait3A_201 : memref<1x128xi32, #tpu.memory_space<vmem>> -> memref<128xi32, #tpu.memory_space<vmem>>
        %dma_wait3A_203 = arith.constant 0 : i32
        %dma_wait3A_204 = arith.constant 0 : i32
        %dma_wait3A_205 = tpu.memref_slice %arg16[%dma_wait3A_203, %dma_wait3A_204] : memref<10112x64xf32, #tpu.memory_space<vmem_shared>> -> memref<10112x64xf32, #tpu.memory_space<vmem_shared>>
        tpu.wait_indirect_dma semaphore(%run_scoped3A_193 : memref<!tpu.dma_semaphore, #tpu.memory_space<semaphore_mem>>) src(%arg14 : memref<128x64xf32, #tpu.memory_space<vmem>>) dst(%dma_wait3A_205 : memref<10112x64xf32, #tpu.memory_space<vmem_shared>>)
        tpu.yield
      }) : () -> ()
      %add3A_184 = arith.constant 5 : i32
      %add3A_185 = arith.addi %mul3A_81, %add3A_184 : i32
      %add3A_186 = arith.constant 6 : i32
      %add3A_187 = arith.addi %add3A_185, %add3A_186 : i32
      %lt3A_188 = arith.constant 81 : i32
      %lt3A_189 = arith.cmpi slt, %add3A_187, %lt3A_188 : i32
      %convert_element_type3A_190 = arith.extui %lt3A_189 : i1 to i32
      %cond3A_191 = arith.constant 0 : i32
      %cond3A_192 = arith.cmpi ne, %convert_element_type3A_190, %cond3A_191 : i32
      scf.if %cond3A_192 {
        %add3A_193 = arith.constant 5 : i32
        %add3A_194 = arith.addi %mul3A_81, %add3A_193 : i32
        %add3A_195 = arith.constant 6 : i32
        %add3A_196 = arith.addi %add3A_194, %add3A_195 : i32
        %dma_start3A_197 = arith.constant 0 : i32
        %dma_start3A_198 = tpu.memref_slice %arg7[%add3A_196, %dma_start3A_197] : memref<81x128xi32, #tpu.memory_space<vmem>> -> memref<1x128xi32, #tpu.memory_space<vmem>>
        %dma_start3A_199 = tpu.memref_squeeze %dma_start3A_198 : memref<1x128xi32, #tpu.memory_space<vmem>> -> memref<128xi32, #tpu.memory_space<vmem>>
        %dma_start3A_200 = arith.constant 0 : i32
        %dma_start3A_201 = arith.constant 0 : i32
        %dma_start3A_202 = tpu.memref_slice %arg2[%dma_start3A_200, %dma_start3A_201] : memref<10000x64xf32, #tpu.memory_space<hbm>> -> memref<10000x64xf32, #tpu.memory_space<hbm>>
        tpu.enqueue_indirect_dma source(%dma_start3A_202 : memref<10000x64xf32, #tpu.memory_space<hbm>>) target(%arg14 : memref<128x64xf32, #tpu.memory_space<vmem>>) offsets(%dma_start3A_199 : memref<128xi32, #tpu.memory_space<vmem>>) semaphore(%arg22 : memref<!tpu.dma_semaphore, #tpu.memory_space<semaphore_mem>>)
      } else {
      }
    }
    %scan3A_50 = arith.constant 13 : i32
    %dma_wait3A = arith.constant 78 : i32
    %dma_wait3A_51 = arith.constant 0 : i32
    %dma_wait3A_52 = tpu.memref_slice %arg7[%dma_wait3A, %dma_wait3A_51] : memref<81x128xi32, #tpu.memory_space<vmem>> -> memref<1x128xi32, #tpu.memory_space<vmem>>
    %dma_wait3A_53 = tpu.memref_squeeze %dma_wait3A_52 : memref<1x128xi32, #tpu.memory_space<vmem>> -> memref<128xi32, #tpu.memory_space<vmem>>
    %dma_wait3A_54 = arith.constant 0 : i32
    %dma_wait3A_55 = arith.constant 0 : i32
    %dma_wait3A_56 = tpu.memref_slice %arg2[%dma_wait3A_54, %dma_wait3A_55] : memref<10000x64xf32, #tpu.memory_space<hbm>> -> memref<10000x64xf32, #tpu.memory_space<hbm>>
    tpu.wait_indirect_dma semaphore(%arg17 : memref<!tpu.dma_semaphore, #tpu.memory_space<semaphore_mem>>) src(%dma_wait3A_56 : memref<10000x64xf32, #tpu.memory_space<hbm>>) dst(%arg9 : memref<128x64xf32, #tpu.memory_space<vmem>>)
    %run_scoped3A = arith.constant 78 : i32
    "tpu.region"() ({
      %run_scoped3A_79 = tpu.sem_alloc : memref<!tpu.dma_semaphore, #tpu.memory_space<semaphore_mem>>
      %dma_start3A_80 = arith.constant 0 : i32
      %dma_start3A_81 = tpu.memref_slice %arg8[%run_scoped3A, %dma_start3A_80] : memref<81x128xi32, #tpu.memory_space<vmem>> -> memref<1x128xi32, #tpu.memory_space<vmem>>
      %dma_start3A_82 = tpu.memref_squeeze %dma_start3A_81 : memref<1x128xi32, #tpu.memory_space<vmem>> -> memref<128xi32, #tpu.memory_space<vmem>>
      %dma_start3A_83 = arith.constant 0 : i32
      %dma_start3A_84 = arith.constant 0 : i32
      %dma_start3A_85 = tpu.memref_slice %arg16[%dma_start3A_83, %dma_start3A_84] : memref<10112x64xf32, #tpu.memory_space<vmem_shared>> -> memref<10112x64xf32, #tpu.memory_space<vmem_shared>>
      tpu.enqueue_indirect_dma source(%arg9 : memref<128x64xf32, #tpu.memory_space<vmem>>) target(%dma_start3A_85 : memref<10112x64xf32, #tpu.memory_space<vmem_shared>>) offsets(%dma_start3A_82 : memref<128xi32, #tpu.memory_space<vmem>>) semaphore(%run_scoped3A_79 : memref<!tpu.dma_semaphore, #tpu.memory_space<semaphore_mem>>) {add = true}
      %dma_wait3A_86 = arith.constant 0 : i32
      %dma_wait3A_87 = tpu.memref_slice %arg8[%run_scoped3A, %dma_wait3A_86] : memref<81x128xi32, #tpu.memory_space<vmem>> -> memref<1x128xi32, #tpu.memory_space<vmem>>
      %dma_wait3A_88 = tpu.memref_squeeze %dma_wait3A_87 : memref<1x128xi32, #tpu.memory_space<vmem>> -> memref<128xi32, #tpu.memory_space<vmem>>
      %dma_wait3A_89 = arith.constant 0 : i32
      %dma_wait3A_90 = arith.constant 0 : i32
      %dma_wait3A_91 = tpu.memref_slice %arg16[%dma_wait3A_89, %dma_wait3A_90] : memref<10112x64xf32, #tpu.memory_space<vmem_shared>> -> memref<10112x64xf32, #tpu.memory_space<vmem_shared>>
      tpu.wait_indirect_dma semaphore(%run_scoped3A_79 : memref<!tpu.dma_semaphore, #tpu.memory_space<semaphore_mem>>) src(%arg9 : memref<128x64xf32, #tpu.memory_space<vmem>>) dst(%dma_wait3A_91 : memref<10112x64xf32, #tpu.memory_space<vmem_shared>>)
      tpu.yield
    }) : () -> ()
    %dma_wait3A_57 = arith.constant 79 : i32
    %dma_wait3A_58 = arith.constant 0 : i32
    %dma_wait3A_59 = tpu.memref_slice %arg7[%dma_wait3A_57, %dma_wait3A_58] : memref<81x128xi32, #tpu.memory_space<vmem>> -> memref<1x128xi32, #tpu.memory_space<vmem>>
    %dma_wait3A_60 = tpu.memref_squeeze %dma_wait3A_59 : memref<1x128xi32, #tpu.memory_space<vmem>> -> memref<128xi32, #tpu.memory_space<vmem>>
    %dma_wait3A_61 = arith.constant 0 : i32
    %dma_wait3A_62 = arith.constant 0 : i32
    %dma_wait3A_63 = tpu.memref_slice %arg2[%dma_wait3A_61, %dma_wait3A_62] : memref<10000x64xf32, #tpu.memory_space<hbm>> -> memref<10000x64xf32, #tpu.memory_space<hbm>>
    tpu.wait_indirect_dma semaphore(%arg18 : memref<!tpu.dma_semaphore, #tpu.memory_space<semaphore_mem>>) src(%dma_wait3A_63 : memref<10000x64xf32, #tpu.memory_space<hbm>>) dst(%arg10 : memref<128x64xf32, #tpu.memory_space<vmem>>)
    %run_scoped3A_64 = arith.constant 79 : i32
    "tpu.region"() ({
      %run_scoped3A_79 = tpu.sem_alloc : memref<!tpu.dma_semaphore, #tpu.memory_space<semaphore_mem>>
      %dma_start3A_80 = arith.constant 0 : i32
      %dma_start3A_81 = tpu.memref_slice %arg8[%run_scoped3A_64, %dma_start3A_80] : memref<81x128xi32, #tpu.memory_space<vmem>> -> memref<1x128xi32, #tpu.memory_space<vmem>>
      %dma_start3A_82 = tpu.memref_squeeze %dma_start3A_81 : memref<1x128xi32, #tpu.memory_space<vmem>> -> memref<128xi32, #tpu.memory_space<vmem>>
      %dma_start3A_83 = arith.constant 0 : i32
      %dma_start3A_84 = arith.constant 0 : i32
      %dma_start3A_85 = tpu.memref_slice %arg16[%dma_start3A_83, %dma_start3A_84] : memref<10112x64xf32, #tpu.memory_space<vmem_shared>> -> memref<10112x64xf32, #tpu.memory_space<vmem_shared>>
      tpu.enqueue_indirect_dma source(%arg10 : memref<128x64xf32, #tpu.memory_space<vmem>>) target(%dma_start3A_85 : memref<10112x64xf32, #tpu.memory_space<vmem_shared>>) offsets(%dma_start3A_82 : memref<128xi32, #tpu.memory_space<vmem>>) semaphore(%run_scoped3A_79 : memref<!tpu.dma_semaphore, #tpu.memory_space<semaphore_mem>>) {add = true}
      %dma_wait3A_86 = arith.constant 0 : i32
      %dma_wait3A_87 = tpu.memref_slice %arg8[%run_scoped3A_64, %dma_wait3A_86] : memref<81x128xi32, #tpu.memory_space<vmem>> -> memref<1x128xi32, #tpu.memory_space<vmem>>
      %dma_wait3A_88 = tpu.memref_squeeze %dma_wait3A_87 : memref<1x128xi32, #tpu.memory_space<vmem>> -> memref<128xi32, #tpu.memory_space<vmem>>
      %dma_wait3A_89 = arith.constant 0 : i32
      %dma_wait3A_90 = arith.constant 0 : i32
      %dma_wait3A_91 = tpu.memref_slice %arg16[%dma_wait3A_89, %dma_wait3A_90] : memref<10112x64xf32, #tpu.memory_space<vmem_shared>> -> memref<10112x64xf32, #tpu.memory_space<vmem_shared>>
      tpu.wait_indirect_dma semaphore(%run_scoped3A_79 : memref<!tpu.dma_semaphore, #tpu.memory_space<semaphore_mem>>) src(%arg10 : memref<128x64xf32, #tpu.memory_space<vmem>>) dst(%dma_wait3A_91 : memref<10112x64xf32, #tpu.memory_space<vmem_shared>>)
      tpu.yield
    }) : () -> ()
    %dma_wait3A_65 = arith.constant 80 : i32
    %dma_wait3A_66 = arith.constant 0 : i32
    %dma_wait3A_67 = tpu.memref_slice %arg7[%dma_wait3A_65, %dma_wait3A_66] : memref<81x128xi32, #tpu.memory_space<vmem>> -> memref<1x128xi32, #tpu.memory_space<vmem>>
    %dma_wait3A_68 = tpu.memref_squeeze %dma_wait3A_67 : memref<1x128xi32, #tpu.memory_space<vmem>> -> memref<128xi32, #tpu.memory_space<vmem>>
    %dma_wait3A_69 = arith.constant 0 : i32
    %dma_wait3A_70 = arith.constant 0 : i32
    %dma_wait3A_71 = tpu.memref_slice %arg2[%dma_wait3A_69, %dma_wait3A_70] : memref<10000x64xf32, #tpu.memory_space<hbm>> -> memref<10000x64xf32, #tpu.memory_space<hbm>>
    tpu.wait_indirect_dma semaphore(%arg19 : memref<!tpu.dma_semaphore, #tpu.memory_space<semaphore_mem>>) src(%dma_wait3A_71 : memref<10000x64xf32, #tpu.memory_space<hbm>>) dst(%arg11 : memref<128x64xf32, #tpu.memory_space<vmem>>)
    %run_scoped3A_72 = arith.constant 80 : i32
    "tpu.region"() ({
      %run_scoped3A_79 = tpu.sem_alloc : memref<!tpu.dma_semaphore, #tpu.memory_space<semaphore_mem>>
      %dma_start3A_80 = arith.constant 0 : i32
      %dma_start3A_81 = tpu.memref_slice %arg8[%run_scoped3A_72, %dma_start3A_80] : memref<81x128xi32, #tpu.memory_space<vmem>> -> memref<1x128xi32, #tpu.memory_space<vmem>>
      %dma_start3A_82 = tpu.memref_squeeze %dma_start3A_81 : memref<1x128xi32, #tpu.memory_space<vmem>> -> memref<128xi32, #tpu.memory_space<vmem>>
      %dma_start3A_83 = arith.constant 0 : i32
      %dma_start3A_84 = arith.constant 0 : i32
      %dma_start3A_85 = tpu.memref_slice %arg16[%dma_start3A_83, %dma_start3A_84] : memref<10112x64xf32, #tpu.memory_space<vmem_shared>> -> memref<10112x64xf32, #tpu.memory_space<vmem_shared>>
      tpu.enqueue_indirect_dma source(%arg11 : memref<128x64xf32, #tpu.memory_space<vmem>>) target(%dma_start3A_85 : memref<10112x64xf32, #tpu.memory_space<vmem_shared>>) offsets(%dma_start3A_82 : memref<128xi32, #tpu.memory_space<vmem>>) semaphore(%run_scoped3A_79 : memref<!tpu.dma_semaphore, #tpu.memory_space<semaphore_mem>>) {add = true}
      %dma_wait3A_86 = arith.constant 0 : i32
      %dma_wait3A_87 = tpu.memref_slice %arg8[%run_scoped3A_72, %dma_wait3A_86] : memref<81x128xi32, #tpu.memory_space<vmem>> -> memref<1x128xi32, #tpu.memory_space<vmem>>
      %dma_wait3A_88 = tpu.memref_squeeze %dma_wait3A_87 : memref<1x128xi32, #tpu.memory_space<vmem>> -> memref<128xi32, #tpu.memory_space<vmem>>
      %dma_wait3A_89 = arith.constant 0 : i32
      %dma_wait3A_90 = arith.constant 0 : i32
      %dma_wait3A_91 = tpu.memref_slice %arg16[%dma_wait3A_89, %dma_wait3A_90] : memref<10112x64xf32, #tpu.memory_space<vmem_shared>> -> memref<10112x64xf32, #tpu.memory_space<vmem_shared>>
      tpu.wait_indirect_dma semaphore(%run_scoped3A_79 : memref<!tpu.dma_semaphore, #tpu.memory_space<semaphore_mem>>) src(%arg11 : memref<128x64xf32, #tpu.memory_space<vmem>>) dst(%dma_wait3A_91 : memref<10112x64xf32, #tpu.memory_space<vmem_shared>>)
      tpu.yield
    }) : () -> ()
    %barrier3A_73 = arith.constant 0 : index
    tpu.barrier barrier_id(%barrier3A_73)
    %scan3A_74 = arith.constant 0 : i32
    %scan3A_75 = arith.constant 4 : i32
    %scan3A_76 = arith.addi %scan3A_74, %scan3A_75 : i32
    %scan3A_77 = arith.constant 1 : i32
    scf.for %scan3A_79 = %scan3A_74 to %scan3A_76 step %scan3A_77  : i32 {
      %mul3A_80 = arith.constant 632 : i32
      %mul3A_81 = arith.muli %arg1, %mul3A_80 : i32
      %mul3A_82 = arith.constant 158 : i32
      %mul3A_83 = arith.muli %scan3A_79, %mul3A_82 : i32
      %add3A_84 = arith.addi %mul3A_81, %mul3A_83 : i32
      "tpu.region"() ({
        %run_scoped3A_88 = tpu.sem_alloc : memref<!tpu.dma_semaphore, #tpu.memory_space<semaphore_mem>>
        %dma_start3A_89 = arith.constant 0 : i32
        %dma_start3A_90 = tpu.memref_slice %arg16[%add3A_84, %dma_start3A_89] : memref<10112x64xf32, #tpu.memory_space<vmem_shared>> -> memref<158x64xf32, #tpu.memory_space<vmem_shared>>
        %dma_start3A_91 = arith.constant 0 : i32
        %dma_start3A_92 = tpu.memref_slice %arg16[%add3A_84, %dma_start3A_91] : memref<10112x64xf32, #tpu.memory_space<vmem_shared>> -> memref<158x64xf32, #tpu.memory_space<vmem_shared>>
        tpu.enqueue_dma source(%dma_start3A_92 : memref<158x64xf32, #tpu.memory_space<vmem_shared>>) target(%arg15 : memref<158x64xf32, #tpu.memory_space<vmem>>) target_semaphore(%run_scoped3A_88 : memref<!tpu.dma_semaphore, #tpu.memory_space<semaphore_mem>>)
        %dma_wait3A_93 = arith.constant 0 : i32
        %dma_wait3A_94 = tpu.memref_slice %arg16[%add3A_84, %dma_wait3A_93] : memref<10112x64xf32, #tpu.memory_space<vmem_shared>> -> memref<158x64xf32, #tpu.memory_space<vmem_shared>>
        %dma_wait3A_95 = arith.constant 0 : i32
        %dma_wait3A_96 = tpu.memref_slice %arg16[%add3A_84, %dma_wait3A_95] : memref<10112x64xf32, #tpu.memory_space<vmem_shared>> -> memref<158x64xf32, #tpu.memory_space<vmem_shared>>
        tpu.wait_dma2 semaphore(%run_scoped3A_88 : memref<!tpu.dma_semaphore, #tpu.memory_space<semaphore_mem>>) src(%dma_wait3A_96 : memref<158x64xf32, #tpu.memory_space<vmem_shared>>) dst(%arg15 : memref<158x64xf32, #tpu.memory_space<vmem>>)
        tpu.yield
      }) : () -> ()
      %mul3A_85 = arith.constant 10112 : i32
      %mul3A_86 = arith.muli %arg0, %mul3A_85 : i32
      %add3A_87 = arith.addi %mul3A_86, %add3A_84 : i32
      "tpu.region"() ({
        %run_scoped3A_88 = tpu.sem_alloc : memref<!tpu.dma_semaphore, #tpu.memory_space<semaphore_mem>>
        %dma_start3A_89 = arith.constant 0 : i32
        %dma_start3A_90 = tpu.memref_slice %arg6[%add3A_87, %dma_start3A_89] : memref<20224x64xf32, #tpu.memory_space<hbm>> -> memref<158x64xf32, #tpu.memory_space<hbm>>
        %dma_start3A_91 = arith.constant 0 : i32
        %dma_start3A_92 = tpu.memref_slice %arg6[%add3A_87, %dma_start3A_91] : memref<20224x64xf32, #tpu.memory_space<hbm>> -> memref<158x64xf32, #tpu.memory_space<hbm>>
        tpu.enqueue_dma source(%arg15 : memref<158x64xf32, #tpu.memory_space<vmem>>) target(%dma_start3A_92 : memref<158x64xf32, #tpu.memory_space<hbm>>) target_semaphore(%run_scoped3A_88 : memref<!tpu.dma_semaphore, #tpu.memory_space<semaphore_mem>>)
        %dma_wait3A_93 = arith.constant 0 : i32
        %dma_wait3A_94 = tpu.memref_slice %arg6[%add3A_87, %dma_wait3A_93] : memref<20224x64xf32, #tpu.memory_space<hbm>> -> memref<158x64xf32, #tpu.memory_space<hbm>>
        %dma_wait3A_95 = arith.constant 0 : i32
        %dma_wait3A_96 = tpu.memref_slice %arg6[%add3A_87, %dma_wait3A_95] : memref<20224x64xf32, #tpu.memory_space<hbm>> -> memref<158x64xf32, #tpu.memory_space<hbm>>
        tpu.wait_dma2 semaphore(%run_scoped3A_88 : memref<!tpu.dma_semaphore, #tpu.memory_space<semaphore_mem>>) src(%arg15 : memref<158x64xf32, #tpu.memory_space<vmem>>) dst(%dma_wait3A_96 : memref<158x64xf32, #tpu.memory_space<hbm>>)
        tpu.yield
      }) : () -> ()
    }
    %scan3A_78 = arith.constant 4 : i32
    return
  }
}

#map = affine_map<(d0, d1) -> (0, 0, 0)>
#map1 = affine_map<(d0, d1) -> (0, 0)>
module attributes {stable_mosaic.version = 14 : i64} {
  func.func @_sc_degree(%arg0: i32, %arg1: i32, %arg2: memref<32x81x128xi32, #tpu.memory_space<hbm>>, %arg3: memref<128x8xf32, #tpu.memory_space<hbm>>, %arg4: memref<158x8xf32, #tpu.memory_space<hbm>>, %arg5: memref<20224x8xf32, #tpu.memory_space<hbm>>, %arg6: memref<81x128xi32, #tpu.memory_space<vmem>>, %arg7: memref<128x8xf32, #tpu.memory_space<vmem>>, %arg8: memref<158x8xf32, #tpu.memory_space<vmem>>, %arg9: memref<10112x8xf32, #tpu.memory_space<vmem_shared>>) attributes {dimension_semantics = [#tpu.dimension_semantics<core_parallel>, #tpu.dimension_semantics<subcore_parallel>], iteration_bounds = array<i64: 2, 16>, scalar_prefetch = 0 : i64, scratch_operands = 4 : i64, tpu.core_type = #tpu.core_type<sc_vector_subcore>, window_params = [{transform_indices = #map}, {transform_indices = #map1}, {transform_indices = #map1}, {transform_indices = #map1}]} {
    %mul3A = arith.constant 2 : i32
    %mul3A_0 = arith.muli %arg1, %mul3A : i32
    %add3A = arith.addi %mul3A_0, %arg0 : i32
    "tpu.region"() ({
      %run_scoped3A = tpu.sem_alloc : memref<!tpu.dma_semaphore, #tpu.memory_space<semaphore_mem>>
      %dma_start3A = arith.constant 0 : i32
      %dma_start3A_16 = arith.constant 0 : i32
      %dma_start3A_17 = tpu.memref_slice %arg2[%add3A, %dma_start3A, %dma_start3A_16] : memref<32x81x128xi32, #tpu.memory_space<hbm>> -> memref<1x81x128xi32, #tpu.memory_space<hbm>>
      %dma_start3A_18 = tpu.memref_squeeze %dma_start3A_17 : memref<1x81x128xi32, #tpu.memory_space<hbm>> -> memref<81x128xi32, #tpu.memory_space<hbm>>
      %dma_start3A_19 = arith.constant 0 : i32
      %dma_start3A_20 = arith.constant 0 : i32
      %dma_start3A_21 = tpu.memref_slice %arg2[%add3A, %dma_start3A_19, %dma_start3A_20] : memref<32x81x128xi32, #tpu.memory_space<hbm>> -> memref<1x81x128xi32, #tpu.memory_space<hbm>>
      %dma_start3A_22 = tpu.memref_squeeze %dma_start3A_21 : memref<1x81x128xi32, #tpu.memory_space<hbm>> -> memref<81x128xi32, #tpu.memory_space<hbm>>
      tpu.enqueue_dma source(%dma_start3A_22 : memref<81x128xi32, #tpu.memory_space<hbm>>) target(%arg6 : memref<81x128xi32, #tpu.memory_space<vmem>>) target_semaphore(%run_scoped3A : memref<!tpu.dma_semaphore, #tpu.memory_space<semaphore_mem>>)
      %dma_wait3A = arith.constant 0 : i32
      %dma_wait3A_23 = arith.constant 0 : i32
      %dma_wait3A_24 = tpu.memref_slice %arg2[%add3A, %dma_wait3A, %dma_wait3A_23] : memref<32x81x128xi32, #tpu.memory_space<hbm>> -> memref<1x81x128xi32, #tpu.memory_space<hbm>>
      %dma_wait3A_25 = tpu.memref_squeeze %dma_wait3A_24 : memref<1x81x128xi32, #tpu.memory_space<hbm>> -> memref<81x128xi32, #tpu.memory_space<hbm>>
      %dma_wait3A_26 = arith.constant 0 : i32
      %dma_wait3A_27 = arith.constant 0 : i32
      %dma_wait3A_28 = tpu.memref_slice %arg2[%add3A, %dma_wait3A_26, %dma_wait3A_27] : memref<32x81x128xi32, #tpu.memory_space<hbm>> -> memref<1x81x128xi32, #tpu.memory_space<hbm>>
      %dma_wait3A_29 = tpu.memref_squeeze %dma_wait3A_28 : memref<1x81x128xi32, #tpu.memory_space<hbm>> -> memref<81x128xi32, #tpu.memory_space<hbm>>
      tpu.wait_dma2 semaphore(%run_scoped3A : memref<!tpu.dma_semaphore, #tpu.memory_space<semaphore_mem>>) src(%dma_wait3A_29 : memref<81x128xi32, #tpu.memory_space<hbm>>) dst(%arg6 : memref<81x128xi32, #tpu.memory_space<vmem>>)
      tpu.yield
    }) : () -> ()
    "tpu.region"() ({
      %run_scoped3A = tpu.sem_alloc : memref<!tpu.dma_semaphore, #tpu.memory_space<semaphore_mem>>
      tpu.enqueue_dma source(%arg3 : memref<128x8xf32, #tpu.memory_space<hbm>>) target(%arg7 : memref<128x8xf32, #tpu.memory_space<vmem>>) target_semaphore(%run_scoped3A : memref<!tpu.dma_semaphore, #tpu.memory_space<semaphore_mem>>)
      tpu.wait_dma2 semaphore(%run_scoped3A : memref<!tpu.dma_semaphore, #tpu.memory_space<semaphore_mem>>) src(%arg3 : memref<128x8xf32, #tpu.memory_space<hbm>>) dst(%arg7 : memref<128x8xf32, #tpu.memory_space<vmem>>)
      tpu.yield
    }) : () -> ()
    "tpu.region"() ({
      %run_scoped3A = tpu.sem_alloc : memref<!tpu.dma_semaphore, #tpu.memory_space<semaphore_mem>>
      tpu.enqueue_dma source(%arg4 : memref<158x8xf32, #tpu.memory_space<hbm>>) target(%arg8 : memref<158x8xf32, #tpu.memory_space<vmem>>) target_semaphore(%run_scoped3A : memref<!tpu.dma_semaphore, #tpu.memory_space<semaphore_mem>>)
      tpu.wait_dma2 semaphore(%run_scoped3A : memref<!tpu.dma_semaphore, #tpu.memory_space<semaphore_mem>>) src(%arg4 : memref<158x8xf32, #tpu.memory_space<hbm>>) dst(%arg8 : memref<158x8xf32, #tpu.memory_space<vmem>>)
      tpu.yield
    }) : () -> ()
    %scan3A = arith.constant 0 : i32
    %scan3A_1 = arith.constant 4 : i32
    %scan3A_2 = arith.addi %scan3A, %scan3A_1 : i32
    %scan3A_3 = arith.constant 1 : i32
    scf.for %scan3A_16 = %scan3A to %scan3A_2 step %scan3A_3  : i32 {
      %mul3A_17 = arith.constant 632 : i32
      %mul3A_18 = arith.muli %arg1, %mul3A_17 : i32
      %mul3A_19 = arith.constant 158 : i32
      %mul3A_20 = arith.muli %scan3A_16, %mul3A_19 : i32
      %add3A_21 = arith.addi %mul3A_18, %mul3A_20 : i32
      "tpu.region"() ({
        %run_scoped3A = tpu.sem_alloc : memref<!tpu.dma_semaphore, #tpu.memory_space<semaphore_mem>>
        %dma_start3A = arith.constant 0 : i32
        %dma_start3A_22 = tpu.memref_slice %arg9[%add3A_21, %dma_start3A] : memref<10112x8xf32, #tpu.memory_space<vmem_shared>> -> memref<158x8xf32, #tpu.memory_space<vmem_shared>>
        %dma_start3A_23 = arith.constant 0 : i32
        %dma_start3A_24 = tpu.memref_slice %arg9[%add3A_21, %dma_start3A_23] : memref<10112x8xf32, #tpu.memory_space<vmem_shared>> -> memref<158x8xf32, #tpu.memory_space<vmem_shared>>
        tpu.enqueue_dma source(%arg8 : memref<158x8xf32, #tpu.memory_space<vmem>>) target(%dma_start3A_24 : memref<158x8xf32, #tpu.memory_space<vmem_shared>>) target_semaphore(%run_scoped3A : memref<!tpu.dma_semaphore, #tpu.memory_space<semaphore_mem>>)
        %dma_wait3A = arith.constant 0 : i32
        %dma_wait3A_25 = tpu.memref_slice %arg9[%add3A_21, %dma_wait3A] : memref<10112x8xf32, #tpu.memory_space<vmem_shared>> -> memref<158x8xf32, #tpu.memory_space<vmem_shared>>
        %dma_wait3A_26 = arith.constant 0 : i32
        %dma_wait3A_27 = tpu.memref_slice %arg9[%add3A_21, %dma_wait3A_26] : memref<10112x8xf32, #tpu.memory_space<vmem_shared>> -> memref<158x8xf32, #tpu.memory_space<vmem_shared>>
        tpu.wait_dma2 semaphore(%run_scoped3A : memref<!tpu.dma_semaphore, #tpu.memory_space<semaphore_mem>>) src(%arg8 : memref<158x8xf32, #tpu.memory_space<vmem>>) dst(%dma_wait3A_27 : memref<158x8xf32, #tpu.memory_space<vmem_shared>>)
        tpu.yield
      }) : () -> ()
    }
    %scan3A_4 = arith.constant 4 : i32
    %barrier3A = arith.constant 0 : index
    tpu.barrier barrier_id(%barrier3A)
    %scan3A_5 = arith.constant 0 : i32
    %scan3A_6 = arith.constant 81 : i32
    %scan3A_7 = arith.addi %scan3A_5, %scan3A_6 : i32
    %scan3A_8 = arith.constant 1 : i32
    scf.for %scan3A_16 = %scan3A_5 to %scan3A_7 step %scan3A_8  : i32 {
      "tpu.region"() ({
        %run_scoped3A = tpu.sem_alloc : memref<!tpu.dma_semaphore, #tpu.memory_space<semaphore_mem>>
        %dma_start3A = arith.constant 0 : i32
        %dma_start3A_17 = tpu.memref_slice %arg6[%scan3A_16, %dma_start3A] : memref<81x128xi32, #tpu.memory_space<vmem>> -> memref<1x128xi32, #tpu.memory_space<vmem>>
        %dma_start3A_18 = tpu.memref_squeeze %dma_start3A_17 : memref<1x128xi32, #tpu.memory_space<vmem>> -> memref<128xi32, #tpu.memory_space<vmem>>
        %dma_start3A_19 = arith.constant 0 : i32
        %dma_start3A_20 = arith.constant 0 : i32
        %dma_start3A_21 = tpu.memref_slice %arg9[%dma_start3A_19, %dma_start3A_20] : memref<10112x8xf32, #tpu.memory_space<vmem_shared>> -> memref<10112x8xf32, #tpu.memory_space<vmem_shared>>
        tpu.enqueue_indirect_dma source(%arg7 : memref<128x8xf32, #tpu.memory_space<vmem>>) target(%dma_start3A_21 : memref<10112x8xf32, #tpu.memory_space<vmem_shared>>) offsets(%dma_start3A_18 : memref<128xi32, #tpu.memory_space<vmem>>) semaphore(%run_scoped3A : memref<!tpu.dma_semaphore, #tpu.memory_space<semaphore_mem>>) {add = true}
        %dma_wait3A = arith.constant 0 : i32
        %dma_wait3A_22 = tpu.memref_slice %arg6[%scan3A_16, %dma_wait3A] : memref<81x128xi32, #tpu.memory_space<vmem>> -> memref<1x128xi32, #tpu.memory_space<vmem>>
        %dma_wait3A_23 = tpu.memref_squeeze %dma_wait3A_22 : memref<1x128xi32, #tpu.memory_space<vmem>> -> memref<128xi32, #tpu.memory_space<vmem>>
        %dma_wait3A_24 = arith.constant 0 : i32
        %dma_wait3A_25 = arith.constant 0 : i32
        %dma_wait3A_26 = tpu.memref_slice %arg9[%dma_wait3A_24, %dma_wait3A_25] : memref<10112x8xf32, #tpu.memory_space<vmem_shared>> -> memref<10112x8xf32, #tpu.memory_space<vmem_shared>>
        tpu.wait_indirect_dma semaphore(%run_scoped3A : memref<!tpu.dma_semaphore, #tpu.memory_space<semaphore_mem>>) src(%arg7 : memref<128x8xf32, #tpu.memory_space<vmem>>) dst(%dma_wait3A_26 : memref<10112x8xf32, #tpu.memory_space<vmem_shared>>)
        tpu.yield
      }) : () -> ()
    }
    %scan3A_9 = arith.constant 81 : i32
    %barrier3A_10 = arith.constant 0 : index
    tpu.barrier barrier_id(%barrier3A_10)
    %scan3A_11 = arith.constant 0 : i32
    %scan3A_12 = arith.constant 4 : i32
    %scan3A_13 = arith.addi %scan3A_11, %scan3A_12 : i32
    %scan3A_14 = arith.constant 1 : i32
    scf.for %scan3A_16 = %scan3A_11 to %scan3A_13 step %scan3A_14  : i32 {
      %mul3A_17 = arith.constant 632 : i32
      %mul3A_18 = arith.muli %arg1, %mul3A_17 : i32
      %mul3A_19 = arith.constant 158 : i32
      %mul3A_20 = arith.muli %scan3A_16, %mul3A_19 : i32
      %add3A_21 = arith.addi %mul3A_18, %mul3A_20 : i32
      "tpu.region"() ({
        %run_scoped3A = tpu.sem_alloc : memref<!tpu.dma_semaphore, #tpu.memory_space<semaphore_mem>>
        %dma_start3A = arith.constant 0 : i32
        %dma_start3A_25 = tpu.memref_slice %arg9[%add3A_21, %dma_start3A] : memref<10112x8xf32, #tpu.memory_space<vmem_shared>> -> memref<158x8xf32, #tpu.memory_space<vmem_shared>>
        %dma_start3A_26 = arith.constant 0 : i32
        %dma_start3A_27 = tpu.memref_slice %arg9[%add3A_21, %dma_start3A_26] : memref<10112x8xf32, #tpu.memory_space<vmem_shared>> -> memref<158x8xf32, #tpu.memory_space<vmem_shared>>
        tpu.enqueue_dma source(%dma_start3A_27 : memref<158x8xf32, #tpu.memory_space<vmem_shared>>) target(%arg8 : memref<158x8xf32, #tpu.memory_space<vmem>>) target_semaphore(%run_scoped3A : memref<!tpu.dma_semaphore, #tpu.memory_space<semaphore_mem>>)
        %dma_wait3A = arith.constant 0 : i32
        %dma_wait3A_28 = tpu.memref_slice %arg9[%add3A_21, %dma_wait3A] : memref<10112x8xf32, #tpu.memory_space<vmem_shared>> -> memref<158x8xf32, #tpu.memory_space<vmem_shared>>
        %dma_wait3A_29 = arith.constant 0 : i32
        %dma_wait3A_30 = tpu.memref_slice %arg9[%add3A_21, %dma_wait3A_29] : memref<10112x8xf32, #tpu.memory_space<vmem_shared>> -> memref<158x8xf32, #tpu.memory_space<vmem_shared>>
        tpu.wait_dma2 semaphore(%run_scoped3A : memref<!tpu.dma_semaphore, #tpu.memory_space<semaphore_mem>>) src(%dma_wait3A_30 : memref<158x8xf32, #tpu.memory_space<vmem_shared>>) dst(%arg8 : memref<158x8xf32, #tpu.memory_space<vmem>>)
        tpu.yield
      }) : () -> ()
      %mul3A_22 = arith.constant 10112 : i32
      %mul3A_23 = arith.muli %arg0, %mul3A_22 : i32
      %add3A_24 = arith.addi %mul3A_23, %add3A_21 : i32
      "tpu.region"() ({
        %run_scoped3A = tpu.sem_alloc : memref<!tpu.dma_semaphore, #tpu.memory_space<semaphore_mem>>
        %dma_start3A = arith.constant 0 : i32
        %dma_start3A_25 = tpu.memref_slice %arg5[%add3A_24, %dma_start3A] : memref<20224x8xf32, #tpu.memory_space<hbm>> -> memref<158x8xf32, #tpu.memory_space<hbm>>
        %dma_start3A_26 = arith.constant 0 : i32
        %dma_start3A_27 = tpu.memref_slice %arg5[%add3A_24, %dma_start3A_26] : memref<20224x8xf32, #tpu.memory_space<hbm>> -> memref<158x8xf32, #tpu.memory_space<hbm>>
        tpu.enqueue_dma source(%arg8 : memref<158x8xf32, #tpu.memory_space<vmem>>) target(%dma_start3A_27 : memref<158x8xf32, #tpu.memory_space<hbm>>) target_semaphore(%run_scoped3A : memref<!tpu.dma_semaphore, #tpu.memory_space<semaphore_mem>>)
        %dma_wait3A = arith.constant 0 : i32
        %dma_wait3A_28 = tpu.memref_slice %arg5[%add3A_24, %dma_wait3A] : memref<20224x8xf32, #tpu.memory_space<hbm>> -> memref<158x8xf32, #tpu.memory_space<hbm>>
        %dma_wait3A_29 = arith.constant 0 : i32
        %dma_wait3A_30 = tpu.memref_slice %arg5[%add3A_24, %dma_wait3A_29] : memref<20224x8xf32, #tpu.memory_space<hbm>> -> memref<158x8xf32, #tpu.memory_space<hbm>>
        tpu.wait_dma2 semaphore(%run_scoped3A : memref<!tpu.dma_semaphore, #tpu.memory_space<semaphore_mem>>) src(%arg8 : memref<158x8xf32, #tpu.memory_space<vmem>>) dst(%dma_wait3A_30 : memref<158x8xf32, #tpu.memory_space<hbm>>)
        tpu.yield
      }) : () -> ()
    }
    %scan3A_15 = arith.constant 4 : i32
    return
  }
}

#map = affine_map<(d0, d1) -> (0, 0)>
#map1 = affine_map<(d0, d1) -> (0, 0, 0)>
module attributes {stable_mosaic.version = 14 : i64} {
  func.func @_sc_aggregate(%arg0: i32, %arg1: i32, %arg2: memref<10000x64xf32, #tpu.memory_space<hbm>>, %arg3: memref<32x81x128xi32, #tpu.memory_space<hbm>>, %arg4: memref<32x81x128xi32, #tpu.memory_space<hbm>>, %arg5: memref<158x64xf32, #tpu.memory_space<hbm>>, %arg6: memref<20224x64xf32, #tpu.memory_space<hbm>>, %arg7: memref<81x128xi32, #tpu.memory_space<vmem>>, %arg8: memref<81x128xi32, #tpu.memory_space<vmem>>, %arg9: memref<128x64xf32, #tpu.memory_space<vmem>>, %arg10: memref<128x64xf32, #tpu.memory_space<vmem>>, %arg11: memref<128x64xf32, #tpu.memory_space<vmem>>, %arg12: memref<128x64xf32, #tpu.memory_space<vmem>>, %arg13: memref<128x64xf32, #tpu.memory_space<vmem>>, %arg14: memref<128x64xf32, #tpu.memory_space<vmem>>, %arg15: memref<158x64xf32, #tpu.memory_space<vmem>>, %arg16: memref<10112x64xf32, #tpu.memory_space<vmem_shared>>, %arg17: memref<!tpu.dma_semaphore, #tpu.memory_space<semaphore_mem>>, %arg18: memref<!tpu.dma_semaphore, #tpu.memory_space<semaphore_mem>>, %arg19: memref<!tpu.dma_semaphore, #tpu.memory_space<semaphore_mem>>, %arg20: memref<!tpu.dma_semaphore, #tpu.memory_space<semaphore_mem>>, %arg21: memref<!tpu.dma_semaphore, #tpu.memory_space<semaphore_mem>>, %arg22: memref<!tpu.dma_semaphore, #tpu.memory_space<semaphore_mem>>) attributes {dimension_semantics = [#tpu.dimension_semantics<core_parallel>, #tpu.dimension_semantics<subcore_parallel>], iteration_bounds = array<i64: 2, 16>, scalar_prefetch = 0 : i64, scratch_operands = 16 : i64, tpu.core_type = #tpu.core_type<sc_vector_subcore>, window_params = [{transform_indices = #map}, {transform_indices = #map1}, {transform_indices = #map1}, {transform_indices = #map}, {transform_indices = #map}]} {
    %mul3A = arith.constant 2 : i32
    %mul3A_0 = arith.muli %arg1, %mul3A : i32
    %add3A = arith.addi %mul3A_0, %arg0 : i32
    "tpu.region"() ({
      %run_scoped3A_79 = tpu.sem_alloc : memref<!tpu.dma_semaphore, #tpu.memory_space<semaphore_mem>>
      %dma_start3A_80 = arith.constant 0 : i32
      %dma_start3A_81 = arith.constant 0 : i32
      %dma_start3A_82 = tpu.memref_slice %arg3[%add3A, %dma_start3A_80, %dma_start3A_81] : memref<32x81x128xi32, #tpu.memory_space<hbm>> -> memref<1x81x128xi32, #tpu.memory_space<hbm>>
      %dma_start3A_83 = tpu.memref_squeeze %dma_start3A_82 : memref<1x81x128xi32, #tpu.memory_space<hbm>> -> memref<81x128xi32, #tpu.memory_space<hbm>>
      %dma_start3A_84 = arith.constant 0 : i32
      %dma_start3A_85 = arith.constant 0 : i32
      %dma_start3A_86 = tpu.memref_slice %arg3[%add3A, %dma_start3A_84, %dma_start3A_85] : memref<32x81x128xi32, #tpu.memory_space<hbm>> -> memref<1x81x128xi32, #tpu.memory_space<hbm>>
      %dma_start3A_87 = tpu.memref_squeeze %dma_start3A_86 : memref<1x81x128xi32, #tpu.memory_space<hbm>> -> memref<81x128xi32, #tpu.memory_space<hbm>>
      tpu.enqueue_dma source(%dma_start3A_87 : memref<81x128xi32, #tpu.memory_space<hbm>>) target(%arg7 : memref<81x128xi32, #tpu.memory_space<vmem>>) target_semaphore(%run_scoped3A_79 : memref<!tpu.dma_semaphore, #tpu.memory_space<semaphore_mem>>)
      %dma_wait3A_88 = arith.constant 0 : i32
      %dma_wait3A_89 = arith.constant 0 : i32
      %dma_wait3A_90 = tpu.memref_slice %arg3[%add3A, %dma_wait3A_88, %dma_wait3A_89] : memref<32x81x128xi32, #tpu.memory_space<hbm>> -> memref<1x81x128xi32, #tpu.memory_space<hbm>>
      %dma_wait3A_91 = tpu.memref_squeeze %dma_wait3A_90 : memref<1x81x128xi32, #tpu.memory_space<hbm>> -> memref<81x128xi32, #tpu.memory_space<hbm>>
      %dma_wait3A_92 = arith.constant 0 : i32
      %dma_wait3A_93 = arith.constant 0 : i32
      %dma_wait3A_94 = tpu.memref_slice %arg3[%add3A, %dma_wait3A_92, %dma_wait3A_93] : memref<32x81x128xi32, #tpu.memory_space<hbm>> -> memref<1x81x128xi32, #tpu.memory_space<hbm>>
      %dma_wait3A_95 = tpu.memref_squeeze %dma_wait3A_94 : memref<1x81x128xi32, #tpu.memory_space<hbm>> -> memref<81x128xi32, #tpu.memory_space<hbm>>
      tpu.wait_dma2 semaphore(%run_scoped3A_79 : memref<!tpu.dma_semaphore, #tpu.memory_space<semaphore_mem>>) src(%dma_wait3A_95 : memref<81x128xi32, #tpu.memory_space<hbm>>) dst(%arg7 : memref<81x128xi32, #tpu.memory_space<vmem>>)
      tpu.yield
    }) : () -> ()
    "tpu.region"() ({
      %run_scoped3A_79 = tpu.sem_alloc : memref<!tpu.dma_semaphore, #tpu.memory_space<semaphore_mem>>
      %dma_start3A_80 = arith.constant 0 : i32
      %dma_start3A_81 = arith.constant 0 : i32
      %dma_start3A_82 = tpu.memref_slice %arg4[%add3A, %dma_start3A_80, %dma_start3A_81] : memref<32x81x128xi32, #tpu.memory_space<hbm>> -> memref<1x81x128xi32, #tpu.memory_space<hbm>>
      %dma_start3A_83 = tpu.memref_squeeze %dma_start3A_82 : memref<1x81x128xi32, #tpu.memory_space<hbm>> -> memref<81x128xi32, #tpu.memory_space<hbm>>
      %dma_start3A_84 = arith.constant 0 : i32
      %dma_start3A_85 = arith.constant 0 : i32
      %dma_start3A_86 = tpu.memref_slice %arg4[%add3A, %dma_start3A_84, %dma_start3A_85] : memref<32x81x128xi32, #tpu.memory_space<hbm>> -> memref<1x81x128xi32, #tpu.memory_space<hbm>>
      %dma_start3A_87 = tpu.memref_squeeze %dma_start3A_86 : memref<1x81x128xi32, #tpu.memory_space<hbm>> -> memref<81x128xi32, #tpu.memory_space<hbm>>
      tpu.enqueue_dma source(%dma_start3A_87 : memref<81x128xi32, #tpu.memory_space<hbm>>) target(%arg8 : memref<81x128xi32, #tpu.memory_space<vmem>>) target_semaphore(%run_scoped3A_79 : memref<!tpu.dma_semaphore, #tpu.memory_space<semaphore_mem>>)
      %dma_wait3A_88 = arith.constant 0 : i32
      %dma_wait3A_89 = arith.constant 0 : i32
      %dma_wait3A_90 = tpu.memref_slice %arg4[%add3A, %dma_wait3A_88, %dma_wait3A_89] : memref<32x81x128xi32, #tpu.memory_space<hbm>> -> memref<1x81x128xi32, #tpu.memory_space<hbm>>
      %dma_wait3A_91 = tpu.memref_squeeze %dma_wait3A_90 : memref<1x81x128xi32, #tpu.memory_space<hbm>> -> memref<81x128xi32, #tpu.memory_space<hbm>>
      %dma_wait3A_92 = arith.constant 0 : i32
      %dma_wait3A_93 = arith.constant 0 : i32
      %dma_wait3A_94 = tpu.memref_slice %arg4[%add3A, %dma_wait3A_92, %dma_wait3A_93] : memref<32x81x128xi32, #tpu.memory_space<hbm>> -> memref<1x81x128xi32, #tpu.memory_space<hbm>>
      %dma_wait3A_95 = tpu.memref_squeeze %dma_wait3A_94 : memref<1x81x128xi32, #tpu.memory_space<hbm>> -> memref<81x128xi32, #tpu.memory_space<hbm>>
      tpu.wait_dma2 semaphore(%run_scoped3A_79 : memref<!tpu.dma_semaphore, #tpu.memory_space<semaphore_mem>>) src(%dma_wait3A_95 : memref<81x128xi32, #tpu.memory_space<hbm>>) dst(%arg8 : memref<81x128xi32, #tpu.memory_space<vmem>>)
      tpu.yield
    }) : () -> ()
    "tpu.region"() ({
      %run_scoped3A_79 = tpu.sem_alloc : memref<!tpu.dma_semaphore, #tpu.memory_space<semaphore_mem>>
      tpu.enqueue_dma source(%arg5 : memref<158x64xf32, #tpu.memory_space<hbm>>) target(%arg15 : memref<158x64xf32, #tpu.memory_space<vmem>>) target_semaphore(%run_scoped3A_79 : memref<!tpu.dma_semaphore, #tpu.memory_space<semaphore_mem>>)
      tpu.wait_dma2 semaphore(%run_scoped3A_79 : memref<!tpu.dma_semaphore, #tpu.memory_space<semaphore_mem>>) src(%arg5 : memref<158x64xf32, #tpu.memory_space<hbm>>) dst(%arg15 : memref<158x64xf32, #tpu.memory_space<vmem>>)
      tpu.yield
    }) : () -> ()
    %scan3A = arith.constant 0 : i32
    %scan3A_1 = arith.constant 4 : i32
    %scan3A_2 = arith.addi %scan3A, %scan3A_1 : i32
    %scan3A_3 = arith.constant 1 : i32
    scf.for %scan3A_79 = %scan3A to %scan3A_2 step %scan3A_3  : i32 {
      %mul3A_80 = arith.constant 632 : i32
      %mul3A_81 = arith.muli %arg1, %mul3A_80 : i32
      %mul3A_82 = arith.constant 158 : i32
      %mul3A_83 = arith.muli %scan3A_79, %mul3A_82 : i32
      %add3A_84 = arith.addi %mul3A_81, %mul3A_83 : i32
      "tpu.region"() ({
        %run_scoped3A_85 = tpu.sem_alloc : memref<!tpu.dma_semaphore, #tpu.memory_space<semaphore_mem>>
        %dma_start3A_86 = arith.constant 0 : i32
        %dma_start3A_87 = tpu.memref_slice %arg16[%add3A_84, %dma_start3A_86] : memref<10112x64xf32, #tpu.memory_space<vmem_shared>> -> memref<158x64xf32, #tpu.memory_space<vmem_shared>>
        %dma_start3A_88 = arith.constant 0 : i32
        %dma_start3A_89 = tpu.memref_slice %arg16[%add3A_84, %dma_start3A_88] : memref<10112x64xf32, #tpu.memory_space<vmem_shared>> -> memref<158x64xf32, #tpu.memory_space<vmem_shared>>
        tpu.enqueue_dma source(%arg15 : memref<158x64xf32, #tpu.memory_space<vmem>>) target(%dma_start3A_89 : memref<158x64xf32, #tpu.memory_space<vmem_shared>>) target_semaphore(%run_scoped3A_85 : memref<!tpu.dma_semaphore, #tpu.memory_space<semaphore_mem>>)
        %dma_wait3A_90 = arith.constant 0 : i32
        %dma_wait3A_91 = tpu.memref_slice %arg16[%add3A_84, %dma_wait3A_90] : memref<10112x64xf32, #tpu.memory_space<vmem_shared>> -> memref<158x64xf32, #tpu.memory_space<vmem_shared>>
        %dma_wait3A_92 = arith.constant 0 : i32
        %dma_wait3A_93 = tpu.memref_slice %arg16[%add3A_84, %dma_wait3A_92] : memref<10112x64xf32, #tpu.memory_space<vmem_shared>> -> memref<158x64xf32, #tpu.memory_space<vmem_shared>>
        tpu.wait_dma2 semaphore(%run_scoped3A_85 : memref<!tpu.dma_semaphore, #tpu.memory_space<semaphore_mem>>) src(%arg15 : memref<158x64xf32, #tpu.memory_space<vmem>>) dst(%dma_wait3A_93 : memref<158x64xf32, #tpu.memory_space<vmem_shared>>)
        tpu.yield
      }) : () -> ()
    }
    %scan3A_4 = arith.constant 4 : i32
    %barrier3A = arith.constant 0 : index
    tpu.barrier barrier_id(%barrier3A)
    %dma_start3A = arith.constant 0 : i32
    %dma_start3A_5 = arith.constant 0 : i32
    %dma_start3A_6 = tpu.memref_slice %arg7[%dma_start3A, %dma_start3A_5] : memref<81x128xi32, #tpu.memory_space<vmem>> -> memref<1x128xi32, #tpu.memory_space<vmem>>
    %dma_start3A_7 = tpu.memref_squeeze %dma_start3A_6 : memref<1x128xi32, #tpu.memory_space<vmem>> -> memref<128xi32, #tpu.memory_space<vmem>>
    %dma_start3A_8 = arith.constant 0 : i32
    %dma_start3A_9 = arith.constant 0 : i32
    %dma_start3A_10 = tpu.memref_slice %arg2[%dma_start3A_8, %dma_start3A_9] : memref<10000x64xf32, #tpu.memory_space<hbm>> -> memref<10000x64xf32, #tpu.memory_space<hbm>>
    tpu.enqueue_indirect_dma source(%dma_start3A_10 : memref<10000x64xf32, #tpu.memory_space<hbm>>) target(%arg9 : memref<128x64xf32, #tpu.memory_space<vmem>>) offsets(%dma_start3A_7 : memref<128xi32, #tpu.memory_space<vmem>>) semaphore(%arg17 : memref<!tpu.dma_semaphore, #tpu.memory_space<semaphore_mem>>)
    %dma_start3A_11 = arith.constant 1 : i32
    %dma_start3A_12 = arith.constant 0 : i32
    %dma_start3A_13 = tpu.memref_slice %arg7[%dma_start3A_11, %dma_start3A_12] : memref<81x128xi32, #tpu.memory_space<vmem>> -> memref<1x128xi32, #tpu.memory_space<vmem>>
    %dma_start3A_14 = tpu.memref_squeeze %dma_start3A_13 : memref<1x128xi32, #tpu.memory_space<vmem>> -> memref<128xi32, #tpu.memory_space<vmem>>
    %dma_start3A_15 = arith.constant 0 : i32
    %dma_start3A_16 = arith.constant 0 : i32
    %dma_start3A_17 = tpu.memref_slice %arg2[%dma_start3A_15, %dma_start3A_16] : memref<10000x64xf32, #tpu.memory_space<hbm>> -> memref<10000x64xf32, #tpu.memory_space<hbm>>
    tpu.enqueue_indirect_dma source(%dma_start3A_17 : memref<10000x64xf32, #tpu.memory_space<hbm>>) target(%arg10 : memref<128x64xf32, #tpu.memory_space<vmem>>) offsets(%dma_start3A_14 : memref<128xi32, #tpu.memory_space<vmem>>) semaphore(%arg18 : memref<!tpu.dma_semaphore, #tpu.memory_space<semaphore_mem>>)
    %dma_start3A_18 = arith.constant 2 : i32
    %dma_start3A_19 = arith.constant 0 : i32
    %dma_start3A_20 = tpu.memref_slice %arg7[%dma_start3A_18, %dma_start3A_19] : memref<81x128xi32, #tpu.memory_space<vmem>> -> memref<1x128xi32, #tpu.memory_space<vmem>>
    %dma_start3A_21 = tpu.memref_squeeze %dma_start3A_20 : memref<1x128xi32, #tpu.memory_space<vmem>> -> memref<128xi32, #tpu.memory_space<vmem>>
    %dma_start3A_22 = arith.constant 0 : i32
    %dma_start3A_23 = arith.constant 0 : i32
    %dma_start3A_24 = tpu.memref_slice %arg2[%dma_start3A_22, %dma_start3A_23] : memref<10000x64xf32, #tpu.memory_space<hbm>> -> memref<10000x64xf32, #tpu.memory_space<hbm>>
    tpu.enqueue_indirect_dma source(%dma_start3A_24 : memref<10000x64xf32, #tpu.memory_space<hbm>>) target(%arg11 : memref<128x64xf32, #tpu.memory_space<vmem>>) offsets(%dma_start3A_21 : memref<128xi32, #tpu.memory_space<vmem>>) semaphore(%arg19 : memref<!tpu.dma_semaphore, #tpu.memory_space<semaphore_mem>>)
    %dma_start3A_25 = arith.constant 3 : i32
    %dma_start3A_26 = arith.constant 0 : i32
    %dma_start3A_27 = tpu.memref_slice %arg7[%dma_start3A_25, %dma_start3A_26] : memref<81x128xi32, #tpu.memory_space<vmem>> -> memref<1x128xi32, #tpu.memory_space<vmem>>
    %dma_start3A_28 = tpu.memref_squeeze %dma_start3A_27 : memref<1x128xi32, #tpu.memory_space<vmem>> -> memref<128xi32, #tpu.memory_space<vmem>>
    %dma_start3A_29 = arith.constant 0 : i32
    %dma_start3A_30 = arith.constant 0 : i32
    %dma_start3A_31 = tpu.memref_slice %arg2[%dma_start3A_29, %dma_start3A_30] : memref<10000x64xf32, #tpu.memory_space<hbm>> -> memref<10000x64xf32, #tpu.memory_space<hbm>>
    tpu.enqueue_indirect_dma source(%dma_start3A_31 : memref<10000x64xf32, #tpu.memory_space<hbm>>) target(%arg12 : memref<128x64xf32, #tpu.memory_space<vmem>>) offsets(%dma_start3A_28 : memref<128xi32, #tpu.memory_space<vmem>>) semaphore(%arg20 : memref<!tpu.dma_semaphore, #tpu.memory_space<semaphore_mem>>)
    %dma_start3A_32 = arith.constant 4 : i32
    %dma_start3A_33 = arith.constant 0 : i32
    %dma_start3A_34 = tpu.memref_slice %arg7[%dma_start3A_32, %dma_start3A_33] : memref<81x128xi32, #tpu.memory_space<vmem>> -> memref<1x128xi32, #tpu.memory_space<vmem>>
    %dma_start3A_35 = tpu.memref_squeeze %dma_start3A_34 : memref<1x128xi32, #tpu.memory_space<vmem>> -> memref<128xi32, #tpu.memory_space<vmem>>
    %dma_start3A_36 = arith.constant 0 : i32
    %dma_start3A_37 = arith.constant 0 : i32
    %dma_start3A_38 = tpu.memref_slice %arg2[%dma_start3A_36, %dma_start3A_37] : memref<10000x64xf32, #tpu.memory_space<hbm>> -> memref<10000x64xf32, #tpu.memory_space<hbm>>
    tpu.enqueue_indirect_dma source(%dma_start3A_38 : memref<10000x64xf32, #tpu.memory_space<hbm>>) target(%arg13 : memref<128x64xf32, #tpu.memory_space<vmem>>) offsets(%dma_start3A_35 : memref<128xi32, #tpu.memory_space<vmem>>) semaphore(%arg21 : memref<!tpu.dma_semaphore, #tpu.memory_space<semaphore_mem>>)
    %dma_start3A_39 = arith.constant 5 : i32
    %dma_start3A_40 = arith.constant 0 : i32
    %dma_start3A_41 = tpu.memref_slice %arg7[%dma_start3A_39, %dma_start3A_40] : memref<81x128xi32, #tpu.memory_space<vmem>> -> memref<1x128xi32, #tpu.memory_space<vmem>>
    %dma_start3A_42 = tpu.memref_squeeze %dma_start3A_41 : memref<1x128xi32, #tpu.memory_space<vmem>> -> memref<128xi32, #tpu.memory_space<vmem>>
    %dma_start3A_43 = arith.constant 0 : i32
    %dma_start3A_44 = arith.constant 0 : i32
    %dma_start3A_45 = tpu.memref_slice %arg2[%dma_start3A_43, %dma_start3A_44] : memref<10000x64xf32, #tpu.memory_space<hbm>> -> memref<10000x64xf32, #tpu.memory_space<hbm>>
    tpu.enqueue_indirect_dma source(%dma_start3A_45 : memref<10000x64xf32, #tpu.memory_space<hbm>>) target(%arg14 : memref<128x64xf32, #tpu.memory_space<vmem>>) offsets(%dma_start3A_42 : memref<128xi32, #tpu.memory_space<vmem>>) semaphore(%arg22 : memref<!tpu.dma_semaphore, #tpu.memory_space<semaphore_mem>>)
    %scan3A_46 = arith.constant 0 : i32
    %scan3A_47 = arith.constant 13 : i32
    %scan3A_48 = arith.addi %scan3A_46, %scan3A_47 : i32
    %scan3A_49 = arith.constant 1 : i32
    scf.for %scan3A_79 = %scan3A_46 to %scan3A_48 step %scan3A_49  : i32 {
      %mul3A_80 = arith.constant 6 : i32
      %mul3A_81 = arith.muli %mul3A_80, %scan3A_79 : i32
      %add3A_82 = arith.constant 0 : i32
      %add3A_83 = arith.addi %mul3A_81, %add3A_82 : i32
      %dma_wait3A_84 = arith.constant 0 : i32
      %dma_wait3A_85 = tpu.memref_slice %arg7[%add3A_83, %dma_wait3A_84] : memref<81x128xi32, #tpu.memory_space<vmem>> -> memref<1x128xi32, #tpu.memory_space<vmem>>
      %dma_wait3A_86 = tpu.memref_squeeze %dma_wait3A_85 : memref<1x128xi32, #tpu.memory_space<vmem>> -> memref<128xi32, #tpu.memory_space<vmem>>
      %dma_wait3A_87 = arith.constant 0 : i32
      %dma_wait3A_88 = arith.constant 0 : i32
      %dma_wait3A_89 = tpu.memref_slice %arg2[%dma_wait3A_87, %dma_wait3A_88] : memref<10000x64xf32, #tpu.memory_space<hbm>> -> memref<10000x64xf32, #tpu.memory_space<hbm>>
      tpu.wait_indirect_dma semaphore(%arg17 : memref<!tpu.dma_semaphore, #tpu.memory_space<semaphore_mem>>) src(%dma_wait3A_89 : memref<10000x64xf32, #tpu.memory_space<hbm>>) dst(%arg9 : memref<128x64xf32, #tpu.memory_space<vmem>>)
      %add3A_90 = arith.constant 0 : i32
      %add3A_91 = arith.addi %mul3A_81, %add3A_90 : i32
      "tpu.region"() ({
        %run_scoped3A_193 = tpu.sem_alloc : memref<!tpu.dma_semaphore, #tpu.memory_space<semaphore_mem>>
        %dma_start3A_194 = arith.constant 0 : i32
        %dma_start3A_195 = tpu.memref_slice %arg8[%add3A_91, %dma_start3A_194] : memref<81x128xi32, #tpu.memory_space<vmem>> -> memref<1x128xi32, #tpu.memory_space<vmem>>
        %dma_start3A_196 = tpu.memref_squeeze %dma_start3A_195 : memref<1x128xi32, #tpu.memory_space<vmem>> -> memref<128xi32, #tpu.memory_space<vmem>>
        %dma_start3A_197 = arith.constant 0 : i32
        %dma_start3A_198 = arith.constant 0 : i32
        %dma_start3A_199 = tpu.memref_slice %arg16[%dma_start3A_197, %dma_start3A_198] : memref<10112x64xf32, #tpu.memory_space<vmem_shared>> -> memref<10112x64xf32, #tpu.memory_space<vmem_shared>>
        tpu.enqueue_indirect_dma source(%arg9 : memref<128x64xf32, #tpu.memory_space<vmem>>) target(%dma_start3A_199 : memref<10112x64xf32, #tpu.memory_space<vmem_shared>>) offsets(%dma_start3A_196 : memref<128xi32, #tpu.memory_space<vmem>>) semaphore(%run_scoped3A_193 : memref<!tpu.dma_semaphore, #tpu.memory_space<semaphore_mem>>) {add = true}
        %dma_wait3A_200 = arith.constant 0 : i32
        %dma_wait3A_201 = tpu.memref_slice %arg8[%add3A_91, %dma_wait3A_200] : memref<81x128xi32, #tpu.memory_space<vmem>> -> memref<1x128xi32, #tpu.memory_space<vmem>>
        %dma_wait3A_202 = tpu.memref_squeeze %dma_wait3A_201 : memref<1x128xi32, #tpu.memory_space<vmem>> -> memref<128xi32, #tpu.memory_space<vmem>>
        %dma_wait3A_203 = arith.constant 0 : i32
        %dma_wait3A_204 = arith.constant 0 : i32
        %dma_wait3A_205 = tpu.memref_slice %arg16[%dma_wait3A_203, %dma_wait3A_204] : memref<10112x64xf32, #tpu.memory_space<vmem_shared>> -> memref<10112x64xf32, #tpu.memory_space<vmem_shared>>
        tpu.wait_indirect_dma semaphore(%run_scoped3A_193 : memref<!tpu.dma_semaphore, #tpu.memory_space<semaphore_mem>>) src(%arg9 : memref<128x64xf32, #tpu.memory_space<vmem>>) dst(%dma_wait3A_205 : memref<10112x64xf32, #tpu.memory_space<vmem_shared>>)
        tpu.yield
      }) : () -> ()
      %add3A_92 = arith.constant 0 : i32
      %add3A_93 = arith.addi %mul3A_81, %add3A_92 : i32
      %add3A_94 = arith.constant 6 : i32
      %add3A_95 = arith.addi %add3A_93, %add3A_94 : i32
      %lt3A = arith.constant 81 : i32
      %lt3A_96 = arith.cmpi slt, %add3A_95, %lt3A : i32
      %convert_element_type3A = arith.extui %lt3A_96 : i1 to i32
      %cond3A = arith.constant 0 : i32
      %cond3A_97 = arith.cmpi ne, %convert_element_type3A, %cond3A : i32
      scf.if %cond3A_97 {
        %add3A_193 = arith.constant 0 : i32
        %add3A_194 = arith.addi %mul3A_81, %add3A_193 : i32
        %add3A_195 = arith.constant 6 : i32
        %add3A_196 = arith.addi %add3A_194, %add3A_195 : i32
        %dma_start3A_197 = arith.constant 0 : i32
        %dma_start3A_198 = tpu.memref_slice %arg7[%add3A_196, %dma_start3A_197] : memref<81x128xi32, #tpu.memory_space<vmem>> -> memref<1x128xi32, #tpu.memory_space<vmem>>
        %dma_start3A_199 = tpu.memref_squeeze %dma_start3A_198 : memref<1x128xi32, #tpu.memory_space<vmem>> -> memref<128xi32, #tpu.memory_space<vmem>>
        %dma_start3A_200 = arith.constant 0 : i32
        %dma_start3A_201 = arith.constant 0 : i32
        %dma_start3A_202 = tpu.memref_slice %arg2[%dma_start3A_200, %dma_start3A_201] : memref<10000x64xf32, #tpu.memory_space<hbm>> -> memref<10000x64xf32, #tpu.memory_space<hbm>>
        tpu.enqueue_indirect_dma source(%dma_start3A_202 : memref<10000x64xf32, #tpu.memory_space<hbm>>) target(%arg9 : memref<128x64xf32, #tpu.memory_space<vmem>>) offsets(%dma_start3A_199 : memref<128xi32, #tpu.memory_space<vmem>>) semaphore(%arg17 : memref<!tpu.dma_semaphore, #tpu.memory_space<semaphore_mem>>)
      } else {
      }
      %add3A_98 = arith.constant 1 : i32
      %add3A_99 = arith.addi %mul3A_81, %add3A_98 : i32
      %dma_wait3A_100 = arith.constant 0 : i32
      %dma_wait3A_101 = tpu.memref_slice %arg7[%add3A_99, %dma_wait3A_100] : memref<81x128xi32, #tpu.memory_space<vmem>> -> memref<1x128xi32, #tpu.memory_space<vmem>>
      %dma_wait3A_102 = tpu.memref_squeeze %dma_wait3A_101 : memref<1x128xi32, #tpu.memory_space<vmem>> -> memref<128xi32, #tpu.memory_space<vmem>>
      %dma_wait3A_103 = arith.constant 0 : i32
      %dma_wait3A_104 = arith.constant 0 : i32
      %dma_wait3A_105 = tpu.memref_slice %arg2[%dma_wait3A_103, %dma_wait3A_104] : memref<10000x64xf32, #tpu.memory_space<hbm>> -> memref<10000x64xf32, #tpu.memory_space<hbm>>
      tpu.wait_indirect_dma semaphore(%arg18 : memref<!tpu.dma_semaphore, #tpu.memory_space<semaphore_mem>>) src(%dma_wait3A_105 : memref<10000x64xf32, #tpu.memory_space<hbm>>) dst(%arg10 : memref<128x64xf32, #tpu.memory_space<vmem>>)
      %add3A_106 = arith.constant 1 : i32
      %add3A_107 = arith.addi %mul3A_81, %add3A_106 : i32
      "tpu.region"() ({
        %run_scoped3A_193 = tpu.sem_alloc : memref<!tpu.dma_semaphore, #tpu.memory_space<semaphore_mem>>
        %dma_start3A_194 = arith.constant 0 : i32
        %dma_start3A_195 = tpu.memref_slice %arg8[%add3A_107, %dma_start3A_194] : memref<81x128xi32, #tpu.memory_space<vmem>> -> memref<1x128xi32, #tpu.memory_space<vmem>>
        %dma_start3A_196 = tpu.memref_squeeze %dma_start3A_195 : memref<1x128xi32, #tpu.memory_space<vmem>> -> memref<128xi32, #tpu.memory_space<vmem>>
        %dma_start3A_197 = arith.constant 0 : i32
        %dma_start3A_198 = arith.constant 0 : i32
        %dma_start3A_199 = tpu.memref_slice %arg16[%dma_start3A_197, %dma_start3A_198] : memref<10112x64xf32, #tpu.memory_space<vmem_shared>> -> memref<10112x64xf32, #tpu.memory_space<vmem_shared>>
        tpu.enqueue_indirect_dma source(%arg10 : memref<128x64xf32, #tpu.memory_space<vmem>>) target(%dma_start3A_199 : memref<10112x64xf32, #tpu.memory_space<vmem_shared>>) offsets(%dma_start3A_196 : memref<128xi32, #tpu.memory_space<vmem>>) semaphore(%run_scoped3A_193 : memref<!tpu.dma_semaphore, #tpu.memory_space<semaphore_mem>>) {add = true}
        %dma_wait3A_200 = arith.constant 0 : i32
        %dma_wait3A_201 = tpu.memref_slice %arg8[%add3A_107, %dma_wait3A_200] : memref<81x128xi32, #tpu.memory_space<vmem>> -> memref<1x128xi32, #tpu.memory_space<vmem>>
        %dma_wait3A_202 = tpu.memref_squeeze %dma_wait3A_201 : memref<1x128xi32, #tpu.memory_space<vmem>> -> memref<128xi32, #tpu.memory_space<vmem>>
        %dma_wait3A_203 = arith.constant 0 : i32
        %dma_wait3A_204 = arith.constant 0 : i32
        %dma_wait3A_205 = tpu.memref_slice %arg16[%dma_wait3A_203, %dma_wait3A_204] : memref<10112x64xf32, #tpu.memory_space<vmem_shared>> -> memref<10112x64xf32, #tpu.memory_space<vmem_shared>>
        tpu.wait_indirect_dma semaphore(%run_scoped3A_193 : memref<!tpu.dma_semaphore, #tpu.memory_space<semaphore_mem>>) src(%arg10 : memref<128x64xf32, #tpu.memory_space<vmem>>) dst(%dma_wait3A_205 : memref<10112x64xf32, #tpu.memory_space<vmem_shared>>)
        tpu.yield
      }) : () -> ()
      %add3A_108 = arith.constant 1 : i32
      %add3A_109 = arith.addi %mul3A_81, %add3A_108 : i32
      %add3A_110 = arith.constant 6 : i32
      %add3A_111 = arith.addi %add3A_109, %add3A_110 : i32
      %lt3A_112 = arith.constant 81 : i32
      %lt3A_113 = arith.cmpi slt, %add3A_111, %lt3A_112 : i32
      %convert_element_type3A_114 = arith.extui %lt3A_113 : i1 to i32
      %cond3A_115 = arith.constant 0 : i32
      %cond3A_116 = arith.cmpi ne, %convert_element_type3A_114, %cond3A_115 : i32
      scf.if %cond3A_116 {
        %add3A_193 = arith.constant 1 : i32
        %add3A_194 = arith.addi %mul3A_81, %add3A_193 : i32
        %add3A_195 = arith.constant 6 : i32
        %add3A_196 = arith.addi %add3A_194, %add3A_195 : i32
        %dma_start3A_197 = arith.constant 0 : i32
        %dma_start3A_198 = tpu.memref_slice %arg7[%add3A_196, %dma_start3A_197] : memref<81x128xi32, #tpu.memory_space<vmem>> -> memref<1x128xi32, #tpu.memory_space<vmem>>
        %dma_start3A_199 = tpu.memref_squeeze %dma_start3A_198 : memref<1x128xi32, #tpu.memory_space<vmem>> -> memref<128xi32, #tpu.memory_space<vmem>>
        %dma_start3A_200 = arith.constant 0 : i32
        %dma_start3A_201 = arith.constant 0 : i32
        %dma_start3A_202 = tpu.memref_slice %arg2[%dma_start3A_200, %dma_start3A_201] : memref<10000x64xf32, #tpu.memory_space<hbm>> -> memref<10000x64xf32, #tpu.memory_space<hbm>>
        tpu.enqueue_indirect_dma source(%dma_start3A_202 : memref<10000x64xf32, #tpu.memory_space<hbm>>) target(%arg10 : memref<128x64xf32, #tpu.memory_space<vmem>>) offsets(%dma_start3A_199 : memref<128xi32, #tpu.memory_space<vmem>>) semaphore(%arg18 : memref<!tpu.dma_semaphore, #tpu.memory_space<semaphore_mem>>)
      } else {
      }
      %add3A_117 = arith.constant 2 : i32
      %add3A_118 = arith.addi %mul3A_81, %add3A_117 : i32
      %dma_wait3A_119 = arith.constant 0 : i32
      %dma_wait3A_120 = tpu.memref_slice %arg7[%add3A_118, %dma_wait3A_119] : memref<81x128xi32, #tpu.memory_space<vmem>> -> memref<1x128xi32, #tpu.memory_space<vmem>>
      %dma_wait3A_121 = tpu.memref_squeeze %dma_wait3A_120 : memref<1x128xi32, #tpu.memory_space<vmem>> -> memref<128xi32, #tpu.memory_space<vmem>>
      %dma_wait3A_122 = arith.constant 0 : i32
      %dma_wait3A_123 = arith.constant 0 : i32
      %dma_wait3A_124 = tpu.memref_slice %arg2[%dma_wait3A_122, %dma_wait3A_123] : memref<10000x64xf32, #tpu.memory_space<hbm>> -> memref<10000x64xf32, #tpu.memory_space<hbm>>
      tpu.wait_indirect_dma semaphore(%arg19 : memref<!tpu.dma_semaphore, #tpu.memory_space<semaphore_mem>>) src(%dma_wait3A_124 : memref<10000x64xf32, #tpu.memory_space<hbm>>) dst(%arg11 : memref<128x64xf32, #tpu.memory_space<vmem>>)
      %add3A_125 = arith.constant 2 : i32
      %add3A_126 = arith.addi %mul3A_81, %add3A_125 : i32
      "tpu.region"() ({
        %run_scoped3A_193 = tpu.sem_alloc : memref<!tpu.dma_semaphore, #tpu.memory_space<semaphore_mem>>
        %dma_start3A_194 = arith.constant 0 : i32
        %dma_start3A_195 = tpu.memref_slice %arg8[%add3A_126, %dma_start3A_194] : memref<81x128xi32, #tpu.memory_space<vmem>> -> memref<1x128xi32, #tpu.memory_space<vmem>>
        %dma_start3A_196 = tpu.memref_squeeze %dma_start3A_195 : memref<1x128xi32, #tpu.memory_space<vmem>> -> memref<128xi32, #tpu.memory_space<vmem>>
        %dma_start3A_197 = arith.constant 0 : i32
        %dma_start3A_198 = arith.constant 0 : i32
        %dma_start3A_199 = tpu.memref_slice %arg16[%dma_start3A_197, %dma_start3A_198] : memref<10112x64xf32, #tpu.memory_space<vmem_shared>> -> memref<10112x64xf32, #tpu.memory_space<vmem_shared>>
        tpu.enqueue_indirect_dma source(%arg11 : memref<128x64xf32, #tpu.memory_space<vmem>>) target(%dma_start3A_199 : memref<10112x64xf32, #tpu.memory_space<vmem_shared>>) offsets(%dma_start3A_196 : memref<128xi32, #tpu.memory_space<vmem>>) semaphore(%run_scoped3A_193 : memref<!tpu.dma_semaphore, #tpu.memory_space<semaphore_mem>>) {add = true}
        %dma_wait3A_200 = arith.constant 0 : i32
        %dma_wait3A_201 = tpu.memref_slice %arg8[%add3A_126, %dma_wait3A_200] : memref<81x128xi32, #tpu.memory_space<vmem>> -> memref<1x128xi32, #tpu.memory_space<vmem>>
        %dma_wait3A_202 = tpu.memref_squeeze %dma_wait3A_201 : memref<1x128xi32, #tpu.memory_space<vmem>> -> memref<128xi32, #tpu.memory_space<vmem>>
        %dma_wait3A_203 = arith.constant 0 : i32
        %dma_wait3A_204 = arith.constant 0 : i32
        %dma_wait3A_205 = tpu.memref_slice %arg16[%dma_wait3A_203, %dma_wait3A_204] : memref<10112x64xf32, #tpu.memory_space<vmem_shared>> -> memref<10112x64xf32, #tpu.memory_space<vmem_shared>>
        tpu.wait_indirect_dma semaphore(%run_scoped3A_193 : memref<!tpu.dma_semaphore, #tpu.memory_space<semaphore_mem>>) src(%arg11 : memref<128x64xf32, #tpu.memory_space<vmem>>) dst(%dma_wait3A_205 : memref<10112x64xf32, #tpu.memory_space<vmem_shared>>)
        tpu.yield
      }) : () -> ()
      %add3A_127 = arith.constant 2 : i32
      %add3A_128 = arith.addi %mul3A_81, %add3A_127 : i32
      %add3A_129 = arith.constant 6 : i32
      %add3A_130 = arith.addi %add3A_128, %add3A_129 : i32
      %lt3A_131 = arith.constant 81 : i32
      %lt3A_132 = arith.cmpi slt, %add3A_130, %lt3A_131 : i32
      %convert_element_type3A_133 = arith.extui %lt3A_132 : i1 to i32
      %cond3A_134 = arith.constant 0 : i32
      %cond3A_135 = arith.cmpi ne, %convert_element_type3A_133, %cond3A_134 : i32
      scf.if %cond3A_135 {
        %add3A_193 = arith.constant 2 : i32
        %add3A_194 = arith.addi %mul3A_81, %add3A_193 : i32
        %add3A_195 = arith.constant 6 : i32
        %add3A_196 = arith.addi %add3A_194, %add3A_195 : i32
        %dma_start3A_197 = arith.constant 0 : i32
        %dma_start3A_198 = tpu.memref_slice %arg7[%add3A_196, %dma_start3A_197] : memref<81x128xi32, #tpu.memory_space<vmem>> -> memref<1x128xi32, #tpu.memory_space<vmem>>
        %dma_start3A_199 = tpu.memref_squeeze %dma_start3A_198 : memref<1x128xi32, #tpu.memory_space<vmem>> -> memref<128xi32, #tpu.memory_space<vmem>>
        %dma_start3A_200 = arith.constant 0 : i32
        %dma_start3A_201 = arith.constant 0 : i32
        %dma_start3A_202 = tpu.memref_slice %arg2[%dma_start3A_200, %dma_start3A_201] : memref<10000x64xf32, #tpu.memory_space<hbm>> -> memref<10000x64xf32, #tpu.memory_space<hbm>>
        tpu.enqueue_indirect_dma source(%dma_start3A_202 : memref<10000x64xf32, #tpu.memory_space<hbm>>) target(%arg11 : memref<128x64xf32, #tpu.memory_space<vmem>>) offsets(%dma_start3A_199 : memref<128xi32, #tpu.memory_space<vmem>>) semaphore(%arg19 : memref<!tpu.dma_semaphore, #tpu.memory_space<semaphore_mem>>)
      } else {
      }
      %add3A_136 = arith.constant 3 : i32
      %add3A_137 = arith.addi %mul3A_81, %add3A_136 : i32
      %dma_wait3A_138 = arith.constant 0 : i32
      %dma_wait3A_139 = tpu.memref_slice %arg7[%add3A_137, %dma_wait3A_138] : memref<81x128xi32, #tpu.memory_space<vmem>> -> memref<1x128xi32, #tpu.memory_space<vmem>>
      %dma_wait3A_140 = tpu.memref_squeeze %dma_wait3A_139 : memref<1x128xi32, #tpu.memory_space<vmem>> -> memref<128xi32, #tpu.memory_space<vmem>>
      %dma_wait3A_141 = arith.constant 0 : i32
      %dma_wait3A_142 = arith.constant 0 : i32
      %dma_wait3A_143 = tpu.memref_slice %arg2[%dma_wait3A_141, %dma_wait3A_142] : memref<10000x64xf32, #tpu.memory_space<hbm>> -> memref<10000x64xf32, #tpu.memory_space<hbm>>
      tpu.wait_indirect_dma semaphore(%arg20 : memref<!tpu.dma_semaphore, #tpu.memory_space<semaphore_mem>>) src(%dma_wait3A_143 : memref<10000x64xf32, #tpu.memory_space<hbm>>) dst(%arg12 : memref<128x64xf32, #tpu.memory_space<vmem>>)
      %add3A_144 = arith.constant 3 : i32
      %add3A_145 = arith.addi %mul3A_81, %add3A_144 : i32
      "tpu.region"() ({
        %run_scoped3A_193 = tpu.sem_alloc : memref<!tpu.dma_semaphore, #tpu.memory_space<semaphore_mem>>
        %dma_start3A_194 = arith.constant 0 : i32
        %dma_start3A_195 = tpu.memref_slice %arg8[%add3A_145, %dma_start3A_194] : memref<81x128xi32, #tpu.memory_space<vmem>> -> memref<1x128xi32, #tpu.memory_space<vmem>>
        %dma_start3A_196 = tpu.memref_squeeze %dma_start3A_195 : memref<1x128xi32, #tpu.memory_space<vmem>> -> memref<128xi32, #tpu.memory_space<vmem>>
        %dma_start3A_197 = arith.constant 0 : i32
        %dma_start3A_198 = arith.constant 0 : i32
        %dma_start3A_199 = tpu.memref_slice %arg16[%dma_start3A_197, %dma_start3A_198] : memref<10112x64xf32, #tpu.memory_space<vmem_shared>> -> memref<10112x64xf32, #tpu.memory_space<vmem_shared>>
        tpu.enqueue_indirect_dma source(%arg12 : memref<128x64xf32, #tpu.memory_space<vmem>>) target(%dma_start3A_199 : memref<10112x64xf32, #tpu.memory_space<vmem_shared>>) offsets(%dma_start3A_196 : memref<128xi32, #tpu.memory_space<vmem>>) semaphore(%run_scoped3A_193 : memref<!tpu.dma_semaphore, #tpu.memory_space<semaphore_mem>>) {add = true}
        %dma_wait3A_200 = arith.constant 0 : i32
        %dma_wait3A_201 = tpu.memref_slice %arg8[%add3A_145, %dma_wait3A_200] : memref<81x128xi32, #tpu.memory_space<vmem>> -> memref<1x128xi32, #tpu.memory_space<vmem>>
        %dma_wait3A_202 = tpu.memref_squeeze %dma_wait3A_201 : memref<1x128xi32, #tpu.memory_space<vmem>> -> memref<128xi32, #tpu.memory_space<vmem>>
        %dma_wait3A_203 = arith.constant 0 : i32
        %dma_wait3A_204 = arith.constant 0 : i32
        %dma_wait3A_205 = tpu.memref_slice %arg16[%dma_wait3A_203, %dma_wait3A_204] : memref<10112x64xf32, #tpu.memory_space<vmem_shared>> -> memref<10112x64xf32, #tpu.memory_space<vmem_shared>>
        tpu.wait_indirect_dma semaphore(%run_scoped3A_193 : memref<!tpu.dma_semaphore, #tpu.memory_space<semaphore_mem>>) src(%arg12 : memref<128x64xf32, #tpu.memory_space<vmem>>) dst(%dma_wait3A_205 : memref<10112x64xf32, #tpu.memory_space<vmem_shared>>)
        tpu.yield
      }) : () -> ()
      %add3A_146 = arith.constant 3 : i32
      %add3A_147 = arith.addi %mul3A_81, %add3A_146 : i32
      %add3A_148 = arith.constant 6 : i32
      %add3A_149 = arith.addi %add3A_147, %add3A_148 : i32
      %lt3A_150 = arith.constant 81 : i32
      %lt3A_151 = arith.cmpi slt, %add3A_149, %lt3A_150 : i32
      %convert_element_type3A_152 = arith.extui %lt3A_151 : i1 to i32
      %cond3A_153 = arith.constant 0 : i32
      %cond3A_154 = arith.cmpi ne, %convert_element_type3A_152, %cond3A_153 : i32
      scf.if %cond3A_154 {
        %add3A_193 = arith.constant 3 : i32
        %add3A_194 = arith.addi %mul3A_81, %add3A_193 : i32
        %add3A_195 = arith.constant 6 : i32
        %add3A_196 = arith.addi %add3A_194, %add3A_195 : i32
        %dma_start3A_197 = arith.constant 0 : i32
        %dma_start3A_198 = tpu.memref_slice %arg7[%add3A_196, %dma_start3A_197] : memref<81x128xi32, #tpu.memory_space<vmem>> -> memref<1x128xi32, #tpu.memory_space<vmem>>
        %dma_start3A_199 = tpu.memref_squeeze %dma_start3A_198 : memref<1x128xi32, #tpu.memory_space<vmem>> -> memref<128xi32, #tpu.memory_space<vmem>>
        %dma_start3A_200 = arith.constant 0 : i32
        %dma_start3A_201 = arith.constant 0 : i32
        %dma_start3A_202 = tpu.memref_slice %arg2[%dma_start3A_200, %dma_start3A_201] : memref<10000x64xf32, #tpu.memory_space<hbm>> -> memref<10000x64xf32, #tpu.memory_space<hbm>>
        tpu.enqueue_indirect_dma source(%dma_start3A_202 : memref<10000x64xf32, #tpu.memory_space<hbm>>) target(%arg12 : memref<128x64xf32, #tpu.memory_space<vmem>>) offsets(%dma_start3A_199 : memref<128xi32, #tpu.memory_space<vmem>>) semaphore(%arg20 : memref<!tpu.dma_semaphore, #tpu.memory_space<semaphore_mem>>)
      } else {
      }
      %add3A_155 = arith.constant 4 : i32
      %add3A_156 = arith.addi %mul3A_81, %add3A_155 : i32
      %dma_wait3A_157 = arith.constant 0 : i32
      %dma_wait3A_158 = tpu.memref_slice %arg7[%add3A_156, %dma_wait3A_157] : memref<81x128xi32, #tpu.memory_space<vmem>> -> memref<1x128xi32, #tpu.memory_space<vmem>>
      %dma_wait3A_159 = tpu.memref_squeeze %dma_wait3A_158 : memref<1x128xi32, #tpu.memory_space<vmem>> -> memref<128xi32, #tpu.memory_space<vmem>>
      %dma_wait3A_160 = arith.constant 0 : i32
      %dma_wait3A_161 = arith.constant 0 : i32
      %dma_wait3A_162 = tpu.memref_slice %arg2[%dma_wait3A_160, %dma_wait3A_161] : memref<10000x64xf32, #tpu.memory_space<hbm>> -> memref<10000x64xf32, #tpu.memory_space<hbm>>
      tpu.wait_indirect_dma semaphore(%arg21 : memref<!tpu.dma_semaphore, #tpu.memory_space<semaphore_mem>>) src(%dma_wait3A_162 : memref<10000x64xf32, #tpu.memory_space<hbm>>) dst(%arg13 : memref<128x64xf32, #tpu.memory_space<vmem>>)
      %add3A_163 = arith.constant 4 : i32
      %add3A_164 = arith.addi %mul3A_81, %add3A_163 : i32
      "tpu.region"() ({
        %run_scoped3A_193 = tpu.sem_alloc : memref<!tpu.dma_semaphore, #tpu.memory_space<semaphore_mem>>
        %dma_start3A_194 = arith.constant 0 : i32
        %dma_start3A_195 = tpu.memref_slice %arg8[%add3A_164, %dma_start3A_194] : memref<81x128xi32, #tpu.memory_space<vmem>> -> memref<1x128xi32, #tpu.memory_space<vmem>>
        %dma_start3A_196 = tpu.memref_squeeze %dma_start3A_195 : memref<1x128xi32, #tpu.memory_space<vmem>> -> memref<128xi32, #tpu.memory_space<vmem>>
        %dma_start3A_197 = arith.constant 0 : i32
        %dma_start3A_198 = arith.constant 0 : i32
        %dma_start3A_199 = tpu.memref_slice %arg16[%dma_start3A_197, %dma_start3A_198] : memref<10112x64xf32, #tpu.memory_space<vmem_shared>> -> memref<10112x64xf32, #tpu.memory_space<vmem_shared>>
        tpu.enqueue_indirect_dma source(%arg13 : memref<128x64xf32, #tpu.memory_space<vmem>>) target(%dma_start3A_199 : memref<10112x64xf32, #tpu.memory_space<vmem_shared>>) offsets(%dma_start3A_196 : memref<128xi32, #tpu.memory_space<vmem>>) semaphore(%run_scoped3A_193 : memref<!tpu.dma_semaphore, #tpu.memory_space<semaphore_mem>>) {add = true}
        %dma_wait3A_200 = arith.constant 0 : i32
        %dma_wait3A_201 = tpu.memref_slice %arg8[%add3A_164, %dma_wait3A_200] : memref<81x128xi32, #tpu.memory_space<vmem>> -> memref<1x128xi32, #tpu.memory_space<vmem>>
        %dma_wait3A_202 = tpu.memref_squeeze %dma_wait3A_201 : memref<1x128xi32, #tpu.memory_space<vmem>> -> memref<128xi32, #tpu.memory_space<vmem>>
        %dma_wait3A_203 = arith.constant 0 : i32
        %dma_wait3A_204 = arith.constant 0 : i32
        %dma_wait3A_205 = tpu.memref_slice %arg16[%dma_wait3A_203, %dma_wait3A_204] : memref<10112x64xf32, #tpu.memory_space<vmem_shared>> -> memref<10112x64xf32, #tpu.memory_space<vmem_shared>>
        tpu.wait_indirect_dma semaphore(%run_scoped3A_193 : memref<!tpu.dma_semaphore, #tpu.memory_space<semaphore_mem>>) src(%arg13 : memref<128x64xf32, #tpu.memory_space<vmem>>) dst(%dma_wait3A_205 : memref<10112x64xf32, #tpu.memory_space<vmem_shared>>)
        tpu.yield
      }) : () -> ()
      %add3A_165 = arith.constant 4 : i32
      %add3A_166 = arith.addi %mul3A_81, %add3A_165 : i32
      %add3A_167 = arith.constant 6 : i32
      %add3A_168 = arith.addi %add3A_166, %add3A_167 : i32
      %lt3A_169 = arith.constant 81 : i32
      %lt3A_170 = arith.cmpi slt, %add3A_168, %lt3A_169 : i32
      %convert_element_type3A_171 = arith.extui %lt3A_170 : i1 to i32
      %cond3A_172 = arith.constant 0 : i32
      %cond3A_173 = arith.cmpi ne, %convert_element_type3A_171, %cond3A_172 : i32
      scf.if %cond3A_173 {
        %add3A_193 = arith.constant 4 : i32
        %add3A_194 = arith.addi %mul3A_81, %add3A_193 : i32
        %add3A_195 = arith.constant 6 : i32
        %add3A_196 = arith.addi %add3A_194, %add3A_195 : i32
        %dma_start3A_197 = arith.constant 0 : i32
        %dma_start3A_198 = tpu.memref_slice %arg7[%add3A_196, %dma_start3A_197] : memref<81x128xi32, #tpu.memory_space<vmem>> -> memref<1x128xi32, #tpu.memory_space<vmem>>
        %dma_start3A_199 = tpu.memref_squeeze %dma_start3A_198 : memref<1x128xi32, #tpu.memory_space<vmem>> -> memref<128xi32, #tpu.memory_space<vmem>>
        %dma_start3A_200 = arith.constant 0 : i32
        %dma_start3A_201 = arith.constant 0 : i32
        %dma_start3A_202 = tpu.memref_slice %arg2[%dma_start3A_200, %dma_start3A_201] : memref<10000x64xf32, #tpu.memory_space<hbm>> -> memref<10000x64xf32, #tpu.memory_space<hbm>>
        tpu.enqueue_indirect_dma source(%dma_start3A_202 : memref<10000x64xf32, #tpu.memory_space<hbm>>) target(%arg13 : memref<128x64xf32, #tpu.memory_space<vmem>>) offsets(%dma_start3A_199 : memref<128xi32, #tpu.memory_space<vmem>>) semaphore(%arg21 : memref<!tpu.dma_semaphore, #tpu.memory_space<semaphore_mem>>)
      } else {
      }
      %add3A_174 = arith.constant 5 : i32
      %add3A_175 = arith.addi %mul3A_81, %add3A_174 : i32
      %dma_wait3A_176 = arith.constant 0 : i32
      %dma_wait3A_177 = tpu.memref_slice %arg7[%add3A_175, %dma_wait3A_176] : memref<81x128xi32, #tpu.memory_space<vmem>> -> memref<1x128xi32, #tpu.memory_space<vmem>>
      %dma_wait3A_178 = tpu.memref_squeeze %dma_wait3A_177 : memref<1x128xi32, #tpu.memory_space<vmem>> -> memref<128xi32, #tpu.memory_space<vmem>>
      %dma_wait3A_179 = arith.constant 0 : i32
      %dma_wait3A_180 = arith.constant 0 : i32
      %dma_wait3A_181 = tpu.memref_slice %arg2[%dma_wait3A_179, %dma_wait3A_180] : memref<10000x64xf32, #tpu.memory_space<hbm>> -> memref<10000x64xf32, #tpu.memory_space<hbm>>
      tpu.wait_indirect_dma semaphore(%arg22 : memref<!tpu.dma_semaphore, #tpu.memory_space<semaphore_mem>>) src(%dma_wait3A_181 : memref<10000x64xf32, #tpu.memory_space<hbm>>) dst(%arg14 : memref<128x64xf32, #tpu.memory_space<vmem>>)
      %add3A_182 = arith.constant 5 : i32
      %add3A_183 = arith.addi %mul3A_81, %add3A_182 : i32
      "tpu.region"() ({
        %run_scoped3A_193 = tpu.sem_alloc : memref<!tpu.dma_semaphore, #tpu.memory_space<semaphore_mem>>
        %dma_start3A_194 = arith.constant 0 : i32
        %dma_start3A_195 = tpu.memref_slice %arg8[%add3A_183, %dma_start3A_194] : memref<81x128xi32, #tpu.memory_space<vmem>> -> memref<1x128xi32, #tpu.memory_space<vmem>>
        %dma_start3A_196 = tpu.memref_squeeze %dma_start3A_195 : memref<1x128xi32, #tpu.memory_space<vmem>> -> memref<128xi32, #tpu.memory_space<vmem>>
        %dma_start3A_197 = arith.constant 0 : i32
        %dma_start3A_198 = arith.constant 0 : i32
        %dma_start3A_199 = tpu.memref_slice %arg16[%dma_start3A_197, %dma_start3A_198] : memref<10112x64xf32, #tpu.memory_space<vmem_shared>> -> memref<10112x64xf32, #tpu.memory_space<vmem_shared>>
        tpu.enqueue_indirect_dma source(%arg14 : memref<128x64xf32, #tpu.memory_space<vmem>>) target(%dma_start3A_199 : memref<10112x64xf32, #tpu.memory_space<vmem_shared>>) offsets(%dma_start3A_196 : memref<128xi32, #tpu.memory_space<vmem>>) semaphore(%run_scoped3A_193 : memref<!tpu.dma_semaphore, #tpu.memory_space<semaphore_mem>>) {add = true}
        %dma_wait3A_200 = arith.constant 0 : i32
        %dma_wait3A_201 = tpu.memref_slice %arg8[%add3A_183, %dma_wait3A_200] : memref<81x128xi32, #tpu.memory_space<vmem>> -> memref<1x128xi32, #tpu.memory_space<vmem>>
        %dma_wait3A_202 = tpu.memref_squeeze %dma_wait3A_201 : memref<1x128xi32, #tpu.memory_space<vmem>> -> memref<128xi32, #tpu.memory_space<vmem>>
        %dma_wait3A_203 = arith.constant 0 : i32
        %dma_wait3A_204 = arith.constant 0 : i32
        %dma_wait3A_205 = tpu.memref_slice %arg16[%dma_wait3A_203, %dma_wait3A_204] : memref<10112x64xf32, #tpu.memory_space<vmem_shared>> -> memref<10112x64xf32, #tpu.memory_space<vmem_shared>>
        tpu.wait_indirect_dma semaphore(%run_scoped3A_193 : memref<!tpu.dma_semaphore, #tpu.memory_space<semaphore_mem>>) src(%arg14 : memref<128x64xf32, #tpu.memory_space<vmem>>) dst(%dma_wait3A_205 : memref<10112x64xf32, #tpu.memory_space<vmem_shared>>)
        tpu.yield
      }) : () -> ()
      %add3A_184 = arith.constant 5 : i32
      %add3A_185 = arith.addi %mul3A_81, %add3A_184 : i32
      %add3A_186 = arith.constant 6 : i32
      %add3A_187 = arith.addi %add3A_185, %add3A_186 : i32
      %lt3A_188 = arith.constant 81 : i32
      %lt3A_189 = arith.cmpi slt, %add3A_187, %lt3A_188 : i32
      %convert_element_type3A_190 = arith.extui %lt3A_189 : i1 to i32
      %cond3A_191 = arith.constant 0 : i32
      %cond3A_192 = arith.cmpi ne, %convert_element_type3A_190, %cond3A_191 : i32
      scf.if %cond3A_192 {
        %add3A_193 = arith.constant 5 : i32
        %add3A_194 = arith.addi %mul3A_81, %add3A_193 : i32
        %add3A_195 = arith.constant 6 : i32
        %add3A_196 = arith.addi %add3A_194, %add3A_195 : i32
        %dma_start3A_197 = arith.constant 0 : i32
        %dma_start3A_198 = tpu.memref_slice %arg7[%add3A_196, %dma_start3A_197] : memref<81x128xi32, #tpu.memory_space<vmem>> -> memref<1x128xi32, #tpu.memory_space<vmem>>
        %dma_start3A_199 = tpu.memref_squeeze %dma_start3A_198 : memref<1x128xi32, #tpu.memory_space<vmem>> -> memref<128xi32, #tpu.memory_space<vmem>>
        %dma_start3A_200 = arith.constant 0 : i32
        %dma_start3A_201 = arith.constant 0 : i32
        %dma_start3A_202 = tpu.memref_slice %arg2[%dma_start3A_200, %dma_start3A_201] : memref<10000x64xf32, #tpu.memory_space<hbm>> -> memref<10000x64xf32, #tpu.memory_space<hbm>>
        tpu.enqueue_indirect_dma source(%dma_start3A_202 : memref<10000x64xf32, #tpu.memory_space<hbm>>) target(%arg14 : memref<128x64xf32, #tpu.memory_space<vmem>>) offsets(%dma_start3A_199 : memref<128xi32, #tpu.memory_space<vmem>>) semaphore(%arg22 : memref<!tpu.dma_semaphore, #tpu.memory_space<semaphore_mem>>)
      } else {
      }
    }
    %scan3A_50 = arith.constant 13 : i32
    %dma_wait3A = arith.constant 78 : i32
    %dma_wait3A_51 = arith.constant 0 : i32
    %dma_wait3A_52 = tpu.memref_slice %arg7[%dma_wait3A, %dma_wait3A_51] : memref<81x128xi32, #tpu.memory_space<vmem>> -> memref<1x128xi32, #tpu.memory_space<vmem>>
    %dma_wait3A_53 = tpu.memref_squeeze %dma_wait3A_52 : memref<1x128xi32, #tpu.memory_space<vmem>> -> memref<128xi32, #tpu.memory_space<vmem>>
    %dma_wait3A_54 = arith.constant 0 : i32
    %dma_wait3A_55 = arith.constant 0 : i32
    %dma_wait3A_56 = tpu.memref_slice %arg2[%dma_wait3A_54, %dma_wait3A_55] : memref<10000x64xf32, #tpu.memory_space<hbm>> -> memref<10000x64xf32, #tpu.memory_space<hbm>>
    tpu.wait_indirect_dma semaphore(%arg17 : memref<!tpu.dma_semaphore, #tpu.memory_space<semaphore_mem>>) src(%dma_wait3A_56 : memref<10000x64xf32, #tpu.memory_space<hbm>>) dst(%arg9 : memref<128x64xf32, #tpu.memory_space<vmem>>)
    %run_scoped3A = arith.constant 78 : i32
    "tpu.region"() ({
      %run_scoped3A_79 = tpu.sem_alloc : memref<!tpu.dma_semaphore, #tpu.memory_space<semaphore_mem>>
      %dma_start3A_80 = arith.constant 0 : i32
      %dma_start3A_81 = tpu.memref_slice %arg8[%run_scoped3A, %dma_start3A_80] : memref<81x128xi32, #tpu.memory_space<vmem>> -> memref<1x128xi32, #tpu.memory_space<vmem>>
      %dma_start3A_82 = tpu.memref_squeeze %dma_start3A_81 : memref<1x128xi32, #tpu.memory_space<vmem>> -> memref<128xi32, #tpu.memory_space<vmem>>
      %dma_start3A_83 = arith.constant 0 : i32
      %dma_start3A_84 = arith.constant 0 : i32
      %dma_start3A_85 = tpu.memref_slice %arg16[%dma_start3A_83, %dma_start3A_84] : memref<10112x64xf32, #tpu.memory_space<vmem_shared>> -> memref<10112x64xf32, #tpu.memory_space<vmem_shared>>
      tpu.enqueue_indirect_dma source(%arg9 : memref<128x64xf32, #tpu.memory_space<vmem>>) target(%dma_start3A_85 : memref<10112x64xf32, #tpu.memory_space<vmem_shared>>) offsets(%dma_start3A_82 : memref<128xi32, #tpu.memory_space<vmem>>) semaphore(%run_scoped3A_79 : memref<!tpu.dma_semaphore, #tpu.memory_space<semaphore_mem>>) {add = true}
      %dma_wait3A_86 = arith.constant 0 : i32
      %dma_wait3A_87 = tpu.memref_slice %arg8[%run_scoped3A, %dma_wait3A_86] : memref<81x128xi32, #tpu.memory_space<vmem>> -> memref<1x128xi32, #tpu.memory_space<vmem>>
      %dma_wait3A_88 = tpu.memref_squeeze %dma_wait3A_87 : memref<1x128xi32, #tpu.memory_space<vmem>> -> memref<128xi32, #tpu.memory_space<vmem>>
      %dma_wait3A_89 = arith.constant 0 : i32
      %dma_wait3A_90 = arith.constant 0 : i32
      %dma_wait3A_91 = tpu.memref_slice %arg16[%dma_wait3A_89, %dma_wait3A_90] : memref<10112x64xf32, #tpu.memory_space<vmem_shared>> -> memref<10112x64xf32, #tpu.memory_space<vmem_shared>>
      tpu.wait_indirect_dma semaphore(%run_scoped3A_79 : memref<!tpu.dma_semaphore, #tpu.memory_space<semaphore_mem>>) src(%arg9 : memref<128x64xf32, #tpu.memory_space<vmem>>) dst(%dma_wait3A_91 : memref<10112x64xf32, #tpu.memory_space<vmem_shared>>)
      tpu.yield
    }) : () -> ()
    %dma_wait3A_57 = arith.constant 79 : i32
    %dma_wait3A_58 = arith.constant 0 : i32
    %dma_wait3A_59 = tpu.memref_slice %arg7[%dma_wait3A_57, %dma_wait3A_58] : memref<81x128xi32, #tpu.memory_space<vmem>> -> memref<1x128xi32, #tpu.memory_space<vmem>>
    %dma_wait3A_60 = tpu.memref_squeeze %dma_wait3A_59 : memref<1x128xi32, #tpu.memory_space<vmem>> -> memref<128xi32, #tpu.memory_space<vmem>>
    %dma_wait3A_61 = arith.constant 0 : i32
    %dma_wait3A_62 = arith.constant 0 : i32
    %dma_wait3A_63 = tpu.memref_slice %arg2[%dma_wait3A_61, %dma_wait3A_62] : memref<10000x64xf32, #tpu.memory_space<hbm>> -> memref<10000x64xf32, #tpu.memory_space<hbm>>
    tpu.wait_indirect_dma semaphore(%arg18 : memref<!tpu.dma_semaphore, #tpu.memory_space<semaphore_mem>>) src(%dma_wait3A_63 : memref<10000x64xf32, #tpu.memory_space<hbm>>) dst(%arg10 : memref<128x64xf32, #tpu.memory_space<vmem>>)
    %run_scoped3A_64 = arith.constant 79 : i32
    "tpu.region"() ({
      %run_scoped3A_79 = tpu.sem_alloc : memref<!tpu.dma_semaphore, #tpu.memory_space<semaphore_mem>>
      %dma_start3A_80 = arith.constant 0 : i32
      %dma_start3A_81 = tpu.memref_slice %arg8[%run_scoped3A_64, %dma_start3A_80] : memref<81x128xi32, #tpu.memory_space<vmem>> -> memref<1x128xi32, #tpu.memory_space<vmem>>
      %dma_start3A_82 = tpu.memref_squeeze %dma_start3A_81 : memref<1x128xi32, #tpu.memory_space<vmem>> -> memref<128xi32, #tpu.memory_space<vmem>>
      %dma_start3A_83 = arith.constant 0 : i32
      %dma_start3A_84 = arith.constant 0 : i32
      %dma_start3A_85 = tpu.memref_slice %arg16[%dma_start3A_83, %dma_start3A_84] : memref<10112x64xf32, #tpu.memory_space<vmem_shared>> -> memref<10112x64xf32, #tpu.memory_space<vmem_shared>>
      tpu.enqueue_indirect_dma source(%arg10 : memref<128x64xf32, #tpu.memory_space<vmem>>) target(%dma_start3A_85 : memref<10112x64xf32, #tpu.memory_space<vmem_shared>>) offsets(%dma_start3A_82 : memref<128xi32, #tpu.memory_space<vmem>>) semaphore(%run_scoped3A_79 : memref<!tpu.dma_semaphore, #tpu.memory_space<semaphore_mem>>) {add = true}
      %dma_wait3A_86 = arith.constant 0 : i32
      %dma_wait3A_87 = tpu.memref_slice %arg8[%run_scoped3A_64, %dma_wait3A_86] : memref<81x128xi32, #tpu.memory_space<vmem>> -> memref<1x128xi32, #tpu.memory_space<vmem>>
      %dma_wait3A_88 = tpu.memref_squeeze %dma_wait3A_87 : memref<1x128xi32, #tpu.memory_space<vmem>> -> memref<128xi32, #tpu.memory_space<vmem>>
      %dma_wait3A_89 = arith.constant 0 : i32
      %dma_wait3A_90 = arith.constant 0 : i32
      %dma_wait3A_91 = tpu.memref_slice %arg16[%dma_wait3A_89, %dma_wait3A_90] : memref<10112x64xf32, #tpu.memory_space<vmem_shared>> -> memref<10112x64xf32, #tpu.memory_space<vmem_shared>>
      tpu.wait_indirect_dma semaphore(%run_scoped3A_79 : memref<!tpu.dma_semaphore, #tpu.memory_space<semaphore_mem>>) src(%arg10 : memref<128x64xf32, #tpu.memory_space<vmem>>) dst(%dma_wait3A_91 : memref<10112x64xf32, #tpu.memory_space<vmem_shared>>)
      tpu.yield
    }) : () -> ()
    %dma_wait3A_65 = arith.constant 80 : i32
    %dma_wait3A_66 = arith.constant 0 : i32
    %dma_wait3A_67 = tpu.memref_slice %arg7[%dma_wait3A_65, %dma_wait3A_66] : memref<81x128xi32, #tpu.memory_space<vmem>> -> memref<1x128xi32, #tpu.memory_space<vmem>>
    %dma_wait3A_68 = tpu.memref_squeeze %dma_wait3A_67 : memref<1x128xi32, #tpu.memory_space<vmem>> -> memref<128xi32, #tpu.memory_space<vmem>>
    %dma_wait3A_69 = arith.constant 0 : i32
    %dma_wait3A_70 = arith.constant 0 : i32
    %dma_wait3A_71 = tpu.memref_slice %arg2[%dma_wait3A_69, %dma_wait3A_70] : memref<10000x64xf32, #tpu.memory_space<hbm>> -> memref<10000x64xf32, #tpu.memory_space<hbm>>
    tpu.wait_indirect_dma semaphore(%arg19 : memref<!tpu.dma_semaphore, #tpu.memory_space<semaphore_mem>>) src(%dma_wait3A_71 : memref<10000x64xf32, #tpu.memory_space<hbm>>) dst(%arg11 : memref<128x64xf32, #tpu.memory_space<vmem>>)
    %run_scoped3A_72 = arith.constant 80 : i32
    "tpu.region"() ({
      %run_scoped3A_79 = tpu.sem_alloc : memref<!tpu.dma_semaphore, #tpu.memory_space<semaphore_mem>>
      %dma_start3A_80 = arith.constant 0 : i32
      %dma_start3A_81 = tpu.memref_slice %arg8[%run_scoped3A_72, %dma_start3A_80] : memref<81x128xi32, #tpu.memory_space<vmem>> -> memref<1x128xi32, #tpu.memory_space<vmem>>
      %dma_start3A_82 = tpu.memref_squeeze %dma_start3A_81 : memref<1x128xi32, #tpu.memory_space<vmem>> -> memref<128xi32, #tpu.memory_space<vmem>>
      %dma_start3A_83 = arith.constant 0 : i32
      %dma_start3A_84 = arith.constant 0 : i32
      %dma_start3A_85 = tpu.memref_slice %arg16[%dma_start3A_83, %dma_start3A_84] : memref<10112x64xf32, #tpu.memory_space<vmem_shared>> -> memref<10112x64xf32, #tpu.memory_space<vmem_shared>>
      tpu.enqueue_indirect_dma source(%arg11 : memref<128x64xf32, #tpu.memory_space<vmem>>) target(%dma_start3A_85 : memref<10112x64xf32, #tpu.memory_space<vmem_shared>>) offsets(%dma_start3A_82 : memref<128xi32, #tpu.memory_space<vmem>>) semaphore(%run_scoped3A_79 : memref<!tpu.dma_semaphore, #tpu.memory_space<semaphore_mem>>) {add = true}
      %dma_wait3A_86 = arith.constant 0 : i32
      %dma_wait3A_87 = tpu.memref_slice %arg8[%run_scoped3A_72, %dma_wait3A_86] : memref<81x128xi32, #tpu.memory_space<vmem>> -> memref<1x128xi32, #tpu.memory_space<vmem>>
      %dma_wait3A_88 = tpu.memref_squeeze %dma_wait3A_87 : memref<1x128xi32, #tpu.memory_space<vmem>> -> memref<128xi32, #tpu.memory_space<vmem>>
      %dma_wait3A_89 = arith.constant 0 : i32
      %dma_wait3A_90 = arith.constant 0 : i32
      %dma_wait3A_91 = tpu.memref_slice %arg16[%dma_wait3A_89, %dma_wait3A_90] : memref<10112x64xf32, #tpu.memory_space<vmem_shared>> -> memref<10112x64xf32, #tpu.memory_space<vmem_shared>>
      tpu.wait_indirect_dma semaphore(%run_scoped3A_79 : memref<!tpu.dma_semaphore, #tpu.memory_space<semaphore_mem>>) src(%arg11 : memref<128x64xf32, #tpu.memory_space<vmem>>) dst(%dma_wait3A_91 : memref<10112x64xf32, #tpu.memory_space<vmem_shared>>)
      tpu.yield
    }) : () -> ()
    %barrier3A_73 = arith.constant 0 : index
    tpu.barrier barrier_id(%barrier3A_73)
    %scan3A_74 = arith.constant 0 : i32
    %scan3A_75 = arith.constant 4 : i32
    %scan3A_76 = arith.addi %scan3A_74, %scan3A_75 : i32
    %scan3A_77 = arith.constant 1 : i32
    scf.for %scan3A_79 = %scan3A_74 to %scan3A_76 step %scan3A_77  : i32 {
      %mul3A_80 = arith.constant 632 : i32
      %mul3A_81 = arith.muli %arg1, %mul3A_80 : i32
      %mul3A_82 = arith.constant 158 : i32
      %mul3A_83 = arith.muli %scan3A_79, %mul3A_82 : i32
      %add3A_84 = arith.addi %mul3A_81, %mul3A_83 : i32
      "tpu.region"() ({
        %run_scoped3A_88 = tpu.sem_alloc : memref<!tpu.dma_semaphore, #tpu.memory_space<semaphore_mem>>
        %dma_start3A_89 = arith.constant 0 : i32
        %dma_start3A_90 = tpu.memref_slice %arg16[%add3A_84, %dma_start3A_89] : memref<10112x64xf32, #tpu.memory_space<vmem_shared>> -> memref<158x64xf32, #tpu.memory_space<vmem_shared>>
        %dma_start3A_91 = arith.constant 0 : i32
        %dma_start3A_92 = tpu.memref_slice %arg16[%add3A_84, %dma_start3A_91] : memref<10112x64xf32, #tpu.memory_space<vmem_shared>> -> memref<158x64xf32, #tpu.memory_space<vmem_shared>>
        tpu.enqueue_dma source(%dma_start3A_92 : memref<158x64xf32, #tpu.memory_space<vmem_shared>>) target(%arg15 : memref<158x64xf32, #tpu.memory_space<vmem>>) target_semaphore(%run_scoped3A_88 : memref<!tpu.dma_semaphore, #tpu.memory_space<semaphore_mem>>)
        %dma_wait3A_93 = arith.constant 0 : i32
        %dma_wait3A_94 = tpu.memref_slice %arg16[%add3A_84, %dma_wait3A_93] : memref<10112x64xf32, #tpu.memory_space<vmem_shared>> -> memref<158x64xf32, #tpu.memory_space<vmem_shared>>
        %dma_wait3A_95 = arith.constant 0 : i32
        %dma_wait3A_96 = tpu.memref_slice %arg16[%add3A_84, %dma_wait3A_95] : memref<10112x64xf32, #tpu.memory_space<vmem_shared>> -> memref<158x64xf32, #tpu.memory_space<vmem_shared>>
        tpu.wait_dma2 semaphore(%run_scoped3A_88 : memref<!tpu.dma_semaphore, #tpu.memory_space<semaphore_mem>>) src(%dma_wait3A_96 : memref<158x64xf32, #tpu.memory_space<vmem_shared>>) dst(%arg15 : memref<158x64xf32, #tpu.memory_space<vmem>>)
        tpu.yield
      }) : () -> ()
      %mul3A_85 = arith.constant 10112 : i32
      %mul3A_86 = arith.muli %arg0, %mul3A_85 : i32
      %add3A_87 = arith.addi %mul3A_86, %add3A_84 : i32
      "tpu.region"() ({
        %run_scoped3A_88 = tpu.sem_alloc : memref<!tpu.dma_semaphore, #tpu.memory_space<semaphore_mem>>
        %dma_start3A_89 = arith.constant 0 : i32
        %dma_start3A_90 = tpu.memref_slice %arg6[%add3A_87, %dma_start3A_89] : memref<20224x64xf32, #tpu.memory_space<hbm>> -> memref<158x64xf32, #tpu.memory_space<hbm>>
        %dma_start3A_91 = arith.constant 0 : i32
        %dma_start3A_92 = tpu.memref_slice %arg6[%add3A_87, %dma_start3A_91] : memref<20224x64xf32, #tpu.memory_space<hbm>> -> memref<158x64xf32, #tpu.memory_space<hbm>>
        tpu.enqueue_dma source(%arg15 : memref<158x64xf32, #tpu.memory_space<vmem>>) target(%dma_start3A_92 : memref<158x64xf32, #tpu.memory_space<hbm>>) target_semaphore(%run_scoped3A_88 : memref<!tpu.dma_semaphore, #tpu.memory_space<semaphore_mem>>)
        %dma_wait3A_93 = arith.constant 0 : i32
        %dma_wait3A_94 = tpu.memref_slice %arg6[%add3A_87, %dma_wait3A_93] : memref<20224x64xf32, #tpu.memory_space<hbm>> -> memref<158x64xf32, #tpu.memory_space<hbm>>
        %dma_wait3A_95 = arith.constant 0 : i32
        %dma_wait3A_96 = tpu.memref_slice %arg6[%add3A_87, %dma_wait3A_95] : memref<20224x64xf32, #tpu.memory_space<hbm>> -> memref<158x64xf32, #tpu.memory_space<hbm>>
        tpu.wait_dma2 semaphore(%run_scoped3A_88 : memref<!tpu.dma_semaphore, #tpu.memory_space<semaphore_mem>>) src(%arg15 : memref<158x64xf32, #tpu.memory_space<vmem>>) dst(%dma_wait3A_96 : memref<158x64xf32, #tpu.memory_space<hbm>>)
        tpu.yield
      }) : () -> ()
    }
    %scan3A_78 = arith.constant 4 : i32
    return
  }
}

#map = affine_map<(d0, d1) -> (0, 0)>
#map1 = affine_map<(d0, d1) -> (0, 0, 0)>
module attributes {stable_mosaic.version = 14 : i64} {
  func.func @_sc_aggregate(%arg0: i32, %arg1: i32, %arg2: memref<10000x64xf32, #tpu.memory_space<hbm>>, %arg3: memref<32x81x128xi32, #tpu.memory_space<hbm>>, %arg4: memref<32x81x128xi32, #tpu.memory_space<hbm>>, %arg5: memref<158x64xf32, #tpu.memory_space<hbm>>, %arg6: memref<20224x64xf32, #tpu.memory_space<hbm>>, %arg7: memref<81x128xi32, #tpu.memory_space<vmem>>, %arg8: memref<81x128xi32, #tpu.memory_space<vmem>>, %arg9: memref<128x64xf32, #tpu.memory_space<vmem>>, %arg10: memref<128x64xf32, #tpu.memory_space<vmem>>, %arg11: memref<128x64xf32, #tpu.memory_space<vmem>>, %arg12: memref<128x64xf32, #tpu.memory_space<vmem>>, %arg13: memref<128x64xf32, #tpu.memory_space<vmem>>, %arg14: memref<128x64xf32, #tpu.memory_space<vmem>>, %arg15: memref<158x64xf32, #tpu.memory_space<vmem>>, %arg16: memref<10112x64xf32, #tpu.memory_space<vmem_shared>>, %arg17: memref<!tpu.dma_semaphore, #tpu.memory_space<semaphore_mem>>, %arg18: memref<!tpu.dma_semaphore, #tpu.memory_space<semaphore_mem>>, %arg19: memref<!tpu.dma_semaphore, #tpu.memory_space<semaphore_mem>>, %arg20: memref<!tpu.dma_semaphore, #tpu.memory_space<semaphore_mem>>, %arg21: memref<!tpu.dma_semaphore, #tpu.memory_space<semaphore_mem>>, %arg22: memref<!tpu.dma_semaphore, #tpu.memory_space<semaphore_mem>>) attributes {dimension_semantics = [#tpu.dimension_semantics<core_parallel>, #tpu.dimension_semantics<subcore_parallel>], iteration_bounds = array<i64: 2, 16>, scalar_prefetch = 0 : i64, scratch_operands = 16 : i64, tpu.core_type = #tpu.core_type<sc_vector_subcore>, window_params = [{transform_indices = #map}, {transform_indices = #map1}, {transform_indices = #map1}, {transform_indices = #map}, {transform_indices = #map}]} {
    %mul3A = arith.constant 2 : i32
    %mul3A_0 = arith.muli %arg1, %mul3A : i32
    %add3A = arith.addi %mul3A_0, %arg0 : i32
    "tpu.region"() ({
      %run_scoped3A_79 = tpu.sem_alloc : memref<!tpu.dma_semaphore, #tpu.memory_space<semaphore_mem>>
      %dma_start3A_80 = arith.constant 0 : i32
      %dma_start3A_81 = arith.constant 0 : i32
      %dma_start3A_82 = tpu.memref_slice %arg3[%add3A, %dma_start3A_80, %dma_start3A_81] : memref<32x81x128xi32, #tpu.memory_space<hbm>> -> memref<1x81x128xi32, #tpu.memory_space<hbm>>
      %dma_start3A_83 = tpu.memref_squeeze %dma_start3A_82 : memref<1x81x128xi32, #tpu.memory_space<hbm>> -> memref<81x128xi32, #tpu.memory_space<hbm>>
      %dma_start3A_84 = arith.constant 0 : i32
      %dma_start3A_85 = arith.constant 0 : i32
      %dma_start3A_86 = tpu.memref_slice %arg3[%add3A, %dma_start3A_84, %dma_start3A_85] : memref<32x81x128xi32, #tpu.memory_space<hbm>> -> memref<1x81x128xi32, #tpu.memory_space<hbm>>
      %dma_start3A_87 = tpu.memref_squeeze %dma_start3A_86 : memref<1x81x128xi32, #tpu.memory_space<hbm>> -> memref<81x128xi32, #tpu.memory_space<hbm>>
      tpu.enqueue_dma source(%dma_start3A_87 : memref<81x128xi32, #tpu.memory_space<hbm>>) target(%arg7 : memref<81x128xi32, #tpu.memory_space<vmem>>) target_semaphore(%run_scoped3A_79 : memref<!tpu.dma_semaphore, #tpu.memory_space<semaphore_mem>>)
      %dma_wait3A_88 = arith.constant 0 : i32
      %dma_wait3A_89 = arith.constant 0 : i32
      %dma_wait3A_90 = tpu.memref_slice %arg3[%add3A, %dma_wait3A_88, %dma_wait3A_89] : memref<32x81x128xi32, #tpu.memory_space<hbm>> -> memref<1x81x128xi32, #tpu.memory_space<hbm>>
      %dma_wait3A_91 = tpu.memref_squeeze %dma_wait3A_90 : memref<1x81x128xi32, #tpu.memory_space<hbm>> -> memref<81x128xi32, #tpu.memory_space<hbm>>
      %dma_wait3A_92 = arith.constant 0 : i32
      %dma_wait3A_93 = arith.constant 0 : i32
      %dma_wait3A_94 = tpu.memref_slice %arg3[%add3A, %dma_wait3A_92, %dma_wait3A_93] : memref<32x81x128xi32, #tpu.memory_space<hbm>> -> memref<1x81x128xi32, #tpu.memory_space<hbm>>
      %dma_wait3A_95 = tpu.memref_squeeze %dma_wait3A_94 : memref<1x81x128xi32, #tpu.memory_space<hbm>> -> memref<81x128xi32, #tpu.memory_space<hbm>>
      tpu.wait_dma2 semaphore(%run_scoped3A_79 : memref<!tpu.dma_semaphore, #tpu.memory_space<semaphore_mem>>) src(%dma_wait3A_95 : memref<81x128xi32, #tpu.memory_space<hbm>>) dst(%arg7 : memref<81x128xi32, #tpu.memory_space<vmem>>)
      tpu.yield
    }) : () -> ()
    "tpu.region"() ({
      %run_scoped3A_79 = tpu.sem_alloc : memref<!tpu.dma_semaphore, #tpu.memory_space<semaphore_mem>>
      %dma_start3A_80 = arith.constant 0 : i32
      %dma_start3A_81 = arith.constant 0 : i32
      %dma_start3A_82 = tpu.memref_slice %arg4[%add3A, %dma_start3A_80, %dma_start3A_81] : memref<32x81x128xi32, #tpu.memory_space<hbm>> -> memref<1x81x128xi32, #tpu.memory_space<hbm>>
      %dma_start3A_83 = tpu.memref_squeeze %dma_start3A_82 : memref<1x81x128xi32, #tpu.memory_space<hbm>> -> memref<81x128xi32, #tpu.memory_space<hbm>>
      %dma_start3A_84 = arith.constant 0 : i32
      %dma_start3A_85 = arith.constant 0 : i32
      %dma_start3A_86 = tpu.memref_slice %arg4[%add3A, %dma_start3A_84, %dma_start3A_85] : memref<32x81x128xi32, #tpu.memory_space<hbm>> -> memref<1x81x128xi32, #tpu.memory_space<hbm>>
      %dma_start3A_87 = tpu.memref_squeeze %dma_start3A_86 : memref<1x81x128xi32, #tpu.memory_space<hbm>> -> memref<81x128xi32, #tpu.memory_space<hbm>>
      tpu.enqueue_dma source(%dma_start3A_87 : memref<81x128xi32, #tpu.memory_space<hbm>>) target(%arg8 : memref<81x128xi32, #tpu.memory_space<vmem>>) target_semaphore(%run_scoped3A_79 : memref<!tpu.dma_semaphore, #tpu.memory_space<semaphore_mem>>)
      %dma_wait3A_88 = arith.constant 0 : i32
      %dma_wait3A_89 = arith.constant 0 : i32
      %dma_wait3A_90 = tpu.memref_slice %arg4[%add3A, %dma_wait3A_88, %dma_wait3A_89] : memref<32x81x128xi32, #tpu.memory_space<hbm>> -> memref<1x81x128xi32, #tpu.memory_space<hbm>>
      %dma_wait3A_91 = tpu.memref_squeeze %dma_wait3A_90 : memref<1x81x128xi32, #tpu.memory_space<hbm>> -> memref<81x128xi32, #tpu.memory_space<hbm>>
      %dma_wait3A_92 = arith.constant 0 : i32
      %dma_wait3A_93 = arith.constant 0 : i32
      %dma_wait3A_94 = tpu.memref_slice %arg4[%add3A, %dma_wait3A_92, %dma_wait3A_93] : memref<32x81x128xi32, #tpu.memory_space<hbm>> -> memref<1x81x128xi32, #tpu.memory_space<hbm>>
      %dma_wait3A_95 = tpu.memref_squeeze %dma_wait3A_94 : memref<1x81x128xi32, #tpu.memory_space<hbm>> -> memref<81x128xi32, #tpu.memory_space<hbm>>
      tpu.wait_dma2 semaphore(%run_scoped3A_79 : memref<!tpu.dma_semaphore, #tpu.memory_space<semaphore_mem>>) src(%dma_wait3A_95 : memref<81x128xi32, #tpu.memory_space<hbm>>) dst(%arg8 : memref<81x128xi32, #tpu.memory_space<vmem>>)
      tpu.yield
    }) : () -> ()
    "tpu.region"() ({
      %run_scoped3A_79 = tpu.sem_alloc : memref<!tpu.dma_semaphore, #tpu.memory_space<semaphore_mem>>
      tpu.enqueue_dma source(%arg5 : memref<158x64xf32, #tpu.memory_space<hbm>>) target(%arg15 : memref<158x64xf32, #tpu.memory_space<vmem>>) target_semaphore(%run_scoped3A_79 : memref<!tpu.dma_semaphore, #tpu.memory_space<semaphore_mem>>)
      tpu.wait_dma2 semaphore(%run_scoped3A_79 : memref<!tpu.dma_semaphore, #tpu.memory_space<semaphore_mem>>) src(%arg5 : memref<158x64xf32, #tpu.memory_space<hbm>>) dst(%arg15 : memref<158x64xf32, #tpu.memory_space<vmem>>)
      tpu.yield
    }) : () -> ()
    %scan3A = arith.constant 0 : i32
    %scan3A_1 = arith.constant 4 : i32
    %scan3A_2 = arith.addi %scan3A, %scan3A_1 : i32
    %scan3A_3 = arith.constant 1 : i32
    scf.for %scan3A_79 = %scan3A to %scan3A_2 step %scan3A_3  : i32 {
      %mul3A_80 = arith.constant 632 : i32
      %mul3A_81 = arith.muli %arg1, %mul3A_80 : i32
      %mul3A_82 = arith.constant 158 : i32
      %mul3A_83 = arith.muli %scan3A_79, %mul3A_82 : i32
      %add3A_84 = arith.addi %mul3A_81, %mul3A_83 : i32
      "tpu.region"() ({
        %run_scoped3A_85 = tpu.sem_alloc : memref<!tpu.dma_semaphore, #tpu.memory_space<semaphore_mem>>
        %dma_start3A_86 = arith.constant 0 : i32
        %dma_start3A_87 = tpu.memref_slice %arg16[%add3A_84, %dma_start3A_86] : memref<10112x64xf32, #tpu.memory_space<vmem_shared>> -> memref<158x64xf32, #tpu.memory_space<vmem_shared>>
        %dma_start3A_88 = arith.constant 0 : i32
        %dma_start3A_89 = tpu.memref_slice %arg16[%add3A_84, %dma_start3A_88] : memref<10112x64xf32, #tpu.memory_space<vmem_shared>> -> memref<158x64xf32, #tpu.memory_space<vmem_shared>>
        tpu.enqueue_dma source(%arg15 : memref<158x64xf32, #tpu.memory_space<vmem>>) target(%dma_start3A_89 : memref<158x64xf32, #tpu.memory_space<vmem_shared>>) target_semaphore(%run_scoped3A_85 : memref<!tpu.dma_semaphore, #tpu.memory_space<semaphore_mem>>)
        %dma_wait3A_90 = arith.constant 0 : i32
        %dma_wait3A_91 = tpu.memref_slice %arg16[%add3A_84, %dma_wait3A_90] : memref<10112x64xf32, #tpu.memory_space<vmem_shared>> -> memref<158x64xf32, #tpu.memory_space<vmem_shared>>
        %dma_wait3A_92 = arith.constant 0 : i32
        %dma_wait3A_93 = tpu.memref_slice %arg16[%add3A_84, %dma_wait3A_92] : memref<10112x64xf32, #tpu.memory_space<vmem_shared>> -> memref<158x64xf32, #tpu.memory_space<vmem_shared>>
        tpu.wait_dma2 semaphore(%run_scoped3A_85 : memref<!tpu.dma_semaphore, #tpu.memory_space<semaphore_mem>>) src(%arg15 : memref<158x64xf32, #tpu.memory_space<vmem>>) dst(%dma_wait3A_93 : memref<158x64xf32, #tpu.memory_space<vmem_shared>>)
        tpu.yield
      }) : () -> ()
    }
    %scan3A_4 = arith.constant 4 : i32
    %barrier3A = arith.constant 0 : index
    tpu.barrier barrier_id(%barrier3A)
    %dma_start3A = arith.constant 0 : i32
    %dma_start3A_5 = arith.constant 0 : i32
    %dma_start3A_6 = tpu.memref_slice %arg7[%dma_start3A, %dma_start3A_5] : memref<81x128xi32, #tpu.memory_space<vmem>> -> memref<1x128xi32, #tpu.memory_space<vmem>>
    %dma_start3A_7 = tpu.memref_squeeze %dma_start3A_6 : memref<1x128xi32, #tpu.memory_space<vmem>> -> memref<128xi32, #tpu.memory_space<vmem>>
    %dma_start3A_8 = arith.constant 0 : i32
    %dma_start3A_9 = arith.constant 0 : i32
    %dma_start3A_10 = tpu.memref_slice %arg2[%dma_start3A_8, %dma_start3A_9] : memref<10000x64xf32, #tpu.memory_space<hbm>> -> memref<10000x64xf32, #tpu.memory_space<hbm>>
    tpu.enqueue_indirect_dma source(%dma_start3A_10 : memref<10000x64xf32, #tpu.memory_space<hbm>>) target(%arg9 : memref<128x64xf32, #tpu.memory_space<vmem>>) offsets(%dma_start3A_7 : memref<128xi32, #tpu.memory_space<vmem>>) semaphore(%arg17 : memref<!tpu.dma_semaphore, #tpu.memory_space<semaphore_mem>>)
    %dma_start3A_11 = arith.constant 1 : i32
    %dma_start3A_12 = arith.constant 0 : i32
    %dma_start3A_13 = tpu.memref_slice %arg7[%dma_start3A_11, %dma_start3A_12] : memref<81x128xi32, #tpu.memory_space<vmem>> -> memref<1x128xi32, #tpu.memory_space<vmem>>
    %dma_start3A_14 = tpu.memref_squeeze %dma_start3A_13 : memref<1x128xi32, #tpu.memory_space<vmem>> -> memref<128xi32, #tpu.memory_space<vmem>>
    %dma_start3A_15 = arith.constant 0 : i32
    %dma_start3A_16 = arith.constant 0 : i32
    %dma_start3A_17 = tpu.memref_slice %arg2[%dma_start3A_15, %dma_start3A_16] : memref<10000x64xf32, #tpu.memory_space<hbm>> -> memref<10000x64xf32, #tpu.memory_space<hbm>>
    tpu.enqueue_indirect_dma source(%dma_start3A_17 : memref<10000x64xf32, #tpu.memory_space<hbm>>) target(%arg10 : memref<128x64xf32, #tpu.memory_space<vmem>>) offsets(%dma_start3A_14 : memref<128xi32, #tpu.memory_space<vmem>>) semaphore(%arg18 : memref<!tpu.dma_semaphore, #tpu.memory_space<semaphore_mem>>)
    %dma_start3A_18 = arith.constant 2 : i32
    %dma_start3A_19 = arith.constant 0 : i32
    %dma_start3A_20 = tpu.memref_slice %arg7[%dma_start3A_18, %dma_start3A_19] : memref<81x128xi32, #tpu.memory_space<vmem>> -> memref<1x128xi32, #tpu.memory_space<vmem>>
    %dma_start3A_21 = tpu.memref_squeeze %dma_start3A_20 : memref<1x128xi32, #tpu.memory_space<vmem>> -> memref<128xi32, #tpu.memory_space<vmem>>
    %dma_start3A_22 = arith.constant 0 : i32
    %dma_start3A_23 = arith.constant 0 : i32
    %dma_start3A_24 = tpu.memref_slice %arg2[%dma_start3A_22, %dma_start3A_23] : memref<10000x64xf32, #tpu.memory_space<hbm>> -> memref<10000x64xf32, #tpu.memory_space<hbm>>
    tpu.enqueue_indirect_dma source(%dma_start3A_24 : memref<10000x64xf32, #tpu.memory_space<hbm>>) target(%arg11 : memref<128x64xf32, #tpu.memory_space<vmem>>) offsets(%dma_start3A_21 : memref<128xi32, #tpu.memory_space<vmem>>) semaphore(%arg19 : memref<!tpu.dma_semaphore, #tpu.memory_space<semaphore_mem>>)
    %dma_start3A_25 = arith.constant 3 : i32
    %dma_start3A_26 = arith.constant 0 : i32
    %dma_start3A_27 = tpu.memref_slice %arg7[%dma_start3A_25, %dma_start3A_26] : memref<81x128xi32, #tpu.memory_space<vmem>> -> memref<1x128xi32, #tpu.memory_space<vmem>>
    %dma_start3A_28 = tpu.memref_squeeze %dma_start3A_27 : memref<1x128xi32, #tpu.memory_space<vmem>> -> memref<128xi32, #tpu.memory_space<vmem>>
    %dma_start3A_29 = arith.constant 0 : i32
    %dma_start3A_30 = arith.constant 0 : i32
    %dma_start3A_31 = tpu.memref_slice %arg2[%dma_start3A_29, %dma_start3A_30] : memref<10000x64xf32, #tpu.memory_space<hbm>> -> memref<10000x64xf32, #tpu.memory_space<hbm>>
    tpu.enqueue_indirect_dma source(%dma_start3A_31 : memref<10000x64xf32, #tpu.memory_space<hbm>>) target(%arg12 : memref<128x64xf32, #tpu.memory_space<vmem>>) offsets(%dma_start3A_28 : memref<128xi32, #tpu.memory_space<vmem>>) semaphore(%arg20 : memref<!tpu.dma_semaphore, #tpu.memory_space<semaphore_mem>>)
    %dma_start3A_32 = arith.constant 4 : i32
    %dma_start3A_33 = arith.constant 0 : i32
    %dma_start3A_34 = tpu.memref_slice %arg7[%dma_start3A_32, %dma_start3A_33] : memref<81x128xi32, #tpu.memory_space<vmem>> -> memref<1x128xi32, #tpu.memory_space<vmem>>
    %dma_start3A_35 = tpu.memref_squeeze %dma_start3A_34 : memref<1x128xi32, #tpu.memory_space<vmem>> -> memref<128xi32, #tpu.memory_space<vmem>>
    %dma_start3A_36 = arith.constant 0 : i32
    %dma_start3A_37 = arith.constant 0 : i32
    %dma_start3A_38 = tpu.memref_slice %arg2[%dma_start3A_36, %dma_start3A_37] : memref<10000x64xf32, #tpu.memory_space<hbm>> -> memref<10000x64xf32, #tpu.memory_space<hbm>>
    tpu.enqueue_indirect_dma source(%dma_start3A_38 : memref<10000x64xf32, #tpu.memory_space<hbm>>) target(%arg13 : memref<128x64xf32, #tpu.memory_space<vmem>>) offsets(%dma_start3A_35 : memref<128xi32, #tpu.memory_space<vmem>>) semaphore(%arg21 : memref<!tpu.dma_semaphore, #tpu.memory_space<semaphore_mem>>)
    %dma_start3A_39 = arith.constant 5 : i32
    %dma_start3A_40 = arith.constant 0 : i32
    %dma_start3A_41 = tpu.memref_slice %arg7[%dma_start3A_39, %dma_start3A_40] : memref<81x128xi32, #tpu.memory_space<vmem>> -> memref<1x128xi32, #tpu.memory_space<vmem>>
    %dma_start3A_42 = tpu.memref_squeeze %dma_start3A_41 : memref<1x128xi32, #tpu.memory_space<vmem>> -> memref<128xi32, #tpu.memory_space<vmem>>
    %dma_start3A_43 = arith.constant 0 : i32
    %dma_start3A_44 = arith.constant 0 : i32
    %dma_start3A_45 = tpu.memref_slice %arg2[%dma_start3A_43, %dma_start3A_44] : memref<10000x64xf32, #tpu.memory_space<hbm>> -> memref<10000x64xf32, #tpu.memory_space<hbm>>
    tpu.enqueue_indirect_dma source(%dma_start3A_45 : memref<10000x64xf32, #tpu.memory_space<hbm>>) target(%arg14 : memref<128x64xf32, #tpu.memory_space<vmem>>) offsets(%dma_start3A_42 : memref<128xi32, #tpu.memory_space<vmem>>) semaphore(%arg22 : memref<!tpu.dma_semaphore, #tpu.memory_space<semaphore_mem>>)
    %scan3A_46 = arith.constant 0 : i32
    %scan3A_47 = arith.constant 13 : i32
    %scan3A_48 = arith.addi %scan3A_46, %scan3A_47 : i32
    %scan3A_49 = arith.constant 1 : i32
    scf.for %scan3A_79 = %scan3A_46 to %scan3A_48 step %scan3A_49  : i32 {
      %mul3A_80 = arith.constant 6 : i32
      %mul3A_81 = arith.muli %mul3A_80, %scan3A_79 : i32
      %add3A_82 = arith.constant 0 : i32
      %add3A_83 = arith.addi %mul3A_81, %add3A_82 : i32
      %dma_wait3A_84 = arith.constant 0 : i32
      %dma_wait3A_85 = tpu.memref_slice %arg7[%add3A_83, %dma_wait3A_84] : memref<81x128xi32, #tpu.memory_space<vmem>> -> memref<1x128xi32, #tpu.memory_space<vmem>>
      %dma_wait3A_86 = tpu.memref_squeeze %dma_wait3A_85 : memref<1x128xi32, #tpu.memory_space<vmem>> -> memref<128xi32, #tpu.memory_space<vmem>>
      %dma_wait3A_87 = arith.constant 0 : i32
      %dma_wait3A_88 = arith.constant 0 : i32
      %dma_wait3A_89 = tpu.memref_slice %arg2[%dma_wait3A_87, %dma_wait3A_88] : memref<10000x64xf32, #tpu.memory_space<hbm>> -> memref<10000x64xf32, #tpu.memory_space<hbm>>
      tpu.wait_indirect_dma semaphore(%arg17 : memref<!tpu.dma_semaphore, #tpu.memory_space<semaphore_mem>>) src(%dma_wait3A_89 : memref<10000x64xf32, #tpu.memory_space<hbm>>) dst(%arg9 : memref<128x64xf32, #tpu.memory_space<vmem>>)
      %add3A_90 = arith.constant 0 : i32
      %add3A_91 = arith.addi %mul3A_81, %add3A_90 : i32
      "tpu.region"() ({
        %run_scoped3A_193 = tpu.sem_alloc : memref<!tpu.dma_semaphore, #tpu.memory_space<semaphore_mem>>
        %dma_start3A_194 = arith.constant 0 : i32
        %dma_start3A_195 = tpu.memref_slice %arg8[%add3A_91, %dma_start3A_194] : memref<81x128xi32, #tpu.memory_space<vmem>> -> memref<1x128xi32, #tpu.memory_space<vmem>>
        %dma_start3A_196 = tpu.memref_squeeze %dma_start3A_195 : memref<1x128xi32, #tpu.memory_space<vmem>> -> memref<128xi32, #tpu.memory_space<vmem>>
        %dma_start3A_197 = arith.constant 0 : i32
        %dma_start3A_198 = arith.constant 0 : i32
        %dma_start3A_199 = tpu.memref_slice %arg16[%dma_start3A_197, %dma_start3A_198] : memref<10112x64xf32, #tpu.memory_space<vmem_shared>> -> memref<10112x64xf32, #tpu.memory_space<vmem_shared>>
        tpu.enqueue_indirect_dma source(%arg9 : memref<128x64xf32, #tpu.memory_space<vmem>>) target(%dma_start3A_199 : memref<10112x64xf32, #tpu.memory_space<vmem_shared>>) offsets(%dma_start3A_196 : memref<128xi32, #tpu.memory_space<vmem>>) semaphore(%run_scoped3A_193 : memref<!tpu.dma_semaphore, #tpu.memory_space<semaphore_mem>>) {add = true}
        %dma_wait3A_200 = arith.constant 0 : i32
        %dma_wait3A_201 = tpu.memref_slice %arg8[%add3A_91, %dma_wait3A_200] : memref<81x128xi32, #tpu.memory_space<vmem>> -> memref<1x128xi32, #tpu.memory_space<vmem>>
        %dma_wait3A_202 = tpu.memref_squeeze %dma_wait3A_201 : memref<1x128xi32, #tpu.memory_space<vmem>> -> memref<128xi32, #tpu.memory_space<vmem>>
        %dma_wait3A_203 = arith.constant 0 : i32
        %dma_wait3A_204 = arith.constant 0 : i32
        %dma_wait3A_205 = tpu.memref_slice %arg16[%dma_wait3A_203, %dma_wait3A_204] : memref<10112x64xf32, #tpu.memory_space<vmem_shared>> -> memref<10112x64xf32, #tpu.memory_space<vmem_shared>>
        tpu.wait_indirect_dma semaphore(%run_scoped3A_193 : memref<!tpu.dma_semaphore, #tpu.memory_space<semaphore_mem>>) src(%arg9 : memref<128x64xf32, #tpu.memory_space<vmem>>) dst(%dma_wait3A_205 : memref<10112x64xf32, #tpu.memory_space<vmem_shared>>)
        tpu.yield
      }) : () -> ()
      %add3A_92 = arith.constant 0 : i32
      %add3A_93 = arith.addi %mul3A_81, %add3A_92 : i32
      %add3A_94 = arith.constant 6 : i32
      %add3A_95 = arith.addi %add3A_93, %add3A_94 : i32
      %lt3A = arith.constant 81 : i32
      %lt3A_96 = arith.cmpi slt, %add3A_95, %lt3A : i32
      %convert_element_type3A = arith.extui %lt3A_96 : i1 to i32
      %cond3A = arith.constant 0 : i32
      %cond3A_97 = arith.cmpi ne, %convert_element_type3A, %cond3A : i32
      scf.if %cond3A_97 {
        %add3A_193 = arith.constant 0 : i32
        %add3A_194 = arith.addi %mul3A_81, %add3A_193 : i32
        %add3A_195 = arith.constant 6 : i32
        %add3A_196 = arith.addi %add3A_194, %add3A_195 : i32
        %dma_start3A_197 = arith.constant 0 : i32
        %dma_start3A_198 = tpu.memref_slice %arg7[%add3A_196, %dma_start3A_197] : memref<81x128xi32, #tpu.memory_space<vmem>> -> memref<1x128xi32, #tpu.memory_space<vmem>>
        %dma_start3A_199 = tpu.memref_squeeze %dma_start3A_198 : memref<1x128xi32, #tpu.memory_space<vmem>> -> memref<128xi32, #tpu.memory_space<vmem>>
        %dma_start3A_200 = arith.constant 0 : i32
        %dma_start3A_201 = arith.constant 0 : i32
        %dma_start3A_202 = tpu.memref_slice %arg2[%dma_start3A_200, %dma_start3A_201] : memref<10000x64xf32, #tpu.memory_space<hbm>> -> memref<10000x64xf32, #tpu.memory_space<hbm>>
        tpu.enqueue_indirect_dma source(%dma_start3A_202 : memref<10000x64xf32, #tpu.memory_space<hbm>>) target(%arg9 : memref<128x64xf32, #tpu.memory_space<vmem>>) offsets(%dma_start3A_199 : memref<128xi32, #tpu.memory_space<vmem>>) semaphore(%arg17 : memref<!tpu.dma_semaphore, #tpu.memory_space<semaphore_mem>>)
      } else {
      }
      %add3A_98 = arith.constant 1 : i32
      %add3A_99 = arith.addi %mul3A_81, %add3A_98 : i32
      %dma_wait3A_100 = arith.constant 0 : i32
      %dma_wait3A_101 = tpu.memref_slice %arg7[%add3A_99, %dma_wait3A_100] : memref<81x128xi32, #tpu.memory_space<vmem>> -> memref<1x128xi32, #tpu.memory_space<vmem>>
      %dma_wait3A_102 = tpu.memref_squeeze %dma_wait3A_101 : memref<1x128xi32, #tpu.memory_space<vmem>> -> memref<128xi32, #tpu.memory_space<vmem>>
      %dma_wait3A_103 = arith.constant 0 : i32
      %dma_wait3A_104 = arith.constant 0 : i32
      %dma_wait3A_105 = tpu.memref_slice %arg2[%dma_wait3A_103, %dma_wait3A_104] : memref<10000x64xf32, #tpu.memory_space<hbm>> -> memref<10000x64xf32, #tpu.memory_space<hbm>>
      tpu.wait_indirect_dma semaphore(%arg18 : memref<!tpu.dma_semaphore, #tpu.memory_space<semaphore_mem>>) src(%dma_wait3A_105 : memref<10000x64xf32, #tpu.memory_space<hbm>>) dst(%arg10 : memref<128x64xf32, #tpu.memory_space<vmem>>)
      %add3A_106 = arith.constant 1 : i32
      %add3A_107 = arith.addi %mul3A_81, %add3A_106 : i32
      "tpu.region"() ({
        %run_scoped3A_193 = tpu.sem_alloc : memref<!tpu.dma_semaphore, #tpu.memory_space<semaphore_mem>>
        %dma_start3A_194 = arith.constant 0 : i32
        %dma_start3A_195 = tpu.memref_slice %arg8[%add3A_107, %dma_start3A_194] : memref<81x128xi32, #tpu.memory_space<vmem>> -> memref<1x128xi32, #tpu.memory_space<vmem>>
        %dma_start3A_196 = tpu.memref_squeeze %dma_start3A_195 : memref<1x128xi32, #tpu.memory_space<vmem>> -> memref<128xi32, #tpu.memory_space<vmem>>
        %dma_start3A_197 = arith.constant 0 : i32
        %dma_start3A_198 = arith.constant 0 : i32
        %dma_start3A_199 = tpu.memref_slice %arg16[%dma_start3A_197, %dma_start3A_198] : memref<10112x64xf32, #tpu.memory_space<vmem_shared>> -> memref<10112x64xf32, #tpu.memory_space<vmem_shared>>
        tpu.enqueue_indirect_dma source(%arg10 : memref<128x64xf32, #tpu.memory_space<vmem>>) target(%dma_start3A_199 : memref<10112x64xf32, #tpu.memory_space<vmem_shared>>) offsets(%dma_start3A_196 : memref<128xi32, #tpu.memory_space<vmem>>) semaphore(%run_scoped3A_193 : memref<!tpu.dma_semaphore, #tpu.memory_space<semaphore_mem>>) {add = true}
        %dma_wait3A_200 = arith.constant 0 : i32
        %dma_wait3A_201 = tpu.memref_slice %arg8[%add3A_107, %dma_wait3A_200] : memref<81x128xi32, #tpu.memory_space<vmem>> -> memref<1x128xi32, #tpu.memory_space<vmem>>
        %dma_wait3A_202 = tpu.memref_squeeze %dma_wait3A_201 : memref<1x128xi32, #tpu.memory_space<vmem>> -> memref<128xi32, #tpu.memory_space<vmem>>
        %dma_wait3A_203 = arith.constant 0 : i32
        %dma_wait3A_204 = arith.constant 0 : i32
        %dma_wait3A_205 = tpu.memref_slice %arg16[%dma_wait3A_203, %dma_wait3A_204] : memref<10112x64xf32, #tpu.memory_space<vmem_shared>> -> memref<10112x64xf32, #tpu.memory_space<vmem_shared>>
        tpu.wait_indirect_dma semaphore(%run_scoped3A_193 : memref<!tpu.dma_semaphore, #tpu.memory_space<semaphore_mem>>) src(%arg10 : memref<128x64xf32, #tpu.memory_space<vmem>>) dst(%dma_wait3A_205 : memref<10112x64xf32, #tpu.memory_space<vmem_shared>>)
        tpu.yield
      }) : () -> ()
      %add3A_108 = arith.constant 1 : i32
      %add3A_109 = arith.addi %mul3A_81, %add3A_108 : i32
      %add3A_110 = arith.constant 6 : i32
      %add3A_111 = arith.addi %add3A_109, %add3A_110 : i32
      %lt3A_112 = arith.constant 81 : i32
      %lt3A_113 = arith.cmpi slt, %add3A_111, %lt3A_112 : i32
      %convert_element_type3A_114 = arith.extui %lt3A_113 : i1 to i32
      %cond3A_115 = arith.constant 0 : i32
      %cond3A_116 = arith.cmpi ne, %convert_element_type3A_114, %cond3A_115 : i32
      scf.if %cond3A_116 {
        %add3A_193 = arith.constant 1 : i32
        %add3A_194 = arith.addi %mul3A_81, %add3A_193 : i32
        %add3A_195 = arith.constant 6 : i32
        %add3A_196 = arith.addi %add3A_194, %add3A_195 : i32
        %dma_start3A_197 = arith.constant 0 : i32
        %dma_start3A_198 = tpu.memref_slice %arg7[%add3A_196, %dma_start3A_197] : memref<81x128xi32, #tpu.memory_space<vmem>> -> memref<1x128xi32, #tpu.memory_space<vmem>>
        %dma_start3A_199 = tpu.memref_squeeze %dma_start3A_198 : memref<1x128xi32, #tpu.memory_space<vmem>> -> memref<128xi32, #tpu.memory_space<vmem>>
        %dma_start3A_200 = arith.constant 0 : i32
        %dma_start3A_201 = arith.constant 0 : i32
        %dma_start3A_202 = tpu.memref_slice %arg2[%dma_start3A_200, %dma_start3A_201] : memref<10000x64xf32, #tpu.memory_space<hbm>> -> memref<10000x64xf32, #tpu.memory_space<hbm>>
        tpu.enqueue_indirect_dma source(%dma_start3A_202 : memref<10000x64xf32, #tpu.memory_space<hbm>>) target(%arg10 : memref<128x64xf32, #tpu.memory_space<vmem>>) offsets(%dma_start3A_199 : memref<128xi32, #tpu.memory_space<vmem>>) semaphore(%arg18 : memref<!tpu.dma_semaphore, #tpu.memory_space<semaphore_mem>>)
      } else {
      }
      %add3A_117 = arith.constant 2 : i32
      %add3A_118 = arith.addi %mul3A_81, %add3A_117 : i32
      %dma_wait3A_119 = arith.constant 0 : i32
      %dma_wait3A_120 = tpu.memref_slice %arg7[%add3A_118, %dma_wait3A_119] : memref<81x128xi32, #tpu.memory_space<vmem>> -> memref<1x128xi32, #tpu.memory_space<vmem>>
      %dma_wait3A_121 = tpu.memref_squeeze %dma_wait3A_120 : memref<1x128xi32, #tpu.memory_space<vmem>> -> memref<128xi32, #tpu.memory_space<vmem>>
      %dma_wait3A_122 = arith.constant 0 : i32
      %dma_wait3A_123 = arith.constant 0 : i32
      %dma_wait3A_124 = tpu.memref_slice %arg2[%dma_wait3A_122, %dma_wait3A_123] : memref<10000x64xf32, #tpu.memory_space<hbm>> -> memref<10000x64xf32, #tpu.memory_space<hbm>>
      tpu.wait_indirect_dma semaphore(%arg19 : memref<!tpu.dma_semaphore, #tpu.memory_space<semaphore_mem>>) src(%dma_wait3A_124 : memref<10000x64xf32, #tpu.memory_space<hbm>>) dst(%arg11 : memref<128x64xf32, #tpu.memory_space<vmem>>)
      %add3A_125 = arith.constant 2 : i32
      %add3A_126 = arith.addi %mul3A_81, %add3A_125 : i32
      "tpu.region"() ({
        %run_scoped3A_193 = tpu.sem_alloc : memref<!tpu.dma_semaphore, #tpu.memory_space<semaphore_mem>>
        %dma_start3A_194 = arith.constant 0 : i32
        %dma_start3A_195 = tpu.memref_slice %arg8[%add3A_126, %dma_start3A_194] : memref<81x128xi32, #tpu.memory_space<vmem>> -> memref<1x128xi32, #tpu.memory_space<vmem>>
        %dma_start3A_196 = tpu.memref_squeeze %dma_start3A_195 : memref<1x128xi32, #tpu.memory_space<vmem>> -> memref<128xi32, #tpu.memory_space<vmem>>
        %dma_start3A_197 = arith.constant 0 : i32
        %dma_start3A_198 = arith.constant 0 : i32
        %dma_start3A_199 = tpu.memref_slice %arg16[%dma_start3A_197, %dma_start3A_198] : memref<10112x64xf32, #tpu.memory_space<vmem_shared>> -> memref<10112x64xf32, #tpu.memory_space<vmem_shared>>
        tpu.enqueue_indirect_dma source(%arg11 : memref<128x64xf32, #tpu.memory_space<vmem>>) target(%dma_start3A_199 : memref<10112x64xf32, #tpu.memory_space<vmem_shared>>) offsets(%dma_start3A_196 : memref<128xi32, #tpu.memory_space<vmem>>) semaphore(%run_scoped3A_193 : memref<!tpu.dma_semaphore, #tpu.memory_space<semaphore_mem>>) {add = true}
        %dma_wait3A_200 = arith.constant 0 : i32
        %dma_wait3A_201 = tpu.memref_slice %arg8[%add3A_126, %dma_wait3A_200] : memref<81x128xi32, #tpu.memory_space<vmem>> -> memref<1x128xi32, #tpu.memory_space<vmem>>
        %dma_wait3A_202 = tpu.memref_squeeze %dma_wait3A_201 : memref<1x128xi32, #tpu.memory_space<vmem>> -> memref<128xi32, #tpu.memory_space<vmem>>
        %dma_wait3A_203 = arith.constant 0 : i32
        %dma_wait3A_204 = arith.constant 0 : i32
        %dma_wait3A_205 = tpu.memref_slice %arg16[%dma_wait3A_203, %dma_wait3A_204] : memref<10112x64xf32, #tpu.memory_space<vmem_shared>> -> memref<10112x64xf32, #tpu.memory_space<vmem_shared>>
        tpu.wait_indirect_dma semaphore(%run_scoped3A_193 : memref<!tpu.dma_semaphore, #tpu.memory_space<semaphore_mem>>) src(%arg11 : memref<128x64xf32, #tpu.memory_space<vmem>>) dst(%dma_wait3A_205 : memref<10112x64xf32, #tpu.memory_space<vmem_shared>>)
        tpu.yield
      }) : () -> ()
      %add3A_127 = arith.constant 2 : i32
      %add3A_128 = arith.addi %mul3A_81, %add3A_127 : i32
      %add3A_129 = arith.constant 6 : i32
      %add3A_130 = arith.addi %add3A_128, %add3A_129 : i32
      %lt3A_131 = arith.constant 81 : i32
      %lt3A_132 = arith.cmpi slt, %add3A_130, %lt3A_131 : i32
      %convert_element_type3A_133 = arith.extui %lt3A_132 : i1 to i32
      %cond3A_134 = arith.constant 0 : i32
      %cond3A_135 = arith.cmpi ne, %convert_element_type3A_133, %cond3A_134 : i32
      scf.if %cond3A_135 {
        %add3A_193 = arith.constant 2 : i32
        %add3A_194 = arith.addi %mul3A_81, %add3A_193 : i32
        %add3A_195 = arith.constant 6 : i32
        %add3A_196 = arith.addi %add3A_194, %add3A_195 : i32
        %dma_start3A_197 = arith.constant 0 : i32
        %dma_start3A_198 = tpu.memref_slice %arg7[%add3A_196, %dma_start3A_197] : memref<81x128xi32, #tpu.memory_space<vmem>> -> memref<1x128xi32, #tpu.memory_space<vmem>>
        %dma_start3A_199 = tpu.memref_squeeze %dma_start3A_198 : memref<1x128xi32, #tpu.memory_space<vmem>> -> memref<128xi32, #tpu.memory_space<vmem>>
        %dma_start3A_200 = arith.constant 0 : i32
        %dma_start3A_201 = arith.constant 0 : i32
        %dma_start3A_202 = tpu.memref_slice %arg2[%dma_start3A_200, %dma_start3A_201] : memref<10000x64xf32, #tpu.memory_space<hbm>> -> memref<10000x64xf32, #tpu.memory_space<hbm>>
        tpu.enqueue_indirect_dma source(%dma_start3A_202 : memref<10000x64xf32, #tpu.memory_space<hbm>>) target(%arg11 : memref<128x64xf32, #tpu.memory_space<vmem>>) offsets(%dma_start3A_199 : memref<128xi32, #tpu.memory_space<vmem>>) semaphore(%arg19 : memref<!tpu.dma_semaphore, #tpu.memory_space<semaphore_mem>>)
      } else {
      }
      %add3A_136 = arith.constant 3 : i32
      %add3A_137 = arith.addi %mul3A_81, %add3A_136 : i32
      %dma_wait3A_138 = arith.constant 0 : i32
      %dma_wait3A_139 = tpu.memref_slice %arg7[%add3A_137, %dma_wait3A_138] : memref<81x128xi32, #tpu.memory_space<vmem>> -> memref<1x128xi32, #tpu.memory_space<vmem>>
      %dma_wait3A_140 = tpu.memref_squeeze %dma_wait3A_139 : memref<1x128xi32, #tpu.memory_space<vmem>> -> memref<128xi32, #tpu.memory_space<vmem>>
      %dma_wait3A_141 = arith.constant 0 : i32
      %dma_wait3A_142 = arith.constant 0 : i32
      %dma_wait3A_143 = tpu.memref_slice %arg2[%dma_wait3A_141, %dma_wait3A_142] : memref<10000x64xf32, #tpu.memory_space<hbm>> -> memref<10000x64xf32, #tpu.memory_space<hbm>>
      tpu.wait_indirect_dma semaphore(%arg20 : memref<!tpu.dma_semaphore, #tpu.memory_space<semaphore_mem>>) src(%dma_wait3A_143 : memref<10000x64xf32, #tpu.memory_space<hbm>>) dst(%arg12 : memref<128x64xf32, #tpu.memory_space<vmem>>)
      %add3A_144 = arith.constant 3 : i32
      %add3A_145 = arith.addi %mul3A_81, %add3A_144 : i32
      "tpu.region"() ({
        %run_scoped3A_193 = tpu.sem_alloc : memref<!tpu.dma_semaphore, #tpu.memory_space<semaphore_mem>>
        %dma_start3A_194 = arith.constant 0 : i32
        %dma_start3A_195 = tpu.memref_slice %arg8[%add3A_145, %dma_start3A_194] : memref<81x128xi32, #tpu.memory_space<vmem>> -> memref<1x128xi32, #tpu.memory_space<vmem>>
        %dma_start3A_196 = tpu.memref_squeeze %dma_start3A_195 : memref<1x128xi32, #tpu.memory_space<vmem>> -> memref<128xi32, #tpu.memory_space<vmem>>
        %dma_start3A_197 = arith.constant 0 : i32
        %dma_start3A_198 = arith.constant 0 : i32
        %dma_start3A_199 = tpu.memref_slice %arg16[%dma_start3A_197, %dma_start3A_198] : memref<10112x64xf32, #tpu.memory_space<vmem_shared>> -> memref<10112x64xf32, #tpu.memory_space<vmem_shared>>
        tpu.enqueue_indirect_dma source(%arg12 : memref<128x64xf32, #tpu.memory_space<vmem>>) target(%dma_start3A_199 : memref<10112x64xf32, #tpu.memory_space<vmem_shared>>) offsets(%dma_start3A_196 : memref<128xi32, #tpu.memory_space<vmem>>) semaphore(%run_scoped3A_193 : memref<!tpu.dma_semaphore, #tpu.memory_space<semaphore_mem>>) {add = true}
        %dma_wait3A_200 = arith.constant 0 : i32
        %dma_wait3A_201 = tpu.memref_slice %arg8[%add3A_145, %dma_wait3A_200] : memref<81x128xi32, #tpu.memory_space<vmem>> -> memref<1x128xi32, #tpu.memory_space<vmem>>
        %dma_wait3A_202 = tpu.memref_squeeze %dma_wait3A_201 : memref<1x128xi32, #tpu.memory_space<vmem>> -> memref<128xi32, #tpu.memory_space<vmem>>
        %dma_wait3A_203 = arith.constant 0 : i32
        %dma_wait3A_204 = arith.constant 0 : i32
        %dma_wait3A_205 = tpu.memref_slice %arg16[%dma_wait3A_203, %dma_wait3A_204] : memref<10112x64xf32, #tpu.memory_space<vmem_shared>> -> memref<10112x64xf32, #tpu.memory_space<vmem_shared>>
        tpu.wait_indirect_dma semaphore(%run_scoped3A_193 : memref<!tpu.dma_semaphore, #tpu.memory_space<semaphore_mem>>) src(%arg12 : memref<128x64xf32, #tpu.memory_space<vmem>>) dst(%dma_wait3A_205 : memref<10112x64xf32, #tpu.memory_space<vmem_shared>>)
        tpu.yield
      }) : () -> ()
      %add3A_146 = arith.constant 3 : i32
      %add3A_147 = arith.addi %mul3A_81, %add3A_146 : i32
      %add3A_148 = arith.constant 6 : i32
      %add3A_149 = arith.addi %add3A_147, %add3A_148 : i32
      %lt3A_150 = arith.constant 81 : i32
      %lt3A_151 = arith.cmpi slt, %add3A_149, %lt3A_150 : i32
      %convert_element_type3A_152 = arith.extui %lt3A_151 : i1 to i32
      %cond3A_153 = arith.constant 0 : i32
      %cond3A_154 = arith.cmpi ne, %convert_element_type3A_152, %cond3A_153 : i32
      scf.if %cond3A_154 {
        %add3A_193 = arith.constant 3 : i32
        %add3A_194 = arith.addi %mul3A_81, %add3A_193 : i32
        %add3A_195 = arith.constant 6 : i32
        %add3A_196 = arith.addi %add3A_194, %add3A_195 : i32
        %dma_start3A_197 = arith.constant 0 : i32
        %dma_start3A_198 = tpu.memref_slice %arg7[%add3A_196, %dma_start3A_197] : memref<81x128xi32, #tpu.memory_space<vmem>> -> memref<1x128xi32, #tpu.memory_space<vmem>>
        %dma_start3A_199 = tpu.memref_squeeze %dma_start3A_198 : memref<1x128xi32, #tpu.memory_space<vmem>> -> memref<128xi32, #tpu.memory_space<vmem>>
        %dma_start3A_200 = arith.constant 0 : i32
        %dma_start3A_201 = arith.constant 0 : i32
        %dma_start3A_202 = tpu.memref_slice %arg2[%dma_start3A_200, %dma_start3A_201] : memref<10000x64xf32, #tpu.memory_space<hbm>> -> memref<10000x64xf32, #tpu.memory_space<hbm>>
        tpu.enqueue_indirect_dma source(%dma_start3A_202 : memref<10000x64xf32, #tpu.memory_space<hbm>>) target(%arg12 : memref<128x64xf32, #tpu.memory_space<vmem>>) offsets(%dma_start3A_199 : memref<128xi32, #tpu.memory_space<vmem>>) semaphore(%arg20 : memref<!tpu.dma_semaphore, #tpu.memory_space<semaphore_mem>>)
      } else {
      }
      %add3A_155 = arith.constant 4 : i32
      %add3A_156 = arith.addi %mul3A_81, %add3A_155 : i32
      %dma_wait3A_157 = arith.constant 0 : i32
      %dma_wait3A_158 = tpu.memref_slice %arg7[%add3A_156, %dma_wait3A_157] : memref<81x128xi32, #tpu.memory_space<vmem>> -> memref<1x128xi32, #tpu.memory_space<vmem>>
      %dma_wait3A_159 = tpu.memref_squeeze %dma_wait3A_158 : memref<1x128xi32, #tpu.memory_space<vmem>> -> memref<128xi32, #tpu.memory_space<vmem>>
      %dma_wait3A_160 = arith.constant 0 : i32
      %dma_wait3A_161 = arith.constant 0 : i32
      %dma_wait3A_162 = tpu.memref_slice %arg2[%dma_wait3A_160, %dma_wait3A_161] : memref<10000x64xf32, #tpu.memory_space<hbm>> -> memref<10000x64xf32, #tpu.memory_space<hbm>>
      tpu.wait_indirect_dma semaphore(%arg21 : memref<!tpu.dma_semaphore, #tpu.memory_space<semaphore_mem>>) src(%dma_wait3A_162 : memref<10000x64xf32, #tpu.memory_space<hbm>>) dst(%arg13 : memref<128x64xf32, #tpu.memory_space<vmem>>)
      %add3A_163 = arith.constant 4 : i32
      %add3A_164 = arith.addi %mul3A_81, %add3A_163 : i32
      "tpu.region"() ({
        %run_scoped3A_193 = tpu.sem_alloc : memref<!tpu.dma_semaphore, #tpu.memory_space<semaphore_mem>>
        %dma_start3A_194 = arith.constant 0 : i32
        %dma_start3A_195 = tpu.memref_slice %arg8[%add3A_164, %dma_start3A_194] : memref<81x128xi32, #tpu.memory_space<vmem>> -> memref<1x128xi32, #tpu.memory_space<vmem>>
        %dma_start3A_196 = tpu.memref_squeeze %dma_start3A_195 : memref<1x128xi32, #tpu.memory_space<vmem>> -> memref<128xi32, #tpu.memory_space<vmem>>
        %dma_start3A_197 = arith.constant 0 : i32
        %dma_start3A_198 = arith.constant 0 : i32
        %dma_start3A_199 = tpu.memref_slice %arg16[%dma_start3A_197, %dma_start3A_198] : memref<10112x64xf32, #tpu.memory_space<vmem_shared>> -> memref<10112x64xf32, #tpu.memory_space<vmem_shared>>
        tpu.enqueue_indirect_dma source(%arg13 : memref<128x64xf32, #tpu.memory_space<vmem>>) target(%dma_start3A_199 : memref<10112x64xf32, #tpu.memory_space<vmem_shared>>) offsets(%dma_start3A_196 : memref<128xi32, #tpu.memory_space<vmem>>) semaphore(%run_scoped3A_193 : memref<!tpu.dma_semaphore, #tpu.memory_space<semaphore_mem>>) {add = true}
        %dma_wait3A_200 = arith.constant 0 : i32
        %dma_wait3A_201 = tpu.memref_slice %arg8[%add3A_164, %dma_wait3A_200] : memref<81x128xi32, #tpu.memory_space<vmem>> -> memref<1x128xi32, #tpu.memory_space<vmem>>
        %dma_wait3A_202 = tpu.memref_squeeze %dma_wait3A_201 : memref<1x128xi32, #tpu.memory_space<vmem>> -> memref<128xi32, #tpu.memory_space<vmem>>
        %dma_wait3A_203 = arith.constant 0 : i32
        %dma_wait3A_204 = arith.constant 0 : i32
        %dma_wait3A_205 = tpu.memref_slice %arg16[%dma_wait3A_203, %dma_wait3A_204] : memref<10112x64xf32, #tpu.memory_space<vmem_shared>> -> memref<10112x64xf32, #tpu.memory_space<vmem_shared>>
        tpu.wait_indirect_dma semaphore(%run_scoped3A_193 : memref<!tpu.dma_semaphore, #tpu.memory_space<semaphore_mem>>) src(%arg13 : memref<128x64xf32, #tpu.memory_space<vmem>>) dst(%dma_wait3A_205 : memref<10112x64xf32, #tpu.memory_space<vmem_shared>>)
        tpu.yield
      }) : () -> ()
      %add3A_165 = arith.constant 4 : i32
      %add3A_166 = arith.addi %mul3A_81, %add3A_165 : i32
      %add3A_167 = arith.constant 6 : i32
      %add3A_168 = arith.addi %add3A_166, %add3A_167 : i32
      %lt3A_169 = arith.constant 81 : i32
      %lt3A_170 = arith.cmpi slt, %add3A_168, %lt3A_169 : i32
      %convert_element_type3A_171 = arith.extui %lt3A_170 : i1 to i32
      %cond3A_172 = arith.constant 0 : i32
      %cond3A_173 = arith.cmpi ne, %convert_element_type3A_171, %cond3A_172 : i32
      scf.if %cond3A_173 {
        %add3A_193 = arith.constant 4 : i32
        %add3A_194 = arith.addi %mul3A_81, %add3A_193 : i32
        %add3A_195 = arith.constant 6 : i32
        %add3A_196 = arith.addi %add3A_194, %add3A_195 : i32
        %dma_start3A_197 = arith.constant 0 : i32
        %dma_start3A_198 = tpu.memref_slice %arg7[%add3A_196, %dma_start3A_197] : memref<81x128xi32, #tpu.memory_space<vmem>> -> memref<1x128xi32, #tpu.memory_space<vmem>>
        %dma_start3A_199 = tpu.memref_squeeze %dma_start3A_198 : memref<1x128xi32, #tpu.memory_space<vmem>> -> memref<128xi32, #tpu.memory_space<vmem>>
        %dma_start3A_200 = arith.constant 0 : i32
        %dma_start3A_201 = arith.constant 0 : i32
        %dma_start3A_202 = tpu.memref_slice %arg2[%dma_start3A_200, %dma_start3A_201] : memref<10000x64xf32, #tpu.memory_space<hbm>> -> memref<10000x64xf32, #tpu.memory_space<hbm>>
        tpu.enqueue_indirect_dma source(%dma_start3A_202 : memref<10000x64xf32, #tpu.memory_space<hbm>>) target(%arg13 : memref<128x64xf32, #tpu.memory_space<vmem>>) offsets(%dma_start3A_199 : memref<128xi32, #tpu.memory_space<vmem>>) semaphore(%arg21 : memref<!tpu.dma_semaphore, #tpu.memory_space<semaphore_mem>>)
      } else {
      }
      %add3A_174 = arith.constant 5 : i32
      %add3A_175 = arith.addi %mul3A_81, %add3A_174 : i32
      %dma_wait3A_176 = arith.constant 0 : i32
      %dma_wait3A_177 = tpu.memref_slice %arg7[%add3A_175, %dma_wait3A_176] : memref<81x128xi32, #tpu.memory_space<vmem>> -> memref<1x128xi32, #tpu.memory_space<vmem>>
      %dma_wait3A_178 = tpu.memref_squeeze %dma_wait3A_177 : memref<1x128xi32, #tpu.memory_space<vmem>> -> memref<128xi32, #tpu.memory_space<vmem>>
      %dma_wait3A_179 = arith.constant 0 : i32
      %dma_wait3A_180 = arith.constant 0 : i32
      %dma_wait3A_181 = tpu.memref_slice %arg2[%dma_wait3A_179, %dma_wait3A_180] : memref<10000x64xf32, #tpu.memory_space<hbm>> -> memref<10000x64xf32, #tpu.memory_space<hbm>>
      tpu.wait_indirect_dma semaphore(%arg22 : memref<!tpu.dma_semaphore, #tpu.memory_space<semaphore_mem>>) src(%dma_wait3A_181 : memref<10000x64xf32, #tpu.memory_space<hbm>>) dst(%arg14 : memref<128x64xf32, #tpu.memory_space<vmem>>)
      %add3A_182 = arith.constant 5 : i32
      %add3A_183 = arith.addi %mul3A_81, %add3A_182 : i32
      "tpu.region"() ({
        %run_scoped3A_193 = tpu.sem_alloc : memref<!tpu.dma_semaphore, #tpu.memory_space<semaphore_mem>>
        %dma_start3A_194 = arith.constant 0 : i32
        %dma_start3A_195 = tpu.memref_slice %arg8[%add3A_183, %dma_start3A_194] : memref<81x128xi32, #tpu.memory_space<vmem>> -> memref<1x128xi32, #tpu.memory_space<vmem>>
        %dma_start3A_196 = tpu.memref_squeeze %dma_start3A_195 : memref<1x128xi32, #tpu.memory_space<vmem>> -> memref<128xi32, #tpu.memory_space<vmem>>
        %dma_start3A_197 = arith.constant 0 : i32
        %dma_start3A_198 = arith.constant 0 : i32
        %dma_start3A_199 = tpu.memref_slice %arg16[%dma_start3A_197, %dma_start3A_198] : memref<10112x64xf32, #tpu.memory_space<vmem_shared>> -> memref<10112x64xf32, #tpu.memory_space<vmem_shared>>
        tpu.enqueue_indirect_dma source(%arg14 : memref<128x64xf32, #tpu.memory_space<vmem>>) target(%dma_start3A_199 : memref<10112x64xf32, #tpu.memory_space<vmem_shared>>) offsets(%dma_start3A_196 : memref<128xi32, #tpu.memory_space<vmem>>) semaphore(%run_scoped3A_193 : memref<!tpu.dma_semaphore, #tpu.memory_space<semaphore_mem>>) {add = true}
        %dma_wait3A_200 = arith.constant 0 : i32
        %dma_wait3A_201 = tpu.memref_slice %arg8[%add3A_183, %dma_wait3A_200] : memref<81x128xi32, #tpu.memory_space<vmem>> -> memref<1x128xi32, #tpu.memory_space<vmem>>
        %dma_wait3A_202 = tpu.memref_squeeze %dma_wait3A_201 : memref<1x128xi32, #tpu.memory_space<vmem>> -> memref<128xi32, #tpu.memory_space<vmem>>
        %dma_wait3A_203 = arith.constant 0 : i32
        %dma_wait3A_204 = arith.constant 0 : i32
        %dma_wait3A_205 = tpu.memref_slice %arg16[%dma_wait3A_203, %dma_wait3A_204] : memref<10112x64xf32, #tpu.memory_space<vmem_shared>> -> memref<10112x64xf32, #tpu.memory_space<vmem_shared>>
        tpu.wait_indirect_dma semaphore(%run_scoped3A_193 : memref<!tpu.dma_semaphore, #tpu.memory_space<semaphore_mem>>) src(%arg14 : memref<128x64xf32, #tpu.memory_space<vmem>>) dst(%dma_wait3A_205 : memref<10112x64xf32, #tpu.memory_space<vmem_shared>>)
        tpu.yield
      }) : () -> ()
      %add3A_184 = arith.constant 5 : i32
      %add3A_185 = arith.addi %mul3A_81, %add3A_184 : i32
      %add3A_186 = arith.constant 6 : i32
      %add3A_187 = arith.addi %add3A_185, %add3A_186 : i32
      %lt3A_188 = arith.constant 81 : i32
      %lt3A_189 = arith.cmpi slt, %add3A_187, %lt3A_188 : i32
      %convert_element_type3A_190 = arith.extui %lt3A_189 : i1 to i32
      %cond3A_191 = arith.constant 0 : i32
      %cond3A_192 = arith.cmpi ne, %convert_element_type3A_190, %cond3A_191 : i32
      scf.if %cond3A_192 {
        %add3A_193 = arith.constant 5 : i32
        %add3A_194 = arith.addi %mul3A_81, %add3A_193 : i32
        %add3A_195 = arith.constant 6 : i32
        %add3A_196 = arith.addi %add3A_194, %add3A_195 : i32
        %dma_start3A_197 = arith.constant 0 : i32
        %dma_start3A_198 = tpu.memref_slice %arg7[%add3A_196, %dma_start3A_197] : memref<81x128xi32, #tpu.memory_space<vmem>> -> memref<1x128xi32, #tpu.memory_space<vmem>>
        %dma_start3A_199 = tpu.memref_squeeze %dma_start3A_198 : memref<1x128xi32, #tpu.memory_space<vmem>> -> memref<128xi32, #tpu.memory_space<vmem>>
        %dma_start3A_200 = arith.constant 0 : i32
        %dma_start3A_201 = arith.constant 0 : i32
        %dma_start3A_202 = tpu.memref_slice %arg2[%dma_start3A_200, %dma_start3A_201] : memref<10000x64xf32, #tpu.memory_space<hbm>> -> memref<10000x64xf32, #tpu.memory_space<hbm>>
        tpu.enqueue_indirect_dma source(%dma_start3A_202 : memref<10000x64xf32, #tpu.memory_space<hbm>>) target(%arg14 : memref<128x64xf32, #tpu.memory_space<vmem>>) offsets(%dma_start3A_199 : memref<128xi32, #tpu.memory_space<vmem>>) semaphore(%arg22 : memref<!tpu.dma_semaphore, #tpu.memory_space<semaphore_mem>>)
      } else {
      }
    }
    %scan3A_50 = arith.constant 13 : i32
    %dma_wait3A = arith.constant 78 : i32
    %dma_wait3A_51 = arith.constant 0 : i32
    %dma_wait3A_52 = tpu.memref_slice %arg7[%dma_wait3A, %dma_wait3A_51] : memref<81x128xi32, #tpu.memory_space<vmem>> -> memref<1x128xi32, #tpu.memory_space<vmem>>
    %dma_wait3A_53 = tpu.memref_squeeze %dma_wait3A_52 : memref<1x128xi32, #tpu.memory_space<vmem>> -> memref<128xi32, #tpu.memory_space<vmem>>
    %dma_wait3A_54 = arith.constant 0 : i32
    %dma_wait3A_55 = arith.constant 0 : i32
    %dma_wait3A_56 = tpu.memref_slice %arg2[%dma_wait3A_54, %dma_wait3A_55] : memref<10000x64xf32, #tpu.memory_space<hbm>> -> memref<10000x64xf32, #tpu.memory_space<hbm>>
    tpu.wait_indirect_dma semaphore(%arg17 : memref<!tpu.dma_semaphore, #tpu.memory_space<semaphore_mem>>) src(%dma_wait3A_56 : memref<10000x64xf32, #tpu.memory_space<hbm>>) dst(%arg9 : memref<128x64xf32, #tpu.memory_space<vmem>>)
    %run_scoped3A = arith.constant 78 : i32
    "tpu.region"() ({
      %run_scoped3A_79 = tpu.sem_alloc : memref<!tpu.dma_semaphore, #tpu.memory_space<semaphore_mem>>
      %dma_start3A_80 = arith.constant 0 : i32
      %dma_start3A_81 = tpu.memref_slice %arg8[%run_scoped3A, %dma_start3A_80] : memref<81x128xi32, #tpu.memory_space<vmem>> -> memref<1x128xi32, #tpu.memory_space<vmem>>
      %dma_start3A_82 = tpu.memref_squeeze %dma_start3A_81 : memref<1x128xi32, #tpu.memory_space<vmem>> -> memref<128xi32, #tpu.memory_space<vmem>>
      %dma_start3A_83 = arith.constant 0 : i32
      %dma_start3A_84 = arith.constant 0 : i32
      %dma_start3A_85 = tpu.memref_slice %arg16[%dma_start3A_83, %dma_start3A_84] : memref<10112x64xf32, #tpu.memory_space<vmem_shared>> -> memref<10112x64xf32, #tpu.memory_space<vmem_shared>>
      tpu.enqueue_indirect_dma source(%arg9 : memref<128x64xf32, #tpu.memory_space<vmem>>) target(%dma_start3A_85 : memref<10112x64xf32, #tpu.memory_space<vmem_shared>>) offsets(%dma_start3A_82 : memref<128xi32, #tpu.memory_space<vmem>>) semaphore(%run_scoped3A_79 : memref<!tpu.dma_semaphore, #tpu.memory_space<semaphore_mem>>) {add = true}
      %dma_wait3A_86 = arith.constant 0 : i32
      %dma_wait3A_87 = tpu.memref_slice %arg8[%run_scoped3A, %dma_wait3A_86] : memref<81x128xi32, #tpu.memory_space<vmem>> -> memref<1x128xi32, #tpu.memory_space<vmem>>
      %dma_wait3A_88 = tpu.memref_squeeze %dma_wait3A_87 : memref<1x128xi32, #tpu.memory_space<vmem>> -> memref<128xi32, #tpu.memory_space<vmem>>
      %dma_wait3A_89 = arith.constant 0 : i32
      %dma_wait3A_90 = arith.constant 0 : i32
      %dma_wait3A_91 = tpu.memref_slice %arg16[%dma_wait3A_89, %dma_wait3A_90] : memref<10112x64xf32, #tpu.memory_space<vmem_shared>> -> memref<10112x64xf32, #tpu.memory_space<vmem_shared>>
      tpu.wait_indirect_dma semaphore(%run_scoped3A_79 : memref<!tpu.dma_semaphore, #tpu.memory_space<semaphore_mem>>) src(%arg9 : memref<128x64xf32, #tpu.memory_space<vmem>>) dst(%dma_wait3A_91 : memref<10112x64xf32, #tpu.memory_space<vmem_shared>>)
      tpu.yield
    }) : () -> ()
    %dma_wait3A_57 = arith.constant 79 : i32
    %dma_wait3A_58 = arith.constant 0 : i32
    %dma_wait3A_59 = tpu.memref_slice %arg7[%dma_wait3A_57, %dma_wait3A_58] : memref<81x128xi32, #tpu.memory_space<vmem>> -> memref<1x128xi32, #tpu.memory_space<vmem>>
    %dma_wait3A_60 = tpu.memref_squeeze %dma_wait3A_59 : memref<1x128xi32, #tpu.memory_space<vmem>> -> memref<128xi32, #tpu.memory_space<vmem>>
    %dma_wait3A_61 = arith.constant 0 : i32
    %dma_wait3A_62 = arith.constant 0 : i32
    %dma_wait3A_63 = tpu.memref_slice %arg2[%dma_wait3A_61, %dma_wait3A_62] : memref<10000x64xf32, #tpu.memory_space<hbm>> -> memref<10000x64xf32, #tpu.memory_space<hbm>>
    tpu.wait_indirect_dma semaphore(%arg18 : memref<!tpu.dma_semaphore, #tpu.memory_space<semaphore_mem>>) src(%dma_wait3A_63 : memref<10000x64xf32, #tpu.memory_space<hbm>>) dst(%arg10 : memref<128x64xf32, #tpu.memory_space<vmem>>)
    %run_scoped3A_64 = arith.constant 79 : i32
    "tpu.region"() ({
      %run_scoped3A_79 = tpu.sem_alloc : memref<!tpu.dma_semaphore, #tpu.memory_space<semaphore_mem>>
      %dma_start3A_80 = arith.constant 0 : i32
      %dma_start3A_81 = tpu.memref_slice %arg8[%run_scoped3A_64, %dma_start3A_80] : memref<81x128xi32, #tpu.memory_space<vmem>> -> memref<1x128xi32, #tpu.memory_space<vmem>>
      %dma_start3A_82 = tpu.memref_squeeze %dma_start3A_81 : memref<1x128xi32, #tpu.memory_space<vmem>> -> memref<128xi32, #tpu.memory_space<vmem>>
      %dma_start3A_83 = arith.constant 0 : i32
      %dma_start3A_84 = arith.constant 0 : i32
      %dma_start3A_85 = tpu.memref_slice %arg16[%dma_start3A_83, %dma_start3A_84] : memref<10112x64xf32, #tpu.memory_space<vmem_shared>> -> memref<10112x64xf32, #tpu.memory_space<vmem_shared>>
      tpu.enqueue_indirect_dma source(%arg10 : memref<128x64xf32, #tpu.memory_space<vmem>>) target(%dma_start3A_85 : memref<10112x64xf32, #tpu.memory_space<vmem_shared>>) offsets(%dma_start3A_82 : memref<128xi32, #tpu.memory_space<vmem>>) semaphore(%run_scoped3A_79 : memref<!tpu.dma_semaphore, #tpu.memory_space<semaphore_mem>>) {add = true}
      %dma_wait3A_86 = arith.constant 0 : i32
      %dma_wait3A_87 = tpu.memref_slice %arg8[%run_scoped3A_64, %dma_wait3A_86] : memref<81x128xi32, #tpu.memory_space<vmem>> -> memref<1x128xi32, #tpu.memory_space<vmem>>
      %dma_wait3A_88 = tpu.memref_squeeze %dma_wait3A_87 : memref<1x128xi32, #tpu.memory_space<vmem>> -> memref<128xi32, #tpu.memory_space<vmem>>
      %dma_wait3A_89 = arith.constant 0 : i32
      %dma_wait3A_90 = arith.constant 0 : i32
      %dma_wait3A_91 = tpu.memref_slice %arg16[%dma_wait3A_89, %dma_wait3A_90] : memref<10112x64xf32, #tpu.memory_space<vmem_shared>> -> memref<10112x64xf32, #tpu.memory_space<vmem_shared>>
      tpu.wait_indirect_dma semaphore(%run_scoped3A_79 : memref<!tpu.dma_semaphore, #tpu.memory_space<semaphore_mem>>) src(%arg10 : memref<128x64xf32, #tpu.memory_space<vmem>>) dst(%dma_wait3A_91 : memref<10112x64xf32, #tpu.memory_space<vmem_shared>>)
      tpu.yield
    }) : () -> ()
    %dma_wait3A_65 = arith.constant 80 : i32
    %dma_wait3A_66 = arith.constant 0 : i32
    %dma_wait3A_67 = tpu.memref_slice %arg7[%dma_wait3A_65, %dma_wait3A_66] : memref<81x128xi32, #tpu.memory_space<vmem>> -> memref<1x128xi32, #tpu.memory_space<vmem>>
    %dma_wait3A_68 = tpu.memref_squeeze %dma_wait3A_67 : memref<1x128xi32, #tpu.memory_space<vmem>> -> memref<128xi32, #tpu.memory_space<vmem>>
    %dma_wait3A_69 = arith.constant 0 : i32
    %dma_wait3A_70 = arith.constant 0 : i32
    %dma_wait3A_71 = tpu.memref_slice %arg2[%dma_wait3A_69, %dma_wait3A_70] : memref<10000x64xf32, #tpu.memory_space<hbm>> -> memref<10000x64xf32, #tpu.memory_space<hbm>>
    tpu.wait_indirect_dma semaphore(%arg19 : memref<!tpu.dma_semaphore, #tpu.memory_space<semaphore_mem>>) src(%dma_wait3A_71 : memref<10000x64xf32, #tpu.memory_space<hbm>>) dst(%arg11 : memref<128x64xf32, #tpu.memory_space<vmem>>)
    %run_scoped3A_72 = arith.constant 80 : i32
    "tpu.region"() ({
      %run_scoped3A_79 = tpu.sem_alloc : memref<!tpu.dma_semaphore, #tpu.memory_space<semaphore_mem>>
      %dma_start3A_80 = arith.constant 0 : i32
      %dma_start3A_81 = tpu.memref_slice %arg8[%run_scoped3A_72, %dma_start3A_80] : memref<81x128xi32, #tpu.memory_space<vmem>> -> memref<1x128xi32, #tpu.memory_space<vmem>>
      %dma_start3A_82 = tpu.memref_squeeze %dma_start3A_81 : memref<1x128xi32, #tpu.memory_space<vmem>> -> memref<128xi32, #tpu.memory_space<vmem>>
      %dma_start3A_83 = arith.constant 0 : i32
      %dma_start3A_84 = arith.constant 0 : i32
      %dma_start3A_85 = tpu.memref_slice %arg16[%dma_start3A_83, %dma_start3A_84] : memref<10112x64xf32, #tpu.memory_space<vmem_shared>> -> memref<10112x64xf32, #tpu.memory_space<vmem_shared>>
      tpu.enqueue_indirect_dma source(%arg11 : memref<128x64xf32, #tpu.memory_space<vmem>>) target(%dma_start3A_85 : memref<10112x64xf32, #tpu.memory_space<vmem_shared>>) offsets(%dma_start3A_82 : memref<128xi32, #tpu.memory_space<vmem>>) semaphore(%run_scoped3A_79 : memref<!tpu.dma_semaphore, #tpu.memory_space<semaphore_mem>>) {add = true}
      %dma_wait3A_86 = arith.constant 0 : i32
      %dma_wait3A_87 = tpu.memref_slice %arg8[%run_scoped3A_72, %dma_wait3A_86] : memref<81x128xi32, #tpu.memory_space<vmem>> -> memref<1x128xi32, #tpu.memory_space<vmem>>
      %dma_wait3A_88 = tpu.memref_squeeze %dma_wait3A_87 : memref<1x128xi32, #tpu.memory_space<vmem>> -> memref<128xi32, #tpu.memory_space<vmem>>
      %dma_wait3A_89 = arith.constant 0 : i32
      %dma_wait3A_90 = arith.constant 0 : i32
      %dma_wait3A_91 = tpu.memref_slice %arg16[%dma_wait3A_89, %dma_wait3A_90] : memref<10112x64xf32, #tpu.memory_space<vmem_shared>> -> memref<10112x64xf32, #tpu.memory_space<vmem_shared>>
      tpu.wait_indirect_dma semaphore(%run_scoped3A_79 : memref<!tpu.dma_semaphore, #tpu.memory_space<semaphore_mem>>) src(%arg11 : memref<128x64xf32, #tpu.memory_space<vmem>>) dst(%dma_wait3A_91 : memref<10112x64xf32, #tpu.memory_space<vmem_shared>>)
      tpu.yield
    }) : () -> ()
    %barrier3A_73 = arith.constant 0 : index
    tpu.barrier barrier_id(%barrier3A_73)
    %scan3A_74 = arith.constant 0 : i32
    %scan3A_75 = arith.constant 4 : i32
    %scan3A_76 = arith.addi %scan3A_74, %scan3A_75 : i32
    %scan3A_77 = arith.constant 1 : i32
    scf.for %scan3A_79 = %scan3A_74 to %scan3A_76 step %scan3A_77  : i32 {
      %mul3A_80 = arith.constant 632 : i32
      %mul3A_81 = arith.muli %arg1, %mul3A_80 : i32
      %mul3A_82 = arith.constant 158 : i32
      %mul3A_83 = arith.muli %scan3A_79, %mul3A_82 : i32
      %add3A_84 = arith.addi %mul3A_81, %mul3A_83 : i32
      "tpu.region"() ({
        %run_scoped3A_88 = tpu.sem_alloc : memref<!tpu.dma_semaphore, #tpu.memory_space<semaphore_mem>>
        %dma_start3A_89 = arith.constant 0 : i32
        %dma_start3A_90 = tpu.memref_slice %arg16[%add3A_84, %dma_start3A_89] : memref<10112x64xf32, #tpu.memory_space<vmem_shared>> -> memref<158x64xf32, #tpu.memory_space<vmem_shared>>
        %dma_start3A_91 = arith.constant 0 : i32
        %dma_start3A_92 = tpu.memref_slice %arg16[%add3A_84, %dma_start3A_91] : memref<10112x64xf32, #tpu.memory_space<vmem_shared>> -> memref<158x64xf32, #tpu.memory_space<vmem_shared>>
        tpu.enqueue_dma source(%dma_start3A_92 : memref<158x64xf32, #tpu.memory_space<vmem_shared>>) target(%arg15 : memref<158x64xf32, #tpu.memory_space<vmem>>) target_semaphore(%run_scoped3A_88 : memref<!tpu.dma_semaphore, #tpu.memory_space<semaphore_mem>>)
        %dma_wait3A_93 = arith.constant 0 : i32
        %dma_wait3A_94 = tpu.memref_slice %arg16[%add3A_84, %dma_wait3A_93] : memref<10112x64xf32, #tpu.memory_space<vmem_shared>> -> memref<158x64xf32, #tpu.memory_space<vmem_shared>>
        %dma_wait3A_95 = arith.constant 0 : i32
        %dma_wait3A_96 = tpu.memref_slice %arg16[%add3A_84, %dma_wait3A_95] : memref<10112x64xf32, #tpu.memory_space<vmem_shared>> -> memref<158x64xf32, #tpu.memory_space<vmem_shared>>
        tpu.wait_dma2 semaphore(%run_scoped3A_88 : memref<!tpu.dma_semaphore, #tpu.memory_space<semaphore_mem>>) src(%dma_wait3A_96 : memref<158x64xf32, #tpu.memory_space<vmem_shared>>) dst(%arg15 : memref<158x64xf32, #tpu.memory_space<vmem>>)
        tpu.yield
      }) : () -> ()
      %mul3A_85 = arith.constant 10112 : i32
      %mul3A_86 = arith.muli %arg0, %mul3A_85 : i32
      %add3A_87 = arith.addi %mul3A_86, %add3A_84 : i32
      "tpu.region"() ({
        %run_scoped3A_88 = tpu.sem_alloc : memref<!tpu.dma_semaphore, #tpu.memory_space<semaphore_mem>>
        %dma_start3A_89 = arith.constant 0 : i32
        %dma_start3A_90 = tpu.memref_slice %arg6[%add3A_87, %dma_start3A_89] : memref<20224x64xf32, #tpu.memory_space<hbm>> -> memref<158x64xf32, #tpu.memory_space<hbm>>
        %dma_start3A_91 = arith.constant 0 : i32
        %dma_start3A_92 = tpu.memref_slice %arg6[%add3A_87, %dma_start3A_91] : memref<20224x64xf32, #tpu.memory_space<hbm>> -> memref<158x64xf32, #tpu.memory_space<hbm>>
        tpu.enqueue_dma source(%arg15 : memref<158x64xf32, #tpu.memory_space<vmem>>) target(%dma_start3A_92 : memref<158x64xf32, #tpu.memory_space<hbm>>) target_semaphore(%run_scoped3A_88 : memref<!tpu.dma_semaphore, #tpu.memory_space<semaphore_mem>>)
        %dma_wait3A_93 = arith.constant 0 : i32
        %dma_wait3A_94 = tpu.memref_slice %arg6[%add3A_87, %dma_wait3A_93] : memref<20224x64xf32, #tpu.memory_space<hbm>> -> memref<158x64xf32, #tpu.memory_space<hbm>>
        %dma_wait3A_95 = arith.constant 0 : i32
        %dma_wait3A_96 = tpu.memref_slice %arg6[%add3A_87, %dma_wait3A_95] : memref<20224x64xf32, #tpu.memory_space<hbm>> -> memref<158x64xf32, #tpu.memory_space<hbm>>
        tpu.wait_dma2 semaphore(%run_scoped3A_88 : memref<!tpu.dma_semaphore, #tpu.memory_space<semaphore_mem>>) src(%arg15 : memref<158x64xf32, #tpu.memory_space<vmem>>) dst(%dma_wait3A_96 : memref<158x64xf32, #tpu.memory_space<hbm>>)
        tpu.yield
      }) : () -> ()
    }
    %scan3A_78 = arith.constant 4 : i32
    return
  }
}

module attributes {stable_mosaic.version = 14 : i64} {
  func.func @_tc_edges_body(%arg0: memref<2x320000xi32, #tpu.memory_space<vmem>>, %arg1: memref<331776xi32, #tpu.memory_space<vmem>>, %arg2: memref<331776xi32, #tpu.memory_space<vmem>>) attributes {dimension_semantics = [], scalar_prefetch = 0 : i64, scratch_operands = 0 : i64, tpu.core_type = #tpu.core_type<tc>} {
    %get3A = arith.constant 0 : index
    %get3A_0 = arith.constant 0 : index
    %get3A_1 = vector.load %arg0[%get3A, %get3A_0] : memref<2x320000xi32, #tpu.memory_space<vmem>>, vector<2x320000xi32>
    %iota3A = tpu.iota {dimensions = array<i32: 1>} : vector<1x11776xi32>
    %iota3A_2 = vector.shape_cast %iota3A : vector<1x11776xi32> to vector<11776xi32>
    %slice3A = vector.extract_strided_slice %get3A_1 {offsets = [0, 0], sizes = [1, 320000], strides = [1, 1]} : vector<2x320000xi32> to vector<1x320000xi32>
    %squeeze3A = vector.shape_cast %slice3A : vector<1x320000xi32> to vector<320000xi32>
    %swap3A = arith.constant 0 : index
    %swap3A_3 = vector.load %arg1[%swap3A] : memref<331776xi32, #tpu.memory_space<vmem>>, vector<320000xi32>
    tpu.vector_store %arg1[%swap3A], %squeeze3A {strides = array<i32>} : memref<331776xi32, #tpu.memory_space<vmem>>, vector<320000xi32>,
    %lt3A = arith.constant 10000 : i32
    %lt3A_4 = vector.broadcast %lt3A : i32 to vector<11776xi32>
    %lt3A_5 = arith.cmpi slt, %iota3A_2, %lt3A_4 : vector<11776xi32>
    %sub3A = arith.constant 10000 : i32
    %sub3A_6 = vector.broadcast %sub3A : i32 to vector<11776xi32>
    %sub3A_7 = arith.subi %iota3A_2, %sub3A_6 : vector<11776xi32>
    %select_n3A = arith.select %lt3A_5, %iota3A_2, %sub3A_7 : vector<11776xi1>, vector<11776xi32>
    %swap3A_8 = arith.constant 320000 : index
    %swap3A_9 = vector.load %arg1[%swap3A_8] : memref<331776xi32, #tpu.memory_space<vmem>>, vector<11776xi32>
    tpu.vector_store %arg1[%swap3A_8], %select_n3A {strides = array<i32>} : memref<331776xi32, #tpu.memory_space<vmem>>, vector<11776xi32>,
    %slice3A_10 = vector.extract_strided_slice %get3A_1 {offsets = [1, 0], sizes = [1, 320000], strides = [1, 1]} : vector<2x320000xi32> to vector<1x320000xi32>
    %squeeze3A_11 = vector.shape_cast %slice3A_10 : vector<1x320000xi32> to vector<320000xi32>
    %swap3A_12 = arith.constant 0 : index
    %swap3A_13 = vector.load %arg2[%swap3A_12] : memref<331776xi32, #tpu.memory_space<vmem>>, vector<320000xi32>
    tpu.vector_store %arg2[%swap3A_12], %squeeze3A_11 {strides = array<i32>} : memref<331776xi32, #tpu.memory_space<vmem>>, vector<320000xi32>,
    %lt3A_14 = arith.constant 10000 : i32
    %lt3A_15 = vector.broadcast %lt3A_14 : i32 to vector<11776xi32>
    %lt3A_16 = arith.cmpi slt, %iota3A_2, %lt3A_15 : vector<11776xi32>
    %sub3A_17 = arith.constant 10000 : i32
    %sub3A_18 = vector.broadcast %sub3A_17 : i32 to vector<11776xi32>
    %sub3A_19 = arith.subi %iota3A_2, %sub3A_18 : vector<11776xi32>
    %jit3A = arith.constant 112 : i32
    %eq3A = arith.constant 0 : i32
    %eq3A_20 = arith.cmpi eq, %jit3A, %eq3A : i32
    %jit3A_21 = arith.constant 1 : i32
    %select_n3A_22 = arith.select %eq3A_20, %jit3A_21, %jit3A : i32
    %rem3A = vector.broadcast %select_n3A_22 : i32 to vector<11776xi32>
    %rem3A_23 = arith.remsi %sub3A_19, %rem3A : vector<11776xi32>
    %ne3A = arith.constant 0 : i32
    %ne3A_24 = vector.broadcast %ne3A : i32 to vector<11776xi32>
    %ne3A_25 = arith.cmpi ne, %rem3A_23, %ne3A_24 : vector<11776xi32>
    %lt3A_26 = arith.constant 0 : i32
    %lt3A_27 = vector.broadcast %lt3A_26 : i32 to vector<11776xi32>
    %lt3A_28 = arith.cmpi slt, %rem3A_23, %lt3A_27 : vector<11776xi32>
    %lt3A_29 = arith.constant 0 : i32
    %lt3A_30 = arith.cmpi slt, %select_n3A_22, %lt3A_29 : i32
    %ne3A_31 = vector.broadcast %lt3A_30 : i1 to vector<11776xi1>
    %ne3A_32 = vector.broadcast %ne3A_31 : vector<11776xi1> to vector<11776xi1>
    %ne3A_33 = arith.xori %lt3A_28, %ne3A_32 : vector<11776xi1>
    %and3A = arith.andi %ne3A_33, %ne3A_25 : vector<11776xi1>
    %add3A = vector.broadcast %select_n3A_22 : i32 to vector<11776xi32>
    %add3A_34 = arith.addi %rem3A_23, %add3A : vector<11776xi32>
    %select_n3A_35 = arith.select %and3A, %add3A_34, %rem3A_23 : vector<11776xi1>, vector<11776xi32>
    %add3A_36 = arith.constant 10000 : i32
    %add3A_37 = vector.broadcast %add3A_36 : i32 to vector<11776xi32>
    %add3A_38 = arith.addi %add3A_37, %select_n3A_35 : vector<11776xi32>
    %select_n3A_39 = arith.select %lt3A_16, %iota3A_2, %add3A_38 : vector<11776xi1>, vector<11776xi32>
    %swap3A_40 = arith.constant 320000 : index
    %swap3A_41 = vector.load %arg2[%swap3A_40] : memref<331776xi32, #tpu.memory_space<vmem>>, vector<11776xi32>
    tpu.vector_store %arg2[%swap3A_40], %select_n3A_39 {strides = array<i32>} : memref<331776xi32, #tpu.memory_space<vmem>>, vector<11776xi32>,
    return
  }
}

module attributes {stable_mosaic.version = 14 : i64} {
  func.func @_tc_dinv_body(%arg0: memref<1264x128xf32, #tpu.memory_space<vmem>>, %arg1: memref<1024x128xf32, #tpu.memory_space<vmem>>, %arg2: memref<5000x128xf32, #tpu.memory_space<vmem>>) attributes {dimension_semantics = [], scalar_prefetch = 0 : i64, scratch_operands = 0 : i64, tpu.core_type = #tpu.core_type<tc>} {
    %get3A = arith.constant 0 : index
    %get3A_0 = arith.constant 0 : index
    %get3A_1 = vector.load %arg0[%get3A, %get3A_0] : memref<1264x128xf32, #tpu.memory_space<vmem>>, vector<1264x128xf32>
    %slice3A = vector.extract_strided_slice %get3A_1 {offsets = [0, 0], sizes = [632, 128], strides = [1, 1]} : vector<1264x128xf32> to vector<632x128xf32>
    %slice3A_2 = vector.extract_strided_slice %get3A_1 {offsets = [632, 0], sizes = [632, 128], strides = [1, 1]} : vector<1264x128xf32> to vector<632x128xf32>
    %add3A = arith.addf %slice3A, %slice3A_2 : vector<632x128xf32>
    %rsqrt3A = math.rsqrt %add3A : vector<632x128xf32>
    %get3A_3 = arith.constant 0 : index
    %get3A_4 = arith.constant 0 : index
    %get3A_5 = vector.load %arg1[%get3A_3, %get3A_4] : memref<1024x128xf32, #tpu.memory_space<vmem>>, vector<1024x128xf32>
    %slice3A_6 = vector.extract_strided_slice %get3A_5 {offsets = [0, 0], sizes = [128, 128], strides = [1, 1]} : vector<1024x128xf32> to vector<128x128xf32>
    %dot_general3A = arith.constant dense<0.000000e+00> : vector<632x128xf32>
    %dot_general3A_7 = tpu.matmul %rsqrt3A, %slice3A_6, %dot_general3A {dimension_numbers = #tpu.dot_dimension_numbers<[1], [0], [0], [1], [0, 0, 1, 1], [], []>, precision = #tpu.contract_precision<fp32>, transpose_lhs_hint = false} : vector<632x128xf32>, vector<128x128xf32>, vector<632x128xf32> -> vector<632x128xf32>
    %broadcast_in_dim3A = vector.shape_cast %dot_general3A_7 : vector<632x128xf32> to vector<632x1x128xf32>
    %slice3A_8 = vector.extract_strided_slice %get3A_5 {offsets = [128, 0], sizes = [128, 128], strides = [1, 1]} : vector<1024x128xf32> to vector<128x128xf32>
    %dot_general3A_9 = arith.constant dense<0.000000e+00> : vector<632x128xf32>
    %dot_general3A_10 = tpu.matmul %rsqrt3A, %slice3A_8, %dot_general3A_9 {dimension_numbers = #tpu.dot_dimension_numbers<[1], [0], [0], [1], [0, 0, 1, 1], [], []>, precision = #tpu.contract_precision<fp32>, transpose_lhs_hint = false} : vector<632x128xf32>, vector<128x128xf32>, vector<632x128xf32> -> vector<632x128xf32>
    %broadcast_in_dim3A_11 = vector.shape_cast %dot_general3A_10 : vector<632x128xf32> to vector<632x1x128xf32>
    %slice3A_12 = vector.extract_strided_slice %get3A_5 {offsets = [256, 0], sizes = [128, 128], strides = [1, 1]} : vector<1024x128xf32> to vector<128x128xf32>
    %dot_general3A_13 = arith.constant dense<0.000000e+00> : vector<632x128xf32>
    %dot_general3A_14 = tpu.matmul %rsqrt3A, %slice3A_12, %dot_general3A_13 {dimension_numbers = #tpu.dot_dimension_numbers<[1], [0], [0], [1], [0, 0, 1, 1], [], []>, precision = #tpu.contract_precision<fp32>, transpose_lhs_hint = false} : vector<632x128xf32>, vector<128x128xf32>, vector<632x128xf32> -> vector<632x128xf32>
    %broadcast_in_dim3A_15 = vector.shape_cast %dot_general3A_14 : vector<632x128xf32> to vector<632x1x128xf32>
    %slice3A_16 = vector.extract_strided_slice %get3A_5 {offsets = [384, 0], sizes = [128, 128], strides = [1, 1]} : vector<1024x128xf32> to vector<128x128xf32>
    %dot_general3A_17 = arith.constant dense<0.000000e+00> : vector<632x128xf32>
    %dot_general3A_18 = tpu.matmul %rsqrt3A, %slice3A_16, %dot_general3A_17 {dimension_numbers = #tpu.dot_dimension_numbers<[1], [0], [0], [1], [0, 0, 1, 1], [], []>, precision = #tpu.contract_precision<fp32>, transpose_lhs_hint = false} : vector<632x128xf32>, vector<128x128xf32>, vector<632x128xf32> -> vector<632x128xf32>
    %broadcast_in_dim3A_19 = vector.shape_cast %dot_general3A_18 : vector<632x128xf32> to vector<632x1x128xf32>
    %slice3A_20 = vector.extract_strided_slice %get3A_5 {offsets = [512, 0], sizes = [128, 128], strides = [1, 1]} : vector<1024x128xf32> to vector<128x128xf32>
    %dot_general3A_21 = arith.constant dense<0.000000e+00> : vector<632x128xf32>
    %dot_general3A_22 = tpu.matmul %rsqrt3A, %slice3A_20, %dot_general3A_21 {dimension_numbers = #tpu.dot_dimension_numbers<[1], [0], [0], [1], [0, 0, 1, 1], [], []>, precision = #tpu.contract_precision<fp32>, transpose_lhs_hint = false} : vector<632x128xf32>, vector<128x128xf32>, vector<632x128xf32> -> vector<632x128xf32>
    %broadcast_in_dim3A_23 = vector.shape_cast %dot_general3A_22 : vector<632x128xf32> to vector<632x1x128xf32>
    %slice3A_24 = vector.extract_strided_slice %get3A_5 {offsets = [640, 0], sizes = [128, 128], strides = [1, 1]} : vector<1024x128xf32> to vector<128x128xf32>
    %dot_general3A_25 = arith.constant dense<0.000000e+00> : vector<632x128xf32>
    %dot_general3A_26 = tpu.matmul %rsqrt3A, %slice3A_24, %dot_general3A_25 {dimension_numbers = #tpu.dot_dimension_numbers<[1], [0], [0], [1], [0, 0, 1, 1], [], []>, precision = #tpu.contract_precision<fp32>, transpose_lhs_hint = false} : vector<632x128xf32>, vector<128x128xf32>, vector<632x128xf32> -> vector<632x128xf32>
    %broadcast_in_dim3A_27 = vector.shape_cast %dot_general3A_26 : vector<632x128xf32> to vector<632x1x128xf32>
    %slice3A_28 = vector.extract_strided_slice %get3A_5 {offsets = [768, 0], sizes = [128, 128], strides = [1, 1]} : vector<1024x128xf32> to vector<128x128xf32>
    %dot_general3A_29 = arith.constant dense<0.000000e+00> : vector<632x128xf32>
    %dot_general3A_30 = tpu.matmul %rsqrt3A, %slice3A_28, %dot_general3A_29 {dimension_numbers = #tpu.dot_dimension_numbers<[1], [0], [0], [1], [0, 0, 1, 1], [], []>, precision = #tpu.contract_precision<fp32>, transpose_lhs_hint = false} : vector<632x128xf32>, vector<128x128xf32>, vector<632x128xf32> -> vector<632x128xf32>
    %broadcast_in_dim3A_31 = vector.shape_cast %dot_general3A_30 : vector<632x128xf32> to vector<632x1x128xf32>
    %slice3A_32 = vector.extract_strided_slice %get3A_5 {offsets = [896, 0], sizes = [128, 128], strides = [1, 1]} : vector<1024x128xf32> to vector<128x128xf32>
    %dot_general3A_33 = arith.constant dense<0.000000e+00> : vector<632x128xf32>
    %dot_general3A_34 = tpu.matmul %rsqrt3A, %slice3A_32, %dot_general3A_33 {dimension_numbers = #tpu.dot_dimension_numbers<[1], [0], [0], [1], [0, 0, 1, 1], [], []>, precision = #tpu.contract_precision<fp32>, transpose_lhs_hint = false} : vector<632x128xf32>, vector<128x128xf32>, vector<632x128xf32> -> vector<632x128xf32>
    %broadcast_in_dim3A_35 = vector.shape_cast %dot_general3A_34 : vector<632x128xf32> to vector<632x1x128xf32>
    %concatenate3A = tpu.concatenate %broadcast_in_dim3A, %broadcast_in_dim3A_11, %broadcast_in_dim3A_15, %broadcast_in_dim3A_19, %broadcast_in_dim3A_23, %broadcast_in_dim3A_27, %broadcast_in_dim3A_31, %broadcast_in_dim3A_35 in 1 : vector<632x1x128xf32>, vector<632x1x128xf32>, vector<632x1x128xf32>, vector<632x1x128xf32>, vector<632x1x128xf32>, vector<632x1x128xf32>, vector<632x1x128xf32>, vector<632x1x128xf32> -> vector<632x8x128xf32>
    %reshape3A = vector.shape_cast %concatenate3A : vector<632x8x128xf32> to vector<5056x128xf32>
    %slice3A_36 = vector.extract_strided_slice %reshape3A {offsets = [0, 0], sizes = [5000, 128], strides = [1, 1]} : vector<5056x128xf32> to vector<5000x128xf32>
    %swap3A = arith.constant 0 : index
    %swap3A_37 = arith.constant 0 : index
    %swap3A_38 = vector.load %arg2[%swap3A, %swap3A_37] : memref<5000x128xf32, #tpu.memory_space<vmem>>, vector<5000x128xf32>
    tpu.vector_store %arg2[%swap3A, %swap3A_37], %slice3A_36 {strides = array<i32>} : memref<5000x128xf32, #tpu.memory_space<vmem>>, vector<5000x128xf32>,
    return
  }
}

module attributes {stable_mosaic.version = 14 : i64} {
  func.func @_tc_y0_body(%arg0: memref<5000x256xf32, #tpu.memory_space<vmem>>, %arg1: memref<256x128xf32, #tpu.memory_space<vmem>>, %arg2: memref<5000x128xf32, #tpu.memory_space<vmem>>, %arg3: memref<5000x128xf32, #tpu.memory_space<vmem>>) attributes {dimension_semantics = [], scalar_prefetch = 0 : i64, scratch_operands = 0 : i64, tpu.core_type = #tpu.core_type<tc>} {
    %get3A = arith.constant 0 : index
    %get3A_0 = arith.constant 0 : index
    %get3A_1 = vector.load %arg0[%get3A, %get3A_0] : memref<5000x256xf32, #tpu.memory_space<vmem>>, vector<5000x256xf32>
    %get3A_2 = arith.constant 0 : index
    %get3A_3 = arith.constant 0 : index
    %get3A_4 = vector.load %arg1[%get3A_2, %get3A_3] : memref<256x128xf32, #tpu.memory_space<vmem>>, vector<256x128xf32>
    %dot_general3A = arith.constant dense<0.000000e+00> : vector<5000x128xf32>
    %dot_general3A_5 = tpu.matmul %get3A_1, %get3A_4, %dot_general3A {dimension_numbers = #tpu.dot_dimension_numbers<[1], [0], [0], [1], [0, 0, 1, 1], [], []>, transpose_lhs_hint = false} : vector<5000x256xf32>, vector<256x128xf32>, vector<5000x128xf32> -> vector<5000x128xf32>
    %get3A_6 = arith.constant 0 : index
    %get3A_7 = arith.constant 0 : index
    %get3A_8 = vector.load %arg2[%get3A_6, %get3A_7] : memref<5000x128xf32, #tpu.memory_space<vmem>>, vector<5000x128xf32>
    %mul3A = arith.mulf %dot_general3A_5, %get3A_8 : vector<5000x128xf32>
    %swap3A = arith.constant 0 : index
    %swap3A_9 = arith.constant 0 : index
    %swap3A_10 = vector.load %arg3[%swap3A, %swap3A_9] : memref<5000x128xf32, #tpu.memory_space<vmem>>, vector<5000x128xf32>
    tpu.vector_store %arg3[%swap3A, %swap3A_9], %mul3A {strides = array<i32>} : memref<5000x128xf32, #tpu.memory_space<vmem>>, vector<5000x128xf32>,
    return
  }
}

module attributes {stable_mosaic.version = 14 : i64} {
  func.func @_tc_post_body(%arg0: memref<10112x128xf32, #tpu.memory_space<vmem>>, %arg1: memref<5000x128xf32, #tpu.memory_space<vmem>>, %arg2: memref<1x128xf32, #tpu.memory_space<vmem>>, %arg3: memref<1x128xf32, #tpu.memory_space<vmem>>, %arg4: memref<1x128xf32, #tpu.memory_space<vmem>>, %arg5: memref<128x128xf32, #tpu.memory_space<vmem>>, %arg6: memref<5000x128xf32, #tpu.memory_space<vmem>>) attributes {dimension_semantics = [], scalar_prefetch = 0 : i64, scratch_operands = 0 : i64, tpu.core_type = #tpu.core_type<tc>} {
    %get3A = arith.constant 0 : index
    %get3A_0 = arith.constant 0 : index
    %get3A_1 = vector.load %arg1[%get3A, %get3A_0] : memref<5000x128xf32, #tpu.memory_space<vmem>>, vector<5000x128xf32>
    %get3A_2 = arith.constant 0 : index
    %get3A_3 = arith.constant 0 : index
    %get3A_4 = vector.load %arg0[%get3A_2, %get3A_3] : memref<10112x128xf32, #tpu.memory_space<vmem>>, vector<10112x128xf32>
    %slice3A = vector.extract_strided_slice %get3A_4 {offsets = [0, 0], sizes = [5000, 128], strides = [1, 1]} : vector<10112x128xf32> to vector<5000x128xf32>
    %slice3A_5 = vector.extract_strided_slice %get3A_4 {offsets = [5056, 0], sizes = [5000, 128], strides = [1, 1]} : vector<10112x128xf32> to vector<5000x128xf32>
    %add3A = arith.addf %slice3A, %slice3A_5 : vector<5000x128xf32>
    %mul3A = arith.mulf %get3A_1, %add3A : vector<5000x128xf32>
    %get3A_6 = arith.constant 0 : index
    %get3A_7 = arith.constant 0 : index
    %get3A_8 = vector.load %arg2[%get3A_6, %get3A_7] : memref<1x128xf32, #tpu.memory_space<vmem>>, vector<1x128xf32>
    %add3A_9 = vector.broadcast %get3A_8 : vector<1x128xf32> to vector<5000x128xf32>
    %add3A_10 = arith.addf %mul3A, %add3A_9 : vector<5000x128xf32>
    %get3A_11 = arith.constant 0 : index
    %get3A_12 = arith.constant 0 : index
    %get3A_13 = vector.load %arg3[%get3A_11, %get3A_12] : memref<1x128xf32, #tpu.memory_space<vmem>>, vector<1x128xf32>
    %get3A_14 = arith.constant 0 : index
    %get3A_15 = arith.constant 0 : index
    %get3A_16 = vector.load %arg4[%get3A_14, %get3A_15] : memref<1x128xf32, #tpu.memory_space<vmem>>, vector<1x128xf32>
    %reduce_sum3A = arith.constant dense<0.000000e+00> : vector<128xf32>
    %reduce_sum3A_17 = vector.multi_reduction <add>, %add3A_10, %reduce_sum3A [0] : vector<5000x128xf32> to vector<128xf32>
    %broadcast_in_dim3A = vector.shape_cast %reduce_sum3A_17 : vector<128xf32> to vector<1x128xf32>
    %div3A = arith.constant 5.000000e+03 : f32
    %div3A_18 = vector.broadcast %div3A : f32 to vector<1x128xf32>
    %div3A_19 = arith.divf %broadcast_in_dim3A, %div3A_18 : vector<1x128xf32>
    %mul3A_20 = arith.mulf %add3A_10, %add3A_10 : vector<5000x128xf32>
    %reduce_sum3A_21 = arith.constant dense<0.000000e+00> : vector<128xf32>
    %reduce_sum3A_22 = vector.multi_reduction <add>, %mul3A_20, %reduce_sum3A_21 [0] : vector<5000x128xf32> to vector<128xf32>
    %broadcast_in_dim3A_23 = vector.shape_cast %reduce_sum3A_22 : vector<128xf32> to vector<1x128xf32>
    %div3A_24 = arith.constant 5.000000e+03 : f32
    %div3A_25 = vector.broadcast %div3A_24 : f32 to vector<1x128xf32>
    %div3A_26 = arith.divf %broadcast_in_dim3A_23, %div3A_25 : vector<1x128xf32>
    %slice3A_27 = vector.extract_strided_slice %div3A_19 {offsets = [0, 0], sizes = [1, 64], strides = [1, 1]} : vector<1x128xf32> to vector<1x64xf32>
    %slice3A_28 = vector.extract_strided_slice %div3A_19 {offsets = [0, 64], sizes = [1, 64], strides = [1, 1]} : vector<1x128xf32> to vector<1x64xf32>
    %add3A_29 = arith.addf %slice3A_27, %slice3A_28 : vector<1x64xf32>
    %mul3A_30 = arith.constant 5.000000e-01 : f32
    %mul3A_31 = vector.broadcast %mul3A_30 : f32 to vector<1x64xf32>
    %mul3A_32 = arith.mulf %add3A_29, %mul3A_31 : vector<1x64xf32>
    %slice3A_33 = vector.extract_strided_slice %div3A_26 {offsets = [0, 0], sizes = [1, 64], strides = [1, 1]} : vector<1x128xf32> to vector<1x64xf32>
    %slice3A_34 = vector.extract_strided_slice %div3A_26 {offsets = [0, 64], sizes = [1, 64], strides = [1, 1]} : vector<1x128xf32> to vector<1x64xf32>
    %add3A_35 = arith.addf %slice3A_33, %slice3A_34 : vector<1x64xf32>
    %mul3A_36 = arith.constant 5.000000e-01 : f32
    %mul3A_37 = vector.broadcast %mul3A_36 : f32 to vector<1x64xf32>
    %mul3A_38 = arith.mulf %add3A_35, %mul3A_37 : vector<1x64xf32>
    %mul3A_39 = arith.mulf %mul3A_32, %mul3A_32 : vector<1x64xf32>
    %sub3A = arith.subf %mul3A_38, %mul3A_39 : vector<1x64xf32>
    %concatenate3A = tpu.concatenate %mul3A_32, %mul3A_32 in 1 : vector<1x64xf32>, vector<1x64xf32> -> vector<1x128xf32>
    %add3A_40 = arith.constant 9.99999974E-6 : f32
    %add3A_41 = vector.broadcast %add3A_40 : f32 to vector<1x64xf32>
    %add3A_42 = arith.addf %sub3A, %add3A_41 : vector<1x64xf32>
    %rsqrt3A = math.rsqrt %add3A_42 : vector<1x64xf32>
    %add3A_43 = arith.constant 9.99999974E-6 : f32
    %add3A_44 = vector.broadcast %add3A_43 : f32 to vector<1x64xf32>
    %add3A_45 = arith.addf %sub3A, %add3A_44 : vector<1x64xf32>
    %rsqrt3A_46 = math.rsqrt %add3A_45 : vector<1x64xf32>
    %concatenate3A_47 = tpu.concatenate %rsqrt3A, %rsqrt3A_46 in 1 : vector<1x64xf32>, vector<1x64xf32> -> vector<1x128xf32>
    %sub3A_48 = vector.broadcast %concatenate3A : vector<1x128xf32> to vector<5000x128xf32>
    %sub3A_49 = arith.subf %add3A_10, %sub3A_48 : vector<5000x128xf32>
    %mul3A_50 = vector.broadcast %concatenate3A_47 : vector<1x128xf32> to vector<5000x128xf32>
    %mul3A_51 = arith.mulf %sub3A_49, %mul3A_50 : vector<5000x128xf32>
    %mul3A_52 = vector.broadcast %get3A_13 : vector<1x128xf32> to vector<5000x128xf32>
    %mul3A_53 = arith.mulf %mul3A_51, %mul3A_52 : vector<5000x128xf32>
    %add3A_54 = vector.broadcast %get3A_16 : vector<1x128xf32> to vector<5000x128xf32>
    %add3A_55 = arith.addf %mul3A_53, %add3A_54 : vector<5000x128xf32>
    %max3A = arith.constant 0.000000e+00 : f32
    %max3A_56 = vector.broadcast %max3A : f32 to vector<5000x128xf32>
    %max3A_57 = arith.maximumf %add3A_55, %max3A_56 : vector<5000x128xf32>
    %get3A_58 = arith.constant 0 : index
    %get3A_59 = arith.constant 0 : index
    %get3A_60 = vector.load %arg5[%get3A_58, %get3A_59] : memref<128x128xf32, #tpu.memory_space<vmem>>, vector<128x128xf32>
    %dot_general3A = arith.constant dense<0.000000e+00> : vector<5000x128xf32>
    %dot_general3A_61 = tpu.matmul %max3A_57, %get3A_60, %dot_general3A {dimension_numbers = #tpu.dot_dimension_numbers<[1], [0], [0], [1], [0, 0, 1, 1], [], []>, transpose_lhs_hint = false} : vector<5000x128xf32>, vector<128x128xf32>, vector<5000x128xf32> -> vector<5000x128xf32>
    %mul3A_62 = arith.mulf %dot_general3A_61, %get3A_1 : vector<5000x128xf32>
    %swap3A = arith.constant 0 : index
    %swap3A_63 = arith.constant 0 : index
    %swap3A_64 = vector.load %arg6[%swap3A, %swap3A_63] : memref<5000x128xf32, #tpu.memory_space<vmem>>, vector<5000x128xf32>
    tpu.vector_store %arg6[%swap3A, %swap3A_63], %mul3A_62 {strides = array<i32>} : memref<5000x128xf32, #tpu.memory_space<vmem>>, vector<5000x128xf32>,
    return
  }
}

module attributes {stable_mosaic.version = 14 : i64} {
  func.func @_tc_final_body(%arg0: memref<10112x128xf32, #tpu.memory_space<vmem>>, %arg1: memref<5000x128xf32, #tpu.memory_space<vmem>>, %arg2: memref<1x128xf32, #tpu.memory_space<vmem>>, %arg3: memref<1x128xf32, #tpu.memory_space<vmem>>, %arg4: memref<1x128xf32, #tpu.memory_space<vmem>>, %arg5: memref<128x64xf32, #tpu.memory_space<vmem>>, %arg6: memref<1x64xf32, #tpu.memory_space<vmem>>, %arg7: memref<64x20xf32, #tpu.memory_space<vmem>>, %arg8: memref<1x20xf32, #tpu.memory_space<vmem>>, %arg9: memref<5000x20xf32, #tpu.memory_space<vmem>>) attributes {dimension_semantics = [], scalar_prefetch = 0 : i64, scratch_operands = 0 : i64, tpu.core_type = #tpu.core_type<tc>} {
    %get3A = arith.constant 0 : index
    %get3A_0 = arith.constant 0 : index
    %get3A_1 = vector.load %arg0[%get3A, %get3A_0] : memref<10112x128xf32, #tpu.memory_space<vmem>>, vector<10112x128xf32>
    %get3A_2 = arith.constant 0 : index
    %get3A_3 = arith.constant 0 : index
    %get3A_4 = vector.load %arg1[%get3A_2, %get3A_3] : memref<5000x128xf32, #tpu.memory_space<vmem>>, vector<5000x128xf32>
    %slice3A = vector.extract_strided_slice %get3A_1 {offsets = [0, 0], sizes = [5000, 128], strides = [1, 1]} : vector<10112x128xf32> to vector<5000x128xf32>
    %slice3A_5 = vector.extract_strided_slice %get3A_1 {offsets = [5056, 0], sizes = [5000, 128], strides = [1, 1]} : vector<10112x128xf32> to vector<5000x128xf32>
    %add3A = arith.addf %slice3A, %slice3A_5 : vector<5000x128xf32>
    %mul3A = arith.mulf %get3A_4, %add3A : vector<5000x128xf32>
    %get3A_6 = arith.constant 0 : index
    %get3A_7 = arith.constant 0 : index
    %get3A_8 = vector.load %arg2[%get3A_6, %get3A_7] : memref<1x128xf32, #tpu.memory_space<vmem>>, vector<1x128xf32>
    %add3A_9 = vector.broadcast %get3A_8 : vector<1x128xf32> to vector<5000x128xf32>
    %add3A_10 = arith.addf %mul3A, %add3A_9 : vector<5000x128xf32>
    %get3A_11 = arith.constant 0 : index
    %get3A_12 = arith.constant 0 : index
    %get3A_13 = vector.load %arg3[%get3A_11, %get3A_12] : memref<1x128xf32, #tpu.memory_space<vmem>>, vector<1x128xf32>
    %get3A_14 = arith.constant 0 : index
    %get3A_15 = arith.constant 0 : index
    %get3A_16 = vector.load %arg4[%get3A_14, %get3A_15] : memref<1x128xf32, #tpu.memory_space<vmem>>, vector<1x128xf32>
    %reduce_sum3A = arith.constant dense<0.000000e+00> : vector<128xf32>
    %reduce_sum3A_17 = vector.multi_reduction <add>, %add3A_10, %reduce_sum3A [0] : vector<5000x128xf32> to vector<128xf32>
    %broadcast_in_dim3A = vector.shape_cast %reduce_sum3A_17 : vector<128xf32> to vector<1x128xf32>
    %div3A = arith.constant 5.000000e+03 : f32
    %div3A_18 = vector.broadcast %div3A : f32 to vector<1x128xf32>
    %div3A_19 = arith.divf %broadcast_in_dim3A, %div3A_18 : vector<1x128xf32>
    %mul3A_20 = arith.mulf %add3A_10, %add3A_10 : vector<5000x128xf32>
    %reduce_sum3A_21 = arith.constant dense<0.000000e+00> : vector<128xf32>
    %reduce_sum3A_22 = vector.multi_reduction <add>, %mul3A_20, %reduce_sum3A_21 [0] : vector<5000x128xf32> to vector<128xf32>
    %broadcast_in_dim3A_23 = vector.shape_cast %reduce_sum3A_22 : vector<128xf32> to vector<1x128xf32>
    %div3A_24 = arith.constant 5.000000e+03 : f32
    %div3A_25 = vector.broadcast %div3A_24 : f32 to vector<1x128xf32>
    %div3A_26 = arith.divf %broadcast_in_dim3A_23, %div3A_25 : vector<1x128xf32>
    %slice3A_27 = vector.extract_strided_slice %div3A_19 {offsets = [0, 0], sizes = [1, 64], strides = [1, 1]} : vector<1x128xf32> to vector<1x64xf32>
    %slice3A_28 = vector.extract_strided_slice %div3A_19 {offsets = [0, 64], sizes = [1, 64], strides = [1, 1]} : vector<1x128xf32> to vector<1x64xf32>
    %add3A_29 = arith.addf %slice3A_27, %slice3A_28 : vector<1x64xf32>
    %mul3A_30 = arith.constant 5.000000e-01 : f32
    %mul3A_31 = vector.broadcast %mul3A_30 : f32 to vector<1x64xf32>
    %mul3A_32 = arith.mulf %add3A_29, %mul3A_31 : vector<1x64xf32>
    %slice3A_33 = vector.extract_strided_slice %div3A_26 {offsets = [0, 0], sizes = [1, 64], strides = [1, 1]} : vector<1x128xf32> to vector<1x64xf32>
    %slice3A_34 = vector.extract_strided_slice %div3A_26 {offsets = [0, 64], sizes = [1, 64], strides = [1, 1]} : vector<1x128xf32> to vector<1x64xf32>
    %add3A_35 = arith.addf %slice3A_33, %slice3A_34 : vector<1x64xf32>
    %mul3A_36 = arith.constant 5.000000e-01 : f32
    %mul3A_37 = vector.broadcast %mul3A_36 : f32 to vector<1x64xf32>
    %mul3A_38 = arith.mulf %add3A_35, %mul3A_37 : vector<1x64xf32>
    %mul3A_39 = arith.mulf %mul3A_32, %mul3A_32 : vector<1x64xf32>
    %sub3A = arith.subf %mul3A_38, %mul3A_39 : vector<1x64xf32>
    %concatenate3A = tpu.concatenate %mul3A_32, %mul3A_32 in 1 : vector<1x64xf32>, vector<1x64xf32> -> vector<1x128xf32>
    %add3A_40 = arith.constant 9.99999974E-6 : f32
    %add3A_41 = vector.broadcast %add3A_40 : f32 to vector<1x64xf32>
    %add3A_42 = arith.addf %sub3A, %add3A_41 : vector<1x64xf32>
    %rsqrt3A = math.rsqrt %add3A_42 : vector<1x64xf32>
    %add3A_43 = arith.constant 9.99999974E-6 : f32
    %add3A_44 = vector.broadcast %add3A_43 : f32 to vector<1x64xf32>
    %add3A_45 = arith.addf %sub3A, %add3A_44 : vector<1x64xf32>
    %rsqrt3A_46 = math.rsqrt %add3A_45 : vector<1x64xf32>
    %concatenate3A_47 = tpu.concatenate %rsqrt3A, %rsqrt3A_46 in 1 : vector<1x64xf32>, vector<1x64xf32> -> vector<1x128xf32>
    %sub3A_48 = vector.broadcast %concatenate3A : vector<1x128xf32> to vector<5000x128xf32>
    %sub3A_49 = arith.subf %add3A_10, %sub3A_48 : vector<5000x128xf32>
    %mul3A_50 = vector.broadcast %concatenate3A_47 : vector<1x128xf32> to vector<5000x128xf32>
    %mul3A_51 = arith.mulf %sub3A_49, %mul3A_50 : vector<5000x128xf32>
    %mul3A_52 = vector.broadcast %get3A_13 : vector<1x128xf32> to vector<5000x128xf32>
    %mul3A_53 = arith.mulf %mul3A_51, %mul3A_52 : vector<5000x128xf32>
    %add3A_54 = vector.broadcast %get3A_16 : vector<1x128xf32> to vector<5000x128xf32>
    %add3A_55 = arith.addf %mul3A_53, %add3A_54 : vector<5000x128xf32>
    %max3A = arith.constant 0.000000e+00 : f32
    %max3A_56 = vector.broadcast %max3A : f32 to vector<5000x128xf32>
    %max3A_57 = arith.maximumf %add3A_55, %max3A_56 : vector<5000x128xf32>
    %get3A_58 = arith.constant 0 : index
    %get3A_59 = arith.constant 0 : index
    %get3A_60 = vector.load %arg5[%get3A_58, %get3A_59] : memref<128x64xf32, #tpu.memory_space<vmem>>, vector<128x64xf32>
    %dot_general3A = arith.constant dense<0.000000e+00> : vector<5000x64xf32>
    %dot_general3A_61 = tpu.matmul %max3A_57, %get3A_60, %dot_general3A {dimension_numbers = #tpu.dot_dimension_numbers<[1], [0], [0], [1], [0, 0, 1, 1], [], []>, transpose_lhs_hint = false} : vector<5000x128xf32>, vector<128x64xf32>, vector<5000x64xf32> -> vector<5000x64xf32>
    %get3A_62 = arith.constant 0 : index
    %get3A_63 = arith.constant 0 : index
    %get3A_64 = vector.load %arg6[%get3A_62, %get3A_63] : memref<1x64xf32, #tpu.memory_space<vmem>>, vector<1x64xf32>
    %add3A_65 = vector.broadcast %get3A_64 : vector<1x64xf32> to vector<5000x64xf32>
    %add3A_66 = arith.addf %dot_general3A_61, %add3A_65 : vector<5000x64xf32>
    %max3A_67 = arith.constant 0.000000e+00 : f32
    %max3A_68 = vector.broadcast %max3A_67 : f32 to vector<5000x64xf32>
    %max3A_69 = arith.maximumf %add3A_66, %max3A_68 : vector<5000x64xf32>
    %get3A_70 = arith.constant 0 : index
    %get3A_71 = arith.constant 0 : index
    %get3A_72 = vector.load %arg7[%get3A_70, %get3A_71] : memref<64x20xf32, #tpu.memory_space<vmem>>, vector<64x20xf32>
    %dot_general3A_73 = arith.constant dense<0.000000e+00> : vector<5000x20xf32>
    %dot_general3A_74 = tpu.matmul %max3A_69, %get3A_72, %dot_general3A_73 {dimension_numbers = #tpu.dot_dimension_numbers<[1], [0], [0], [1], [0, 0, 1, 1], [], []>, transpose_lhs_hint = false} : vector<5000x64xf32>, vector<64x20xf32>, vector<5000x20xf32> -> vector<5000x20xf32>
    %get3A_75 = arith.constant 0 : index
    %get3A_76 = arith.constant 0 : index
    %get3A_77 = vector.load %arg8[%get3A_75, %get3A_76] : memref<1x20xf32, #tpu.memory_space<vmem>>, vector<1x20xf32>
    %add3A_78 = vector.broadcast %get3A_77 : vector<1x20xf32> to vector<5000x20xf32>
    %add3A_79 = arith.addf %dot_general3A_74, %add3A_78 : vector<5000x20xf32>
    %swap3A = arith.constant 0 : index
    %swap3A_80 = arith.constant 0 : index
    %swap3A_81 = vector.load %arg9[%swap3A, %swap3A_80] : memref<5000x20xf32, #tpu.memory_space<vmem>>, vector<5000x20xf32>
    tpu.vector_store %arg9[%swap3A, %swap3A_80], %add3A_79 {strides = array<i32>} : memref<5000x20xf32, #tpu.memory_space<vmem>>, vector<5000x20xf32>,
    return
  }
}

</mosaic_0001>

<sc_bundles>
// kernel: kernel.12.cloned.1.call-start
scs
__scs_entry_jumppad:
0x0: {  	(pc) =	sbr.rel $0x88, $3  }
0x1: {  	(tag) =	ssettag $0x0;
	lr =	simm.s32 $0x1  }
0x2: {  	[smem:$0x3F8F] =	sst lr;
	_ =	strace $0xD0000000  }
0x3: {  	_ = 	snop  }
0x4: {  	_ = 	snop  }
0x5: {  	_ = 	snop  }
0x6: {  	_ = 	snop  }
0x7: {  	_ = 	snop  }
__scs_overlays_trampoline_lowered:
0x8: {  	[smem:$0x3F9E] =	sst s0  }
0x9: {  	[smem:$0x3F9F] =	sst s1  }
0xa: {  	[smem:$0x3FA0] =	sst s2  }
0xb: {  	[smem:$0x3FA1] =	sst s3  }
0xc: {  	[smem:$0x3FA2] =	sst s4  }
0xd: {  	[smem:$0x3FA3] =	sst s5  }
0xe: {  	[smem:$0x3FA4] =	sst s6  }
0xf: {  	[smem:$0x3FA5] =	sst s7  }
0x10: {  	[smem:$0x3FA6] =	sst s8  }
0x11: {  	[smem:$0x3FA7] =	sst s9;
	s0 =	simm.s32 @!p0 $0x0  }
0x12: {  	s1 =	sld [smem:$0x3F8D];
	s0 =	simm.s32 @p0 $0x1  }
0x13: {  	[smem:$0x3FA8] =	sst s0;
	s0 =	simm.s32 @!p1 $0x0  }
0x14: {  	s2 =	sld [smem:$0x3F8C];
	s0 =	simm.s32 @p1 $0x1  }
0x15: {  	[smem:$0x3FA9] =	sst s0;
	s0 =	simm.s32 @!p2 $0x0  }
0x16: {  	s3 =	sld [smem:$0x3FDB];
	s0 =	simm.s32 @p2 $0x1  }
0x17: {  	s4 =	simm.s32 $0x1BF5;
	[smem:$0x3FAB] =	sst s0  }
0x18: {  	s0 =	sld [smem:$0x3F8E];
	_ =	swait.ge [sflag:s4], $0x0  }
0x19: {  	s7 =	sld [smem:$0x3F8F]  }
0x1a: {  	s8 =	sadd.s32 $0xFFFFE003, lr  }
0x1b: {  	s9 =	sadd.s32 $0xFFFFFEF7, lr;
	s5 =	simm.s32 $0xFFFFFFFF;
	p2 =	slt.u32 s8, $0xFFFFF086  }
0x1c: {  	p1 =	slt.u32 s9, $0xF7A;
	s5 =	simm.s32 @!p2 $0x0  }
0x1d: {  	s5 =	simm.s32 @p1 $0x1;
	p0 =	seq.s32 s7, s2  }
0x1e: {  	s7 =	smul.u32 @!p0 $0xF7A, s2;
	p2 =	seq.s32 @!p0 s5, $0x0  }
0x1f: {  	s9 =	smul.u32 $0xF7A, s1;
	s8 =	simm.s32 @!p0 $0x1BF5;
	p2 =	por !p2, p0  }
0x20: {  	[sflag:s8] =	ssyncset.s32 @!p0 $0xFFFFF086;
	s6 =	sadd.s32 @!p0 s3, s7;
	s7 =	simm.s32 @!p0 $0x108  }
0x21: {  	s3 =	sadd.s32 s3, s9;
	s6 =	sadd.s32 @!p0 $0x88, s6;
	s7 =	simm.s32 @p2 $0x1082  }
0x22: {  	[simem:s7], [sflag:s8] =	dma.local @!p0 [hbm:s6], $0xF7A  }
0x23: {  	s9 =	sor.u32 $0xD0000000, s2;
	s6 =	simm.s32 $0x108;
	_ =	swait.ge @!p0 [sflag:s8], $0x0  }
0x24: {  	s3 =	sadd.s32 $0x88, s3;
	s6 =	simm.s32 @!p1 $0x1082;
	[sflag:s4] =	ssyncset.s32 $0xFFFFF086  }
0x25: {  	[simem:s6], [sflag:s4] =	dma.local [hbm:s3], $0xF7A  }
0x26: {  	[smem:$0x3F8F] =	sst s1;
	(tag) =	ssettag s2;
	_ =	strace s9  }
0x27: {  	s1 =	sld [smem:$0x3F9F]  }
0x28: {  	s2 =	sld [smem:$0x3FA0]  }
0x29: {  	s4 =	sld [smem:$0x3FA2]  }
0x2a: {  	p0 =	seq.s32 s5, $0x0;
	s5 =	sld [smem:$0x3FA3]  }
0x2b: {  	s6 =	sld [smem:$0x3FA4]  }
0x2c: {  	s7 =	sld [smem:$0x3FA5]  }
0x2d: {  	s3 =	simm.s32 $0x108;
	s8 =	sld [smem:$0x3FA6]  }
0x2e: {  	s3 =	simm.s32 @!p0 $0x1082;
	s9 =	sld [smem:$0x3FA7]  }
0x2f: {  	lr =	sadd.s32 s0, s3;
	s0 =	sld [smem:$0x3F9E]  }
0x30: {  	s3 =	sld [smem:$0x3FA1]  }
0x31: {  	[smem:$0x3FAA] =	sst s10  }
0x32: {  	s10 =	sld [smem:$0x3FA8];
	_ =	sdelay $0x3  }
0x33: {  	p0 =	seq.s32 s10, $0x1;
	s10 =	sld [smem:$0x3FAA];
	_ =	sdelay $0x3  }
0x34: {  	[smem:$0x3FAA] =	sst s10  }
0x35: {  	s10 =	sld [smem:$0x3FA9];
	_ =	sdelay $0x3  }
0x36: {  	p1 =	seq.s32 s10, $0x1;
	s10 =	sld [smem:$0x3FAA];
	_ =	sdelay $0x3  }
0x37: {  	[smem:$0x3FAA] =	sst s10  }
0x38: {  	s10 =	sld [smem:$0x3FAB]  }
0x39: {  	_ = 	snop;
	(pc) =	sbr.ind lr, $3  }
0x3a: {  	_ = 	snop  }
0x3b: {  	_ = 	snop  }
0x3c: {  	p2 =	seq.s32 s10, $0x1;
	s10 =	sld [smem:$0x3FAA]  }
0x3d: {  	_ =	shalt  }
0x3e: {  	_ =	shalt  }
0x3f: {  	_ =	shalt  }
0x40: {  	_ =	shalt  }
0x41: {  	_ =	shalt  }
0x42: {  	_ =	shalt  }
0x43: {  	_ =	shalt  }
0x44: {  	_ =	shalt  }
0x45: {  	_ =	shalt  }
0x46: {  	_ =	shalt  }
0x47: {  	_ =	shalt  }
0x48: {  	_ =	shalt  }
0x49: {  	_ =	shalt  }
0x4a: {  	_ =	shalt  }
0x4b: {  	_ =	shalt  }
0x4c: {  	_ =	shalt  }
0x4d: {  	_ =	shalt  }
0x4e: {  	_ =	shalt  }
0x4f: {  	_ =	shalt  }
0x50: {  	_ =	shalt  }
0x51: {  	_ =	shalt  }
0x52: {  	_ =	shalt  }
0x53: {  	_ =	shalt  }
0x54: {  	_ =	shalt  }
0x55: {  	_ =	shalt  }
0x56: {  	_ =	shalt  }
0x57: {  	_ =	shalt  }
0x58: {  	_ =	shalt  }
0x59: {  	_ =	shalt  }
0x5a: {  	_ =	shalt  }
0x5b: {  	_ =	shalt  }
0x5c: {  	_ =	shalt  }
0x5d: {  	_ =	shalt  }
0x5e: {  	_ =	shalt  }
0x5f: {  	_ =	shalt  }
0x60: {  	_ =	shalt  }
0x61: {  	_ =	shalt  }
0x62: {  	_ =	shalt  }
0x63: {  	_ =	shalt  }
0x64: {  	_ =	shalt  }
0x65: {  	_ =	shalt  }
0x66: {  	_ =	shalt  }
0x67: {  	_ =	shalt  }
0x68: {  	_ =	shalt  }
0x69: {  	_ =	shalt  }
0x6a: {  	_ =	shalt  }
0x6b: {  	_ =	shalt  }
0x6c: {  	_ =	shalt  }
0x6d: {  	_ =	shalt  }
0x6e: {  	_ =	shalt  }
0x6f: {  	_ =	shalt  }
0x70: {  	_ =	shalt  }
0x71: {  	_ =	shalt  }
0x72: {  	_ =	shalt  }
0x73: {  	_ =	shalt  }
0x74: {  	_ =	shalt  }
0x75: {  	_ =	shalt  }
0x76: {  	_ =	shalt  }
0x77: {  	_ =	shalt  }
0x78: {  	_ =	shalt  }
0x79: {  	_ =	shalt  }
0x7a: {  	_ =	shalt  }
0x7b: {  	_ =	shalt  }
0x7c: {  	_ =	shalt  }
0x7d: {  	_ =	shalt  }
0x7e: {  	_ =	shalt  }
0x7f: {  	_ =	shalt  }
0x80: {  	_ =	shalt  }
0x81: {  	_ =	shalt  }
0x82: {  	_ =	shalt  }
0x83: {  	_ =	shalt  }
0x84: {  	_ =	shalt  }
0x85: {  	_ =	shalt  }
0x86: {  	_ =	shalt  }
0x87: {  	_ =	shalt  }
.Lfunc_end0:
.L_simem_size_0:
called_computation_lowered:
.L_overlay_start_0:
0x88: {  	s2 =	sld [smem:$0x3FD9]  }
0x89: {  	s3 =	sld [smem:$0x3FFE];
	_ =	sdelay $0x1  }
0x8a: {  	s1 =	srdreg.scid  }
0x8b: {  	s0 =	sand.u32 $0x1, s1  }
0x8c: {  	s17 =	sshll.u32 s0, $0xA;
	s2 =	sadd.s32 s3, s2  }
0x8d: {  	s2 =	sadd.s32 s2, s17  }
0x8e: {  	[smem:$0x3FB6] =	sst s2  }
0x8f: {  	_ = 	snop  }
0x90: {  	s2 =	sld [smem:$0x3FD0];
	(tm) =	ssettm $0x1  }
0x91: {  	s18 =	sld [smem:$0x3FFB];
	_ =	sdelay $0x3  }
0x92: {  	_ =	strace s18  }
0x93: {  	s3 =	sld [smem:$0x3FFC];
	_ =	sdelay $0x3  }
0x94: {  	_ =	strace s3  }
0x95: {  	s3 =	sld [smem:$0x3FFD];
	_ =	sdelay $0x3  }
0x96: {  	_ =	strace s3  }
0x97: {  	_ =	strace $0x8FFFFFFF  }
0x98: {  	s19 =	sld [smem:$0x3FDB];
	_ =	sdelay $0x1  }
0x99: {  	s4 =	simm.s32 $_scs_section_size  }
0x9a: {  	s5 =	simm.s32 $_size__tile_overlayer_lowered;
	s6 =	simm.s32 $_tile_overlayer_lowered  }
0x9b: {  	s22 =	simm.s32 $0x1BFF;
	s21 =	sshll.u32 s6, $0x1;
	s3 =	sadd.s32 s4, s19  }
0x9c: {  	s7 =	simm.s32 $0x0;
	s20 =	sshll.u32 s5, $0x1;
	s5 =	sadd.s32 s21, s3  }
0x9d: {  	[timem:s7], [sflag:s22] =	dma.local [hbm:s5], s20  }
0x9e: {  	_ =	swait.ge [sflag:s22], s20  }
0x9f: {  	s4 =	ssub.s32 $0x0, s20;
	[sflag:s22] =	ssyncset.done $0x0  }
0xa0: {  	[sflag:s22] =	ssyncadd.s32 s4;
	_ =	sdelay $0x1  }
0xa1: {  	s23 =	simm.s32 $0x1B8B  }
0xa2: {  	_ =	swait.ge [sflag:s23], $0x1  }
0xa3: {  	[sflag:s23] =	ssyncset.done $0x0  }
0xa4: {  	s25 =	simm.s32 $0x1B8E;
	s24 =	sld [smem:$0x3FFE];
	[sflag:s23] =	ssyncadd.s32 $0xFFFFFFFF  }
0xa5: {  	s26 =	simm.s32 $execute0_lowered;
	[smem:$0x3FD2] =	sst s25  }
0xa6: {  	s5 =	sshll.u32 s26, $0x1;
	_ =	strace $0x80000046;
	[dreg:$0x1] =	wrdreg $0xFFFFFFFF  }
0xa7: {  	s28 =	simm.s32 $_size_execute0_lowered;
	s3 =	sadd.s32 s3, s5;
	[dreg:$0x0] =	wrdreg $0x0  }
0xa8: {  	s5 =	sshll.u32 s28, $0x1;
	[dreg:$0x2] =	wrdreg s3  }
0xa9: {  	[dreg:$0x3] =	wrdreg s5  }
0xaa: {  	[dreg:$0x4] =	wrdreg $0xC0  }
0xab: {  	_ =	task [dreg:s7], $0x5FFFF  }
0xac: {  	[dreg:$0x1] =	wrdreg $0xFFFFFFFF  }
0xad: {  	[dreg:$0x0] =	wrdreg $0x60  }
0xae: {  	[dreg:$0x2] =	wrdreg s24  }
0xaf: {  	[dreg:$0x3] =	wrdreg s2  }
0xb0: {  	[dreg:$0x4] =	wrdreg $0x31700  }
0xb1: {  	[dreg:$0x5] =	wrdreg $0x9  }
0xb2: {  	_ =	task.clear_ibuf [dreg:s7], $0x6FFFF;
	_ =	strace $0x90000046  }
0xb3: {  	s29 =	simm.s32 $0x9;
	_ =	strace $0x80000048  }
0xb4: {  	_ =	swait.ge [sflag:s29], $0x1  }
0xb5: {  	[sflag:s29] =	ssyncadd.s32 $0xFFFFFFFF  }
0xb6: {  	_ =	strace $0x90000048  }
0xb7: {  	_ =	sfence  }
0xb8: {  	s30 =	sld [smem:$0x0];
	_ =	sdelay $0x2  }
0xb9: {  	s31 =	sshll.u32 s1, $0xD;
	s1 =	sshrl.u32 s1, $0x2  }
0xba: {  	s3 =	sand.u32 $0x4000, s31;
	s1 =	sadd.s32 s1, s30  }
0xbb: {  	s0 =	sor.u32 s3, s0;
	s1 =	sshll.u32 s1, $0x11  }
0xbc: {  	s0 =	sor.u32 s1, s0  }
0xbd: {  	s0 =	sadd.s32 $0x8F2B, s0  }
0xbe: {  	[sflag:s0] =	ssyncadd.remote.s32 $0x1  }
0xbf: {  	_ =	sfence.sel $0xFFFF  }
0xc0: {  	[dreg:$0x0] =	wrdreg $0xFFFFFFFF;
	(pc) =	sbr.abs _section_cstart, $3  }
0xc1: {  	[dreg:$0x1] =	wrdreg $0xFFFFFFFF  }
0xc2: {  	_ =	task.clear_ibuf [dreg:s7], $0x2FFFF;
	_ =	strace $0x9FFFFFFF  }
0xc3: {  	(tm) =	ssettm $0x7FFFFFFF  }
tec
execute0_lowered:
.L_overlay_start_1:
0x0: {  	(tag) =	ssettag $0x1  }
0x1: {  	s5 =	rddreg [dreg:$0x0]  }
0x2: {  	s1 =	srdreg.scid;
	s7 =	rddreg [dreg:$0x1]  }
0x3: {  	s0 =	stileid.u32;
	s2 =	rddreg [dreg:$0x2];
	s3 =	simm.s32 $0x0  }
0x4: {  	s17 =	simm.s32 $0x2880;
	s18 =	simm.s32 $0x2C80;
	s19 =	simm.s32 $0x80  }
0x5: {  	s20 =	simm.s32 $0x0;
	s6 =	sand.u32 $0x1, s1;
	s11 =	smul.u32 $0x4F00, s0  }
0x6: {  	s25 =	sshll.u32 s0, $0x1;
	s1 =	rddreg [dreg:$0x3];
	s12 =	smul.u32 $0x278, s0  }
0x7: {  	[smem:$0x7FF] =	sst s3;
	s4 =	sor.u32 s6, s25;
	s26 =	smul.u32 $0x2780, s6  }
0x8: {  	_ =	strace $0x80000047;
	s9 =	ssub.s32 $0x2, s6;
	s4 =	smul.u32 $0x510, s4  }
0x9: {  	s10 =	sshrl.u32 s9, $0x1;
	s28 =	sshrl.u32 s11, $0x2;
	s13 =	sadd.s32 $0x9E, s12  }
0xa: {  	s14 =	sadd.s32 $0x13C, s12;
	s16 =	sadd.s32 $0x1DA, s12;
	s9 =	ssub.s32 s9, s10  }
0xb: {  	s15 =	sadd.s32 s7, s26;
	s7 =	sadd.s32 s28, s2;
	s29 =	sshll.u32 s13, $0x3  }
0xc: {  	s30 =	sshll.u32 s14, $0x3;
	s31 =	sshll.u32 s16, $0x3;
	s8 =	sadd.s32 s4, s5  }
0xd: {  	s4 =	sadd.s32 $0x19400, s5;
	s5 =	sadd.s32 $0x19200, s5;
	s10 =	sadd.s32 s30, s2  }
0xe: {  	s11 =	sadd.s32 s31, s2;
	s12 =	sadd.s32 s12, s15;
	s13 =	sadd.s32 s13, s15  }
0xf: {  	s14 =	sadd.s32 s14, s15;
	s15 =	sadd.s32 s16, s15;
	s16 =	simm.s32 $0x1  }
0x10: {  	s6 =	sadd.s32 $0x4E00, s8;
	s8 =	smax.u32 s9, $0x1;
	s9 =	sadd.s32 s29, s2  }
.LBB2_1:
0x11: {  	[tilespmem:s3], [sflag:$0x1] =	stream.linear.gather [hbm4b:s6+s3], $0x2880, $0x38;
	[tilespmem:$0x4530] =	vst v63  }
0x12: {  	_ =	swait.ge [sflag:s16], $0x2880  }
0x13: {  	[sflag:s16] =	ssyncset.done $0x0  }
0x14: {  	[sflag:s16] =	ssyncadd.s32 $0xFFFFD780  }
0x15: {  	[tilespmem:s17], [sflag:$0x1] =	stream.linear.gather [hbm4b:s4+s3], $0x400, $0x38;
	[tilespmem:$0x4530] =	vst v63  }
0x16: {  	_ =	swait.ge [sflag:s16], $0x400  }
0x17: {  	[sflag:s16] =	ssyncset.done $0x0  }
0x18: {  	[sflag:s16] =	ssyncadd.s32 $0xFFFFFC00  }
0x19: {  	[tilespmem:s18], [sflag:$0x1] =	stream.linear.gather [hbm4b:s5+s3], $0x4F0, $0x38;
	[tilespmem:$0x4530] =	vst v63  }
0x1a: {  	_ =	swait.ge [sflag:s16], $0x4F0  }
0x1b: {  	[sflag:s16] =	ssyncset.done $0x0  }
0x1c: {  	[sflag:s16] =	ssyncadd.s32 $0xFFFFFB10  }
0x1d: {  	[spmem:s7] =	stream.linear.scatter [tilespmem:s18], [sflag:$0x1], $0x4F0, $0x38;
	[tilespmem:$0x4530] =	vst v63  }
0x1e: {  	_ =	swait.ge [sflag:s16], $0x4F0  }
0x1f: {  	[sflag:s16] =	ssyncset.done $0x0  }
0x20: {  	[sflag:s16] =	ssyncadd.s32 $0xFFFFFB10  }
0x21: {  	[spmem:s9] =	stream.linear.scatter [tilespmem:s18], [sflag:$0x1], $0x4F0, $0x38;
	[tilespmem:$0x4530] =	vst v63  }
0x22: {  	_ =	swait.ge [sflag:s16], $0x4F0  }
0x23: {  	[sflag:s16] =	ssyncset.done $0x0  }
0x24: {  	[sflag:s16] =	ssyncadd.s32 $0xFFFFFB10  }
0x25: {  	[spmem:s10] =	stream.linear.scatter [tilespmem:s18], [sflag:$0x1], $0x4F0, $0x38;
	[tilespmem:$0x4530] =	vst v63  }
0x26: {  	_ =	swait.ge [sflag:s16], $0x4F0  }
0x27: {  	[sflag:s16] =	ssyncset.done $0x0  }
0x28: {  	[sflag:s16] =	ssyncadd.s32 $0xFFFFFB10  }
0x29: {  	[spmem:s11] =	stream.linear.scatter [tilespmem:s18], [sflag:$0x1], $0x4F0, $0x38;
	[tilespmem:$0x4530] =	vst v63  }
0x2a: {  	_ =	swait.ge [sflag:s16], $0x4F0  }
0x2b: {  	[sflag:s16] =	ssyncset.done $0x0  }
0x2c: {  	[sflag:s16] =	ssyncadd.s32 $0xFFFFFB10  }
0x2d: {  	s21 =	simm.s32 $0x0;
	[bflag:$0x0] =	sbarrier.arrive $0xFFFF  }
0x2e: {  	[spmem:s2] =	stream.indirect.scatter.add.f32 [tilespmem:s17], [sflag:$0x1], $0x8, s21, s19, $0xb8;
	[tilespmem:$0x4530] =	vst v63  }
0x2f: {  	_ =	swait.ge [sflag:s16], $0x400  }
0x30: {  	s21 =	simm.s32 $0x200;
	[sflag:s16] =	ssyncset.done $0x0  }
.LBB2_2:
0x31: {  	s22 =	sshra.s32 s21, $0x2;
	[sflag:s16] =	ssyncadd.s32 $0xFFFFFC00;
	p0 =	sne.s32 s21, $0xA000  }
0x32: {  	[spmem:s2] =	stream.indirect.scatter.add.f32 [tilespmem:s17], [sflag:$0x1], $0x8, s22, s19, $0xb8;
	[tilespmem:$0x4530] =	vst v63  }
.Ltmp0:
0x33: {  	_ = 	snop;
	(pc) =	sbr.rel @p0 .LBB2_2-.Ltmp0, $4  }
0x34: {  	_ = 	snop  }
0x35: {  	s21 =	sadd.s32 $0x200, s21  }
0x36: {  	_ =	swait.ge [sflag:s16], $0x400  }
0x37: {  	[sflag:s16] =	ssyncset.done $0x0  }
0x38: {  	[sflag:s16] =	ssyncadd.s32 $0xFFFFFC00  }
0x39: {  	[bflag:$0x0] =	sbarrier.arrive $0xFFFF  }
0x3a: {  	[tilespmem:s18], [sflag:$0x1] =	stream.linear.gather [spmem:s7], $0x4F0, $0x38;
	[tilespmem:$0x4530] =	vst v63  }
0x3b: {  	_ =	swait.ge [sflag:s16], $0x4F0  }
0x3c: {  	[sflag:s16] =	ssyncset.done $0x0  }
0x3d: {  	[sflag:s16] =	ssyncadd.s32 $0xFFFFFB10  }
0x3e: {  	[hbm4b:s12+s3] =	stream.linear.scatter [tilespmem:s18], [sflag:$0x1], $0x4F0, $0x38;
	[tilespmem:$0x4530] =	vst v63  }
0x3f: {  	_ =	swait.ge [sflag:s16], $0x4F0  }
0x40: {  	[sflag:s16] =	ssyncset.done $0x0  }
0x41: {  	[sflag:s16] =	ssyncadd.s32 $0xFFFFFB10  }
0x42: {  	[tilespmem:s18], [sflag:$0x1] =	stream.linear.gather [spmem:s9], $0x4F0, $0x38;
	[tilespmem:$0x4530] =	vst v63  }
0x43: {  	_ =	swait.ge [sflag:s16], $0x4F0  }
0x44: {  	[sflag:s16] =	ssyncset.done $0x0  }
0x45: {  	[sflag:s16] =	ssyncadd.s32 $0xFFFFFB10  }
0x46: {  	[hbm4b:s13+s3] =	stream.linear.scatter [tilespmem:s18], [sflag:$0x1], $0x4F0, $0x38;
	[tilespmem:$0x4530] =	vst v63  }
0x47: {  	_ =	swait.ge [sflag:s16], $0x4F0  }
0x48: {  	[sflag:s16] =	ssyncset.done $0x0  }
0x49: {  	[sflag:s16] =	ssyncadd.s32 $0xFFFFFB10  }
0x4a: {  	[tilespmem:s18], [sflag:$0x1] =	stream.linear.gather [spmem:s10], $0x4F0, $0x38;
	[tilespmem:$0x4530] =	vst v63  }
0x4b: {  	_ =	swait.ge [sflag:s16], $0x4F0  }
0x4c: {  	[sflag:s16] =	ssyncset.done $0x0  }
0x4d: {  	[sflag:s16] =	ssyncadd.s32 $0xFFFFFB10  }
0x4e: {  	[hbm4b:s14+s3] =	stream.linear.scatter [tilespmem:s18], [sflag:$0x1], $0x4F0, $0x38;
	[tilespmem:$0x4530] =	vst v63  }
0x4f: {  	_ =	swait.ge [sflag:s16], $0x4F0  }
0x50: {  	[sflag:s16] =	ssyncset.done $0x0  }
0x51: {  	[sflag:s16] =	ssyncadd.s32 $0xFFFFFB10  }
0x52: {  	[tilespmem:s18], [sflag:$0x1] =	stream.linear.gather [spmem:s11], $0x4F0, $0x38;
	[tilespmem:$0x4530] =	vst v63  }
0x53: {  	s20 =	sadd.s32 $0x1, s20;
	_ =	swait.ge [sflag:s16], $0x4F0  }
0x54: {  	p0 =	sne.s32 s20, s8;
	[sflag:s16] =	ssyncset.done $0x0  }
.Ltmp1:
0x55: {  	[sflag:s16] =	ssyncadd.s32 $0xFFFFFB10;
	(pc) =	sbr.rel @p0 .LBB2_1-.Ltmp1, $4  }
0x56: {  	[hbm4b:s15+s3] =	stream.linear.scatter [tilespmem:s18], [sflag:$0x1], $0x4F0, $0x38;
	[tilespmem:$0x4530] =	vst v63  }
0x57: {  	_ =	swait.ge [sflag:s16], $0x4F0  }
0x58: {  	[sflag:s16] =	ssyncset.done $0x0  }
0x59: {  	[sflag:s16] =	ssyncadd.s32 $0xFFFFFB10  }
0x5a: {  	_ =	sfence.sel $0x180000  }
0x5b: {  	[bflag:$0x0] =	sbarrier.arrive $0xFFFF  }
0x5c: {  	p0 =	sne.s32 s0, $0x0;
	_ =	strace $0x90000047  }
0x5d: {  	s0 =	sadd.s32 @!p0 $0x100000, s1;
	[bflag:$0x2] =	sbarrier.arrive $0xFFFF  }
0x5e: {  	[sflag:s0] =	ssyncadd.tile.s32 @!p0 $0x1;
	_ =	shalt  }
.Lfunc_end2:
_tile_overlayer_lowered:
.L_overlay_start_2:
0x5f: {  	(tag) =	ssettag $0x2  }
0x60: {  	s0 =	rddreg [dreg:$0x0];
	s2 =	stileid.u32  }
0x61: {  	s1 =	rddreg [dreg:$0x1];
	p0 =	sne.s32 s2, $0x0  }
0x62: {  	s3 =	rddreg [dreg:$0x2];
	[bflag:$0x3] =	sbarrier.arrive $0xFFFF;
	s2 =	simm.s32 @!p0 $0x1C01  }
0x63: {  	[timem:s3], [sflag:s2] =	dma.local @!p0 [hbm:s0], s1  }
0x64: {  	s0 =	simm.s32 @!p0 $0x1  }
0x65: {  	_ =	swait.ge @!p0 [sflag:s0], s1  }
0x66: {  	s1 =	ssub.s32 @!p0 $0x0, s1;
	[sflag:s0] =	ssyncset.done @!p0 $0x0  }
0x67: {  	[sflag:s0] =	ssyncadd.s32 @!p0 s1  }
0x68: {  	[bflag:$0x3] =	sbarrier.arrive $0xFFFF  }
0x69: {  	_ =	shalt  }

// kernel: kernel.15.cloned.1.call-start
scs
__scs_entry_jumppad:
0x0: {  	(pc) =	sbr.rel $0x88, $3  }
0x1: {  	(tag) =	ssettag $0x0;
	lr =	simm.s32 $0x1  }
0x2: {  	[smem:$0x3F8F] =	sst lr;
	_ =	strace $0xD0000000  }
0x3: {  	_ = 	snop  }
0x4: {  	_ = 	snop  }
0x5: {  	_ = 	snop  }
0x6: {  	_ = 	snop  }
0x7: {  	_ = 	snop  }
__scs_overlays_trampoline_lowered:
0x8: {  	[smem:$0x3F9E] =	sst s0  }
0x9: {  	[smem:$0x3F9F] =	sst s1  }
0xa: {  	[smem:$0x3FA0] =	sst s2  }
0xb: {  	[smem:$0x3FA1] =	sst s3  }
0xc: {  	[smem:$0x3FA2] =	sst s4  }
0xd: {  	[smem:$0x3FA3] =	sst s5  }
0xe: {  	[smem:$0x3FA4] =	sst s6  }
0xf: {  	[smem:$0x3FA5] =	sst s7  }
0x10: {  	[smem:$0x3FA6] =	sst s8  }
0x11: {  	[smem:$0x3FA7] =	sst s9;
	s0 =	simm.s32 @!p0 $0x0  }
0x12: {  	s1 =	sld [smem:$0x3F8D];
	s0 =	simm.s32 @p0 $0x1  }
0x13: {  	[smem:$0x3FA8] =	sst s0;
	s0 =	simm.s32 @!p1 $0x0  }
0x14: {  	s2 =	sld [smem:$0x3F8C];
	s0 =	simm.s32 @p1 $0x1  }
0x15: {  	[smem:$0x3FA9] =	sst s0;
	s0 =	simm.s32 @!p2 $0x0  }
0x16: {  	s3 =	sld [smem:$0x3FDB];
	s0 =	simm.s32 @p2 $0x1  }
0x17: {  	s4 =	simm.s32 $0x1BF5;
	[smem:$0x3FAB] =	sst s0  }
0x18: {  	s0 =	sld [smem:$0x3F8E];
	_ =	swait.ge [sflag:s4], $0x0  }
0x19: {  	s7 =	sld [smem:$0x3F8F]  }
0x1a: {  	s8 =	sadd.s32 $0xFFFFE003, lr  }
0x1b: {  	s9 =	sadd.s32 $0xFFFFFEF7, lr;
	s5 =	simm.s32 $0xFFFFFFFF;
	p2 =	slt.u32 s8, $0xFFFFF086  }
0x1c: {  	p1 =	slt.u32 s9, $0xF7A;
	s5 =	simm.s32 @!p2 $0x0  }
0x1d: {  	s5 =	simm.s32 @p1 $0x1;
	p0 =	seq.s32 s7, s2  }
0x1e: {  	s7 =	smul.u32 @!p0 $0xF7A, s2;
	p2 =	seq.s32 @!p0 s5, $0x0  }
0x1f: {  	s9 =	smul.u32 $0xF7A, s1;
	s8 =	simm.s32 @!p0 $0x1BF5;
	p2 =	por !p2, p0  }
0x20: {  	[sflag:s8] =	ssyncset.s32 @!p0 $0xFFFFF086;
	s6 =	sadd.s32 @!p0 s3, s7;
	s7 =	simm.s32 @!p0 $0x108  }
0x21: {  	s3 =	sadd.s32 s3, s9;
	s6 =	sadd.s32 @!p0 $0x88, s6;
	s7 =	simm.s32 @p2 $0x1082  }
0x22: {  	[simem:s7], [sflag:s8] =	dma.local @!p0 [hbm:s6], $0xF7A  }
0x23: {  	s9 =	sor.u32 $0xD0000000, s2;
	s6 =	simm.s32 $0x108;
	_ =	swait.ge @!p0 [sflag:s8], $0x0  }
0x24: {  	s3 =	sadd.s32 $0x88, s3;
	s6 =	simm.s32 @!p1 $0x1082;
	[sflag:s4] =	ssyncset.s32 $0xFFFFF086  }
0x25: {  	[simem:s6], [sflag:s4] =	dma.local [hbm:s3], $0xF7A  }
0x26: {  	[smem:$0x3F8F] =	sst s1;
	(tag) =	ssettag s2;
	_ =	strace s9  }
0x27: {  	s1 =	sld [smem:$0x3F9F]  }
0x28: {  	s2 =	sld [smem:$0x3FA0]  }
0x29: {  	s4 =	sld [smem:$0x3FA2]  }
0x2a: {  	p0 =	seq.s32 s5, $0x0;
	s5 =	sld [smem:$0x3FA3]  }
0x2b: {  	s6 =	sld [smem:$0x3FA4]  }
0x2c: {  	s7 =	sld [smem:$0x3FA5]  }
0x2d: {  	s3 =	simm.s32 $0x108;
	s8 =	sld [smem:$0x3FA6]  }
0x2e: {  	s3 =	simm.s32 @!p0 $0x1082;
	s9 =	sld [smem:$0x3FA7]  }
0x2f: {  	lr =	sadd.s32 s0, s3;
	s0 =	sld [smem:$0x3F9E]  }
0x30: {  	s3 =	sld [smem:$0x3FA1]  }
0x31: {  	[smem:$0x3FAA] =	sst s10  }
0x32: {  	s10 =	sld [smem:$0x3FA8];
	_ =	sdelay $0x3  }
0x33: {  	p0 =	seq.s32 s10, $0x1;
	s10 =	sld [smem:$0x3FAA];
	_ =	sdelay $0x3  }
0x34: {  	[smem:$0x3FAA] =	sst s10  }
0x35: {  	s10 =	sld [smem:$0x3FA9];
	_ =	sdelay $0x3  }
0x36: {  	p1 =	seq.s32 s10, $0x1;
	s10 =	sld [smem:$0x3FAA];
	_ =	sdelay $0x3  }
0x37: {  	[smem:$0x3FAA] =	sst s10  }
0x38: {  	s10 =	sld [smem:$0x3FAB]  }
0x39: {  	_ = 	snop;
	(pc) =	sbr.ind lr, $3  }
0x3a: {  	_ = 	snop  }
0x3b: {  	_ = 	snop  }
0x3c: {  	p2 =	seq.s32 s10, $0x1;
	s10 =	sld [smem:$0x3FAA]  }
0x3d: {  	_ =	shalt  }
0x3e: {  	_ =	shalt  }
0x3f: {  	_ =	shalt  }
0x40: {  	_ =	shalt  }
0x41: {  	_ =	shalt  }
0x42: {  	_ =	shalt  }
0x43: {  	_ =	shalt  }
0x44: {  	_ =	shalt  }
0x45: {  	_ =	shalt  }
0x46: {  	_ =	shalt  }
0x47: {  	_ =	shalt  }
0x48: {  	_ =	shalt  }
0x49: {  	_ =	shalt  }
0x4a: {  	_ =	shalt  }
0x4b: {  	_ =	shalt  }
0x4c: {  	_ =	shalt  }
0x4d: {  	_ =	shalt  }
0x4e: {  	_ =	shalt  }
0x4f: {  	_ =	shalt  }
0x50: {  	_ =	shalt  }
0x51: {  	_ =	shalt  }
0x52: {  	_ =	shalt  }
0x53: {  	_ =	shalt  }
0x54: {  	_ =	shalt  }
0x55: {  	_ =	shalt  }
0x56: {  	_ =	shalt  }
0x57: {  	_ =	shalt  }
0x58: {  	_ =	shalt  }
0x59: {  	_ =	shalt  }
0x5a: {  	_ =	shalt  }
0x5b: {  	_ =	shalt  }
0x5c: {  	_ =	shalt  }
0x5d: {  	_ =	shalt  }
0x5e: {  	_ =	shalt  }
0x5f: {  	_ =	shalt  }
0x60: {  	_ =	shalt  }
0x61: {  	_ =	shalt  }
0x62: {  	_ =	shalt  }
0x63: {  	_ =	shalt  }
0x64: {  	_ =	shalt  }
0x65: {  	_ =	shalt  }
0x66: {  	_ =	shalt  }
0x67: {  	_ =	shalt  }
0x68: {  	_ =	shalt  }
0x69: {  	_ =	shalt  }
0x6a: {  	_ =	shalt  }
0x6b: {  	_ =	shalt  }
0x6c: {  	_ =	shalt  }
0x6d: {  	_ =	shalt  }
0x6e: {  	_ =	shalt  }
0x6f: {  	_ =	shalt  }
0x70: {  	_ =	shalt  }
0x71: {  	_ =	shalt  }
0x72: {  	_ =	shalt  }
0x73: {  	_ =	shalt  }
0x74: {  	_ =	shalt  }
0x75: {  	_ =	shalt  }
0x76: {  	_ =	shalt  }
0x77: {  	_ =	shalt  }
0x78: {  	_ =	shalt  }
0x79: {  	_ =	shalt  }
0x7a: {  	_ =	shalt  }
0x7b: {  	_ =	shalt  }
0x7c: {  	_ =	shalt  }
0x7d: {  	_ =	shalt  }
0x7e: {  	_ =	shalt  }
0x7f: {  	_ =	shalt  }
0x80: {  	_ =	shalt  }
0x81: {  	_ =	shalt  }
0x82: {  	_ =	shalt  }
0x83: {  	_ =	shalt  }
0x84: {  	_ =	shalt  }
0x85: {  	_ =	shalt  }
0x86: {  	_ =	shalt  }
0x87: {  	_ =	shalt  }
.Lfunc_end0:
.L_simem_size_0:
called_computation.1_lowered:
.L_overlay_start_0:
0x88: {  	s2 =	sld [smem:$0x3FD9]  }
0x89: {  	s3 =	sld [smem:$0x3FFE];
	_ =	sdelay $0x1  }
0x8a: {  	s1 =	srdreg.scid  }
0x8b: {  	s0 =	sand.u32 $0x1, s1  }
0x8c: {  	s17 =	sshll.u32 s0, $0xA;
	s2 =	sadd.s32 s3, s2  }
0x8d: {  	s2 =	sadd.s32 s2, s17  }
0x8e: {  	[smem:$0x3FB6] =	sst s2  }
0x8f: {  	_ = 	snop  }
0x90: {  	s2 =	sld [smem:$0x3FD0];
	(tm) =	ssettm $0x1  }
0x91: {  	s18 =	sld [smem:$0x3FFB];
	_ =	sdelay $0x3  }
0x92: {  	_ =	strace s18  }
0x93: {  	s3 =	sld [smem:$0x3FFC];
	_ =	sdelay $0x3  }
0x94: {  	_ =	strace s3  }
0x95: {  	s3 =	sld [smem:$0x3FFD];
	_ =	sdelay $0x3  }
0x96: {  	_ =	strace s3  }
0x97: {  	_ =	strace $0x8FFFFFFF  }
0x98: {  	s19 =	sld [smem:$0x3FDB];
	_ =	sdelay $0x1  }
0x99: {  	s4 =	simm.s32 $_scs_section_size  }
0x9a: {  	s5 =	simm.s32 $_size__tile_overlayer_lowered;
	s6 =	simm.s32 $_tile_overlayer_lowered  }
0x9b: {  	s22 =	simm.s32 $0x1BFF;
	s21 =	sshll.u32 s6, $0x1;
	s3 =	sadd.s32 s4, s19  }
0x9c: {  	s7 =	simm.s32 $0x0;
	s20 =	sshll.u32 s5, $0x1;
	s5 =	sadd.s32 s21, s3  }
0x9d: {  	[timem:s7], [sflag:s22] =	dma.local [hbm:s5], s20  }
0x9e: {  	_ =	swait.ge [sflag:s22], s20  }
0x9f: {  	s4 =	ssub.s32 $0x0, s20;
	[sflag:s22] =	ssyncset.done $0x0  }
0xa0: {  	[sflag:s22] =	ssyncadd.s32 s4;
	_ =	sdelay $0x1  }
0xa1: {  	s23 =	simm.s32 $0x1B8B  }
0xa2: {  	_ =	swait.ge [sflag:s23], $0x1  }
0xa3: {  	[sflag:s23] =	ssyncset.done $0x0  }
0xa4: {  	s25 =	simm.s32 $0x1B8E;
	s24 =	sld [smem:$0x3FFE];
	[sflag:s23] =	ssyncadd.s32 $0xFFFFFFFF  }
0xa5: {  	s26 =	simm.s32 $execute0_lowered;
	[smem:$0x3FD2] =	sst s25  }
0xa6: {  	s5 =	sshll.u32 s26, $0x1;
	_ =	strace $0x80000049;
	[dreg:$0x1] =	wrdreg $0xFFFFFFFF  }
0xa7: {  	s28 =	simm.s32 $_size_execute0_lowered;
	s3 =	sadd.s32 s3, s5;
	[dreg:$0x0] =	wrdreg $0x0  }
0xa8: {  	s5 =	sshll.u32 s28, $0x1;
	[dreg:$0x2] =	wrdreg s3  }
0xa9: {  	[dreg:$0x3] =	wrdreg s5  }
0xaa: {  	[dreg:$0x4] =	wrdreg $0xC0  }
0xab: {  	_ =	task [dreg:s7], $0x5FFFF  }
0xac: {  	[dreg:$0x1] =	wrdreg $0xFFFFFFFF  }
0xad: {  	[dreg:$0x0] =	wrdreg $0x60  }
0xae: {  	[dreg:$0x2] =	wrdreg s24  }
0xaf: {  	[dreg:$0x3] =	wrdreg s2  }
0xb0: {  	[dreg:$0x4] =	wrdreg $0x138800  }
0xb1: {  	[dreg:$0x5] =	wrdreg $0x9  }
0xb2: {  	_ =	task.clear_ibuf [dreg:s7], $0x6FFFF;
	_ =	strace $0x90000049  }
0xb3: {  	s29 =	simm.s32 $0x9;
	_ =	strace $0x8000004B  }
0xb4: {  	_ =	swait.ge [sflag:s29], $0x1  }
0xb5: {  	[sflag:s29] =	ssyncadd.s32 $0xFFFFFFFF  }
0xb6: {  	_ =	strace $0x9000004B  }
0xb7: {  	_ =	sfence  }
0xb8: {  	s30 =	sld [smem:$0x0];
	_ =	sdelay $0x2  }
0xb9: {  	s31 =	sshll.u32 s1, $0xD;
	s1 =	sshrl.u32 s1, $0x2  }
0xba: {  	s3 =	sand.u32 $0x4000, s31;
	s1 =	sadd.s32 s1, s30  }
0xbb: {  	s0 =	sor.u32 s3, s0;
	s1 =	sshll.u32 s1, $0x11  }
0xbc: {  	s0 =	sor.u32 s1, s0  }
0xbd: {  	s0 =	sadd.s32 $0x8F2B, s0  }
0xbe: {  	[sflag:s0] =	ssyncadd.remote.s32 $0x1  }
0xbf: {  	_ =	sfence.sel $0xFFFF  }
0xc0: {  	[dreg:$0x0] =	wrdreg $0xFFFFFFFF;
	(pc) =	sbr.abs _section_cstart, $3  }
0xc1: {  	[dreg:$0x1] =	wrdreg $0xFFFFFFFF  }
0xc2: {  	_ =	task.clear_ibuf [dreg:s7], $0x2FFFF;
	_ =	strace $0x9FFFFFFF  }
0xc3: {  	(tm) =	ssettm $0x7FFFFFFF  }
tec
execute0_lowered:
.L_overlay_start_1:
0x0: {  	(tag) =	ssettag $0x1  }
0x1: {  	s0 =	rddreg [dreg:$0x0];
	s1 =	srdreg.scid  }
0x2: {  	s8 =	stileid.u32;
	s3 =	rddreg [dreg:$0x2]  }
0x3: {  	s4 =	simm.s32 $0x0;
	s17 =	simm.s32 $0x7;
	s19 =	simm.s32 $0x11100  }
0x4: {  	s20 =	simm.s32 $0x80;
	s21 =	simm.s32 $0x5100;
	s22 =	simm.s32 $0x7100  }
0x5: {  	s24 =	simm.s32 $0x9100;
	s29 =	simm.s32 $0xD100;
	s31 =	simm.s32 $0xF100  }
0x6: {  	s18 =	simm.s32 $0x4;
	s23 =	simm.s32 $0x5;
	s28 =	simm.s32 $0x0  }
0x7: {  	s1 =	sand.u32 $0x1, s1;
	s2 =	sshll.u32 s8, $0x1;
	s11 =	smul.u32 $0x278, s8  }
0x8: {  	[smem:$0x7FF] =	sst s4;
	s5 =	sadd.s32 $0x19200, s0;
	s8 =	smul.u32 $0x27800, s8  }
0x9: {  	s2 =	sor.u32 s1, s2;
	s6 =	ssub.s32 $0x2, s1;
	s1 =	smul.u32 $0x2780, s1  }
0xa: {  	_ =	strace $0x8000004A;
	s2 =	smul.u32 $0x510, s2;
	s7 =	sshrl.u32 s6, $0x1  }
0xb: {  	s26 =	sadd.s32 $0x9E, s11;
	s8 =	sshrl.u32 s8, $0x2;
	s30 =	sadd.s32 $0x13C, s11  }
0xc: {  	s14 =	sadd.s32 $0x1DA, s11;
	s6 =	ssub.s32 s6, s7;
	s10 =	sshll.u32 s26, $0x6  }
0xd: {  	s8 =	sadd.s32 s8, s3;
	s11 =	sadd.s32 s1, s11;
	s12 =	sshll.u32 s30, $0x6  }
0xe: {  	s13 =	sshll.u32 s14, $0x6;
	s2 =	sadd.s32 s2, s0;
	s0 =	sadd.s32 $0x2CC00, s0  }
0xf: {  	s9 =	smax.u32 s6, $0x1;
	s10 =	sadd.s32 s10, s3;
	s15 =	sshll.u32 s11, $0x3  }
0x10: {  	s11 =	sadd.s32 s12, s3;
	s12 =	sadd.s32 s13, s3;
	s25 =	sadd.s32 $0xF000, s2  }
0x11: {  	s6 =	sadd.s32 s1, s30;
	s2 =	sadd.s32 $0x4E00, s2;
	[dreg:$0x4] =	wrdreg s25  }
0x12: {  	s13 =	sadd.s32 s0, s15;
	s6 =	sshll.u32 s6, $0x3;
	[dreg:$0x5] =	wrdreg s2  }
0x13: {  	s2 =	sadd.s32 s1, s26;
	s1 =	sadd.s32 s1, s14;
	s15 =	sadd.s32 s0, s6  }
0x14: {  	s26 =	simm.s32 $0xB100;
	s2 =	sshll.u32 s2, $0x3;
	s1 =	sshll.u32 s1, $0x3  }
0x15: {  	s25 =	simm.s32 $0x6;
	s14 =	sadd.s32 s0, s2;
	s16 =	sadd.s32 s0, s1  }
0x16: {  	s1 =	simm.s32 $0x1;
	s0 =	simm.s32 $0x2;
	s2 =	simm.s32 $0x3  }
.LBB2_1:
0x17: {  	s6 =	rddreg [dreg:$0x4]  }
0x18: {  	[tilespmem:s4], [sflag:$0x7] =	stream.linear.gather [hbm4b:s6+s4], $0x2880, $0x38;
	[tilespmem:$0x1D680] =	vst v63  }
0x19: {  	_ =	swait.ge [sflag:s17], $0x2880  }
0x1a: {  	[sflag:s17] =	ssyncset.done $0x0  }
0x1b: {  	s7 =	simm.s32 $0x2880;
	s6 =	rddreg [dreg:$0x5];
	[sflag:s17] =	ssyncadd.s32 $0xFFFFD780  }
0x1c: {  	[tilespmem:s7], [sflag:$0x7] =	stream.linear.gather [hbm4b:s6+s4], $0x2880, $0x38;
	[tilespmem:$0x1D680] =	vst v63  }
0x1d: {  	_ =	swait.ge [sflag:s17], $0x2880  }
0x1e: {  	[sflag:s17] =	ssyncset.done $0x0  }
0x1f: {  	[sflag:s17] =	ssyncadd.s32 $0xFFFFD780  }
0x20: {  	s7 =	rddreg [dreg:$0x1]  }
0x21: {  	[tilespmem:s19], [sflag:$0x7] =	stream.linear.gather [hbm4b:s7+s4], $0x2780, $0x38;
	[tilespmem:$0x1D680] =	vst v63  }
0x22: {  	_ =	swait.ge [sflag:s17], $0x2780  }
0x23: {  	[sflag:s17] =	ssyncset.done $0x0  }
0x24: {  	[sflag:s17] =	ssyncadd.s32 $0xFFFFD880  }
0x25: {  	[spmem:s8] =	stream.linear.scatter [tilespmem:s19], [sflag:$0x7], $0x2780, $0x38;
	[tilespmem:$0x1D680] =	vst v63  }
0x26: {  	_ =	swait.ge [sflag:s17], $0x2780  }
0x27: {  	[sflag:s17] =	ssyncset.done $0x0  }
0x28: {  	[sflag:s17] =	ssyncadd.s32 $0xFFFFD880  }
0x29: {  	[spmem:s10] =	stream.linear.scatter [tilespmem:s19], [sflag:$0x7], $0x2780, $0x38;
	[tilespmem:$0x1D680] =	vst v63  }
0x2a: {  	_ =	swait.ge [sflag:s17], $0x2780  }
0x2b: {  	[sflag:s17] =	ssyncset.done $0x0  }
0x2c: {  	[sflag:s17] =	ssyncadd.s32 $0xFFFFD880  }
0x2d: {  	[spmem:s11] =	stream.linear.scatter [tilespmem:s19], [sflag:$0x7], $0x2780, $0x38;
	[tilespmem:$0x1D680] =	vst v63  }
0x2e: {  	_ =	swait.ge [sflag:s17], $0x2780  }
0x2f: {  	[sflag:s17] =	ssyncset.done $0x0  }
0x30: {  	[sflag:s17] =	ssyncadd.s32 $0xFFFFD880  }
0x31: {  	[spmem:s12] =	stream.linear.scatter [tilespmem:s19], [sflag:$0x7], $0x2780, $0x38;
	[tilespmem:$0x1D680] =	vst v63  }
0x32: {  	_ =	swait.ge [sflag:s17], $0x2780  }
0x33: {  	[sflag:s17] =	ssyncset.done $0x0  }
0x34: {  	[sflag:s17] =	ssyncadd.s32 $0xFFFFD880  }
0x35: {  	[bflag:$0x0] =	sbarrier.arrive $0xFFFF  }
0x36: {  	[tilespmem:s21], [sflag:$0x1] =	stream.indirect.gather [hbm4b:s5+s20], $0x40, s4, s20, $0xb8;
	[tilespmem:$0x1D680] =	vst v63  }
0x37: {  	_ = 	snop  }
0x38: {  	[tilespmem:s22], [sflag:$0x2] =	stream.indirect.gather [hbm4b:s5+s20], $0x40, s20, s20, $0xb8;
	[tilespmem:$0x1D680] =	vst v63  }
0x39: {  	s7 =	simm.s32 $0x100  }
0x3a: {  	[tilespmem:s24], [sflag:$0x3] =	stream.indirect.gather [hbm4b:s5+s20], $0x40, s7, s20, $0xb8;
	[tilespmem:$0x1D680] =	vst v63  }
0x3b: {  	s7 =	simm.s32 $0x180  }
0x3c: {  	[tilespmem:s26], [sflag:$0x4] =	stream.indirect.gather [hbm4b:s5+s20], $0x40, s7, s20, $0xb8;
	[tilespmem:$0x1D680] =	vst v63  }
0x3d: {  	s7 =	simm.s32 $0x200  }
0x3e: {  	[tilespmem:s29], [sflag:$0x5] =	stream.indirect.gather [hbm4b:s5+s20], $0x40, s7, s20, $0xb8;
	[tilespmem:$0x1D680] =	vst v63  }
0x3f: {  	s7 =	simm.s32 $0x280  }
0x40: {  	[tilespmem:s31], [sflag:$0x6] =	stream.indirect.gather [hbm4b:s5+s20], $0x40, s7, s20, $0xb8;
	[tilespmem:$0x1D680] =	vst v63  }
0x41: {  	_ =	swait.ge [sflag:s1], $0x2000  }
0x42: {  	[sflag:s1] =	ssyncset.done $0x0  }
0x43: {  	s7 =	simm.s32 $0x2880;
	[sflag:s1] =	ssyncadd.s32 $0xFFFFE000  }
0x44: {  	[spmem:s3] =	stream.indirect.scatter.add.f32 [tilespmem:s21], [sflag:$0x7], $0x40, s7, s20, $0xb8;
	[tilespmem:$0x1D680] =	vst v63  }
0x45: {  	_ =	swait.ge [sflag:s17], $0x2000  }
0x46: {  	[sflag:s17] =	ssyncset.done $0x0  }
0x47: {  	s7 =	simm.s32 $0x300;
	[sflag:s17] =	ssyncadd.s32 $0xFFFFE000  }
0x48: {  	[tilespmem:s21], [sflag:$0x1] =	stream.indirect.gather [hbm4b:s5+s20], $0x40, s7, s20, $0xb8;
	[tilespmem:$0x1D680] =	vst v63  }
0x49: {  	_ =	swait.ge [sflag:s0], $0x2000  }
0x4a: {  	[sflag:s0] =	ssyncset.done $0x0  }
0x4b: {  	s7 =	simm.s32 $0x2900;
	[sflag:s0] =	ssyncadd.s32 $0xFFFFE000  }
0x4c: {  	[spmem:s3] =	stream.indirect.scatter.add.f32 [tilespmem:s22], [sflag:$0x7], $0x40, s7, s20, $0xb8;
	[tilespmem:$0x1D680] =	vst v63  }
0x4d: {  	_ =	swait.ge [sflag:s17], $0x2000  }
0x4e: {  	[sflag:s17] =	ssyncset.done $0x0  }
0x4f: {  	s7 =	simm.s32 $0x380;
	[sflag:s17] =	ssyncadd.s32 $0xFFFFE000  }
0x50: {  	[tilespmem:s22], [sflag:$0x2] =	stream.indirect.gather [hbm4b:s5+s20], $0x40, s7, s20, $0xb8;
	[tilespmem:$0x1D680] =	vst v63  }
0x51: {  	_ =	swait.ge [sflag:s2], $0x2000  }
0x52: {  	[sflag:s2] =	ssyncset.done $0x0  }
0x53: {  	s7 =	simm.s32 $0x2980;
	[sflag:s2] =	ssyncadd.s32 $0xFFFFE000  }
0x54: {  	[spmem:s3] =	stream.indirect.scatter.add.f32 [tilespmem:s24], [sflag:$0x7], $0x40, s7, s20, $0xb8;
	[tilespmem:$0x1D680] =	vst v63  }
0x55: {  	_ =	swait.ge [sflag:s17], $0x2000  }
0x56: {  	[sflag:s17] =	ssyncset.done $0x0  }
0x57: {  	s7 =	simm.s32 $0x400;
	[sflag:s17] =	ssyncadd.s32 $0xFFFFE000  }
0x58: {  	[tilespmem:s24], [sflag:$0x3] =	stream.indirect.gather [hbm4b:s5+s20], $0x40, s7, s20, $0xb8;
	[tilespmem:$0x1D680] =	vst v63  }
0x59: {  	_ =	swait.ge [sflag:s18], $0x2000  }
0x5a: {  	[sflag:s18] =	ssyncset.done $0x0  }
0x5b: {  	s7 =	simm.s32 $0x2A00;
	[sflag:s18] =	ssyncadd.s32 $0xFFFFE000  }
0x5c: {  	[spmem:s3] =	stream.indirect.scatter.add.f32 [tilespmem:s26], [sflag:$0x7], $0x40, s7, s20, $0xb8;
	[tilespmem:$0x1D680] =	vst v63  }
0x5d: {  	_ =	swait.ge [sflag:s17], $0x2000  }
0x5e: {  	[sflag:s17] =	ssyncset.done $0x0  }
0x5f: {  	s7 =	simm.s32 $0x480;
	[sflag:s17] =	ssyncadd.s32 $0xFFFFE000  }
0x60: {  	[tilespmem:s26], [sflag:$0x4] =	stream.indirect.gather [hbm4b:s5+s20], $0x40, s7, s20, $0xb8;
	[tilespmem:$0x1D680] =	vst v63  }
0x61: {  	_ =	swait.ge [sflag:s23], $0x2000  }
0x62: {  	[sflag:s23] =	ssyncset.done $0x0  }
0x63: {  	s7 =	simm.s32 $0x2A80;
	[sflag:s23] =	ssyncadd.s32 $0xFFFFE000  }
0x64: {  	[spmem:s3] =	stream.indirect.scatter.add.f32 [tilespmem:s29], [sflag:$0x7], $0x40, s7, s20, $0xb8;
	[tilespmem:$0x1D680] =	vst v63  }
0x65: {  	_ =	swait.ge [sflag:s17], $0x2000  }
0x66: {  	[sflag:s17] =	ssyncset.done $0x0  }
0x67: {  	s7 =	simm.s32 $0x500;
	[sflag:s17] =	ssyncadd.s32 $0xFFFFE000  }
0x68: {  	[tilespmem:s29], [sflag:$0x5] =	stream.indirect.gather [hbm4b:s5+s20], $0x40, s7, s20, $0xb8;
	[tilespmem:$0x1D680] =	vst v63  }
0x69: {  	_ =	swait.ge [sflag:s25], $0x2000  }
0x6a: {  	[sflag:s25] =	ssyncset.done $0x0  }
0x6b: {  	s7 =	simm.s32 $0x2B00;
	[sflag:s25] =	ssyncadd.s32 $0xFFFFE000  }
0x6c: {  	[spmem:s3] =	stream.indirect.scatter.add.f32 [tilespmem:s31], [sflag:$0x7], $0x40, s7, s20, $0xb8;
	[tilespmem:$0x1D680] =	vst v63  }
0x6d: {  	_ =	swait.ge [sflag:s17], $0x2000  }
0x6e: {  	[sflag:s17] =	ssyncset.done $0x0  }
0x6f: {  	s30 =	simm.s32 $0xC00;
	s6 =	simm.s32 $0x580;
	[sflag:s17] =	ssyncadd.s32 $0xFFFFE000  }
.LBB2_2:
0x70: {  	[tilespmem:s31], [sflag:$0x6] =	stream.indirect.gather [hbm4b:s5+s20], $0x40, s6, s20, $0xb8;
	[tilespmem:$0x1D680] =	vst v63  }
0x71: {  	s6 =	smov.u32 s30  }
0x72: {  	p0 =	sne.s32 s30, $0x8400;
	s30 =	sadd.s32 $0xC00, s30;
	_ =	swait.ge [sflag:s1], $0x2000  }
0x73: {  	s6 =	sshra.s32 s6, $0x2;
	[sflag:s1] =	ssyncset.done $0x0  }
0x74: {  	s7 =	sadd.s32 $0x2880, s6;
	[sflag:s1] =	ssyncadd.s32 $0xFFFFE000  }
0x75: {  	[spmem:s3] =	stream.indirect.scatter.add.f32 [tilespmem:s21], [sflag:$0x7], $0x40, s7, s20, $0xb8;
	[tilespmem:$0x1D680] =	vst v63  }
0x76: {  	_ =	swait.ge [sflag:s17], $0x2000  }
0x77: {  	[sflag:s17] =	ssyncset.done $0x0  }
0x78: {  	s7 =	sadd.s32 $0x300, s6;
	[sflag:s17] =	ssyncadd.s32 $0xFFFFE000  }
0x79: {  	[tilespmem:s21], [sflag:$0x1] =	stream.indirect.gather [hbm4b:s5+s20], $0x40, s7, s20, $0xb8;
	[tilespmem:$0x1D680] =	vst v63  }
0x7a: {  	_ =	swait.ge [sflag:s0], $0x2000  }
0x7b: {  	[sflag:s0] =	ssyncset.done $0x0  }
0x7c: {  	s7 =	sadd.s32 $0x2900, s6;
	[sflag:s0] =	ssyncadd.s32 $0xFFFFE000  }
0x7d: {  	[spmem:s3] =	stream.indirect.scatter.add.f32 [tilespmem:s22], [sflag:$0x7], $0x40, s7, s20, $0xb8;
	[tilespmem:$0x1D680] =	vst v63  }
0x7e: {  	_ =	swait.ge [sflag:s17], $0x2000  }
0x7f: {  	[sflag:s17] =	ssyncset.done $0x0  }
0x80: {  	s7 =	sadd.s32 $0x380, s6;
	[sflag:s17] =	ssyncadd.s32 $0xFFFFE000  }
0x81: {  	[tilespmem:s22], [sflag:$0x2] =	stream.indirect.gather [hbm4b:s5+s20], $0x40, s7, s20, $0xb8;
	[tilespmem:$0x1D680] =	vst v63  }
0x82: {  	_ =	swait.ge [sflag:s2], $0x2000  }
0x83: {  	[sflag:s2] =	ssyncset.done $0x0  }
0x84: {  	s7 =	sadd.s32 $0x2980, s6;
	[sflag:s2] =	ssyncadd.s32 $0xFFFFE000  }
0x85: {  	[spmem:s3] =	stream.indirect.scatter.add.f32 [tilespmem:s24], [sflag:$0x7], $0x40, s7, s20, $0xb8;
	[tilespmem:$0x1D680] =	vst v63  }
0x86: {  	_ =	swait.ge [sflag:s17], $0x2000  }
0x87: {  	[sflag:s17] =	ssyncset.done $0x0  }
0x88: {  	s7 =	sadd.s32 $0x400, s6;
	[sflag:s17] =	ssyncadd.s32 $0xFFFFE000  }
0x89: {  	[tilespmem:s24], [sflag:$0x3] =	stream.indirect.gather [hbm4b:s5+s20], $0x40, s7, s20, $0xb8;
	[tilespmem:$0x1D680] =	vst v63  }
0x8a: {  	_ =	swait.ge [sflag:s18], $0x2000  }
0x8b: {  	[sflag:s18] =	ssyncset.done $0x0  }
0x8c: {  	s7 =	sadd.s32 $0x2A00, s6;
	[sflag:s18] =	ssyncadd.s32 $0xFFFFE000  }
0x8d: {  	[spmem:s3] =	stream.indirect.scatter.add.f32 [tilespmem:s26], [sflag:$0x7], $0x40, s7, s20, $0xb8;
	[tilespmem:$0x1D680] =	vst v63  }
0x8e: {  	_ =	swait.ge [sflag:s17], $0x2000  }
0x8f: {  	[sflag:s17] =	ssyncset.done $0x0  }
0x90: {  	s7 =	sadd.s32 $0x480, s6;
	[sflag:s17] =	ssyncadd.s32 $0xFFFFE000  }
0x91: {  	[tilespmem:s26], [sflag:$0x4] =	stream.indirect.gather [hbm4b:s5+s20], $0x40, s7, s20, $0xb8;
	[tilespmem:$0x1D680] =	vst v63  }
0x92: {  	_ =	swait.ge [sflag:s23], $0x2000  }
0x93: {  	[sflag:s23] =	ssyncset.done $0x0  }
0x94: {  	s7 =	sadd.s32 $0x2A80, s6;
	[sflag:s23] =	ssyncadd.s32 $0xFFFFE000  }
0x95: {  	[spmem:s3] =	stream.indirect.scatter.add.f32 [tilespmem:s29], [sflag:$0x7], $0x40, s7, s20, $0xb8;
	[tilespmem:$0x1D680] =	vst v63  }
0x96: {  	_ =	swait.ge [sflag:s17], $0x2000  }
0x97: {  	[sflag:s17] =	ssyncset.done $0x0  }
0x98: {  	s7 =	sadd.s32 $0x500, s6;
	[sflag:s17] =	ssyncadd.s32 $0xFFFFE000  }
0x99: {  	[tilespmem:s29], [sflag:$0x5] =	stream.indirect.gather [hbm4b:s5+s20], $0x40, s7, s20, $0xb8;
	[tilespmem:$0x1D680] =	vst v63  }
0x9a: {  	_ =	swait.ge [sflag:s25], $0x2000  }
0x9b: {  	[sflag:s25] =	ssyncset.done $0x0  }
.Ltmp0:
0x9c: {  	s7 =	sadd.s32 $0x2B00, s6;
	[sflag:s25] =	ssyncadd.s32 $0xFFFFE000;
	(pc) =	sbr.rel @p0 .LBB2_2-.Ltmp0, $4  }
0x9d: {  	[spmem:s3] =	stream.indirect.scatter.add.f32 [tilespmem:s31], [sflag:$0x7], $0x40, s7, s20, $0xb8;
	[tilespmem:$0x1D680] =	vst v63  }
0x9e: {  	_ =	swait.ge [sflag:s17], $0x2000  }
0x9f: {  	[sflag:s17] =	ssyncset.done $0x0  }
0xa0: {  	s6 =	sadd.s32 $0x580, s6;
	[sflag:s17] =	ssyncadd.s32 $0xFFFFE000  }
0xa1: {  	[tilespmem:s31], [sflag:$0x6] =	stream.indirect.gather [hbm4b:s5+s20], $0x40, s6, s20, $0xb8;
	[tilespmem:$0x1D680] =	vst v63  }
0xa2: {  	_ =	swait.ge [sflag:s1], $0x2000  }
0xa3: {  	[sflag:s1] =	ssyncset.done $0x0  }
0xa4: {  	s7 =	simm.s32 $0x4C80;
	[sflag:s1] =	ssyncadd.s32 $0xFFFFE000  }
0xa5: {  	[spmem:s3] =	stream.indirect.scatter.add.f32 [tilespmem:s21], [sflag:$0x7], $0x40, s7, s20, $0xb8;
	[tilespmem:$0x1D680] =	vst v63  }
0xa6: {  	_ =	swait.ge [sflag:s17], $0x2000  }
0xa7: {  	[sflag:s17] =	ssyncset.done $0x0  }
0xa8: {  	s30 =	simm.s32 $0x2700;
	[sflag:s17] =	ssyncadd.s32 $0xFFFFE000  }
0xa9: {  	[tilespmem:s21], [sflag:$0x1] =	stream.indirect.gather [hbm4b:s5+s20], $0x40, s30, s20, $0xb8;
	[tilespmem:$0x1D680] =	vst v63  }
0xaa: {  	_ =	swait.ge [sflag:s0], $0x2000  }
0xab: {  	[sflag:s0] =	ssyncset.done $0x0  }
0xac: {  	s7 =	simm.s32 $0x4D00;
	[sflag:s0] =	ssyncadd.s32 $0xFFFFE000  }
0xad: {  	[spmem:s3] =	stream.indirect.scatter.add.f32 [tilespmem:s22], [sflag:$0x7], $0x40, s7, s20, $0xb8;
	[tilespmem:$0x1D680] =	vst v63  }
0xae: {  	_ =	swait.ge [sflag:s17], $0x2000  }
0xaf: {  	[sflag:s17] =	ssyncset.done $0x0  }
0xb0: {  	s30 =	simm.s32 $0x2780;
	[sflag:s17] =	ssyncadd.s32 $0xFFFFE000  }
0xb1: {  	[tilespmem:s22], [sflag:$0x2] =	stream.indirect.gather [hbm4b:s5+s20], $0x40, s30, s20, $0xb8;
	[tilespmem:$0x1D680] =	vst v63  }
0xb2: {  	_ =	swait.ge [sflag:s2], $0x2000  }
0xb3: {  	[sflag:s2] =	ssyncset.done $0x0  }
0xb4: {  	s7 =	simm.s32 $0x4D80;
	[sflag:s2] =	ssyncadd.s32 $0xFFFFE000  }
0xb5: {  	[spmem:s3] =	stream.indirect.scatter.add.f32 [tilespmem:s24], [sflag:$0x7], $0x40, s7, s20, $0xb8;
	[tilespmem:$0x1D680] =	vst v63  }
0xb6: {  	_ =	swait.ge [sflag:s17], $0x2000  }
0xb7: {  	[sflag:s17] =	ssyncset.done $0x0  }
0xb8: {  	s30 =	simm.s32 $0x2800;
	[sflag:s17] =	ssyncadd.s32 $0xFFFFE000  }
0xb9: {  	[tilespmem:s24], [sflag:$0x3] =	stream.indirect.gather [hbm4b:s5+s20], $0x40, s30, s20, $0xb8;
	[tilespmem:$0x1D680] =	vst v63  }
0xba: {  	_ =	swait.ge [sflag:s18], $0x2000  }
0xbb: {  	[sflag:s18] =	ssyncset.done $0x0  }
0xbc: {  	s7 =	simm.s32 $0x4E00;
	[sflag:s18] =	ssyncadd.s32 $0xFFFFE000  }
0xbd: {  	[spmem:s3] =	stream.indirect.scatter.add.f32 [tilespmem:s26], [sflag:$0x7], $0x40, s7, s20, $0xb8;
	[tilespmem:$0x1D680] =	vst v63  }
0xbe: {  	_ =	swait.ge [sflag:s17], $0x2000  }
0xbf: {  	[sflag:s17] =	ssyncset.done $0x0  }
0xc0: {  	[sflag:s17] =	ssyncadd.s32 $0xFFFFE000  }
0xc1: {  	_ =	swait.ge [sflag:s23], $0x2000  }
0xc2: {  	[sflag:s23] =	ssyncset.done $0x0  }
0xc3: {  	s30 =	simm.s32 $0x4E80;
	[sflag:s23] =	ssyncadd.s32 $0xFFFFE000  }
0xc4: {  	[spmem:s3] =	stream.indirect.scatter.add.f32 [tilespmem:s29], [sflag:$0x7], $0x40, s30, s20, $0xb8;
	[tilespmem:$0x1D680] =	vst v63  }
0xc5: {  	_ =	swait.ge [sflag:s17], $0x2000  }
0xc6: {  	[sflag:s17] =	ssyncset.done $0x0  }
0xc7: {  	[sflag:s17] =	ssyncadd.s32 $0xFFFFE000  }
0xc8: {  	_ =	swait.ge [sflag:s25], $0x2000  }
0xc9: {  	[sflag:s25] =	ssyncset.done $0x0  }
0xca: {  	s7 =	simm.s32 $0x4F00;
	[sflag:s25] =	ssyncadd.s32 $0xFFFFE000  }
0xcb: {  	[spmem:s3] =	stream.indirect.scatter.add.f32 [tilespmem:s31], [sflag:$0x7], $0x40, s7, s20, $0xb8;
	[tilespmem:$0x1D680] =	vst v63  }
0xcc: {  	_ =	swait.ge [sflag:s17], $0x2000  }
0xcd: {  	[sflag:s17] =	ssyncset.done $0x0  }
0xce: {  	[sflag:s17] =	ssyncadd.s32 $0xFFFFE000  }
0xcf: {  	_ =	swait.ge [sflag:s1], $0x2000  }
0xd0: {  	[sflag:s1] =	ssyncset.done $0x0  }
0xd1: {  	s30 =	simm.s32 $0x4F80;
	[sflag:s1] =	ssyncadd.s32 $0xFFFFE000  }
0xd2: {  	[spmem:s3] =	stream.indirect.scatter.add.f32 [tilespmem:s21], [sflag:$0x7], $0x40, s30, s20, $0xb8;
	[tilespmem:$0x1D680] =	vst v63  }
0xd3: {  	_ =	swait.ge [sflag:s17], $0x2000  }
0xd4: {  	[sflag:s17] =	ssyncset.done $0x0  }
0xd5: {  	[sflag:s17] =	ssyncadd.s32 $0xFFFFE000  }
0xd6: {  	_ =	swait.ge [sflag:s0], $0x2000  }
0xd7: {  	[sflag:s0] =	ssyncset.done $0x0  }
0xd8: {  	s7 =	simm.s32 $0x5000;
	[sflag:s0] =	ssyncadd.s32 $0xFFFFE000  }
0xd9: {  	[spmem:s3] =	stream.indirect.scatter.add.f32 [tilespmem:s22], [sflag:$0x7], $0x40, s7, s20, $0xb8;
	[tilespmem:$0x1D680] =	vst v63  }
0xda: {  	_ =	swait.ge [sflag:s17], $0x2000  }
0xdb: {  	[sflag:s17] =	ssyncset.done $0x0  }
0xdc: {  	[sflag:s17] =	ssyncadd.s32 $0xFFFFE000  }
0xdd: {  	_ =	swait.ge [sflag:s2], $0x2000  }
0xde: {  	[sflag:s2] =	ssyncset.done $0x0  }
0xdf: {  	s30 =	simm.s32 $0x5080;
	[sflag:s2] =	ssyncadd.s32 $0xFFFFE000  }
0xe0: {  	[spmem:s3] =	stream.indirect.scatter.add.f32 [tilespmem:s24], [sflag:$0x7], $0x40, s30, s20, $0xb8;
	[tilespmem:$0x1D680] =	vst v63  }
0xe1: {  	_ =	swait.ge [sflag:s17], $0x2000  }
0xe2: {  	[sflag:s17] =	ssyncset.done $0x0  }
0xe3: {  	[sflag:s17] =	ssyncadd.s32 $0xFFFFE000  }
0xe4: {  	[bflag:$0x0] =	sbarrier.arrive $0xFFFF  }
0xe5: {  	[tilespmem:s19], [sflag:$0x7] =	stream.linear.gather [spmem:s8], $0x2780, $0x38;
	[tilespmem:$0x1D680] =	vst v63  }
0xe6: {  	_ =	swait.ge [sflag:s17], $0x2780  }
0xe7: {  	[sflag:s17] =	ssyncset.done $0x0  }
0xe8: {  	[sflag:s17] =	ssyncadd.s32 $0xFFFFD880  }
0xe9: {  	[hbm4b:s13+s4] =	stream.linear.scatter [tilespmem:s19], [sflag:$0x7], $0x2780, $0x38;
	[tilespmem:$0x1D680] =	vst v63  }
0xea: {  	_ =	swait.ge [sflag:s17], $0x2780  }
0xeb: {  	[sflag:s17] =	ssyncset.done $0x0  }
0xec: {  	[sflag:s17] =	ssyncadd.s32 $0xFFFFD880  }
0xed: {  	[tilespmem:s19], [sflag:$0x7] =	stream.linear.gather [spmem:s10], $0x2780, $0x38;
	[tilespmem:$0x1D680] =	vst v63  }
0xee: {  	_ =	swait.ge [sflag:s17], $0x2780  }
0xef: {  	[sflag:s17] =	ssyncset.done $0x0  }
0xf0: {  	[sflag:s17] =	ssyncadd.s32 $0xFFFFD880  }
0xf1: {  	[hbm4b:s14+s4] =	stream.linear.scatter [tilespmem:s19], [sflag:$0x7], $0x2780, $0x38;
	[tilespmem:$0x1D680] =	vst v63  }
0xf2: {  	_ =	swait.ge [sflag:s17], $0x2780  }
0xf3: {  	[sflag:s17] =	ssyncset.done $0x0  }
0xf4: {  	[sflag:s17] =	ssyncadd.s32 $0xFFFFD880  }
0xf5: {  	[tilespmem:s19], [sflag:$0x7] =	stream.linear.gather [spmem:s11], $0x2780, $0x38;
	[tilespmem:$0x1D680] =	vst v63  }
0xf6: {  	_ =	swait.ge [sflag:s17], $0x2780  }
0xf7: {  	[sflag:s17] =	ssyncset.done $0x0  }
0xf8: {  	[sflag:s17] =	ssyncadd.s32 $0xFFFFD880  }
0xf9: {  	[hbm4b:s15+s4] =	stream.linear.scatter [tilespmem:s19], [sflag:$0x7], $0x2780, $0x38;
	[tilespmem:$0x1D680] =	vst v63  }
0xfa: {  	_ =	swait.ge [sflag:s17], $0x2780  }
0xfb: {  	[sflag:s17] =	ssyncset.done $0x0  }
0xfc: {  	[sflag:s17] =	ssyncadd.s32 $0xFFFFD880  }
0xfd: {  	[tilespmem:s19], [sflag:$0x7] =	stream.linear.gather [spmem:s12], $0x2780, $0x38;
	[tilespmem:$0x1D680] =	vst v63  }
0xfe: {  	s28 =	sadd.s32 $0x1, s28;
	_ =	swait.ge [sflag:s17], $0x2780  }
0xff: {  	p0 =	sne.s32 s28, s9;
	[sflag:s17] =	ssyncset.done $0x0  }
.Ltmp1:
0x100: {  	[sflag:s17] =	ssyncadd.s32 $0xFFFFD880;
	(pc) =	sbr.rel @p0 .LBB2_1-.Ltmp1, $4  }
0x101: {  	[hbm4b:s16+s4] =	stream.linear.scatter [tilespmem:s19], [sflag:$0x7], $0x2780, $0x38;
	[tilespmem:$0x1D680] =	vst v63  }
0x102: {  	_ =	swait.ge [sflag:s17], $0x2780  }
0x103: {  	[sflag:s17] =	ssyncset.done $0x0  }
0x104: {  	[sflag:s17] =	ssyncadd.s32 $0xFFFFD880  }
0x105: {  	_ =	sfence.sel $0x180000  }
0x106: {  	[bflag:$0x0] =	sbarrier.arrive $0xFFFF  }
0x107: {  	_ =	strace $0x9000004A  }
0x108: {  	s0 =	stileid.u32;
	[bflag:$0x2] =	sbarrier.arrive $0xFFFF  }
0x109: {  	p0 =	sne.s32 s0, $0x0;
	s0 =	rddreg [dreg:$0x3]  }
0x10a: {  	s0 =	sadd.s32 @!p0 $0x100000, s0  }
0x10b: {  	[sflag:s0] =	ssyncadd.tile.s32 @!p0 $0x1;
	_ =	shalt  }
.Lfunc_end2:
_tile_overlayer_lowered:
.L_overlay_start_2:
0x10c: {  	(tag) =	ssettag $0x2  }
0x10d: {  	s0 =	rddreg [dreg:$0x0];
	s2 =	stileid.u32  }
0x10e: {  	s1 =	rddreg [dreg:$0x1];
	p0 =	sne.s32 s2, $0x0  }
0x10f: {  	s3 =	rddreg [dreg:$0x2];
	[bflag:$0x3] =	sbarrier.arrive $0xFFFF;
	s2 =	simm.s32 @!p0 $0x1C07  }
0x110: {  	[timem:s3], [sflag:s2] =	dma.local @!p0 [hbm:s0], s1  }
0x111: {  	s0 =	simm.s32 @!p0 $0x7  }
0x112: {  	_ =	swait.ge @!p0 [sflag:s0], s1  }
0x113: {  	s1 =	ssub.s32 @!p0 $0x0, s1;
	[sflag:s0] =	ssyncset.done @!p0 $0x0  }
0x114: {  	[sflag:s0] =	ssyncadd.s32 @!p0 s1  }
0x115: {  	[bflag:$0x3] =	sbarrier.arrive $0xFFFF  }
0x116: {  	_ =	shalt  }

// kernel: kernel.18.cloned.1.call-start
scs
__scs_entry_jumppad:
0x0: {  	(pc) =	sbr.rel $0x88, $3  }
0x1: {  	(tag) =	ssettag $0x0;
	lr =	simm.s32 $0x1  }
0x2: {  	[smem:$0x3F8F] =	sst lr;
	_ =	strace $0xD0000000  }
0x3: {  	_ = 	snop  }
0x4: {  	_ = 	snop  }
0x5: {  	_ = 	snop  }
0x6: {  	_ = 	snop  }
0x7: {  	_ = 	snop  }
__scs_overlays_trampoline_lowered:
0x8: {  	[smem:$0x3F9E] =	sst s0  }
0x9: {  	[smem:$0x3F9F] =	sst s1  }
0xa: {  	[smem:$0x3FA0] =	sst s2  }
0xb: {  	[smem:$0x3FA1] =	sst s3  }
0xc: {  	[smem:$0x3FA2] =	sst s4  }
0xd: {  	[smem:$0x3FA3] =	sst s5  }
0xe: {  	[smem:$0x3FA4] =	sst s6  }
0xf: {  	[smem:$0x3FA5] =	sst s7  }
0x10: {  	[smem:$0x3FA6] =	sst s8  }
0x11: {  	[smem:$0x3FA7] =	sst s9;
	s0 =	simm.s32 @!p0 $0x0  }
0x12: {  	s1 =	sld [smem:$0x3F8D];
	s0 =	simm.s32 @p0 $0x1  }
0x13: {  	[smem:$0x3FA8] =	sst s0;
	s0 =	simm.s32 @!p1 $0x0  }
0x14: {  	s2 =	sld [smem:$0x3F8C];
	s0 =	simm.s32 @p1 $0x1  }
0x15: {  	[smem:$0x3FA9] =	sst s0;
	s0 =	simm.s32 @!p2 $0x0  }
0x16: {  	s3 =	sld [smem:$0x3FDB];
	s0 =	simm.s32 @p2 $0x1  }
0x17: {  	s4 =	simm.s32 $0x1BF5;
	[smem:$0x3FAB] =	sst s0  }
0x18: {  	s0 =	sld [smem:$0x3F8E];
	_ =	swait.ge [sflag:s4], $0x0  }
0x19: {  	s7 =	sld [smem:$0x3F8F]  }
0x1a: {  	s8 =	sadd.s32 $0xFFFFE003, lr  }
0x1b: {  	s9 =	sadd.s32 $0xFFFFFEF7, lr;
	s5 =	simm.s32 $0xFFFFFFFF;
	p2 =	slt.u32 s8, $0xFFFFF086  }
0x1c: {  	p1 =	slt.u32 s9, $0xF7A;
	s5 =	simm.s32 @!p2 $0x0  }
0x1d: {  	s5 =	simm.s32 @p1 $0x1;
	p0 =	seq.s32 s7, s2  }
0x1e: {  	s7 =	smul.u32 @!p0 $0xF7A, s2;
	p2 =	seq.s32 @!p0 s5, $0x0  }
0x1f: {  	s9 =	smul.u32 $0xF7A, s1;
	s8 =	simm.s32 @!p0 $0x1BF5;
	p2 =	por !p2, p0  }
0x20: {  	[sflag:s8] =	ssyncset.s32 @!p0 $0xFFFFF086;
	s6 =	sadd.s32 @!p0 s3, s7;
	s7 =	simm.s32 @!p0 $0x108  }
0x21: {  	s3 =	sadd.s32 s3, s9;
	s6 =	sadd.s32 @!p0 $0x88, s6;
	s7 =	simm.s32 @p2 $0x1082  }
0x22: {  	[simem:s7], [sflag:s8] =	dma.local @!p0 [hbm:s6], $0xF7A  }
0x23: {  	s9 =	sor.u32 $0xD0000000, s2;
	s6 =	simm.s32 $0x108;
	_ =	swait.ge @!p0 [sflag:s8], $0x0  }
0x24: {  	s3 =	sadd.s32 $0x88, s3;
	s6 =	simm.s32 @!p1 $0x1082;
	[sflag:s4] =	ssyncset.s32 $0xFFFFF086  }
0x25: {  	[simem:s6], [sflag:s4] =	dma.local [hbm:s3], $0xF7A  }
0x26: {  	[smem:$0x3F8F] =	sst s1;
	(tag) =	ssettag s2;
	_ =	strace s9  }
0x27: {  	s1 =	sld [smem:$0x3F9F]  }
0x28: {  	s2 =	sld [smem:$0x3FA0]  }
0x29: {  	s4 =	sld [smem:$0x3FA2]  }
0x2a: {  	p0 =	seq.s32 s5, $0x0;
	s5 =	sld [smem:$0x3FA3]  }
0x2b: {  	s6 =	sld [smem:$0x3FA4]  }
0x2c: {  	s7 =	sld [smem:$0x3FA5]  }
0x2d: {  	s3 =	simm.s32 $0x108;
	s8 =	sld [smem:$0x3FA6]  }
0x2e: {  	s3 =	simm.s32 @!p0 $0x1082;
	s9 =	sld [smem:$0x3FA7]  }
0x2f: {  	lr =	sadd.s32 s0, s3;
	s0 =	sld [smem:$0x3F9E]  }
0x30: {  	s3 =	sld [smem:$0x3FA1]  }
0x31: {  	[smem:$0x3FAA] =	sst s10  }
0x32: {  	s10 =	sld [smem:$0x3FA8];
	_ =	sdelay $0x3  }
0x33: {  	p0 =	seq.s32 s10, $0x1;
	s10 =	sld [smem:$0x3FAA];
	_ =	sdelay $0x3  }
0x34: {  	[smem:$0x3FAA] =	sst s10  }
0x35: {  	s10 =	sld [smem:$0x3FA9];
	_ =	sdelay $0x3  }
0x36: {  	p1 =	seq.s32 s10, $0x1;
	s10 =	sld [smem:$0x3FAA];
	_ =	sdelay $0x3  }
0x37: {  	[smem:$0x3FAA] =	sst s10  }
0x38: {  	s10 =	sld [smem:$0x3FAB]  }
0x39: {  	_ = 	snop;
	(pc) =	sbr.ind lr, $3  }
0x3a: {  	_ = 	snop  }
0x3b: {  	_ = 	snop  }
0x3c: {  	p2 =	seq.s32 s10, $0x1;
	s10 =	sld [smem:$0x3FAA]  }
0x3d: {  	_ =	shalt  }
0x3e: {  	_ =	shalt  }
0x3f: {  	_ =	shalt  }
0x40: {  	_ =	shalt  }
0x41: {  	_ =	shalt  }
0x42: {  	_ =	shalt  }
0x43: {  	_ =	shalt  }
0x44: {  	_ =	shalt  }
0x45: {  	_ =	shalt  }
0x46: {  	_ =	shalt  }
0x47: {  	_ =	shalt  }
0x48: {  	_ =	shalt  }
0x49: {  	_ =	shalt  }
0x4a: {  	_ =	shalt  }
0x4b: {  	_ =	shalt  }
0x4c: {  	_ =	shalt  }
0x4d: {  	_ =	shalt  }
0x4e: {  	_ =	shalt  }
0x4f: {  	_ =	shalt  }
0x50: {  	_ =	shalt  }
0x51: {  	_ =	shalt  }
0x52: {  	_ =	shalt  }
0x53: {  	_ =	shalt  }
0x54: {  	_ =	shalt  }
0x55: {  	_ =	shalt  }
0x56: {  	_ =	shalt  }
0x57: {  	_ =	shalt  }
0x58: {  	_ =	shalt  }
0x59: {  	_ =	shalt  }
0x5a: {  	_ =	shalt  }
0x5b: {  	_ =	shalt  }
0x5c: {  	_ =	shalt  }
0x5d: {  	_ =	shalt  }
0x5e: {  	_ =	shalt  }
0x5f: {  	_ =	shalt  }
0x60: {  	_ =	shalt  }
0x61: {  	_ =	shalt  }
0x62: {  	_ =	shalt  }
0x63: {  	_ =	shalt  }
0x64: {  	_ =	shalt  }
0x65: {  	_ =	shalt  }
0x66: {  	_ =	shalt  }
0x67: {  	_ =	shalt  }
0x68: {  	_ =	shalt  }
0x69: {  	_ =	shalt  }
0x6a: {  	_ =	shalt  }
0x6b: {  	_ =	shalt  }
0x6c: {  	_ =	shalt  }
0x6d: {  	_ =	shalt  }
0x6e: {  	_ =	shalt  }
0x6f: {  	_ =	shalt  }
0x70: {  	_ =	shalt  }
0x71: {  	_ =	shalt  }
0x72: {  	_ =	shalt  }
0x73: {  	_ =	shalt  }
0x74: {  	_ =	shalt  }
0x75: {  	_ =	shalt  }
0x76: {  	_ =	shalt  }
0x77: {  	_ =	shalt  }
0x78: {  	_ =	shalt  }
0x79: {  	_ =	shalt  }
0x7a: {  	_ =	shalt  }
0x7b: {  	_ =	shalt  }
0x7c: {  	_ =	shalt  }
0x7d: {  	_ =	shalt  }
0x7e: {  	_ =	shalt  }
0x7f: {  	_ =	shalt  }
0x80: {  	_ =	shalt  }
0x81: {  	_ =	shalt  }
0x82: {  	_ =	shalt  }
0x83: {  	_ =	shalt  }
0x84: {  	_ =	shalt  }
0x85: {  	_ =	shalt  }
0x86: {  	_ =	shalt  }
0x87: {  	_ =	shalt  }
.Lfunc_end0:
.L_simem_size_0:
called_computation.2_lowered:
.L_overlay_start_0:
0x88: {  	s2 =	sld [smem:$0x3FD9]  }
0x89: {  	s3 =	sld [smem:$0x3FFE];
	_ =	sdelay $0x1  }
0x8a: {  	s1 =	srdreg.scid  }
0x8b: {  	s0 =	sand.u32 $0x1, s1  }
0x8c: {  	s17 =	sshll.u32 s0, $0xA;
	s2 =	sadd.s32 s3, s2  }
0x8d: {  	s2 =	sadd.s32 s2, s17  }
0x8e: {  	[smem:$0x3FB6] =	sst s2  }
0x8f: {  	_ = 	snop  }
0x90: {  	s2 =	sld [smem:$0x3FD0];
	(tm) =	ssettm $0x1  }
0x91: {  	s18 =	sld [smem:$0x3FFB];
	_ =	sdelay $0x3  }
0x92: {  	_ =	strace s18  }
0x93: {  	s3 =	sld [smem:$0x3FFC];
	_ =	sdelay $0x3  }
0x94: {  	_ =	strace s3  }
0x95: {  	s3 =	sld [smem:$0x3FFD];
	_ =	sdelay $0x3  }
0x96: {  	_ =	strace s3  }
0x97: {  	_ =	strace $0x8FFFFFFF  }
0x98: {  	s19 =	sld [smem:$0x3FDB];
	_ =	sdelay $0x1  }
0x99: {  	s4 =	simm.s32 $_scs_section_size  }
0x9a: {  	s5 =	simm.s32 $_size__tile_overlayer_lowered;
	s6 =	simm.s32 $_tile_overlayer_lowered  }
0x9b: {  	s22 =	simm.s32 $0x1BFF;
	s21 =	sshll.u32 s6, $0x1;
	s3 =	sadd.s32 s4, s19  }
0x9c: {  	s7 =	simm.s32 $0x0;
	s20 =	sshll.u32 s5, $0x1;
	s5 =	sadd.s32 s21, s3  }
0x9d: {  	[timem:s7], [sflag:s22] =	dma.local [hbm:s5], s20  }
0x9e: {  	_ =	swait.ge [sflag:s22], s20  }
0x9f: {  	s4 =	ssub.s32 $0x0, s20;
	[sflag:s22] =	ssyncset.done $0x0  }
0xa0: {  	[sflag:s22] =	ssyncadd.s32 s4;
	_ =	sdelay $0x1  }
0xa1: {  	s23 =	simm.s32 $0x1B8B  }
0xa2: {  	_ =	swait.ge [sflag:s23], $0x1  }
0xa3: {  	[sflag:s23] =	ssyncset.done $0x0  }
0xa4: {  	s25 =	simm.s32 $0x1B8E;
	s24 =	sld [smem:$0x3FFE];
	[sflag:s23] =	ssyncadd.s32 $0xFFFFFFFF  }
0xa5: {  	s26 =	simm.s32 $execute0_lowered;
	[smem:$0x3FD2] =	sst s25  }
0xa6: {  	s5 =	sshll.u32 s26, $0x1;
	_ =	strace $0x8000004C;
	[dreg:$0x1] =	wrdreg $0xFFFFFFFF  }
0xa7: {  	s28 =	simm.s32 $_size_execute0_lowered;
	s3 =	sadd.s32 s3, s5;
	[dreg:$0x0] =	wrdreg $0x0  }
0xa8: {  	s5 =	sshll.u32 s28, $0x1;
	[dreg:$0x2] =	wrdreg s3  }
0xa9: {  	[dreg:$0x3] =	wrdreg s5  }
0xaa: {  	[dreg:$0x4] =	wrdreg $0xC0  }
0xab: {  	_ =	task [dreg:s7], $0x5FFFF  }
0xac: {  	[dreg:$0x1] =	wrdreg $0xFFFFFFFF  }
0xad: {  	[dreg:$0x0] =	wrdreg $0x60  }
0xae: {  	[dreg:$0x2] =	wrdreg s24  }
0xaf: {  	[dreg:$0x3] =	wrdreg s2  }
0xb0: {  	[dreg:$0x4] =	wrdreg $0x138800  }
0xb1: {  	[dreg:$0x5] =	wrdreg $0x9  }
0xb2: {  	_ =	task.clear_ibuf [dreg:s7], $0x6FFFF;
	_ =	strace $0x9000004C  }
0xb3: {  	s29 =	simm.s32 $0x9;
	_ =	strace $0x8000004E  }
0xb4: {  	_ =	swait.ge [sflag:s29], $0x1  }
0xb5: {  	[sflag:s29] =	ssyncadd.s32 $0xFFFFFFFF  }
0xb6: {  	_ =	strace $0x9000004E  }
0xb7: {  	_ =	sfence  }
0xb8: {  	s30 =	sld [smem:$0x0];
	_ =	sdelay $0x2  }
0xb9: {  	s31 =	sshll.u32 s1, $0xD;
	s1 =	sshrl.u32 s1, $0x2  }
0xba: {  	s3 =	sand.u32 $0x4000, s31;
	s1 =	sadd.s32 s1, s30  }
0xbb: {  	s0 =	sor.u32 s3, s0;
	s1 =	sshll.u32 s1, $0x11  }
0xbc: {  	s0 =	sor.u32 s1, s0  }
0xbd: {  	s0 =	sadd.s32 $0x8F2B, s0  }
0xbe: {  	[sflag:s0] =	ssyncadd.remote.s32 $0x1  }
0xbf: {  	_ =	sfence.sel $0xFFFF  }
0xc0: {  	[dreg:$0x0] =	wrdreg $0xFFFFFFFF;
	(pc) =	sbr.abs _section_cstart, $3  }
0xc1: {  	[dreg:$0x1] =	wrdreg $0xFFFFFFFF  }
0xc2: {  	_ =	task.clear_ibuf [dreg:s7], $0x2FFFF;
	_ =	strace $0x9FFFFFFF  }
0xc3: {  	(tm) =	ssettm $0x7FFFFFFF  }
tec
execute0_lowered:
.L_overlay_start_1:
0x0: {  	(tag) =	ssettag $0x1  }
0x1: {  	s0 =	rddreg [dreg:$0x0];
	s1 =	srdreg.scid  }
0x2: {  	s8 =	stileid.u32;
	s3 =	rddreg [dreg:$0x2]  }
0x3: {  	s4 =	simm.s32 $0x0;
	s17 =	simm.s32 $0x7;
	s19 =	simm.s32 $0x11100  }
0x4: {  	s20 =	simm.s32 $0x80;
	s21 =	simm.s32 $0x5100;
	s22 =	simm.s32 $0x7100  }
0x5: {  	s24 =	simm.s32 $0x9100;
	s29 =	simm.s32 $0xD100;
	s31 =	simm.s32 $0xF100  }
0x6: {  	s18 =	simm.s32 $0x4;
	s23 =	simm.s32 $0x5;
	s28 =	simm.s32 $0x0  }
0x7: {  	s1 =	sand.u32 $0x1, s1;
	s2 =	sshll.u32 s8, $0x1;
	s11 =	smul.u32 $0x278, s8  }
0x8: {  	[smem:$0x7FF] =	sst s4;
	s5 =	sadd.s32 $0x19200, s0;
	s8 =	smul.u32 $0x27800, s8  }
0x9: {  	s2 =	sor.u32 s1, s2;
	s6 =	ssub.s32 $0x2, s1;
	s1 =	smul.u32 $0x2780, s1  }
0xa: {  	_ =	strace $0x8000004D;
	s2 =	smul.u32 $0x510, s2;
	s7 =	sshrl.u32 s6, $0x1  }
0xb: {  	s26 =	sadd.s32 $0x9E, s11;
	s8 =	sshrl.u32 s8, $0x2;
	s30 =	sadd.s32 $0x13C, s11  }
0xc: {  	s14 =	sadd.s32 $0x1DA, s11;
	s6 =	ssub.s32 s6, s7;
	s10 =	sshll.u32 s26, $0x6  }
0xd: {  	s8 =	sadd.s32 s8, s3;
	s11 =	sadd.s32 s1, s11;
	s12 =	sshll.u32 s30, $0x6  }
0xe: {  	s13 =	sshll.u32 s14, $0x6;
	s2 =	sadd.s32 s2, s0;
	s0 =	sadd.s32 $0x2CC00, s0  }
0xf: {  	s9 =	smax.u32 s6, $0x1;
	s10 =	sadd.s32 s10, s3;
	s15 =	sshll.u32 s11, $0x3  }
0x10: {  	s11 =	sadd.s32 s12, s3;
	s12 =	sadd.s32 s13, s3;
	s25 =	sadd.s32 $0xF000, s2  }
0x11: {  	s6 =	sadd.s32 s1, s30;
	s2 =	sadd.s32 $0x4E00, s2;
	[dreg:$0x4] =	wrdreg s25  }
0x12: {  	s13 =	sadd.s32 s0, s15;
	s6 =	sshll.u32 s6, $0x3;
	[dreg:$0x5] =	wrdreg s2  }
0x13: {  	s2 =	sadd.s32 s1, s26;
	s1 =	sadd.s32 s1, s14;
	s15 =	sadd.s32 s0, s6  }
0x14: {  	s26 =	simm.s32 $0xB100;
	s2 =	sshll.u32 s2, $0x3;
	s1 =	sshll.u32 s1, $0x3  }
0x15: {  	s25 =	simm.s32 $0x6;
	s14 =	sadd.s32 s0, s2;
	s16 =	sadd.s32 s0, s1  }
0x16: {  	s1 =	simm.s32 $0x1;
	s0 =	simm.s32 $0x2;
	s2 =	simm.s32 $0x3  }
.LBB2_1:
0x17: {  	s6 =	rddreg [dreg:$0x4]  }
0x18: {  	[tilespmem:s4], [sflag:$0x7] =	stream.linear.gather [hbm4b:s6+s4], $0x2880, $0x38;
	[tilespmem:$0x1D680] =	vst v63  }
0x19: {  	_ =	swait.ge [sflag:s17], $0x2880  }
0x1a: {  	[sflag:s17] =	ssyncset.done $0x0  }
0x1b: {  	s7 =	simm.s32 $0x2880;
	s6 =	rddreg [dreg:$0x5];
	[sflag:s17] =	ssyncadd.s32 $0xFFFFD780  }
0x1c: {  	[tilespmem:s7], [sflag:$0x7] =	stream.linear.gather [hbm4b:s6+s4], $0x2880, $0x38;
	[tilespmem:$0x1D680] =	vst v63  }
0x1d: {  	_ =	swait.ge [sflag:s17], $0x2880  }
0x1e: {  	[sflag:s17] =	ssyncset.done $0x0  }
0x1f: {  	[sflag:s17] =	ssyncadd.s32 $0xFFFFD780  }
0x20: {  	s7 =	rddreg [dreg:$0x1]  }
0x21: {  	[tilespmem:s19], [sflag:$0x7] =	stream.linear.gather [hbm4b:s7+s4], $0x2780, $0x38;
	[tilespmem:$0x1D680] =	vst v63  }
0x22: {  	_ =	swait.ge [sflag:s17], $0x2780  }
0x23: {  	[sflag:s17] =	ssyncset.done $0x0  }
0x24: {  	[sflag:s17] =	ssyncadd.s32 $0xFFFFD880  }
0x25: {  	[spmem:s8] =	stream.linear.scatter [tilespmem:s19], [sflag:$0x7], $0x2780, $0x38;
	[tilespmem:$0x1D680] =	vst v63  }
0x26: {  	_ =	swait.ge [sflag:s17], $0x2780  }
0x27: {  	[sflag:s17] =	ssyncset.done $0x0  }
0x28: {  	[sflag:s17] =	ssyncadd.s32 $0xFFFFD880  }
0x29: {  	[spmem:s10] =	stream.linear.scatter [tilespmem:s19], [sflag:$0x7], $0x2780, $0x38;
	[tilespmem:$0x1D680] =	vst v63  }
0x2a: {  	_ =	swait.ge [sflag:s17], $0x2780  }
0x2b: {  	[sflag:s17] =	ssyncset.done $0x0  }
0x2c: {  	[sflag:s17] =	ssyncadd.s32 $0xFFFFD880  }
0x2d: {  	[spmem:s11] =	stream.linear.scatter [tilespmem:s19], [sflag:$0x7], $0x2780, $0x38;
	[tilespmem:$0x1D680] =	vst v63  }
0x2e: {  	_ =	swait.ge [sflag:s17], $0x2780  }
0x2f: {  	[sflag:s17] =	ssyncset.done $0x0  }
0x30: {  	[sflag:s17] =	ssyncadd.s32 $0xFFFFD880  }
0x31: {  	[spmem:s12] =	stream.linear.scatter [tilespmem:s19], [sflag:$0x7], $0x2780, $0x38;
	[tilespmem:$0x1D680] =	vst v63  }
0x32: {  	_ =	swait.ge [sflag:s17], $0x2780  }
0x33: {  	[sflag:s17] =	ssyncset.done $0x0  }
0x34: {  	[sflag:s17] =	ssyncadd.s32 $0xFFFFD880  }
0x35: {  	[bflag:$0x0] =	sbarrier.arrive $0xFFFF  }
0x36: {  	[tilespmem:s21], [sflag:$0x1] =	stream.indirect.gather [hbm4b:s5+s20], $0x40, s4, s20, $0xb8;
	[tilespmem:$0x1D680] =	vst v63  }
0x37: {  	_ = 	snop  }
0x38: {  	[tilespmem:s22], [sflag:$0x2] =	stream.indirect.gather [hbm4b:s5+s20], $0x40, s20, s20, $0xb8;
	[tilespmem:$0x1D680] =	vst v63  }
0x39: {  	s7 =	simm.s32 $0x100  }
0x3a: {  	[tilespmem:s24], [sflag:$0x3] =	stream.indirect.gather [hbm4b:s5+s20], $0x40, s7, s20, $0xb8;
	[tilespmem:$0x1D680] =	vst v63  }
0x3b: {  	s7 =	simm.s32 $0x180  }
0x3c: {  	[tilespmem:s26], [sflag:$0x4] =	stream.indirect.gather [hbm4b:s5+s20], $0x40, s7, s20, $0xb8;
	[tilespmem:$0x1D680] =	vst v63  }
0x3d: {  	s7 =	simm.s32 $0x200  }
0x3e: {  	[tilespmem:s29], [sflag:$0x5] =	stream.indirect.gather [hbm4b:s5+s20], $0x40, s7, s20, $0xb8;
	[tilespmem:$0x1D680] =	vst v63  }
0x3f: {  	s7 =	simm.s32 $0x280  }
0x40: {  	[tilespmem:s31], [sflag:$0x6] =	stream.indirect.gather [hbm4b:s5+s20], $0x40, s7, s20, $0xb8;
	[tilespmem:$0x1D680] =	vst v63  }
0x41: {  	_ =	swait.ge [sflag:s1], $0x2000  }
0x42: {  	[sflag:s1] =	ssyncset.done $0x0  }
0x43: {  	s7 =	simm.s32 $0x2880;
	[sflag:s1] =	ssyncadd.s32 $0xFFFFE000  }
0x44: {  	[spmem:s3] =	stream.indirect.scatter.add.f32 [tilespmem:s21], [sflag:$0x7], $0x40, s7, s20, $0xb8;
	[tilespmem:$0x1D680] =	vst v63  }
0x45: {  	_ =	swait.ge [sflag:s17], $0x2000  }
0x46: {  	[sflag:s17] =	ssyncset.done $0x0  }
0x47: {  	s7 =	simm.s32 $0x300;
	[sflag:s17] =	ssyncadd.s32 $0xFFFFE000  }
0x48: {  	[tilespmem:s21], [sflag:$0x1] =	stream.indirect.gather [hbm4b:s5+s20], $0x40, s7, s20, $0xb8;
	[tilespmem:$0x1D680] =	vst v63  }
0x49: {  	_ =	swait.ge [sflag:s0], $0x2000  }
0x4a: {  	[sflag:s0] =	ssyncset.done $0x0  }
0x4b: {  	s7 =	simm.s32 $0x2900;
	[sflag:s0] =	ssyncadd.s32 $0xFFFFE000  }
0x4c: {  	[spmem:s3] =	stream.indirect.scatter.add.f32 [tilespmem:s22], [sflag:$0x7], $0x40, s7, s20, $0xb8;
	[tilespmem:$0x1D680] =	vst v63  }
0x4d: {  	_ =	swait.ge [sflag:s17], $0x2000  }
0x4e: {  	[sflag:s17] =	ssyncset.done $0x0  }
0x4f: {  	s7 =	simm.s32 $0x380;
	[sflag:s17] =	ssyncadd.s32 $0xFFFFE000  }
0x50: {  	[tilespmem:s22], [sflag:$0x2] =	stream.indirect.gather [hbm4b:s5+s20], $0x40, s7, s20, $0xb8;
	[tilespmem:$0x1D680] =	vst v63  }
0x51: {  	_ =	swait.ge [sflag:s2], $0x2000  }
0x52: {  	[sflag:s2] =	ssyncset.done $0x0  }
0x53: {  	s7 =	simm.s32 $0x2980;
	[sflag:s2] =	ssyncadd.s32 $0xFFFFE000  }
0x54: {  	[spmem:s3] =	stream.indirect.scatter.add.f32 [tilespmem:s24], [sflag:$0x7], $0x40, s7, s20, $0xb8;
	[tilespmem:$0x1D680] =	vst v63  }
0x55: {  	_ =	swait.ge [sflag:s17], $0x2000  }
0x56: {  	[sflag:s17] =	ssyncset.done $0x0  }
0x57: {  	s7 =	simm.s32 $0x400;
	[sflag:s17] =	ssyncadd.s32 $0xFFFFE000  }
0x58: {  	[tilespmem:s24], [sflag:$0x3] =	stream.indirect.gather [hbm4b:s5+s20], $0x40, s7, s20, $0xb8;
	[tilespmem:$0x1D680] =	vst v63  }
0x59: {  	_ =	swait.ge [sflag:s18], $0x2000  }
0x5a: {  	[sflag:s18] =	ssyncset.done $0x0  }
0x5b: {  	s7 =	simm.s32 $0x2A00;
	[sflag:s18] =	ssyncadd.s32 $0xFFFFE000  }
0x5c: {  	[spmem:s3] =	stream.indirect.scatter.add.f32 [tilespmem:s26], [sflag:$0x7], $0x40, s7, s20, $0xb8;
	[tilespmem:$0x1D680] =	vst v63  }
0x5d: {  	_ =	swait.ge [sflag:s17], $0x2000  }
0x5e: {  	[sflag:s17] =	ssyncset.done $0x0  }
0x5f: {  	s7 =	simm.s32 $0x480;
	[sflag:s17] =	ssyncadd.s32 $0xFFFFE000  }
0x60: {  	[tilespmem:s26], [sflag:$0x4] =	stream.indirect.gather [hbm4b:s5+s20], $0x40, s7, s20, $0xb8;
	[tilespmem:$0x1D680] =	vst v63  }
0x61: {  	_ =	swait.ge [sflag:s23], $0x2000  }
0x62: {  	[sflag:s23] =	ssyncset.done $0x0  }
0x63: {  	s7 =	simm.s32 $0x2A80;
	[sflag:s23] =	ssyncadd.s32 $0xFFFFE000  }
0x64: {  	[spmem:s3] =	stream.indirect.scatter.add.f32 [tilespmem:s29], [sflag:$0x7], $0x40, s7, s20, $0xb8;
	[tilespmem:$0x1D680] =	vst v63  }
0x65: {  	_ =	swait.ge [sflag:s17], $0x2000  }
0x66: {  	[sflag:s17] =	ssyncset.done $0x0  }
0x67: {  	s7 =	simm.s32 $0x500;
	[sflag:s17] =	ssyncadd.s32 $0xFFFFE000  }
0x68: {  	[tilespmem:s29], [sflag:$0x5] =	stream.indirect.gather [hbm4b:s5+s20], $0x40, s7, s20, $0xb8;
	[tilespmem:$0x1D680] =	vst v63  }
0x69: {  	_ =	swait.ge [sflag:s25], $0x2000  }
0x6a: {  	[sflag:s25] =	ssyncset.done $0x0  }
0x6b: {  	s7 =	simm.s32 $0x2B00;
	[sflag:s25] =	ssyncadd.s32 $0xFFFFE000  }
0x6c: {  	[spmem:s3] =	stream.indirect.scatter.add.f32 [tilespmem:s31], [sflag:$0x7], $0x40, s7, s20, $0xb8;
	[tilespmem:$0x1D680] =	vst v63  }
0x6d: {  	_ =	swait.ge [sflag:s17], $0x2000  }
0x6e: {  	[sflag:s17] =	ssyncset.done $0x0  }
0x6f: {  	s30 =	simm.s32 $0xC00;
	s6 =	simm.s32 $0x580;
	[sflag:s17] =	ssyncadd.s32 $0xFFFFE000  }
.LBB2_2:
0x70: {  	[tilespmem:s31], [sflag:$0x6] =	stream.indirect.gather [hbm4b:s5+s20], $0x40, s6, s20, $0xb8;
	[tilespmem:$0x1D680] =	vst v63  }
0x71: {  	s6 =	smov.u32 s30  }
0x72: {  	p0 =	sne.s32 s30, $0x8400;
	s30 =	sadd.s32 $0xC00, s30;
	_ =	swait.ge [sflag:s1], $0x2000  }
0x73: {  	s6 =	sshra.s32 s6, $0x2;
	[sflag:s1] =	ssyncset.done $0x0  }
0x74: {  	s7 =	sadd.s32 $0x2880, s6;
	[sflag:s1] =	ssyncadd.s32 $0xFFFFE000  }
0x75: {  	[spmem:s3] =	stream.indirect.scatter.add.f32 [tilespmem:s21], [sflag:$0x7], $0x40, s7, s20, $0xb8;
	[tilespmem:$0x1D680] =	vst v63  }
0x76: {  	_ =	swait.ge [sflag:s17], $0x2000  }
0x77: {  	[sflag:s17] =	ssyncset.done $0x0  }
0x78: {  	s7 =	sadd.s32 $0x300, s6;
	[sflag:s17] =	ssyncadd.s32 $0xFFFFE000  }
0x79: {  	[tilespmem:s21], [sflag:$0x1] =	stream.indirect.gather [hbm4b:s5+s20], $0x40, s7, s20, $0xb8;
	[tilespmem:$0x1D680] =	vst v63  }
0x7a: {  	_ =	swait.ge [sflag:s0], $0x2000  }
0x7b: {  	[sflag:s0] =	ssyncset.done $0x0  }
0x7c: {  	s7 =	sadd.s32 $0x2900, s6;
	[sflag:s0] =	ssyncadd.s32 $0xFFFFE000  }
0x7d: {  	[spmem:s3] =	stream.indirect.scatter.add.f32 [tilespmem:s22], [sflag:$0x7], $0x40, s7, s20, $0xb8;
	[tilespmem:$0x1D680] =	vst v63  }
0x7e: {  	_ =	swait.ge [sflag:s17], $0x2000  }
0x7f: {  	[sflag:s17] =	ssyncset.done $0x0  }
0x80: {  	s7 =	sadd.s32 $0x380, s6;
	[sflag:s17] =	ssyncadd.s32 $0xFFFFE000  }
0x81: {  	[tilespmem:s22], [sflag:$0x2] =	stream.indirect.gather [hbm4b:s5+s20], $0x40, s7, s20, $0xb8;
	[tilespmem:$0x1D680] =	vst v63  }
0x82: {  	_ =	swait.ge [sflag:s2], $0x2000  }
0x83: {  	[sflag:s2] =	ssyncset.done $0x0  }
0x84: {  	s7 =	sadd.s32 $0x2980, s6;
	[sflag:s2] =	ssyncadd.s32 $0xFFFFE000  }
0x85: {  	[spmem:s3] =	stream.indirect.scatter.add.f32 [tilespmem:s24], [sflag:$0x7], $0x40, s7, s20, $0xb8;
	[tilespmem:$0x1D680] =	vst v63  }
0x86: {  	_ =	swait.ge [sflag:s17], $0x2000  }
0x87: {  	[sflag:s17] =	ssyncset.done $0x0  }
0x88: {  	s7 =	sadd.s32 $0x400, s6;
	[sflag:s17] =	ssyncadd.s32 $0xFFFFE000  }
0x89: {  	[tilespmem:s24], [sflag:$0x3] =	stream.indirect.gather [hbm4b:s5+s20], $0x40, s7, s20, $0xb8;
	[tilespmem:$0x1D680] =	vst v63  }
0x8a: {  	_ =	swait.ge [sflag:s18], $0x2000  }
0x8b: {  	[sflag:s18] =	ssyncset.done $0x0  }
0x8c: {  	s7 =	sadd.s32 $0x2A00, s6;
	[sflag:s18] =	ssyncadd.s32 $0xFFFFE000  }
0x8d: {  	[spmem:s3] =	stream.indirect.scatter.add.f32 [tilespmem:s26], [sflag:$0x7], $0x40, s7, s20, $0xb8;
	[tilespmem:$0x1D680] =	vst v63  }
0x8e: {  	_ =	swait.ge [sflag:s17], $0x2000  }
0x8f: {  	[sflag:s17] =	ssyncset.done $0x0  }
0x90: {  	s7 =	sadd.s32 $0x480, s6;
	[sflag:s17] =	ssyncadd.s32 $0xFFFFE000  }
0x91: {  	[tilespmem:s26], [sflag:$0x4] =	stream.indirect.gather [hbm4b:s5+s20], $0x40, s7, s20, $0xb8;
	[tilespmem:$0x1D680] =	vst v63  }
0x92: {  	_ =	swait.ge [sflag:s23], $0x2000  }
0x93: {  	[sflag:s23] =	ssyncset.done $0x0  }
0x94: {  	s7 =	sadd.s32 $0x2A80, s6;
	[sflag:s23] =	ssyncadd.s32 $0xFFFFE000  }
0x95: {  	[spmem:s3] =	stream.indirect.scatter.add.f32 [tilespmem:s29], [sflag:$0x7], $0x40, s7, s20, $0xb8;
	[tilespmem:$0x1D680] =	vst v63  }
0x96: {  	_ =	swait.ge [sflag:s17], $0x2000  }
0x97: {  	[sflag:s17] =	ssyncset.done $0x0  }
0x98: {  	s7 =	sadd.s32 $0x500, s6;
	[sflag:s17] =	ssyncadd.s32 $0xFFFFE000  }
0x99: {  	[tilespmem:s29], [sflag:$0x5] =	stream.indirect.gather [hbm4b:s5+s20], $0x40, s7, s20, $0xb8;
	[tilespmem:$0x1D680] =	vst v63  }
0x9a: {  	_ =	swait.ge [sflag:s25], $0x2000  }
0x9b: {  	[sflag:s25] =	ssyncset.done $0x0  }
.Ltmp0:
0x9c: {  	s7 =	sadd.s32 $0x2B00, s6;
	[sflag:s25] =	ssyncadd.s32 $0xFFFFE000;
	(pc) =	sbr.rel @p0 .LBB2_2-.Ltmp0, $4  }
0x9d: {  	[spmem:s3] =	stream.indirect.scatter.add.f32 [tilespmem:s31], [sflag:$0x7], $0x40, s7, s20, $0xb8;
	[tilespmem:$0x1D680] =	vst v63  }
0x9e: {  	_ =	swait.ge [sflag:s17], $0x2000  }
0x9f: {  	[sflag:s17] =	ssyncset.done $0x0  }
0xa0: {  	s6 =	sadd.s32 $0x580, s6;
	[sflag:s17] =	ssyncadd.s32 $0xFFFFE000  }
0xa1: {  	[tilespmem:s31], [sflag:$0x6] =	stream.indirect.gather [hbm4b:s5+s20], $0x40, s6, s20, $0xb8;
	[tilespmem:$0x1D680] =	vst v63  }
0xa2: {  	_ =	swait.ge [sflag:s1], $0x2000  }
0xa3: {  	[sflag:s1] =	ssyncset.done $0x0  }
0xa4: {  	s7 =	simm.s32 $0x4C80;
	[sflag:s1] =	ssyncadd.s32 $0xFFFFE000  }
0xa5: {  	[spmem:s3] =	stream.indirect.scatter.add.f32 [tilespmem:s21], [sflag:$0x7], $0x40, s7, s20, $0xb8;
	[tilespmem:$0x1D680] =	vst v63  }
0xa6: {  	_ =	swait.ge [sflag:s17], $0x2000  }
0xa7: {  	[sflag:s17] =	ssyncset.done $0x0  }
0xa8: {  	s30 =	simm.s32 $0x2700;
	[sflag:s17] =	ssyncadd.s32 $0xFFFFE000  }
0xa9: {  	[tilespmem:s21], [sflag:$0x1] =	stream.indirect.gather [hbm4b:s5+s20], $0x40, s30, s20, $0xb8;
	[tilespmem:$0x1D680] =	vst v63  }
0xaa: {  	_ =	swait.ge [sflag:s0], $0x2000  }
0xab: {  	[sflag:s0] =	ssyncset.done $0x0  }
0xac: {  	s7 =	simm.s32 $0x4D00;
	[sflag:s0] =	ssyncadd.s32 $0xFFFFE000  }
0xad: {  	[spmem:s3] =	stream.indirect.scatter.add.f32 [tilespmem:s22], [sflag:$0x7], $0x40, s7, s20, $0xb8;
	[tilespmem:$0x1D680] =	vst v63  }
0xae: {  	_ =	swait.ge [sflag:s17], $0x2000  }
0xaf: {  	[sflag:s17] =	ssyncset.done $0x0  }
0xb0: {  	s30 =	simm.s32 $0x2780;
	[sflag:s17] =	ssyncadd.s32 $0xFFFFE000  }
0xb1: {  	[tilespmem:s22], [sflag:$0x2] =	stream.indirect.gather [hbm4b:s5+s20], $0x40, s30, s20, $0xb8;
	[tilespmem:$0x1D680] =	vst v63  }
0xb2: {  	_ =	swait.ge [sflag:s2], $0x2000  }
0xb3: {  	[sflag:s2] =	ssyncset.done $0x0  }
0xb4: {  	s7 =	simm.s32 $0x4D80;
	[sflag:s2] =	ssyncadd.s32 $0xFFFFE000  }
0xb5: {  	[spmem:s3] =	stream.indirect.scatter.add.f32 [tilespmem:s24], [sflag:$0x7], $0x40, s7, s20, $0xb8;
	[tilespmem:$0x1D680] =	vst v63  }
0xb6: {  	_ =	swait.ge [sflag:s17], $0x2000  }
0xb7: {  	[sflag:s17] =	ssyncset.done $0x0  }
0xb8: {  	s30 =	simm.s32 $0x2800;
	[sflag:s17] =	ssyncadd.s32 $0xFFFFE000  }
0xb9: {  	[tilespmem:s24], [sflag:$0x3] =	stream.indirect.gather [hbm4b:s5+s20], $0x40, s30, s20, $0xb8;
	[tilespmem:$0x1D680] =	vst v63  }
0xba: {  	_ =	swait.ge [sflag:s18], $0x2000  }
0xbb: {  	[sflag:s18] =	ssyncset.done $0x0  }
0xbc: {  	s7 =	simm.s32 $0x4E00;
	[sflag:s18] =	ssyncadd.s32 $0xFFFFE000  }
0xbd: {  	[spmem:s3] =	stream.indirect.scatter.add.f32 [tilespmem:s26], [sflag:$0x7], $0x40, s7, s20, $0xb8;
	[tilespmem:$0x1D680] =	vst v63  }
0xbe: {  	_ =	swait.ge [sflag:s17], $0x2000  }
0xbf: {  	[sflag:s17] =	ssyncset.done $0x0  }
0xc0: {  	[sflag:s17] =	ssyncadd.s32 $0xFFFFE000  }
0xc1: {  	_ =	swait.ge [sflag:s23], $0x2000  }
0xc2: {  	[sflag:s23] =	ssyncset.done $0x0  }
0xc3: {  	s30 =	simm.s32 $0x4E80;
	[sflag:s23] =	ssyncadd.s32 $0xFFFFE000  }
0xc4: {  	[spmem:s3] =	stream.indirect.scatter.add.f32 [tilespmem:s29], [sflag:$0x7], $0x40, s30, s20, $0xb8;
	[tilespmem:$0x1D680] =	vst v63  }
0xc5: {  	_ =	swait.ge [sflag:s17], $0x2000  }
0xc6: {  	[sflag:s17] =	ssyncset.done $0x0  }
0xc7: {  	[sflag:s17] =	ssyncadd.s32 $0xFFFFE000  }
0xc8: {  	_ =	swait.ge [sflag:s25], $0x2000  }
0xc9: {  	[sflag:s25] =	ssyncset.done $0x0  }
0xca: {  	s7 =	simm.s32 $0x4F00;
	[sflag:s25] =	ssyncadd.s32 $0xFFFFE000  }
0xcb: {  	[spmem:s3] =	stream.indirect.scatter.add.f32 [tilespmem:s31], [sflag:$0x7], $0x40, s7, s20, $0xb8;
	[tilespmem:$0x1D680] =	vst v63  }
0xcc: {  	_ =	swait.ge [sflag:s17], $0x2000  }
0xcd: {  	[sflag:s17] =	ssyncset.done $0x0  }
0xce: {  	[sflag:s17] =	ssyncadd.s32 $0xFFFFE000  }
0xcf: {  	_ =	swait.ge [sflag:s1], $0x2000  }
0xd0: {  	[sflag:s1] =	ssyncset.done $0x0  }
0xd1: {  	s30 =	simm.s32 $0x4F80;
	[sflag:s1] =	ssyncadd.s32 $0xFFFFE000  }
0xd2: {  	[spmem:s3] =	stream.indirect.scatter.add.f32 [tilespmem:s21], [sflag:$0x7], $0x40, s30, s20, $0xb8;
	[tilespmem:$0x1D680] =	vst v63  }
0xd3: {  	_ =	swait.ge [sflag:s17], $0x2000  }
0xd4: {  	[sflag:s17] =	ssyncset.done $0x0  }
0xd5: {  	[sflag:s17] =	ssyncadd.s32 $0xFFFFE000  }
0xd6: {  	_ =	swait.ge [sflag:s0], $0x2000  }
0xd7: {  	[sflag:s0] =	ssyncset.done $0x0  }
0xd8: {  	s7 =	simm.s32 $0x5000;
	[sflag:s0] =	ssyncadd.s32 $0xFFFFE000  }
0xd9: {  	[spmem:s3] =	stream.indirect.scatter.add.f32 [tilespmem:s22], [sflag:$0x7], $0x40, s7, s20, $0xb8;
	[tilespmem:$0x1D680] =	vst v63  }
0xda: {  	_ =	swait.ge [sflag:s17], $0x2000  }
0xdb: {  	[sflag:s17] =	ssyncset.done $0x0  }
0xdc: {  	[sflag:s17] =	ssyncadd.s32 $0xFFFFE000  }
0xdd: {  	_ =	swait.ge [sflag:s2], $0x2000  }
0xde: {  	[sflag:s2] =	ssyncset.done $0x0  }
0xdf: {  	s30 =	simm.s32 $0x5080;
	[sflag:s2] =	ssyncadd.s32 $0xFFFFE000  }
0xe0: {  	[spmem:s3] =	stream.indirect.scatter.add.f32 [tilespmem:s24], [sflag:$0x7], $0x40, s30, s20, $0xb8;
	[tilespmem:$0x1D680] =	vst v63  }
0xe1: {  	_ =	swait.ge [sflag:s17], $0x2000  }
0xe2: {  	[sflag:s17] =	ssyncset.done $0x0  }
0xe3: {  	[sflag:s17] =	ssyncadd.s32 $0xFFFFE000  }
0xe4: {  	[bflag:$0x0] =	sbarrier.arrive $0xFFFF  }
0xe5: {  	[tilespmem:s19], [sflag:$0x7] =	stream.linear.gather [spmem:s8], $0x2780, $0x38;
	[tilespmem:$0x1D680] =	vst v63  }
0xe6: {  	_ =	swait.ge [sflag:s17], $0x2780  }
0xe7: {  	[sflag:s17] =	ssyncset.done $0x0  }
0xe8: {  	[sflag:s17] =	ssyncadd.s32 $0xFFFFD880  }
0xe9: {  	[hbm4b:s13+s4] =	stream.linear.scatter [tilespmem:s19], [sflag:$0x7], $0x2780, $0x38;
	[tilespmem:$0x1D680] =	vst v63  }
0xea: {  	_ =	swait.ge [sflag:s17], $0x2780  }
0xeb: {  	[sflag:s17] =	ssyncset.done $0x0  }
0xec: {  	[sflag:s17] =	ssyncadd.s32 $0xFFFFD880  }
0xed: {  	[tilespmem:s19], [sflag:$0x7] =	stream.linear.gather [spmem:s10], $0x2780, $0x38;
	[tilespmem:$0x1D680] =	vst v63  }
0xee: {  	_ =	swait.ge [sflag:s17], $0x2780  }
0xef: {  	[sflag:s17] =	ssyncset.done $0x0  }
0xf0: {  	[sflag:s17] =	ssyncadd.s32 $0xFFFFD880  }
0xf1: {  	[hbm4b:s14+s4] =	stream.linear.scatter [tilespmem:s19], [sflag:$0x7], $0x2780, $0x38;
	[tilespmem:$0x1D680] =	vst v63  }
0xf2: {  	_ =	swait.ge [sflag:s17], $0x2780  }
0xf3: {  	[sflag:s17] =	ssyncset.done $0x0  }
0xf4: {  	[sflag:s17] =	ssyncadd.s32 $0xFFFFD880  }
0xf5: {  	[tilespmem:s19], [sflag:$0x7] =	stream.linear.gather [spmem:s11], $0x2780, $0x38;
	[tilespmem:$0x1D680] =	vst v63  }
0xf6: {  	_ =	swait.ge [sflag:s17], $0x2780  }
0xf7: {  	[sflag:s17] =	ssyncset.done $0x0  }
0xf8: {  	[sflag:s17] =	ssyncadd.s32 $0xFFFFD880  }
0xf9: {  	[hbm4b:s15+s4] =	stream.linear.scatter [tilespmem:s19], [sflag:$0x7], $0x2780, $0x38;
	[tilespmem:$0x1D680] =	vst v63  }
0xfa: {  	_ =	swait.ge [sflag:s17], $0x2780  }
0xfb: {  	[sflag:s17] =	ssyncset.done $0x0  }
0xfc: {  	[sflag:s17] =	ssyncadd.s32 $0xFFFFD880  }
0xfd: {  	[tilespmem:s19], [sflag:$0x7] =	stream.linear.gather [spmem:s12], $0x2780, $0x38;
	[tilespmem:$0x1D680] =	vst v63  }
0xfe: {  	s28 =	sadd.s32 $0x1, s28;
	_ =	swait.ge [sflag:s17], $0x2780  }
0xff: {  	p0 =	sne.s32 s28, s9;
	[sflag:s17] =	ssyncset.done $0x0  }
.Ltmp1:
0x100: {  	[sflag:s17] =	ssyncadd.s32 $0xFFFFD880;
	(pc) =	sbr.rel @p0 .LBB2_1-.Ltmp1, $4  }
0x101: {  	[hbm4b:s16+s4] =	stream.linear.scatter [tilespmem:s19], [sflag:$0x7], $0x2780, $0x38;
	[tilespmem:$0x1D680] =	vst v63  }
0x102: {  	_ =	swait.ge [sflag:s17], $0x2780  }
0x103: {  	[sflag:s17] =	ssyncset.done $0x0  }
0x104: {  	[sflag:s17] =	ssyncadd.s32 $0xFFFFD880  }
0x105: {  	_ =	sfence.sel $0x180000  }
0x106: {  	[bflag:$0x0] =	sbarrier.arrive $0xFFFF  }
0x107: {  	_ =	strace $0x9000004D  }
0x108: {  	s0 =	stileid.u32;
	[bflag:$0x2] =	sbarrier.arrive $0xFFFF  }
0x109: {  	p0 =	sne.s32 s0, $0x0;
	s0 =	rddreg [dreg:$0x3]  }
0x10a: {  	s0 =	sadd.s32 @!p0 $0x100000, s0  }
0x10b: {  	[sflag:s0] =	ssyncadd.tile.s32 @!p0 $0x1;
	_ =	shalt  }
.Lfunc_end2:
_tile_overlayer_lowered:
.L_overlay_start_2:
0x10c: {  	(tag) =	ssettag $0x2  }
0x10d: {  	s0 =	rddreg [dreg:$0x0];
	s2 =	stileid.u32  }
0x10e: {  	s1 =	rddreg [dreg:$0x1];
	p0 =	sne.s32 s2, $0x0  }
0x10f: {  	s3 =	rddreg [dreg:$0x2];
	[bflag:$0x3] =	sbarrier.arrive $0xFFFF;
	s2 =	simm.s32 @!p0 $0x1C07  }
0x110: {  	[timem:s3], [sflag:s2] =	dma.local @!p0 [hbm:s0], s1  }
0x111: {  	s0 =	simm.s32 @!p0 $0x7  }
0x112: {  	_ =	swait.ge @!p0 [sflag:s0], s1  }
0x113: {  	s1 =	ssub.s32 @!p0 $0x0, s1;
	[sflag:s0] =	ssyncset.done @!p0 $0x0  }
0x114: {  	[sflag:s0] =	ssyncadd.s32 @!p0 s1  }
0x115: {  	[bflag:$0x3] =	sbarrier.arrive $0xFFFF  }
0x116: {  	_ =	shalt  }

// kernel: kernel.21.cloned.1.call-start
scs
__scs_entry_jumppad:
0x0: {  	(pc) =	sbr.rel $0x88, $3  }
0x1: {  	(tag) =	ssettag $0x0;
	lr =	simm.s32 $0x1  }
0x2: {  	[smem:$0x3F8F] =	sst lr;
	_ =	strace $0xD0000000  }
0x3: {  	_ = 	snop  }
0x4: {  	_ = 	snop  }
0x5: {  	_ = 	snop  }
0x6: {  	_ = 	snop  }
0x7: {  	_ = 	snop  }
__scs_overlays_trampoline_lowered:
0x8: {  	[smem:$0x3F9E] =	sst s0  }
0x9: {  	[smem:$0x3F9F] =	sst s1  }
0xa: {  	[smem:$0x3FA0] =	sst s2  }
0xb: {  	[smem:$0x3FA1] =	sst s3  }
0xc: {  	[smem:$0x3FA2] =	sst s4  }
0xd: {  	[smem:$0x3FA3] =	sst s5  }
0xe: {  	[smem:$0x3FA4] =	sst s6  }
0xf: {  	[smem:$0x3FA5] =	sst s7  }
0x10: {  	[smem:$0x3FA6] =	sst s8  }
0x11: {  	[smem:$0x3FA7] =	sst s9;
	s0 =	simm.s32 @!p0 $0x0  }
0x12: {  	s1 =	sld [smem:$0x3F8D];
	s0 =	simm.s32 @p0 $0x1  }
0x13: {  	[smem:$0x3FA8] =	sst s0;
	s0 =	simm.s32 @!p1 $0x0  }
0x14: {  	s2 =	sld [smem:$0x3F8C];
	s0 =	simm.s32 @p1 $0x1  }
0x15: {  	[smem:$0x3FA9] =	sst s0;
	s0 =	simm.s32 @!p2 $0x0  }
0x16: {  	s3 =	sld [smem:$0x3FDB];
	s0 =	simm.s32 @p2 $0x1  }
0x17: {  	s4 =	simm.s32 $0x1BF5;
	[smem:$0x3FAB] =	sst s0  }
0x18: {  	s0 =	sld [smem:$0x3F8E];
	_ =	swait.ge [sflag:s4], $0x0  }
0x19: {  	s7 =	sld [smem:$0x3F8F]  }
0x1a: {  	s8 =	sadd.s32 $0xFFFFE003, lr  }
0x1b: {  	s9 =	sadd.s32 $0xFFFFFEF7, lr;
	s5 =	simm.s32 $0xFFFFFFFF;
	p2 =	slt.u32 s8, $0xFFFFF086  }
0x1c: {  	p1 =	slt.u32 s9, $0xF7A;
	s5 =	simm.s32 @!p2 $0x0  }
0x1d: {  	s5 =	simm.s32 @p1 $0x1;
	p0 =	seq.s32 s7, s2  }
0x1e: {  	s7 =	smul.u32 @!p0 $0xF7A, s2;
	p2 =	seq.s32 @!p0 s5, $0x0  }
0x1f: {  	s9 =	smul.u32 $0xF7A, s1;
	s8 =	simm.s32 @!p0 $0x1BF5;
	p2 =	por !p2, p0  }
0x20: {  	[sflag:s8] =	ssyncset.s32 @!p0 $0xFFFFF086;
	s6 =	sadd.s32 @!p0 s3, s7;
	s7 =	simm.s32 @!p0 $0x108  }
0x21: {  	s3 =	sadd.s32 s3, s9;
	s6 =	sadd.s32 @!p0 $0x88, s6;
	s7 =	simm.s32 @p2 $0x1082  }
0x22: {  	[simem:s7], [sflag:s8] =	dma.local @!p0 [hbm:s6], $0xF7A  }
0x23: {  	s9 =	sor.u32 $0xD0000000, s2;
	s6 =	simm.s32 $0x108;
	_ =	swait.ge @!p0 [sflag:s8], $0x0  }
0x24: {  	s3 =	sadd.s32 $0x88, s3;
	s6 =	simm.s32 @!p1 $0x1082;
	[sflag:s4] =	ssyncset.s32 $0xFFFFF086  }
0x25: {  	[simem:s6], [sflag:s4] =	dma.local [hbm:s3], $0xF7A  }
0x26: {  	[smem:$0x3F8F] =	sst s1;
	(tag) =	ssettag s2;
	_ =	strace s9  }
0x27: {  	s1 =	sld [smem:$0x3F9F]  }
0x28: {  	s2 =	sld [smem:$0x3FA0]  }
0x29: {  	s4 =	sld [smem:$0x3FA2]  }
0x2a: {  	p0 =	seq.s32 s5, $0x0;
	s5 =	sld [smem:$0x3FA3]  }
0x2b: {  	s6 =	sld [smem:$0x3FA4]  }
0x2c: {  	s7 =	sld [smem:$0x3FA5]  }
0x2d: {  	s3 =	simm.s32 $0x108;
	s8 =	sld [smem:$0x3FA6]  }
0x2e: {  	s3 =	simm.s32 @!p0 $0x1082;
	s9 =	sld [smem:$0x3FA7]  }
0x2f: {  	lr =	sadd.s32 s0, s3;
	s0 =	sld [smem:$0x3F9E]  }
0x30: {  	s3 =	sld [smem:$0x3FA1]  }
0x31: {  	[smem:$0x3FAA] =	sst s10  }
0x32: {  	s10 =	sld [smem:$0x3FA8];
	_ =	sdelay $0x3  }
0x33: {  	p0 =	seq.s32 s10, $0x1;
	s10 =	sld [smem:$0x3FAA];
	_ =	sdelay $0x3  }
0x34: {  	[smem:$0x3FAA] =	sst s10  }
0x35: {  	s10 =	sld [smem:$0x3FA9];
	_ =	sdelay $0x3  }
0x36: {  	p1 =	seq.s32 s10, $0x1;
	s10 =	sld [smem:$0x3FAA];
	_ =	sdelay $0x3  }
0x37: {  	[smem:$0x3FAA] =	sst s10  }
0x38: {  	s10 =	sld [smem:$0x3FAB]  }
0x39: {  	_ = 	snop;
	(pc) =	sbr.ind lr, $3  }
0x3a: {  	_ = 	snop  }
0x3b: {  	_ = 	snop  }
0x3c: {  	p2 =	seq.s32 s10, $0x1;
	s10 =	sld [smem:$0x3FAA]  }
0x3d: {  	_ =	shalt  }
0x3e: {  	_ =	shalt  }
0x3f: {  	_ =	shalt  }
0x40: {  	_ =	shalt  }
0x41: {  	_ =	shalt  }
0x42: {  	_ =	shalt  }
0x43: {  	_ =	shalt  }
0x44: {  	_ =	shalt  }
0x45: {  	_ =	shalt  }
0x46: {  	_ =	shalt  }
0x47: {  	_ =	shalt  }
0x48: {  	_ =	shalt  }
0x49: {  	_ =	shalt  }
0x4a: {  	_ =	shalt  }
0x4b: {  	_ =	shalt  }
0x4c: {  	_ =	shalt  }
0x4d: {  	_ =	shalt  }
0x4e: {  	_ =	shalt  }
0x4f: {  	_ =	shalt  }
0x50: {  	_ =	shalt  }
0x51: {  	_ =	shalt  }
0x52: {  	_ =	shalt  }
0x53: {  	_ =	shalt  }
0x54: {  	_ =	shalt  }
0x55: {  	_ =	shalt  }
0x56: {  	_ =	shalt  }
0x57: {  	_ =	shalt  }
0x58: {  	_ =	shalt  }
0x59: {  	_ =	shalt  }
0x5a: {  	_ =	shalt  }
0x5b: {  	_ =	shalt  }
0x5c: {  	_ =	shalt  }
0x5d: {  	_ =	shalt  }
0x5e: {  	_ =	shalt  }
0x5f: {  	_ =	shalt  }
0x60: {  	_ =	shalt  }
0x61: {  	_ =	shalt  }
0x62: {  	_ =	shalt  }
0x63: {  	_ =	shalt  }
0x64: {  	_ =	shalt  }
0x65: {  	_ =	shalt  }
0x66: {  	_ =	shalt  }
0x67: {  	_ =	shalt  }
0x68: {  	_ =	shalt  }
0x69: {  	_ =	shalt  }
0x6a: {  	_ =	shalt  }
0x6b: {  	_ =	shalt  }
0x6c: {  	_ =	shalt  }
0x6d: {  	_ =	shalt  }
0x6e: {  	_ =	shalt  }
0x6f: {  	_ =	shalt  }
0x70: {  	_ =	shalt  }
0x71: {  	_ =	shalt  }
0x72: {  	_ =	shalt  }
0x73: {  	_ =	shalt  }
0x74: {  	_ =	shalt  }
0x75: {  	_ =	shalt  }
0x76: {  	_ =	shalt  }
0x77: {  	_ =	shalt  }
0x78: {  	_ =	shalt  }
0x79: {  	_ =	shalt  }
0x7a: {  	_ =	shalt  }
0x7b: {  	_ =	shalt  }
0x7c: {  	_ =	shalt  }
0x7d: {  	_ =	shalt  }
0x7e: {  	_ =	shalt  }
0x7f: {  	_ =	shalt  }
0x80: {  	_ =	shalt  }
0x81: {  	_ =	shalt  }
0x82: {  	_ =	shalt  }
0x83: {  	_ =	shalt  }
0x84: {  	_ =	shalt  }
0x85: {  	_ =	shalt  }
0x86: {  	_ =	shalt  }
0x87: {  	_ =	shalt  }
.Lfunc_end0:
.L_simem_size_0:
called_computation.3_lowered:
.L_overlay_start_0:
0x88: {  	s2 =	sld [smem:$0x3FD9]  }
0x89: {  	s3 =	sld [smem:$0x3FFE];
	_ =	sdelay $0x1  }
0x8a: {  	s1 =	srdreg.scid  }
0x8b: {  	s0 =	sand.u32 $0x1, s1  }
0x8c: {  	s17 =	sshll.u32 s0, $0xA;
	s2 =	sadd.s32 s3, s2  }
0x8d: {  	s2 =	sadd.s32 s2, s17  }
0x8e: {  	[smem:$0x3FB6] =	sst s2  }
0x8f: {  	_ = 	snop  }
0x90: {  	s2 =	sld [smem:$0x3FD0];
	(tm) =	ssettm $0x1  }
0x91: {  	s18 =	sld [smem:$0x3FFB];
	_ =	sdelay $0x3  }
0x92: {  	_ =	strace s18  }
0x93: {  	s3 =	sld [smem:$0x3FFC];
	_ =	sdelay $0x3  }
0x94: {  	_ =	strace s3  }
0x95: {  	s3 =	sld [smem:$0x3FFD];
	_ =	sdelay $0x3  }
0x96: {  	_ =	strace s3  }
0x97: {  	_ =	strace $0x8FFFFFFF  }
0x98: {  	s19 =	sld [smem:$0x3FDB];
	_ =	sdelay $0x1  }
0x99: {  	s4 =	simm.s32 $_scs_section_size  }
0x9a: {  	s5 =	simm.s32 $_size__tile_overlayer_lowered;
	s6 =	simm.s32 $_tile_overlayer_lowered  }
0x9b: {  	s22 =	simm.s32 $0x1BFF;
	s21 =	sshll.u32 s6, $0x1;
	s3 =	sadd.s32 s4, s19  }
0x9c: {  	s7 =	simm.s32 $0x0;
	s20 =	sshll.u32 s5, $0x1;
	s5 =	sadd.s32 s21, s3  }
0x9d: {  	[timem:s7], [sflag:s22] =	dma.local [hbm:s5], s20  }
0x9e: {  	_ =	swait.ge [sflag:s22], s20  }
0x9f: {  	s4 =	ssub.s32 $0x0, s20;
	[sflag:s22] =	ssyncset.done $0x0  }
0xa0: {  	[sflag:s22] =	ssyncadd.s32 s4;
	_ =	sdelay $0x1  }
0xa1: {  	s23 =	simm.s32 $0x1B8B  }
0xa2: {  	_ =	swait.ge [sflag:s23], $0x1  }
0xa3: {  	[sflag:s23] =	ssyncset.done $0x0  }
0xa4: {  	s25 =	simm.s32 $0x1B8E;
	s24 =	sld [smem:$0x3FFE];
	[sflag:s23] =	ssyncadd.s32 $0xFFFFFFFF  }
0xa5: {  	s26 =	simm.s32 $execute0_lowered;
	[smem:$0x3FD2] =	sst s25  }
0xa6: {  	s5 =	sshll.u32 s26, $0x1;
	_ =	strace $0x8000004F;
	[dreg:$0x1] =	wrdreg $0xFFFFFFFF  }
0xa7: {  	s28 =	simm.s32 $_size_execute0_lowered;
	s3 =	sadd.s32 s3, s5;
	[dreg:$0x0] =	wrdreg $0x0  }
0xa8: {  	s5 =	sshll.u32 s28, $0x1;
	[dreg:$0x2] =	wrdreg s3  }
0xa9: {  	[dreg:$0x3] =	wrdreg s5  }
0xaa: {  	[dreg:$0x4] =	wrdreg $0xC0  }
0xab: {  	_ =	task [dreg:s7], $0x5FFFF  }
0xac: {  	[dreg:$0x1] =	wrdreg $0xFFFFFFFF  }
0xad: {  	[dreg:$0x0] =	wrdreg $0x60  }
0xae: {  	[dreg:$0x2] =	wrdreg s24  }
0xaf: {  	[dreg:$0x3] =	wrdreg s2  }
0xb0: {  	[dreg:$0x4] =	wrdreg $0x138800  }
0xb1: {  	[dreg:$0x5] =	wrdreg $0x9  }
0xb2: {  	_ =	task.clear_ibuf [dreg:s7], $0x6FFFF;
	_ =	strace $0x9000004F  }
0xb3: {  	s29 =	simm.s32 $0x9;
	_ =	strace $0x80000051  }
0xb4: {  	_ =	swait.ge [sflag:s29], $0x1  }
0xb5: {  	[sflag:s29] =	ssyncadd.s32 $0xFFFFFFFF  }
0xb6: {  	_ =	strace $0x90000051  }
0xb7: {  	_ =	sfence  }
0xb8: {  	s30 =	sld [smem:$0x0];
	_ =	sdelay $0x2  }
0xb9: {  	s31 =	sshll.u32 s1, $0xD;
	s1 =	sshrl.u32 s1, $0x2  }
0xba: {  	s3 =	sand.u32 $0x4000, s31;
	s1 =	sadd.s32 s1, s30  }
0xbb: {  	s0 =	sor.u32 s3, s0;
	s1 =	sshll.u32 s1, $0x11  }
0xbc: {  	s0 =	sor.u32 s1, s0  }
0xbd: {  	s0 =	sadd.s32 $0x8F2B, s0  }
0xbe: {  	[sflag:s0] =	ssyncadd.remote.s32 $0x1  }
0xbf: {  	_ =	sfence.sel $0xFFFF  }
0xc0: {  	[dreg:$0x0] =	wrdreg $0xFFFFFFFF;
	(pc) =	sbr.abs _section_cstart, $3  }
0xc1: {  	[dreg:$0x1] =	wrdreg $0xFFFFFFFF  }
0xc2: {  	_ =	task.clear_ibuf [dreg:s7], $0x2FFFF;
	_ =	strace $0x9FFFFFFF  }
0xc3: {  	(tm) =	ssettm $0x7FFFFFFF  }
tec
execute0_lowered:
.L_overlay_start_1:
0x0: {  	(tag) =	ssettag $0x1  }
0x1: {  	s0 =	rddreg [dreg:$0x0];
	s1 =	srdreg.scid  }
0x2: {  	s8 =	stileid.u32;
	s3 =	rddreg [dreg:$0x2]  }
0x3: {  	s4 =	simm.s32 $0x0;
	s17 =	simm.s32 $0x7;
	s19 =	simm.s32 $0x11100  }
0x4: {  	s20 =	simm.s32 $0x80;
	s21 =	simm.s32 $0x5100;
	s22 =	simm.s32 $0x7100  }
0x5: {  	s24 =	simm.s32 $0x9100;
	s29 =	simm.s32 $0xD100;
	s31 =	simm.s32 $0xF100  }
0x6: {  	s18 =	simm.s32 $0x4;
	s23 =	simm.s32 $0x5;
	s28 =	simm.s32 $0x0  }
0x7: {  	s1 =	sand.u32 $0x1, s1;
	s2 =	sshll.u32 s8, $0x1;
	s11 =	smul.u32 $0x278, s8  }
0x8: {  	[smem:$0x7FF] =	sst s4;
	s5 =	sadd.s32 $0x19200, s0;
	s8 =	smul.u32 $0x27800, s8  }
0x9: {  	s2 =	sor.u32 s1, s2;
	s6 =	ssub.s32 $0x2, s1;
	s1 =	smul.u32 $0x2780, s1  }
0xa: {  	_ =	strace $0x80000050;
	s2 =	smul.u32 $0x510, s2;
	s7 =	sshrl.u32 s6, $0x1  }
0xb: {  	s26 =	sadd.s32 $0x9E, s11;
	s8 =	sshrl.u32 s8, $0x2;
	s30 =	sadd.s32 $0x13C, s11  }
0xc: {  	s14 =	sadd.s32 $0x1DA, s11;
	s6 =	ssub.s32 s6, s7;
	s10 =	sshll.u32 s26, $0x6  }
0xd: {  	s8 =	sadd.s32 s8, s3;
	s11 =	sadd.s32 s1, s11;
	s12 =	sshll.u32 s30, $0x6  }
0xe: {  	s13 =	sshll.u32 s14, $0x6;
	s2 =	sadd.s32 s2, s0;
	s0 =	sadd.s32 $0x2CC00, s0  }
0xf: {  	s9 =	smax.u32 s6, $0x1;
	s10 =	sadd.s32 s10, s3;
	s15 =	sshll.u32 s11, $0x3  }
0x10: {  	s11 =	sadd.s32 s12, s3;
	s12 =	sadd.s32 s13, s3;
	s25 =	sadd.s32 $0xF000, s2  }
0x11: {  	s6 =	sadd.s32 s1, s30;
	s2 =	sadd.s32 $0x4E00, s2;
	[dreg:$0x4] =	wrdreg s25  }
0x12: {  	s13 =	sadd.s32 s0, s15;
	s6 =	sshll.u32 s6, $0x3;
	[dreg:$0x5] =	wrdreg s2  }
0x13: {  	s2 =	sadd.s32 s1, s26;
	s1 =	sadd.s32 s1, s14;
	s15 =	sadd.s32 s0, s6  }
0x14: {  	s26 =	simm.s32 $0xB100;
	s2 =	sshll.u32 s2, $0x3;
	s1 =	sshll.u32 s1, $0x3  }
0x15: {  	s25 =	simm.s32 $0x6;
	s14 =	sadd.s32 s0, s2;
	s16 =	sadd.s32 s0, s1  }
0x16: {  	s1 =	simm.s32 $0x1;
	s0 =	simm.s32 $0x2;
	s2 =	simm.s32 $0x3  }
.LBB2_1:
0x17: {  	s6 =	rddreg [dreg:$0x4]  }
0x18: {  	[tilespmem:s4], [sflag:$0x7] =	stream.linear.gather [hbm4b:s6+s4], $0x2880, $0x38;
	[tilespmem:$0x1D680] =	vst v63  }
0x19: {  	_ =	swait.ge [sflag:s17], $0x2880  }
0x1a: {  	[sflag:s17] =	ssyncset.done $0x0  }
0x1b: {  	s7 =	simm.s32 $0x2880;
	s6 =	rddreg [dreg:$0x5];
	[sflag:s17] =	ssyncadd.s32 $0xFFFFD780  }
0x1c: {  	[tilespmem:s7], [sflag:$0x7] =	stream.linear.gather [hbm4b:s6+s4], $0x2880, $0x38;
	[tilespmem:$0x1D680] =	vst v63  }
0x1d: {  	_ =	swait.ge [sflag:s17], $0x2880  }
0x1e: {  	[sflag:s17] =	ssyncset.done $0x0  }
0x1f: {  	[sflag:s17] =	ssyncadd.s32 $0xFFFFD780  }
0x20: {  	s7 =	rddreg [dreg:$0x1]  }
0x21: {  	[tilespmem:s19], [sflag:$0x7] =	stream.linear.gather [hbm4b:s7+s4], $0x2780, $0x38;
	[tilespmem:$0x1D680] =	vst v63  }
0x22: {  	_ =	swait.ge [sflag:s17], $0x2780  }
0x23: {  	[sflag:s17] =	ssyncset.done $0x0  }
0x24: {  	[sflag:s17] =	ssyncadd.s32 $0xFFFFD880  }
0x25: {  	[spmem:s8] =	stream.linear.scatter [tilespmem:s19], [sflag:$0x7], $0x2780, $0x38;
	[tilespmem:$0x1D680] =	vst v63  }
0x26: {  	_ =	swait.ge [sflag:s17], $0x2780  }
0x27: {  	[sflag:s17] =	ssyncset.done $0x0  }
0x28: {  	[sflag:s17] =	ssyncadd.s32 $0xFFFFD880  }
0x29: {  	[spmem:s10] =	stream.linear.scatter [tilespmem:s19], [sflag:$0x7], $0x2780, $0x38;
	[tilespmem:$0x1D680] =	vst v63  }
0x2a: {  	_ =	swait.ge [sflag:s17], $0x2780  }
0x2b: {  	[sflag:s17] =	ssyncset.done $0x0  }
0x2c: {  	[sflag:s17] =	ssyncadd.s32 $0xFFFFD880  }
0x2d: {  	[spmem:s11] =	stream.linear.scatter [tilespmem:s19], [sflag:$0x7], $0x2780, $0x38;
	[tilespmem:$0x1D680] =	vst v63  }
0x2e: {  	_ =	swait.ge [sflag:s17], $0x2780  }
0x2f: {  	[sflag:s17] =	ssyncset.done $0x0  }
0x30: {  	[sflag:s17] =	ssyncadd.s32 $0xFFFFD880  }
0x31: {  	[spmem:s12] =	stream.linear.scatter [tilespmem:s19], [sflag:$0x7], $0x2780, $0x38;
	[tilespmem:$0x1D680] =	vst v63  }
0x32: {  	_ =	swait.ge [sflag:s17], $0x2780  }
0x33: {  	[sflag:s17] =	ssyncset.done $0x0  }
0x34: {  	[sflag:s17] =	ssyncadd.s32 $0xFFFFD880  }
0x35: {  	[bflag:$0x0] =	sbarrier.arrive $0xFFFF  }
0x36: {  	[tilespmem:s21], [sflag:$0x1] =	stream.indirect.gather [hbm4b:s5+s20], $0x40, s4, s20, $0xb8;
	[tilespmem:$0x1D680] =	vst v63  }
0x37: {  	_ = 	snop  }
0x38: {  	[tilespmem:s22], [sflag:$0x2] =	stream.indirect.gather [hbm4b:s5+s20], $0x40, s20, s20, $0xb8;
	[tilespmem:$0x1D680] =	vst v63  }
0x39: {  	s7 =	simm.s32 $0x100  }
0x3a: {  	[tilespmem:s24], [sflag:$0x3] =	stream.indirect.gather [hbm4b:s5+s20], $0x40, s7, s20, $0xb8;
	[tilespmem:$0x1D680] =	vst v63  }
0x3b: {  	s7 =	simm.s32 $0x180  }
0x3c: {  	[tilespmem:s26], [sflag:$0x4] =	stream.indirect.gather [hbm4b:s5+s20], $0x40, s7, s20, $0xb8;
	[tilespmem:$0x1D680] =	vst v63  }
0x3d: {  	s7 =	simm.s32 $0x200  }
0x3e: {  	[tilespmem:s29], [sflag:$0x5] =	stream.indirect.gather [hbm4b:s5+s20], $0x40, s7, s20, $0xb8;
	[tilespmem:$0x1D680] =	vst v63  }
0x3f: {  	s7 =	simm.s32 $0x280  }
0x40: {  	[tilespmem:s31], [sflag:$0x6] =	stream.indirect.gather [hbm4b:s5+s20], $0x40, s7, s20, $0xb8;
	[tilespmem:$0x1D680] =	vst v63  }
0x41: {  	_ =	swait.ge [sflag:s1], $0x2000  }
0x42: {  	[sflag:s1] =	ssyncset.done $0x0  }
0x43: {  	s7 =	simm.s32 $0x2880;
	[sflag:s1] =	ssyncadd.s32 $0xFFFFE000  }
0x44: {  	[spmem:s3] =	stream.indirect.scatter.add.f32 [tilespmem:s21], [sflag:$0x7], $0x40, s7, s20, $0xb8;
	[tilespmem:$0x1D680] =	vst v63  }
0x45: {  	_ =	swait.ge [sflag:s17], $0x2000  }
0x46: {  	[sflag:s17] =	ssyncset.done $0x0  }
0x47: {  	s7 =	simm.s32 $0x300;
	[sflag:s17] =	ssyncadd.s32 $0xFFFFE000  }
0x48: {  	[tilespmem:s21], [sflag:$0x1] =	stream.indirect.gather [hbm4b:s5+s20], $0x40, s7, s20, $0xb8;
	[tilespmem:$0x1D680] =	vst v63  }
0x49: {  	_ =	swait.ge [sflag:s0], $0x2000  }
0x4a: {  	[sflag:s0] =	ssyncset.done $0x0  }
0x4b: {  	s7 =	simm.s32 $0x2900;
	[sflag:s0] =	ssyncadd.s32 $0xFFFFE000  }
0x4c: {  	[spmem:s3] =	stream.indirect.scatter.add.f32 [tilespmem:s22], [sflag:$0x7], $0x40, s7, s20, $0xb8;
	[tilespmem:$0x1D680] =	vst v63  }
0x4d: {  	_ =	swait.ge [sflag:s17], $0x2000  }
0x4e: {  	[sflag:s17] =	ssyncset.done $0x0  }
0x4f: {  	s7 =	simm.s32 $0x380;
	[sflag:s17] =	ssyncadd.s32 $0xFFFFE000  }
0x50: {  	[tilespmem:s22], [sflag:$0x2] =	stream.indirect.gather [hbm4b:s5+s20], $0x40, s7, s20, $0xb8;
	[tilespmem:$0x1D680] =	vst v63  }
0x51: {  	_ =	swait.ge [sflag:s2], $0x2000  }
0x52: {  	[sflag:s2] =	ssyncset.done $0x0  }
0x53: {  	s7 =	simm.s32 $0x2980;
	[sflag:s2] =	ssyncadd.s32 $0xFFFFE000  }
0x54: {  	[spmem:s3] =	stream.indirect.scatter.add.f32 [tilespmem:s24], [sflag:$0x7], $0x40, s7, s20, $0xb8;
	[tilespmem:$0x1D680] =	vst v63  }
0x55: {  	_ =	swait.ge [sflag:s17], $0x2000  }
0x56: {  	[sflag:s17] =	ssyncset.done $0x0  }
0x57: {  	s7 =	simm.s32 $0x400;
	[sflag:s17] =	ssyncadd.s32 $0xFFFFE000  }
0x58: {  	[tilespmem:s24], [sflag:$0x3] =	stream.indirect.gather [hbm4b:s5+s20], $0x40, s7, s20, $0xb8;
	[tilespmem:$0x1D680] =	vst v63  }
0x59: {  	_ =	swait.ge [sflag:s18], $0x2000  }
0x5a: {  	[sflag:s18] =	ssyncset.done $0x0  }
0x5b: {  	s7 =	simm.s32 $0x2A00;
	[sflag:s18] =	ssyncadd.s32 $0xFFFFE000  }
0x5c: {  	[spmem:s3] =	stream.indirect.scatter.add.f32 [tilespmem:s26], [sflag:$0x7], $0x40, s7, s20, $0xb8;
	[tilespmem:$0x1D680] =	vst v63  }
0x5d: {  	_ =	swait.ge [sflag:s17], $0x2000  }
0x5e: {  	[sflag:s17] =	ssyncset.done $0x0  }
0x5f: {  	s7 =	simm.s32 $0x480;
	[sflag:s17] =	ssyncadd.s32 $0xFFFFE000  }
0x60: {  	[tilespmem:s26], [sflag:$0x4] =	stream.indirect.gather [hbm4b:s5+s20], $0x40, s7, s20, $0xb8;
	[tilespmem:$0x1D680] =	vst v63  }
0x61: {  	_ =	swait.ge [sflag:s23], $0x2000  }
0x62: {  	[sflag:s23] =	ssyncset.done $0x0  }
0x63: {  	s7 =	simm.s32 $0x2A80;
	[sflag:s23] =	ssyncadd.s32 $0xFFFFE000  }
0x64: {  	[spmem:s3] =	stream.indirect.scatter.add.f32 [tilespmem:s29], [sflag:$0x7], $0x40, s7, s20, $0xb8;
	[tilespmem:$0x1D680] =	vst v63  }
0x65: {  	_ =	swait.ge [sflag:s17], $0x2000  }
0x66: {  	[sflag:s17] =	ssyncset.done $0x0  }
0x67: {  	s7 =	simm.s32 $0x500;
	[sflag:s17] =	ssyncadd.s32 $0xFFFFE000  }
0x68: {  	[tilespmem:s29], [sflag:$0x5] =	stream.indirect.gather [hbm4b:s5+s20], $0x40, s7, s20, $0xb8;
	[tilespmem:$0x1D680] =	vst v63  }
0x69: {  	_ =	swait.ge [sflag:s25], $0x2000  }
0x6a: {  	[sflag:s25] =	ssyncset.done $0x0  }
0x6b: {  	s7 =	simm.s32 $0x2B00;
	[sflag:s25] =	ssyncadd.s32 $0xFFFFE000  }
0x6c: {  	[spmem:s3] =	stream.indirect.scatter.add.f32 [tilespmem:s31], [sflag:$0x7], $0x40, s7, s20, $0xb8;
	[tilespmem:$0x1D680] =	vst v63  }
0x6d: {  	_ =	swait.ge [sflag:s17], $0x2000  }
0x6e: {  	[sflag:s17] =	ssyncset.done $0x0  }
0x6f: {  	s30 =	simm.s32 $0xC00;
	s6 =	simm.s32 $0x580;
	[sflag:s17] =	ssyncadd.s32 $0xFFFFE000  }
.LBB2_2:
0x70: {  	[tilespmem:s31], [sflag:$0x6] =	stream.indirect.gather [hbm4b:s5+s20], $0x40, s6, s20, $0xb8;
	[tilespmem:$0x1D680] =	vst v63  }
0x71: {  	s6 =	smov.u32 s30  }
0x72: {  	p0 =	sne.s32 s30, $0x8400;
	s30 =	sadd.s32 $0xC00, s30;
	_ =	swait.ge [sflag:s1], $0x2000  }
0x73: {  	s6 =	sshra.s32 s6, $0x2;
	[sflag:s1] =	ssyncset.done $0x0  }
0x74: {  	s7 =	sadd.s32 $0x2880, s6;
	[sflag:s1] =	ssyncadd.s32 $0xFFFFE000  }
0x75: {  	[spmem:s3] =	stream.indirect.scatter.add.f32 [tilespmem:s21], [sflag:$0x7], $0x40, s7, s20, $0xb8;
	[tilespmem:$0x1D680] =	vst v63  }
0x76: {  	_ =	swait.ge [sflag:s17], $0x2000  }
0x77: {  	[sflag:s17] =	ssyncset.done $0x0  }
0x78: {  	s7 =	sadd.s32 $0x300, s6;
	[sflag:s17] =	ssyncadd.s32 $0xFFFFE000  }
0x79: {  	[tilespmem:s21], [sflag:$0x1] =	stream.indirect.gather [hbm4b:s5+s20], $0x40, s7, s20, $0xb8;
	[tilespmem:$0x1D680] =	vst v63  }
0x7a: {  	_ =	swait.ge [sflag:s0], $0x2000  }
0x7b: {  	[sflag:s0] =	ssyncset.done $0x0  }
0x7c: {  	s7 =	sadd.s32 $0x2900, s6;
	[sflag:s0] =	ssyncadd.s32 $0xFFFFE000  }
0x7d: {  	[spmem:s3] =	stream.indirect.scatter.add.f32 [tilespmem:s22], [sflag:$0x7], $0x40, s7, s20, $0xb8;
	[tilespmem:$0x1D680] =	vst v63  }
0x7e: {  	_ =	swait.ge [sflag:s17], $0x2000  }
0x7f: {  	[sflag:s17] =	ssyncset.done $0x0  }
0x80: {  	s7 =	sadd.s32 $0x380, s6;
	[sflag:s17] =	ssyncadd.s32 $0xFFFFE000  }
0x81: {  	[tilespmem:s22], [sflag:$0x2] =	stream.indirect.gather [hbm4b:s5+s20], $0x40, s7, s20, $0xb8;
	[tilespmem:$0x1D680] =	vst v63  }
0x82: {  	_ =	swait.ge [sflag:s2], $0x2000  }
0x83: {  	[sflag:s2] =	ssyncset.done $0x0  }
0x84: {  	s7 =	sadd.s32 $0x2980, s6;
	[sflag:s2] =	ssyncadd.s32 $0xFFFFE000  }
0x85: {  	[spmem:s3] =	stream.indirect.scatter.add.f32 [tilespmem:s24], [sflag:$0x7], $0x40, s7, s20, $0xb8;
	[tilespmem:$0x1D680] =	vst v63  }
0x86: {  	_ =	swait.ge [sflag:s17], $0x2000  }
0x87: {  	[sflag:s17] =	ssyncset.done $0x0  }
0x88: {  	s7 =	sadd.s32 $0x400, s6;
	[sflag:s17] =	ssyncadd.s32 $0xFFFFE000  }
0x89: {  	[tilespmem:s24], [sflag:$0x3] =	stream.indirect.gather [hbm4b:s5+s20], $0x40, s7, s20, $0xb8;
	[tilespmem:$0x1D680] =	vst v63  }
0x8a: {  	_ =	swait.ge [sflag:s18], $0x2000  }
0x8b: {  	[sflag:s18] =	ssyncset.done $0x0  }
0x8c: {  	s7 =	sadd.s32 $0x2A00, s6;
	[sflag:s18] =	ssyncadd.s32 $0xFFFFE000  }
0x8d: {  	[spmem:s3] =	stream.indirect.scatter.add.f32 [tilespmem:s26], [sflag:$0x7], $0x40, s7, s20, $0xb8;
	[tilespmem:$0x1D680] =	vst v63  }
0x8e: {  	_ =	swait.ge [sflag:s17], $0x2000  }
0x8f: {  	[sflag:s17] =	ssyncset.done $0x0  }
0x90: {  	s7 =	sadd.s32 $0x480, s6;
	[sflag:s17] =	ssyncadd.s32 $0xFFFFE000  }
0x91: {  	[tilespmem:s26], [sflag:$0x4] =	stream.indirect.gather [hbm4b:s5+s20], $0x40, s7, s20, $0xb8;
	[tilespmem:$0x1D680] =	vst v63  }
0x92: {  	_ =	swait.ge [sflag:s23], $0x2000  }
0x93: {  	[sflag:s23] =	ssyncset.done $0x0  }
0x94: {  	s7 =	sadd.s32 $0x2A80, s6;
	[sflag:s23] =	ssyncadd.s32 $0xFFFFE000  }
0x95: {  	[spmem:s3] =	stream.indirect.scatter.add.f32 [tilespmem:s29], [sflag:$0x7], $0x40, s7, s20, $0xb8;
	[tilespmem:$0x1D680] =	vst v63  }
0x96: {  	_ =	swait.ge [sflag:s17], $0x2000  }
0x97: {  	[sflag:s17] =	ssyncset.done $0x0  }
0x98: {  	s7 =	sadd.s32 $0x500, s6;
	[sflag:s17] =	ssyncadd.s32 $0xFFFFE000  }
0x99: {  	[tilespmem:s29], [sflag:$0x5] =	stream.indirect.gather [hbm4b:s5+s20], $0x40, s7, s20, $0xb8;
	[tilespmem:$0x1D680] =	vst v63  }
0x9a: {  	_ =	swait.ge [sflag:s25], $0x2000  }
0x9b: {  	[sflag:s25] =	ssyncset.done $0x0  }
.Ltmp0:
0x9c: {  	s7 =	sadd.s32 $0x2B00, s6;
	[sflag:s25] =	ssyncadd.s32 $0xFFFFE000;
	(pc) =	sbr.rel @p0 .LBB2_2-.Ltmp0, $4  }
0x9d: {  	[spmem:s3] =	stream.indirect.scatter.add.f32 [tilespmem:s31], [sflag:$0x7], $0x40, s7, s20, $0xb8;
	[tilespmem:$0x1D680] =	vst v63  }
0x9e: {  	_ =	swait.ge [sflag:s17], $0x2000  }
0x9f: {  	[sflag:s17] =	ssyncset.done $0x0  }
0xa0: {  	s6 =	sadd.s32 $0x580, s6;
	[sflag:s17] =	ssyncadd.s32 $0xFFFFE000  }
0xa1: {  	[tilespmem:s31], [sflag:$0x6] =	stream.indirect.gather [hbm4b:s5+s20], $0x40, s6, s20, $0xb8;
	[tilespmem:$0x1D680] =	vst v63  }
0xa2: {  	_ =	swait.ge [sflag:s1], $0x2000  }
0xa3: {  	[sflag:s1] =	ssyncset.done $0x0  }
0xa4: {  	s7 =	simm.s32 $0x4C80;
	[sflag:s1] =	ssyncadd.s32 $0xFFFFE000  }
0xa5: {  	[spmem:s3] =	stream.indirect.scatter.add.f32 [tilespmem:s21], [sflag:$0x7], $0x40, s7, s20, $0xb8;
	[tilespmem:$0x1D680] =	vst v63  }
0xa6: {  	_ =	swait.ge [sflag:s17], $0x2000  }
0xa7: {  	[sflag:s17] =	ssyncset.done $0x0  }
0xa8: {  	s30 =	simm.s32 $0x2700;
	[sflag:s17] =	ssyncadd.s32 $0xFFFFE000  }
0xa9: {  	[tilespmem:s21], [sflag:$0x1] =	stream.indirect.gather [hbm4b:s5+s20], $0x40, s30, s20, $0xb8;
	[tilespmem:$0x1D680] =	vst v63  }
0xaa: {  	_ =	swait.ge [sflag:s0], $0x2000  }
0xab: {  	[sflag:s0] =	ssyncset.done $0x0  }
0xac: {  	s7 =	simm.s32 $0x4D00;
	[sflag:s0] =	ssyncadd.s32 $0xFFFFE000  }
0xad: {  	[spmem:s3] =	stream.indirect.scatter.add.f32 [tilespmem:s22], [sflag:$0x7], $0x40, s7, s20, $0xb8;
	[tilespmem:$0x1D680] =	vst v63  }
0xae: {  	_ =	swait.ge [sflag:s17], $0x2000  }
0xaf: {  	[sflag:s17] =	ssyncset.done $0x0  }
0xb0: {  	s30 =	simm.s32 $0x2780;
	[sflag:s17] =	ssyncadd.s32 $0xFFFFE000  }
0xb1: {  	[tilespmem:s22], [sflag:$0x2] =	stream.indirect.gather [hbm4b:s5+s20], $0x40, s30, s20, $0xb8;
	[tilespmem:$0x1D680] =	vst v63  }
0xb2: {  	_ =	swait.ge [sflag:s2], $0x2000  }
0xb3: {  	[sflag:s2] =	ssyncset.done $0x0  }
0xb4: {  	s7 =	simm.s32 $0x4D80;
	[sflag:s2] =	ssyncadd.s32 $0xFFFFE000  }
0xb5: {  	[spmem:s3] =	stream.indirect.scatter.add.f32 [tilespmem:s24], [sflag:$0x7], $0x40, s7, s20, $0xb8;
	[tilespmem:$0x1D680] =	vst v63  }
0xb6: {  	_ =	swait.ge [sflag:s17], $0x2000  }
0xb7: {  	[sflag:s17] =	ssyncset.done $0x0  }
0xb8: {  	s30 =	simm.s32 $0x2800;
	[sflag:s17] =	ssyncadd.s32 $0xFFFFE000  }
0xb9: {  	[tilespmem:s24], [sflag:$0x3] =	stream.indirect.gather [hbm4b:s5+s20], $0x40, s30, s20, $0xb8;
	[tilespmem:$0x1D680] =	vst v63  }
0xba: {  	_ =	swait.ge [sflag:s18], $0x2000  }
0xbb: {  	[sflag:s18] =	ssyncset.done $0x0  }
0xbc: {  	s7 =	simm.s32 $0x4E00;
	[sflag:s18] =	ssyncadd.s32 $0xFFFFE000  }
0xbd: {  	[spmem:s3] =	stream.indirect.scatter.add.f32 [tilespmem:s26], [sflag:$0x7], $0x40, s7, s20, $0xb8;
	[tilespmem:$0x1D680] =	vst v63  }
0xbe: {  	_ =	swait.ge [sflag:s17], $0x2000  }
0xbf: {  	[sflag:s17] =	ssyncset.done $0x0  }
0xc0: {  	[sflag:s17] =	ssyncadd.s32 $0xFFFFE000  }
0xc1: {  	_ =	swait.ge [sflag:s23], $0x2000  }
0xc2: {  	[sflag:s23] =	ssyncset.done $0x0  }
0xc3: {  	s30 =	simm.s32 $0x4E80;
	[sflag:s23] =	ssyncadd.s32 $0xFFFFE000  }
0xc4: {  	[spmem:s3] =	stream.indirect.scatter.add.f32 [tilespmem:s29], [sflag:$0x7], $0x40, s30, s20, $0xb8;
	[tilespmem:$0x1D680] =	vst v63  }
0xc5: {  	_ =	swait.ge [sflag:s17], $0x2000  }
0xc6: {  	[sflag:s17] =	ssyncset.done $0x0  }
0xc7: {  	[sflag:s17] =	ssyncadd.s32 $0xFFFFE000  }
0xc8: {  	_ =	swait.ge [sflag:s25], $0x2000  }
0xc9: {  	[sflag:s25] =	ssyncset.done $0x0  }
0xca: {  	s7 =	simm.s32 $0x4F00;
	[sflag:s25] =	ssyncadd.s32 $0xFFFFE000  }
0xcb: {  	[spmem:s3] =	stream.indirect.scatter.add.f32 [tilespmem:s31], [sflag:$0x7], $0x40, s7, s20, $0xb8;
	[tilespmem:$0x1D680] =	vst v63  }
0xcc: {  	_ =	swait.ge [sflag:s17], $0x2000  }
0xcd: {  	[sflag:s17] =	ssyncset.done $0x0  }
0xce: {  	[sflag:s17] =	ssyncadd.s32 $0xFFFFE000  }
0xcf: {  	_ =	swait.ge [sflag:s1], $0x2000  }
0xd0: {  	[sflag:s1] =	ssyncset.done $0x0  }
0xd1: {  	s30 =	simm.s32 $0x4F80;
	[sflag:s1] =	ssyncadd.s32 $0xFFFFE000  }
0xd2: {  	[spmem:s3] =	stream.indirect.scatter.add.f32 [tilespmem:s21], [sflag:$0x7], $0x40, s30, s20, $0xb8;
	[tilespmem:$0x1D680] =	vst v63  }
0xd3: {  	_ =	swait.ge [sflag:s17], $0x2000  }
0xd4: {  	[sflag:s17] =	ssyncset.done $0x0  }
0xd5: {  	[sflag:s17] =	ssyncadd.s32 $0xFFFFE000  }
0xd6: {  	_ =	swait.ge [sflag:s0], $0x2000  }
0xd7: {  	[sflag:s0] =	ssyncset.done $0x0  }
0xd8: {  	s7 =	simm.s32 $0x5000;
	[sflag:s0] =	ssyncadd.s32 $0xFFFFE000  }
0xd9: {  	[spmem:s3] =	stream.indirect.scatter.add.f32 [tilespmem:s22], [sflag:$0x7], $0x40, s7, s20, $0xb8;
	[tilespmem:$0x1D680] =	vst v63  }
0xda: {  	_ =	swait.ge [sflag:s17], $0x2000  }
0xdb: {  	[sflag:s17] =	ssyncset.done $0x0  }
0xdc: {  	[sflag:s17] =	ssyncadd.s32 $0xFFFFE000  }
0xdd: {  	_ =	swait.ge [sflag:s2], $0x2000  }
0xde: {  	[sflag:s2] =	ssyncset.done $0x0  }
0xdf: {  	s30 =	simm.s32 $0x5080;
	[sflag:s2] =	ssyncadd.s32 $0xFFFFE000  }
0xe0: {  	[spmem:s3] =	stream.indirect.scatter.add.f32 [tilespmem:s24], [sflag:$0x7], $0x40, s30, s20, $0xb8;
	[tilespmem:$0x1D680] =	vst v63  }
0xe1: {  	_ =	swait.ge [sflag:s17], $0x2000  }
0xe2: {  	[sflag:s17] =	ssyncset.done $0x0  }
0xe3: {  	[sflag:s17] =	ssyncadd.s32 $0xFFFFE000  }
0xe4: {  	[bflag:$0x0] =	sbarrier.arrive $0xFFFF  }
0xe5: {  	[tilespmem:s19], [sflag:$0x7] =	stream.linear.gather [spmem:s8], $0x2780, $0x38;
	[tilespmem:$0x1D680] =	vst v63  }
0xe6: {  	_ =	swait.ge [sflag:s17], $0x2780  }
0xe7: {  	[sflag:s17] =	ssyncset.done $0x0  }
0xe8: {  	[sflag:s17] =	ssyncadd.s32 $0xFFFFD880  }
0xe9: {  	[hbm4b:s13+s4] =	stream.linear.scatter [tilespmem:s19], [sflag:$0x7], $0x2780, $0x38;
	[tilespmem:$0x1D680] =	vst v63  }
0xea: {  	_ =	swait.ge [sflag:s17], $0x2780  }
0xeb: {  	[sflag:s17] =	ssyncset.done $0x0  }
0xec: {  	[sflag:s17] =	ssyncadd.s32 $0xFFFFD880  }
0xed: {  	[tilespmem:s19], [sflag:$0x7] =	stream.linear.gather [spmem:s10], $0x2780, $0x38;
	[tilespmem:$0x1D680] =	vst v63  }
0xee: {  	_ =	swait.ge [sflag:s17], $0x2780  }
0xef: {  	[sflag:s17] =	ssyncset.done $0x0  }
0xf0: {  	[sflag:s17] =	ssyncadd.s32 $0xFFFFD880  }
0xf1: {  	[hbm4b:s14+s4] =	stream.linear.scatter [tilespmem:s19], [sflag:$0x7], $0x2780, $0x38;
	[tilespmem:$0x1D680] =	vst v63  }
0xf2: {  	_ =	swait.ge [sflag:s17], $0x2780  }
0xf3: {  	[sflag:s17] =	ssyncset.done $0x0  }
0xf4: {  	[sflag:s17] =	ssyncadd.s32 $0xFFFFD880  }
0xf5: {  	[tilespmem:s19], [sflag:$0x7] =	stream.linear.gather [spmem:s11], $0x2780, $0x38;
	[tilespmem:$0x1D680] =	vst v63  }
0xf6: {  	_ =	swait.ge [sflag:s17], $0x2780  }
0xf7: {  	[sflag:s17] =	ssyncset.done $0x0  }
0xf8: {  	[sflag:s17] =	ssyncadd.s32 $0xFFFFD880  }
0xf9: {  	[hbm4b:s15+s4] =	stream.linear.scatter [tilespmem:s19], [sflag:$0x7], $0x2780, $0x38;
	[tilespmem:$0x1D680] =	vst v63  }
0xfa: {  	_ =	swait.ge [sflag:s17], $0x2780  }
0xfb: {  	[sflag:s17] =	ssyncset.done $0x0  }
0xfc: {  	[sflag:s17] =	ssyncadd.s32 $0xFFFFD880  }
0xfd: {  	[tilespmem:s19], [sflag:$0x7] =	stream.linear.gather [spmem:s12], $0x2780, $0x38;
	[tilespmem:$0x1D680] =	vst v63  }
0xfe: {  	s28 =	sadd.s32 $0x1, s28;
	_ =	swait.ge [sflag:s17], $0x2780  }
0xff: {  	p0 =	sne.s32 s28, s9;
	[sflag:s17] =	ssyncset.done $0x0  }
.Ltmp1:
0x100: {  	[sflag:s17] =	ssyncadd.s32 $0xFFFFD880;
	(pc) =	sbr.rel @p0 .LBB2_1-.Ltmp1, $4  }
0x101: {  	[hbm4b:s16+s4] =	stream.linear.scatter [tilespmem:s19], [sflag:$0x7], $0x2780, $0x38;
	[tilespmem:$0x1D680] =	vst v63  }
0x102: {  	_ =	swait.ge [sflag:s17], $0x2780  }
0x103: {  	[sflag:s17] =	ssyncset.done $0x0  }
0x104: {  	[sflag:s17] =	ssyncadd.s32 $0xFFFFD880  }
0x105: {  	_ =	sfence.sel $0x180000  }
0x106: {  	[bflag:$0x0] =	sbarrier.arrive $0xFFFF  }
0x107: {  	_ =	strace $0x90000050  }
0x108: {  	s0 =	stileid.u32;
	[bflag:$0x2] =	sbarrier.arrive $0xFFFF  }
0x109: {  	p0 =	sne.s32 s0, $0x0;
	s0 =	rddreg [dreg:$0x3]  }
0x10a: {  	s0 =	sadd.s32 @!p0 $0x100000, s0  }
0x10b: {  	[sflag:s0] =	ssyncadd.tile.s32 @!p0 $0x1;
	_ =	shalt  }
.Lfunc_end2:
_tile_overlayer_lowered:
.L_overlay_start_2:
0x10c: {  	(tag) =	ssettag $0x2  }
0x10d: {  	s0 =	rddreg [dreg:$0x0];
	s2 =	stileid.u32  }
0x10e: {  	s1 =	rddreg [dreg:$0x1];
	p0 =	sne.s32 s2, $0x0  }
0x10f: {  	s3 =	rddreg [dreg:$0x2];
	[bflag:$0x3] =	sbarrier.arrive $0xFFFF;
	s2 =	simm.s32 @!p0 $0x1C07  }
0x110: {  	[timem:s3], [sflag:s2] =	dma.local @!p0 [hbm:s0], s1  }
0x111: {  	s0 =	simm.s32 @!p0 $0x7  }
0x112: {  	_ =	swait.ge @!p0 [sflag:s0], s1  }
0x113: {  	s1 =	ssub.s32 @!p0 $0x0, s1;
	[sflag:s0] =	ssyncset.done @!p0 $0x0  }
0x114: {  	[sflag:s0] =	ssyncadd.s32 @!p0 s1  }
0x115: {  	[bflag:$0x3] =	sbarrier.arrive $0xFFFF  }
0x116: {  	_ =	shalt  }

</sc_bundles>
